<compile_context>
chip_gen: v7x
topology: tpu7x:2x2x1
jax: 0.10.2.dev20260603
libtpu: 0.0.44.dev20260713+nightly
codegen_flags: <defaults>
</compile_context>

<pallas_src>
import dataclasses
import functools

import jax
import jax.numpy as jnp
from jax import lax
from jax.experimental import pallas as pl
from jax.experimental.pallas import tpu as pltpu
from jax.experimental.pallas import tpu_sc as plsc

NC = 2
NS = 16
NW = NC * NS
GROUP = 128
CHUNK_GROUPS = 56
NBUF = 4
TCH = 7


def _sc_scatter_add(o_t, src1d, dst1d, w1d, zeros_nb, n_b):
    n, b = n_b
    np_ = zeros_nb.shape[0]
    ntiles = np_ // 128
    tiles_per_sub = ntiles // NS
    assert tiles_per_sub % TCH == 0
    gtotal = src1d.shape[0] // GROUP
    b4 = (gtotal // NW) & ~(NBUF - 1)
    ntile_hi = (gtotal - NW * b4) // NBUF
    nfull = b4 // CHUNK_GROUPS
    tail_lo = b4 - nfull * CHUNK_GROUPS
    tail_hi = tail_lo + NBUF
    n_per_sub = np_ // NS
    vregs_per_group = GROUP * b // 16

    def body(o_hbm2, src_hbm, dst_hbm, w_hbm, z_hbm, gj_hbm,
             src_v, dst_v, w_v, r0, r1, r2, r3, tin, tout, acc_sh,
             sem_i, sg0, sg1, sg2, sg3, ss0, ss1, ss2, ss3):
        o_hbm = o_hbm2
        c = lax.axis_index("c")
        s = lax.axis_index("s")
        wid = c * NS + s
        rows = [r0, r1, r2, r3]
        sgs = [sg0, sg1, sg2, sg3]
        sss = [ss0, ss1, ss2, ss3]

        pltpu.sync_copy(z_hbm.at[pl.ds(s * n_per_sub, n_per_sub)],
                        acc_sh.at[pl.ds(s * n_per_sub, n_per_sub)])
        plsc.subcore_barrier()

        iot = lax.broadcasted_iota(jnp.int32, (16,), 0)
        half = iot >> 3
        colv = iot & 7

        def fire_gather(j, i):
            pltpu.async_copy(o_hbm.at[src_v.at[pl.ds(j * GROUP, GROUP)]],
                             rows[i], sgs[i])

        def wait_gather(i):
            pltpu.make_async_copy(o_hbm.at[src_v.at[pl.ds(0, GROUP)]],
                                 rows[i], sgs[i]).wait()

        def fire_scat(j, i):
            pltpu.async_copy(rows[i], acc_sh.at[dst_v.at[pl.ds(j * GROUP, GROUP)]],
                             sss[i], add=True)

        def wait_scat(i):
            pltpu.make_async_copy(rows[i], acc_sh.at[dst_v.at[pl.ds(0, GROUP)]],
                                 sss[i]).wait()

        def scale(j, i):
            wbase = j * GROUP + half
            buf = rows[i]

            @pl.loop(0, vregs_per_group // 2)
            def _(k2):
                for u in range(2):
                    k = 2 * k2 + u
                    ridx = 2 * k + half
                    wv = plsc.load_gather(w_v, [wbase + 2 * k])
                    v = plsc.load_gather(buf, [ridx, colv])
                    plsc.store_scatter(buf, [ridx, colv], jnp.abs(v) * wv)

        def stage_and_pipe(row0, cg):
            el0 = row0 * GROUP
            ne = cg * GROUP
            cp_s = pltpu.async_copy(src_hbm.at[pl.ds(el0, ne)],
                                    src_v.at[pl.ds(0, ne)], sem_i)
            cp_d = pltpu.async_copy(dst_hbm.at[pl.ds(el0, ne)],
                                    dst_v.at[pl.ds(0, ne)], sem_i)
            cp_w = pltpu.async_copy(w_hbm.at[pl.ds(el0, ne)],
                                    w_v.at[pl.ds(0, ne)], sem_i)
            cp_s.wait(); cp_d.wait(); cp_w.wait()

            for p in range(NBUF - 1):
                fire_gather(p, p)

            @pl.loop(0, cg, step=NBUF)
            def _(g):
                for i in range(NBUF):
                    j = g + i
                    wait_gather(i)
                    scale(j, i)
                    fire_scat(j, i)

                    @pl.when(j >= 1)
                    def _():
                        wait_scat((i - 1) % NBUF)

                    @pl.when(j < cg - (NBUF - 1))
                    def _():
                        fire_gather(j + NBUF - 1, (i + NBUF - 1) % NBUF)

            wait_scat((cg - 1) % NBUF)

        start = wid * b4 + NBUF * jnp.minimum(wid, ntile_hi)

        if nfull:
            @pl.loop(0, nfull)
            def _(ci):
                stage_and_pipe(start + ci * CHUNK_GROUPS, CHUNK_GROUPS)

        if tail_lo:
            @pl.when(wid >= ntile_hi)
            def _():
                stage_and_pipe(start + nfull * CHUNK_GROUPS, tail_lo)

        if ntile_hi:
            @pl.when(wid < ntile_hi)
            def _():
                stage_and_pipe(start + nfull * CHUNK_GROUPS, tail_hi)

        plsc.subcore_barrier()
        t0 = s * tiles_per_sub

        @pl.loop(0, tiles_per_sub // TCH)
        def _(ch):
            tbase = t0 + ch * TCH
            pltpu.sync_copy(acc_sh.at[pl.ds(tbase * 128, TCH * 128)], tin)

            @pl.loop(0, TCH)
            def _(tt):
                rbase = tt * 128
                for r in range(b):
                    rr = jnp.full((16,), r, jnp.int32)
                    for q in range(8):
                        v = plsc.load_gather(tin, [rbase + 16 * q + iot, rr])
                        tout[tt, r, pl.ds(16 * q, 16)] = v

            pltpu.sync_copy(tout, gj_hbm.at[c].at[pl.ds(tbase, TCH)])

    mesh = plsc.VectorSubcoreMesh(core_axis_name="c", subcore_axis_name="s",
                                  num_cores=NC, num_subcores=NS)
    cp = pltpu.CompilerParams(use_tc_tiling_on_sc=False)
    if "needs_layout_passes" in pltpu.CompilerParams.__dataclass_fields__:
        cp = dataclasses.replace(cp, needs_layout_passes=False)
    return pl.kernel(
        body,
        compiler_params=cp,
        out_type=jax.ShapeDtypeStruct((NC, ntiles, b, 128), jnp.float32),
        mesh=mesh,
        scratch_types=[
            pltpu.VMEM((CHUNK_GROUPS * GROUP,), jnp.int32),
            pltpu.VMEM((CHUNK_GROUPS * GROUP,), jnp.int32),
            pltpu.VMEM((CHUNK_GROUPS * GROUP,), jnp.float32),
            pltpu.VMEM((GROUP, b), jnp.float32),
            pltpu.VMEM((GROUP, b), jnp.float32),
            pltpu.VMEM((GROUP, b), jnp.float32),
            pltpu.VMEM((GROUP, b), jnp.float32),
            pltpu.VMEM((TCH * 128, b), jnp.float32),
            pltpu.VMEM((TCH, b, 128), jnp.float32),
            pltpu.VMEM_SHARED((np_, b), jnp.float32),
        ] + [pltpu.SemaphoreType.DMA] * 9,
    )(o_t, src1d, dst1d, w1d, zeros_nb)


def _tc_elem_kernel(chem_ref, gjp_ref, t_ref, d_ref, o_ref, e_ref):
    g = gjp_ref[...]
    gs = g[0] + g[1]
    bt, b, _ = gs.shape
    gj = jnp.transpose(gs, (1, 0, 2)).reshape(b, bt * 128)
    S = jnp.clip(chem_ref[...] + gj, -10.0, 10.0)
    T = t_ref[...]
    D = d_ref[...]
    new_o = jnp.maximum(S - T, 0.0)
    gt = S > T
    mask = jnp.logical_and(jnp.logical_not(gt), S == 0.0)
    new_e = jnp.where(gt, new_o, jnp.where(mask, -D, S))
    o_ref[...] = new_o
    e_ref[...] = new_e


def _tc_elementwise(chem, gj_p, threshold, decay):
    b, n = chem.shape
    bn = 2048
    grid = (pl.cdiv(n, bn),)
    row_spec = pl.BlockSpec((b, bn), lambda i: (0, i))
    gjp_spec = pl.BlockSpec((NC, bn // 128, b, 128), lambda i: (0, i, 0, 0))
    one_spec = pl.BlockSpec((1, bn), lambda i: (0, i))
    return pl.pallas_call(
        _tc_elem_kernel,
        grid=grid,
        in_specs=[row_spec, gjp_spec, one_spec, one_spec],
        out_specs=[row_spec, row_spec],
        out_shape=[jax.ShapeDtypeStruct((b, n), jnp.float32),
                   jax.ShapeDtypeStruct((b, n), jnp.float32)],
    )(chem, gj_p, threshold.reshape(1, n), decay.reshape(1, n))


def kernel(chem_influence, o_pre, w, threshold, decay, src, dst):
    b, n = o_pre.shape
    e = src.shape[0]

    unit = GROUP * NBUF
    if e % unit:
        pad = unit - e % unit
        src = jnp.pad(src, (0, pad))
        dst = jnp.pad(dst, (0, pad))
        w = jnp.pad(w, (0, pad))
        e += pad

    o_t = o_pre.T
    unit2 = NS * 128 * TCH
    np_ = ((n + unit2 - 1) // unit2) * unit2
    zeros_nb = jnp.zeros((np_, b), jnp.float32)

    gj_p = _sc_scatter_add(o_t, src, dst, w, zeros_nb, (n, b))

    new_o, new_e = _tc_elementwise(chem_influence, gj_p, threshold, decay)
    return (new_o, (new_e, new_o))

# --- scband reference (transcript-rebuilt; emitter-appended) ---
"""Pipeline reference for scband-fiurimodule-32658931319601 (READ-ONLY COPY).

The authoritative reference and input builder live on the scoring server;
editing this copy changes nothing except your own understanding.
"""

import jax, jax.numpy as jnp
import numpy as np

N = 100000
E = 1600000
B = 8


def setup_inputs(seed: int = 0) -> dict:
    key = jax.random.key(seed)
    k1, k2, k3, k4, k5 = jax.random.split(key, 5)
    chem_influence = jax.random.normal(k1, (B, N), dtype=jnp.float32)
    o_pre = jax.random.uniform(k2, (B, N), dtype=jnp.float32)
    src = jax.random.randint(k3, (E,), 0, N, dtype=jnp.int32)
    dst = jax.random.randint(k4, (E,), 0, N, dtype=jnp.int32)
    w = jax.random.uniform(k5, (E,), dtype=jnp.float32)
    # learned parameters (constant init per module defaults)
    threshold = jnp.full((N,), 1.0, dtype=jnp.float32)
    decay = jnp.full((N,), 0.1, dtype=jnp.float32)
    return {
        "chem_influence": chem_influence,
        "o_pre": o_pre,
        "w": w,
        "threshold": threshold,
        "decay": decay,
        "src": src,
        "dst": dst,
    }


def reference(chem_influence, o_pre, w, threshold, decay, src, dst):
    clamp_min, clamp_max = -10.0, 10.0
    E0 = 0.0  # initial in-state (scalar, state=None path)
    # current internal state tensor (B, N) filled with E0
    cur_E = jnp.full_like(chem_influence, E0)
    # gap-junction sum: gather presynaptic outputs and postsynaptic states per edge
    Oj = o_pre[:, src]            # (B, E) gather
    En = cur_E[:, dst]            # (B, E) gather
    sgn = jnp.sign(Oj - En)
    contrib = Oj * w[None, :] * sgn
    # scatter-add into postsynaptic neurons (in-place accumulation into chem_influence)
    gj = jnp.zeros_like(chem_influence).at[:, dst].add(contrib)
    chem = chem_influence + gj
    S = jnp.clip(E0 + chem, clamp_min, clamp_max)
    T = threshold[None, :]
    D = decay[None, :]
    eqE = S == E0
    gt = S > T
    mask = (~gt) & eqE
    new_o = jax.nn.relu(S - T)
    new_e = jnp.where(gt, new_o, jnp.where(mask, E0 - D, S))
    return (new_o, (new_e, new_o))

if __name__ == "__main__":
    import jax
    _d = setup_inputs()
    print(jax.jit(kernel)(*tuple(_d.values())))

</pallas_src>

<mosaic_0001>
#map = affine_map<(d0, d1) -> (0, 0)>
#map1 = affine_map<(d0, d1) -> (0)>
#map2 = affine_map<(d0, d1) -> (0, 0, 0, 0)>
module attributes {stable_mosaic.version = 14 : i64} {
  func.func @body(%arg0: i32, %arg1: i32, %arg2: memref<100000x8xf32, #tpu.memory_space<hbm>>, %arg3: memref<1600000xi32, #tpu.memory_space<hbm>>, %arg4: memref<1600000xi32, #tpu.memory_space<hbm>>, %arg5: memref<1600000xf32, #tpu.memory_space<hbm>>, %arg6: memref<100352x8xf32, #tpu.memory_space<hbm>>, %arg7: memref<2x784x8x128xf32, #tpu.memory_space<hbm>>, %arg8: memref<7168xi32, #tpu.memory_space<vmem>>, %arg9: memref<7168xi32, #tpu.memory_space<vmem>>, %arg10: memref<7168xf32, #tpu.memory_space<vmem>>, %arg11: memref<128x8xf32, #tpu.memory_space<vmem>>, %arg12: memref<128x8xf32, #tpu.memory_space<vmem>>, %arg13: memref<128x8xf32, #tpu.memory_space<vmem>>, %arg14: memref<128x8xf32, #tpu.memory_space<vmem>>, %arg15: memref<896x8xf32, #tpu.memory_space<vmem>>, %arg16: memref<7x8x128xf32, #tpu.memory_space<vmem>>, %arg17: memref<100352x8xf32, #tpu.memory_space<vmem_shared>>, %arg18: memref<!tpu.dma_semaphore, #tpu.memory_space<semaphore_mem>>, %arg19: memref<!tpu.dma_semaphore, #tpu.memory_space<semaphore_mem>>, %arg20: memref<!tpu.dma_semaphore, #tpu.memory_space<semaphore_mem>>, %arg21: memref<!tpu.dma_semaphore, #tpu.memory_space<semaphore_mem>>, %arg22: memref<!tpu.dma_semaphore, #tpu.memory_space<semaphore_mem>>, %arg23: memref<!tpu.dma_semaphore, #tpu.memory_space<semaphore_mem>>, %arg24: memref<!tpu.dma_semaphore, #tpu.memory_space<semaphore_mem>>, %arg25: memref<!tpu.dma_semaphore, #tpu.memory_space<semaphore_mem>>, %arg26: memref<!tpu.dma_semaphore, #tpu.memory_space<semaphore_mem>>) attributes {dimension_semantics = [#tpu.dimension_semantics<core_parallel>, #tpu.dimension_semantics<subcore_parallel>], iteration_bounds = array<i64: 2, 16>, scalar_prefetch = 0 : i64, scratch_operands = 19 : i64, tpu.core_type = #tpu.core_type<sc_vector_subcore>, window_params = [{transform_indices = #map}, {transform_indices = #map1}, {transform_indices = #map1}, {transform_indices = #map1}, {transform_indices = #map}, {transform_indices = #map2}]} {
    %mul3A = arith.constant 16 : i32
    %mul3A_0 = arith.muli %arg0, %mul3A : i32
    %add3A = arith.addi %mul3A_0, %arg1 : i32
    %mul3A_1 = arith.constant 6272 : i32
    %mul3A_2 = arith.muli %arg1, %mul3A_1 : i32
    %mul3A_3 = arith.constant 6272 : i32
    %mul3A_4 = arith.muli %arg1, %mul3A_3 : i32
    "tpu.region"() ({
      %run_scoped3A = tpu.sem_alloc : memref<!tpu.dma_semaphore, #tpu.memory_space<semaphore_mem>>
      %dma_start3A = arith.constant 0 : i32
      %dma_start3A_33 = tpu.memref_slice %arg17[%mul3A_4, %dma_start3A] : memref<100352x8xf32, #tpu.memory_space<vmem_shared>> -> memref<6272x8xf32, #tpu.memory_space<vmem_shared>>
      %dma_start3A_34 = arith.constant 0 : i32
      %dma_start3A_35 = tpu.memref_slice %arg6[%mul3A_2, %dma_start3A_34] : memref<100352x8xf32, #tpu.memory_space<hbm>> -> memref<6272x8xf32, #tpu.memory_space<hbm>>
      tpu.enqueue_dma source(%dma_start3A_35 : memref<6272x8xf32, #tpu.memory_space<hbm>>) target(%dma_start3A_33 : memref<6272x8xf32, #tpu.memory_space<vmem_shared>>) target_semaphore(%run_scoped3A : memref<!tpu.dma_semaphore, #tpu.memory_space<semaphore_mem>>)
      %dma_wait3A = arith.constant 0 : i32
      %dma_wait3A_36 = tpu.memref_slice %arg17[%mul3A_4, %dma_wait3A] : memref<100352x8xf32, #tpu.memory_space<vmem_shared>> -> memref<6272x8xf32, #tpu.memory_space<vmem_shared>>
      %dma_wait3A_37 = arith.constant 0 : i32
      %dma_wait3A_38 = tpu.memref_slice %arg6[%mul3A_2, %dma_wait3A_37] : memref<100352x8xf32, #tpu.memory_space<hbm>> -> memref<6272x8xf32, #tpu.memory_space<hbm>>
      tpu.wait_dma2 semaphore(%run_scoped3A : memref<!tpu.dma_semaphore, #tpu.memory_space<semaphore_mem>>) src(%dma_wait3A_38 : memref<6272x8xf32, #tpu.memory_space<hbm>>) dst(%dma_wait3A_36 : memref<6272x8xf32, #tpu.memory_space<vmem_shared>>)
      tpu.yield
    }) : () -> ()
    %barrier3A = arith.constant 0 : index
    tpu.barrier barrier_id(%barrier3A)
    %iota3A = tpu.iota {dimensions = array<i32: 0>} : vector<16xi32>
    %shift_right_arithmetic3A = arith.constant 3 : i32
    %shift_right_arithmetic3A_5 = vector.broadcast %shift_right_arithmetic3A : i32 to vector<16xi32>
    %shift_right_arithmetic3A_6 = arith.shrsi %iota3A, %shift_right_arithmetic3A_5 : vector<16xi32>
    %and3A = arith.constant 7 : i32
    %and3A_7 = vector.broadcast %and3A : i32 to vector<16xi32>
    %and3A_8 = arith.andi %iota3A, %and3A_7 : vector<16xi32>
    %mul3A_9 = arith.constant 388 : i32
    %mul3A_10 = arith.muli %add3A, %mul3A_9 : i32
    %min3A = arith.constant 21 : i32
    %min3A_11 = arith.minsi %add3A, %min3A : i32
    %mul3A_12 = arith.constant 4 : i32
    %mul3A_13 = arith.muli %mul3A_12, %min3A_11 : i32
    %add3A_14 = arith.addi %mul3A_10, %mul3A_13 : i32
    %scan3A = arith.constant 0 : i32
    %scan3A_15 = arith.constant 6 : i32
    %scan3A_16 = arith.addi %scan3A, %scan3A_15 : i32
    %scan3A_17 = arith.constant 1 : i32
    scf.for %scan3A_33 = %scan3A to %scan3A_16 step %scan3A_17  : i32 {
      %mul3A_34 = arith.constant 1 : i32
      %mul3A_35 = arith.muli %scan3A_33, %mul3A_34 : i32
      %add3A_36 = arith.constant 0 : i32
      %add3A_37 = arith.addi %add3A_36, %mul3A_35 : i32
      %mul3A_38 = arith.constant 56 : i32
      %mul3A_39 = arith.muli %add3A_37, %mul3A_38 : i32
      %add3A_40 = arith.addi %add3A_14, %mul3A_39 : i32
      %mul3A_41 = arith.constant 128 : i32
      %mul3A_42 = arith.muli %add3A_40, %mul3A_41 : i32
      %dma_start3A = arith.constant 0 : i32
      %dma_start3A_43 = tpu.memref_slice %arg8[%dma_start3A] : memref<7168xi32, #tpu.memory_space<vmem>> -> memref<7168xi32, #tpu.memory_space<vmem>>
      %dma_start3A_44 = tpu.memref_slice %arg3[%mul3A_42] : memref<1600000xi32, #tpu.memory_space<hbm>> -> memref<7168xi32, #tpu.memory_space<hbm>>
      %dma_start3A_45 = arith.constant 0 : i32
      %dma_start3A_46 = tpu.memref_slice %arg8[%dma_start3A_45] : memref<7168xi32, #tpu.memory_space<vmem>> -> memref<7168xi32, #tpu.memory_space<vmem>>
      %dma_start3A_47 = tpu.memref_slice %arg3[%mul3A_42] : memref<1600000xi32, #tpu.memory_space<hbm>> -> memref<7168xi32, #tpu.memory_space<hbm>>
      tpu.enqueue_dma source(%dma_start3A_47 : memref<7168xi32, #tpu.memory_space<hbm>>) target(%dma_start3A_46 : memref<7168xi32, #tpu.memory_space<vmem>>) target_semaphore(%arg18 : memref<!tpu.dma_semaphore, #tpu.memory_space<semaphore_mem>>)
      %dma_start3A_48 = arith.constant 0 : i32
      %dma_start3A_49 = tpu.memref_slice %arg9[%dma_start3A_48] : memref<7168xi32, #tpu.memory_space<vmem>> -> memref<7168xi32, #tpu.memory_space<vmem>>
      %dma_start3A_50 = tpu.memref_slice %arg4[%mul3A_42] : memref<1600000xi32, #tpu.memory_space<hbm>> -> memref<7168xi32, #tpu.memory_space<hbm>>
      %dma_start3A_51 = arith.constant 0 : i32
      %dma_start3A_52 = tpu.memref_slice %arg9[%dma_start3A_51] : memref<7168xi32, #tpu.memory_space<vmem>> -> memref<7168xi32, #tpu.memory_space<vmem>>
      %dma_start3A_53 = tpu.memref_slice %arg4[%mul3A_42] : memref<1600000xi32, #tpu.memory_space<hbm>> -> memref<7168xi32, #tpu.memory_space<hbm>>
      tpu.enqueue_dma source(%dma_start3A_53 : memref<7168xi32, #tpu.memory_space<hbm>>) target(%dma_start3A_52 : memref<7168xi32, #tpu.memory_space<vmem>>) target_semaphore(%arg18 : memref<!tpu.dma_semaphore, #tpu.memory_space<semaphore_mem>>)
      %dma_start3A_54 = arith.constant 0 : i32
      %dma_start3A_55 = tpu.memref_slice %arg10[%dma_start3A_54] : memref<7168xf32, #tpu.memory_space<vmem>> -> memref<7168xf32, #tpu.memory_space<vmem>>
      %dma_start3A_56 = tpu.memref_slice %arg5[%mul3A_42] : memref<1600000xf32, #tpu.memory_space<hbm>> -> memref<7168xf32, #tpu.memory_space<hbm>>
      %dma_start3A_57 = arith.constant 0 : i32
      %dma_start3A_58 = tpu.memref_slice %arg10[%dma_start3A_57] : memref<7168xf32, #tpu.memory_space<vmem>> -> memref<7168xf32, #tpu.memory_space<vmem>>
      %dma_start3A_59 = tpu.memref_slice %arg5[%mul3A_42] : memref<1600000xf32, #tpu.memory_space<hbm>> -> memref<7168xf32, #tpu.memory_space<hbm>>
      tpu.enqueue_dma source(%dma_start3A_59 : memref<7168xf32, #tpu.memory_space<hbm>>) target(%dma_start3A_58 : memref<7168xf32, #tpu.memory_space<vmem>>) target_semaphore(%arg18 : memref<!tpu.dma_semaphore, #tpu.memory_space<semaphore_mem>>)
      %dma_wait3A = arith.constant 0 : i32
      %dma_wait3A_60 = tpu.memref_slice %arg8[%dma_wait3A] : memref<7168xi32, #tpu.memory_space<vmem>> -> memref<7168xi32, #tpu.memory_space<vmem>>
      %dma_wait3A_61 = tpu.memref_slice %arg3[%mul3A_42] : memref<1600000xi32, #tpu.memory_space<hbm>> -> memref<7168xi32, #tpu.memory_space<hbm>>
      %dma_wait3A_62 = arith.constant 0 : i32
      %dma_wait3A_63 = tpu.memref_slice %arg8[%dma_wait3A_62] : memref<7168xi32, #tpu.memory_space<vmem>> -> memref<7168xi32, #tpu.memory_space<vmem>>
      %dma_wait3A_64 = tpu.memref_slice %arg3[%mul3A_42] : memref<1600000xi32, #tpu.memory_space<hbm>> -> memref<7168xi32, #tpu.memory_space<hbm>>
      tpu.wait_dma2 semaphore(%arg18 : memref<!tpu.dma_semaphore, #tpu.memory_space<semaphore_mem>>) src(%dma_wait3A_64 : memref<7168xi32, #tpu.memory_space<hbm>>) dst(%dma_wait3A_63 : memref<7168xi32, #tpu.memory_space<vmem>>)
      %dma_wait3A_65 = arith.constant 0 : i32
      %dma_wait3A_66 = tpu.memref_slice %arg9[%dma_wait3A_65] : memref<7168xi32, #tpu.memory_space<vmem>> -> memref<7168xi32, #tpu.memory_space<vmem>>
      %dma_wait3A_67 = tpu.memref_slice %arg4[%mul3A_42] : memref<1600000xi32, #tpu.memory_space<hbm>> -> memref<7168xi32, #tpu.memory_space<hbm>>
      %dma_wait3A_68 = arith.constant 0 : i32
      %dma_wait3A_69 = tpu.memref_slice %arg9[%dma_wait3A_68] : memref<7168xi32, #tpu.memory_space<vmem>> -> memref<7168xi32, #tpu.memory_space<vmem>>
      %dma_wait3A_70 = tpu.memref_slice %arg4[%mul3A_42] : memref<1600000xi32, #tpu.memory_space<hbm>> -> memref<7168xi32, #tpu.memory_space<hbm>>
      tpu.wait_dma2 semaphore(%arg18 : memref<!tpu.dma_semaphore, #tpu.memory_space<semaphore_mem>>) src(%dma_wait3A_70 : memref<7168xi32, #tpu.memory_space<hbm>>) dst(%dma_wait3A_69 : memref<7168xi32, #tpu.memory_space<vmem>>)
      %dma_wait3A_71 = arith.constant 0 : i32
      %dma_wait3A_72 = tpu.memref_slice %arg10[%dma_wait3A_71] : memref<7168xf32, #tpu.memory_space<vmem>> -> memref<7168xf32, #tpu.memory_space<vmem>>
      %dma_wait3A_73 = tpu.memref_slice %arg5[%mul3A_42] : memref<1600000xf32, #tpu.memory_space<hbm>> -> memref<7168xf32, #tpu.memory_space<hbm>>
      %dma_wait3A_74 = arith.constant 0 : i32
      %dma_wait3A_75 = tpu.memref_slice %arg10[%dma_wait3A_74] : memref<7168xf32, #tpu.memory_space<vmem>> -> memref<7168xf32, #tpu.memory_space<vmem>>
      %dma_wait3A_76 = tpu.memref_slice %arg5[%mul3A_42] : memref<1600000xf32, #tpu.memory_space<hbm>> -> memref<7168xf32, #tpu.memory_space<hbm>>
      tpu.wait_dma2 semaphore(%arg18 : memref<!tpu.dma_semaphore, #tpu.memory_space<semaphore_mem>>) src(%dma_wait3A_76 : memref<7168xf32, #tpu.memory_space<hbm>>) dst(%dma_wait3A_75 : memref<7168xf32, #tpu.memory_space<vmem>>)
      %dma_start3A_77 = arith.constant 0 : i32
      %dma_start3A_78 = tpu.memref_slice %arg8[%dma_start3A_77] : memref<7168xi32, #tpu.memory_space<vmem>> -> memref<128xi32, #tpu.memory_space<vmem>>
      %dma_start3A_79 = arith.constant 0 : i32
      %dma_start3A_80 = arith.constant 0 : i32
      %dma_start3A_81 = tpu.memref_slice %arg2[%dma_start3A_79, %dma_start3A_80] : memref<100000x8xf32, #tpu.memory_space<hbm>> -> memref<100000x8xf32, #tpu.memory_space<hbm>>
      tpu.enqueue_indirect_dma source(%dma_start3A_81 : memref<100000x8xf32, #tpu.memory_space<hbm>>) target(%arg11 : memref<128x8xf32, #tpu.memory_space<vmem>>) offsets(%dma_start3A_78 : memref<128xi32, #tpu.memory_space<vmem>>) semaphore(%arg19 : memref<!tpu.dma_semaphore, #tpu.memory_space<semaphore_mem>>)
      %dma_start3A_82 = arith.constant 128 : i32
      %dma_start3A_83 = tpu.memref_slice %arg8[%dma_start3A_82] : memref<7168xi32, #tpu.memory_space<vmem>> -> memref<128xi32, #tpu.memory_space<vmem>>
      %dma_start3A_84 = arith.constant 0 : i32
      %dma_start3A_85 = arith.constant 0 : i32
      %dma_start3A_86 = tpu.memref_slice %arg2[%dma_start3A_84, %dma_start3A_85] : memref<100000x8xf32, #tpu.memory_space<hbm>> -> memref<100000x8xf32, #tpu.memory_space<hbm>>
      tpu.enqueue_indirect_dma source(%dma_start3A_86 : memref<100000x8xf32, #tpu.memory_space<hbm>>) target(%arg12 : memref<128x8xf32, #tpu.memory_space<vmem>>) offsets(%dma_start3A_83 : memref<128xi32, #tpu.memory_space<vmem>>) semaphore(%arg20 : memref<!tpu.dma_semaphore, #tpu.memory_space<semaphore_mem>>)
      %dma_start3A_87 = arith.constant 256 : i32
      %dma_start3A_88 = tpu.memref_slice %arg8[%dma_start3A_87] : memref<7168xi32, #tpu.memory_space<vmem>> -> memref<128xi32, #tpu.memory_space<vmem>>
      %dma_start3A_89 = arith.constant 0 : i32
      %dma_start3A_90 = arith.constant 0 : i32
      %dma_start3A_91 = tpu.memref_slice %arg2[%dma_start3A_89, %dma_start3A_90] : memref<100000x8xf32, #tpu.memory_space<hbm>> -> memref<100000x8xf32, #tpu.memory_space<hbm>>
      tpu.enqueue_indirect_dma source(%dma_start3A_91 : memref<100000x8xf32, #tpu.memory_space<hbm>>) target(%arg13 : memref<128x8xf32, #tpu.memory_space<vmem>>) offsets(%dma_start3A_88 : memref<128xi32, #tpu.memory_space<vmem>>) semaphore(%arg21 : memref<!tpu.dma_semaphore, #tpu.memory_space<semaphore_mem>>)
      %scan3A_92 = arith.constant 0 : i32
      %scan3A_93 = arith.constant 14 : i32
      %scan3A_94 = arith.addi %scan3A_92, %scan3A_93 : i32
      %scan3A_95 = arith.constant 1 : i32
      scf.for %scan3A_102 = %scan3A_92 to %scan3A_94 step %scan3A_95  : i32 {
        %mul3A_103 = arith.constant 4 : i32
        %mul3A_104 = arith.muli %scan3A_102, %mul3A_103 : i32
        %add3A_105 = arith.constant 0 : i32
        %add3A_106 = arith.addi %add3A_105, %mul3A_104 : i32
        %add3A_107 = arith.constant 0 : i32
        %add3A_108 = arith.addi %add3A_106, %add3A_107 : i32
        %dma_wait3A_109 = arith.constant 0 : i32
        %dma_wait3A_110 = tpu.memref_slice %arg8[%dma_wait3A_109] : memref<7168xi32, #tpu.memory_space<vmem>> -> memref<128xi32, #tpu.memory_space<vmem>>
        %dma_wait3A_111 = arith.constant 0 : i32
        %dma_wait3A_112 = arith.constant 0 : i32
        %dma_wait3A_113 = tpu.memref_slice %arg2[%dma_wait3A_111, %dma_wait3A_112] : memref<100000x8xf32, #tpu.memory_space<hbm>> -> memref<100000x8xf32, #tpu.memory_space<hbm>>
        tpu.wait_indirect_dma semaphore(%arg19 : memref<!tpu.dma_semaphore, #tpu.memory_space<semaphore_mem>>) src(%dma_wait3A_113 : memref<100000x8xf32, #tpu.memory_space<hbm>>) dst(%arg11 : memref<128x8xf32, #tpu.memory_space<vmem>>)
        %mul3A_114 = arith.constant 128 : i32
        %mul3A_115 = arith.muli %add3A_108, %mul3A_114 : i32
        %add3A_116 = vector.broadcast %mul3A_115 : i32 to vector<16xi32>
        %add3A_117 = arith.addi %add3A_116, %shift_right_arithmetic3A_6 : vector<16xi32>
        %scan3A_118 = arith.constant 0 : i32
        %scan3A_119 = arith.constant 32 : i32
        %scan3A_120 = arith.addi %scan3A_118, %scan3A_119 : i32
        %scan3A_121 = arith.constant 1 : i32
        scf.for %scan3A_235 = %scan3A_118 to %scan3A_120 step %scan3A_121  : i32 {
          %mul3A_236 = arith.constant 1 : i32
          %mul3A_237 = arith.muli %scan3A_235, %mul3A_236 : i32
          %add3A_238 = arith.constant 0 : i32
          %add3A_239 = arith.addi %add3A_238, %mul3A_237 : i32
          %mul3A_240 = arith.constant 2 : i32
          %mul3A_241 = arith.muli %mul3A_240, %add3A_239 : i32
          %add3A_242 = arith.constant 0 : i32
          %add3A_243 = arith.addi %mul3A_241, %add3A_242 : i32
          %mul3A_244 = arith.constant 2 : i32
          %mul3A_245 = arith.muli %mul3A_244, %add3A_243 : i32
          %add3A_246 = vector.broadcast %mul3A_245 : i32 to vector<16xi32>
          %add3A_247 = arith.addi %add3A_246, %shift_right_arithmetic3A_6 : vector<16xi32>
          %mul3A_248 = arith.constant 2 : i32
          %mul3A_249 = arith.muli %mul3A_248, %add3A_243 : i32
          %add3A_250 = vector.broadcast %mul3A_249 : i32 to vector<16xi32>
          %add3A_251 = arith.addi %add3A_117, %add3A_250 : vector<16xi32>
          %gather3A = tpu.vector_load_idx %arg10[%add3A_251] : memref<7168xf32, #tpu.memory_space<vmem>>[vector<16xi32>], vector<16xf32>,
          %gather3A_252 = tpu.vector_load_idx %arg11[%add3A_247, %and3A_8] : memref<128x8xf32, #tpu.memory_space<vmem>>[vector<16xi32>, vector<16xi32>], vector<16xf32>,
          %abs3A = math.absf %gather3A_252 : vector<16xf32>
          %mul3A_253 = arith.mulf %abs3A, %gather3A : vector<16xf32>
          tpu.vector_store_idx %arg11[%add3A_247, %and3A_8], %mul3A_253 : memref<128x8xf32, #tpu.memory_space<vmem>>[vector<16xi32>, vector<16xi32>], vector<16xf32>,
          %mul3A_254 = arith.constant 2 : i32
          %mul3A_255 = arith.muli %mul3A_254, %add3A_239 : i32
          %add3A_256 = arith.constant 1 : i32
          %add3A_257 = arith.addi %mul3A_255, %add3A_256 : i32
          %mul3A_258 = arith.constant 2 : i32
          %mul3A_259 = arith.muli %mul3A_258, %add3A_257 : i32
          %add3A_260 = vector.broadcast %mul3A_259 : i32 to vector<16xi32>
          %add3A_261 = arith.addi %add3A_260, %shift_right_arithmetic3A_6 : vector<16xi32>
          %mul3A_262 = arith.constant 2 : i32
          %mul3A_263 = arith.muli %mul3A_262, %add3A_257 : i32
          %add3A_264 = vector.broadcast %mul3A_263 : i32 to vector<16xi32>
          %add3A_265 = arith.addi %add3A_117, %add3A_264 : vector<16xi32>
          %gather3A_266 = tpu.vector_load_idx %arg10[%add3A_265] : memref<7168xf32, #tpu.memory_space<vmem>>[vector<16xi32>], vector<16xf32>,
          %gather3A_267 = tpu.vector_load_idx %arg11[%add3A_261, %and3A_8] : memref<128x8xf32, #tpu.memory_space<vmem>>[vector<16xi32>, vector<16xi32>], vector<16xf32>,
          %abs3A_268 = math.absf %gather3A_267 : vector<16xf32>
          %mul3A_269 = arith.mulf %abs3A_268, %gather3A_266 : vector<16xf32>
          tpu.vector_store_idx %arg11[%add3A_261, %and3A_8], %mul3A_269 : memref<128x8xf32, #tpu.memory_space<vmem>>[vector<16xi32>, vector<16xi32>], vector<16xf32>,
        }
        %scan3A_122 = arith.constant 32 : i32
        %mul3A_123 = arith.constant 128 : i32
        %mul3A_124 = arith.muli %add3A_108, %mul3A_123 : i32
        %dma_start3A_125 = tpu.memref_slice %arg9[%mul3A_124] : memref<7168xi32, #tpu.memory_space<vmem>> -> memref<128xi32, #tpu.memory_space<vmem>>
        %dma_start3A_126 = arith.constant 0 : i32
        %dma_start3A_127 = arith.constant 0 : i32
        %dma_start3A_128 = tpu.memref_slice %arg17[%dma_start3A_126, %dma_start3A_127] : memref<100352x8xf32, #tpu.memory_space<vmem_shared>> -> memref<100352x8xf32, #tpu.memory_space<vmem_shared>>
        tpu.enqueue_indirect_dma source(%arg11 : memref<128x8xf32, #tpu.memory_space<vmem>>) target(%dma_start3A_128 : memref<100352x8xf32, #tpu.memory_space<vmem_shared>>) offsets(%dma_start3A_125 : memref<128xi32, #tpu.memory_space<vmem>>) semaphore(%arg23 : memref<!tpu.dma_semaphore, #tpu.memory_space<semaphore_mem>>) {add = true}
        %ge3A_129 = arith.constant 1 : i32
        %ge3A_130 = arith.cmpi sge, %add3A_108, %ge3A_129 : i32
        %convert_element_type3A_131 = arith.extui %ge3A_130 : i1 to i32
        %cond3A_132 = arith.constant 0 : i32
        %cond3A_133 = arith.cmpi ne, %convert_element_type3A_131, %cond3A_132 : i32
        scf.if %cond3A_133 {
          %dma_wait3A_235 = arith.constant 0 : i32
          %dma_wait3A_236 = tpu.memref_slice %arg9[%dma_wait3A_235] : memref<7168xi32, #tpu.memory_space<vmem>> -> memref<128xi32, #tpu.memory_space<vmem>>
          %dma_wait3A_237 = arith.constant 0 : i32
          %dma_wait3A_238 = arith.constant 0 : i32
          %dma_wait3A_239 = tpu.memref_slice %arg17[%dma_wait3A_237, %dma_wait3A_238] : memref<100352x8xf32, #tpu.memory_space<vmem_shared>> -> memref<100352x8xf32, #tpu.memory_space<vmem_shared>>
          tpu.wait_indirect_dma semaphore(%arg26 : memref<!tpu.dma_semaphore, #tpu.memory_space<semaphore_mem>>) src(%arg14 : memref<128x8xf32, #tpu.memory_space<vmem>>) dst(%dma_wait3A_239 : memref<100352x8xf32, #tpu.memory_space<vmem_shared>>)
        } else {
        }
        %lt3A_134 = arith.constant 53 : i32
        %lt3A_135 = arith.cmpi slt, %add3A_108, %lt3A_134 : i32
        %convert_element_type3A_136 = arith.extui %lt3A_135 : i1 to i32
        %cond3A_137 = arith.constant 0 : i32
        %cond3A_138 = arith.cmpi ne, %convert_element_type3A_136, %cond3A_137 : i32
        scf.if %cond3A_138 {
          %add3A_235 = arith.constant 4 : i32
          %add3A_236 = arith.addi %add3A_108, %add3A_235 : i32
          %sub3A = arith.constant 1 : i32
          %sub3A_237 = arith.subi %add3A_236, %sub3A : i32
          %mul3A_238 = arith.constant 128 : i32
          %mul3A_239 = arith.muli %sub3A_237, %mul3A_238 : i32
          %dma_start3A_240 = tpu.memref_slice %arg8[%mul3A_239] : memref<7168xi32, #tpu.memory_space<vmem>> -> memref<128xi32, #tpu.memory_space<vmem>>
          %dma_start3A_241 = arith.constant 0 : i32
          %dma_start3A_242 = arith.constant 0 : i32
          %dma_start3A_243 = tpu.memref_slice %arg2[%dma_start3A_241, %dma_start3A_242] : memref<100000x8xf32, #tpu.memory_space<hbm>> -> memref<100000x8xf32, #tpu.memory_space<hbm>>
          tpu.enqueue_indirect_dma source(%dma_start3A_243 : memref<100000x8xf32, #tpu.memory_space<hbm>>) target(%arg14 : memref<128x8xf32, #tpu.memory_space<vmem>>) offsets(%dma_start3A_240 : memref<128xi32, #tpu.memory_space<vmem>>) semaphore(%arg22 : memref<!tpu.dma_semaphore, #tpu.memory_space<semaphore_mem>>)
        } else {
        }
        %add3A_139 = arith.constant 1 : i32
        %add3A_140 = arith.addi %add3A_106, %add3A_139 : i32
        %dma_wait3A_141 = arith.constant 0 : i32
        %dma_wait3A_142 = tpu.memref_slice %arg8[%dma_wait3A_141] : memref<7168xi32, #tpu.memory_space<vmem>> -> memref<128xi32, #tpu.memory_space<vmem>>
        %dma_wait3A_143 = arith.constant 0 : i32
        %dma_wait3A_144 = arith.constant 0 : i32
        %dma_wait3A_145 = tpu.memref_slice %arg2[%dma_wait3A_143, %dma_wait3A_144] : memref<100000x8xf32, #tpu.memory_space<hbm>> -> memref<100000x8xf32, #tpu.memory_space<hbm>>
        tpu.wait_indirect_dma semaphore(%arg20 : memref<!tpu.dma_semaphore, #tpu.memory_space<semaphore_mem>>) src(%dma_wait3A_145 : memref<100000x8xf32, #tpu.memory_space<hbm>>) dst(%arg12 : memref<128x8xf32, #tpu.memory_space<vmem>>)
        %mul3A_146 = arith.constant 128 : i32
        %mul3A_147 = arith.muli %add3A_140, %mul3A_146 : i32
        %add3A_148 = vector.broadcast %mul3A_147 : i32 to vector<16xi32>
        %add3A_149 = arith.addi %add3A_148, %shift_right_arithmetic3A_6 : vector<16xi32>
        %scan3A_150 = arith.constant 0 : i32
        %scan3A_151 = arith.constant 32 : i32
        %scan3A_152 = arith.addi %scan3A_150, %scan3A_151 : i32
        %scan3A_153 = arith.constant 1 : i32
        scf.for %scan3A_235 = %scan3A_150 to %scan3A_152 step %scan3A_153  : i32 {
          %mul3A_236 = arith.constant 1 : i32
          %mul3A_237 = arith.muli %scan3A_235, %mul3A_236 : i32
          %add3A_238 = arith.constant 0 : i32
          %add3A_239 = arith.addi %add3A_238, %mul3A_237 : i32
          %mul3A_240 = arith.constant 2 : i32
          %mul3A_241 = arith.muli %mul3A_240, %add3A_239 : i32
          %add3A_242 = arith.constant 0 : i32
          %add3A_243 = arith.addi %mul3A_241, %add3A_242 : i32
          %mul3A_244 = arith.constant 2 : i32
          %mul3A_245 = arith.muli %mul3A_244, %add3A_243 : i32
          %add3A_246 = vector.broadcast %mul3A_245 : i32 to vector<16xi32>
          %add3A_247 = arith.addi %add3A_246, %shift_right_arithmetic3A_6 : vector<16xi32>
          %mul3A_248 = arith.constant 2 : i32
          %mul3A_249 = arith.muli %mul3A_248, %add3A_243 : i32
          %add3A_250 = vector.broadcast %mul3A_249 : i32 to vector<16xi32>
          %add3A_251 = arith.addi %add3A_149, %add3A_250 : vector<16xi32>
          %gather3A = tpu.vector_load_idx %arg10[%add3A_251] : memref<7168xf32, #tpu.memory_space<vmem>>[vector<16xi32>], vector<16xf32>,
          %gather3A_252 = tpu.vector_load_idx %arg12[%add3A_247, %and3A_8] : memref<128x8xf32, #tpu.memory_space<vmem>>[vector<16xi32>, vector<16xi32>], vector<16xf32>,
          %abs3A = math.absf %gather3A_252 : vector<16xf32>
          %mul3A_253 = arith.mulf %abs3A, %gather3A : vector<16xf32>
          tpu.vector_store_idx %arg12[%add3A_247, %and3A_8], %mul3A_253 : memref<128x8xf32, #tpu.memory_space<vmem>>[vector<16xi32>, vector<16xi32>], vector<16xf32>,
          %mul3A_254 = arith.constant 2 : i32
          %mul3A_255 = arith.muli %mul3A_254, %add3A_239 : i32
          %add3A_256 = arith.constant 1 : i32
          %add3A_257 = arith.addi %mul3A_255, %add3A_256 : i32
          %mul3A_258 = arith.constant 2 : i32
          %mul3A_259 = arith.muli %mul3A_258, %add3A_257 : i32
          %add3A_260 = vector.broadcast %mul3A_259 : i32 to vector<16xi32>
          %add3A_261 = arith.addi %add3A_260, %shift_right_arithmetic3A_6 : vector<16xi32>
          %mul3A_262 = arith.constant 2 : i32
          %mul3A_263 = arith.muli %mul3A_262, %add3A_257 : i32
          %add3A_264 = vector.broadcast %mul3A_263 : i32 to vector<16xi32>
          %add3A_265 = arith.addi %add3A_149, %add3A_264 : vector<16xi32>
          %gather3A_266 = tpu.vector_load_idx %arg10[%add3A_265] : memref<7168xf32, #tpu.memory_space<vmem>>[vector<16xi32>], vector<16xf32>,
          %gather3A_267 = tpu.vector_load_idx %arg12[%add3A_261, %and3A_8] : memref<128x8xf32, #tpu.memory_space<vmem>>[vector<16xi32>, vector<16xi32>], vector<16xf32>,
          %abs3A_268 = math.absf %gather3A_267 : vector<16xf32>
          %mul3A_269 = arith.mulf %abs3A_268, %gather3A_266 : vector<16xf32>
          tpu.vector_store_idx %arg12[%add3A_261, %and3A_8], %mul3A_269 : memref<128x8xf32, #tpu.memory_space<vmem>>[vector<16xi32>, vector<16xi32>], vector<16xf32>,
        }
        %scan3A_154 = arith.constant 32 : i32
        %mul3A_155 = arith.constant 128 : i32
        %mul3A_156 = arith.muli %add3A_140, %mul3A_155 : i32
        %dma_start3A_157 = tpu.memref_slice %arg9[%mul3A_156] : memref<7168xi32, #tpu.memory_space<vmem>> -> memref<128xi32, #tpu.memory_space<vmem>>
        %dma_start3A_158 = arith.constant 0 : i32
        %dma_start3A_159 = arith.constant 0 : i32
        %dma_start3A_160 = tpu.memref_slice %arg17[%dma_start3A_158, %dma_start3A_159] : memref<100352x8xf32, #tpu.memory_space<vmem_shared>> -> memref<100352x8xf32, #tpu.memory_space<vmem_shared>>
        tpu.enqueue_indirect_dma source(%arg12 : memref<128x8xf32, #tpu.memory_space<vmem>>) target(%dma_start3A_160 : memref<100352x8xf32, #tpu.memory_space<vmem_shared>>) offsets(%dma_start3A_157 : memref<128xi32, #tpu.memory_space<vmem>>) semaphore(%arg24 : memref<!tpu.dma_semaphore, #tpu.memory_space<semaphore_mem>>) {add = true}
        %ge3A_161 = arith.constant 1 : i32
        %ge3A_162 = arith.cmpi sge, %add3A_140, %ge3A_161 : i32
        %convert_element_type3A_163 = arith.extui %ge3A_162 : i1 to i32
        %cond3A_164 = arith.constant 0 : i32
        %cond3A_165 = arith.cmpi ne, %convert_element_type3A_163, %cond3A_164 : i32
        scf.if %cond3A_165 {
          %dma_wait3A_235 = arith.constant 0 : i32
          %dma_wait3A_236 = tpu.memref_slice %arg9[%dma_wait3A_235] : memref<7168xi32, #tpu.memory_space<vmem>> -> memref<128xi32, #tpu.memory_space<vmem>>
          %dma_wait3A_237 = arith.constant 0 : i32
          %dma_wait3A_238 = arith.constant 0 : i32
          %dma_wait3A_239 = tpu.memref_slice %arg17[%dma_wait3A_237, %dma_wait3A_238] : memref<100352x8xf32, #tpu.memory_space<vmem_shared>> -> memref<100352x8xf32, #tpu.memory_space<vmem_shared>>
          tpu.wait_indirect_dma semaphore(%arg23 : memref<!tpu.dma_semaphore, #tpu.memory_space<semaphore_mem>>) src(%arg11 : memref<128x8xf32, #tpu.memory_space<vmem>>) dst(%dma_wait3A_239 : memref<100352x8xf32, #tpu.memory_space<vmem_shared>>)
        } else {
        }
        %lt3A_166 = arith.constant 53 : i32
        %lt3A_167 = arith.cmpi slt, %add3A_140, %lt3A_166 : i32
        %convert_element_type3A_168 = arith.extui %lt3A_167 : i1 to i32
        %cond3A_169 = arith.constant 0 : i32
        %cond3A_170 = arith.cmpi ne, %convert_element_type3A_168, %cond3A_169 : i32
        scf.if %cond3A_170 {
          %add3A_235 = arith.constant 4 : i32
          %add3A_236 = arith.addi %add3A_140, %add3A_235 : i32
          %sub3A = arith.constant 1 : i32
          %sub3A_237 = arith.subi %add3A_236, %sub3A : i32
          %mul3A_238 = arith.constant 128 : i32
          %mul3A_239 = arith.muli %sub3A_237, %mul3A_238 : i32
          %dma_start3A_240 = tpu.memref_slice %arg8[%mul3A_239] : memref<7168xi32, #tpu.memory_space<vmem>> -> memref<128xi32, #tpu.memory_space<vmem>>
          %dma_start3A_241 = arith.constant 0 : i32
          %dma_start3A_242 = arith.constant 0 : i32
          %dma_start3A_243 = tpu.memref_slice %arg2[%dma_start3A_241, %dma_start3A_242] : memref<100000x8xf32, #tpu.memory_space<hbm>> -> memref<100000x8xf32, #tpu.memory_space<hbm>>
          tpu.enqueue_indirect_dma source(%dma_start3A_243 : memref<100000x8xf32, #tpu.memory_space<hbm>>) target(%arg11 : memref<128x8xf32, #tpu.memory_space<vmem>>) offsets(%dma_start3A_240 : memref<128xi32, #tpu.memory_space<vmem>>) semaphore(%arg19 : memref<!tpu.dma_semaphore, #tpu.memory_space<semaphore_mem>>)
        } else {
        }
        %add3A_171 = arith.constant 2 : i32
        %add3A_172 = arith.addi %add3A_106, %add3A_171 : i32
        %dma_wait3A_173 = arith.constant 0 : i32
        %dma_wait3A_174 = tpu.memref_slice %arg8[%dma_wait3A_173] : memref<7168xi32, #tpu.memory_space<vmem>> -> memref<128xi32, #tpu.memory_space<vmem>>
        %dma_wait3A_175 = arith.constant 0 : i32
        %dma_wait3A_176 = arith.constant 0 : i32
        %dma_wait3A_177 = tpu.memref_slice %arg2[%dma_wait3A_175, %dma_wait3A_176] : memref<100000x8xf32, #tpu.memory_space<hbm>> -> memref<100000x8xf32, #tpu.memory_space<hbm>>
        tpu.wait_indirect_dma semaphore(%arg21 : memref<!tpu.dma_semaphore, #tpu.memory_space<semaphore_mem>>) src(%dma_wait3A_177 : memref<100000x8xf32, #tpu.memory_space<hbm>>) dst(%arg13 : memref<128x8xf32, #tpu.memory_space<vmem>>)
        %mul3A_178 = arith.constant 128 : i32
        %mul3A_179 = arith.muli %add3A_172, %mul3A_178 : i32
        %add3A_180 = vector.broadcast %mul3A_179 : i32 to vector<16xi32>
        %add3A_181 = arith.addi %add3A_180, %shift_right_arithmetic3A_6 : vector<16xi32>
        %scan3A_182 = arith.constant 0 : i32
        %scan3A_183 = arith.constant 32 : i32
        %scan3A_184 = arith.addi %scan3A_182, %scan3A_183 : i32
        %scan3A_185 = arith.constant 1 : i32
        scf.for %scan3A_235 = %scan3A_182 to %scan3A_184 step %scan3A_185  : i32 {
          %mul3A_236 = arith.constant 1 : i32
          %mul3A_237 = arith.muli %scan3A_235, %mul3A_236 : i32
          %add3A_238 = arith.constant 0 : i32
          %add3A_239 = arith.addi %add3A_238, %mul3A_237 : i32
          %mul3A_240 = arith.constant 2 : i32
          %mul3A_241 = arith.muli %mul3A_240, %add3A_239 : i32
          %add3A_242 = arith.constant 0 : i32
          %add3A_243 = arith.addi %mul3A_241, %add3A_242 : i32
          %mul3A_244 = arith.constant 2 : i32
          %mul3A_245 = arith.muli %mul3A_244, %add3A_243 : i32
          %add3A_246 = vector.broadcast %mul3A_245 : i32 to vector<16xi32>
          %add3A_247 = arith.addi %add3A_246, %shift_right_arithmetic3A_6 : vector<16xi32>
          %mul3A_248 = arith.constant 2 : i32
          %mul3A_249 = arith.muli %mul3A_248, %add3A_243 : i32
          %add3A_250 = vector.broadcast %mul3A_249 : i32 to vector<16xi32>
          %add3A_251 = arith.addi %add3A_181, %add3A_250 : vector<16xi32>
          %gather3A = tpu.vector_load_idx %arg10[%add3A_251] : memref<7168xf32, #tpu.memory_space<vmem>>[vector<16xi32>], vector<16xf32>,
          %gather3A_252 = tpu.vector_load_idx %arg13[%add3A_247, %and3A_8] : memref<128x8xf32, #tpu.memory_space<vmem>>[vector<16xi32>, vector<16xi32>], vector<16xf32>,
          %abs3A = math.absf %gather3A_252 : vector<16xf32>
          %mul3A_253 = arith.mulf %abs3A, %gather3A : vector<16xf32>
          tpu.vector_store_idx %arg13[%add3A_247, %and3A_8], %mul3A_253 : memref<128x8xf32, #tpu.memory_space<vmem>>[vector<16xi32>, vector<16xi32>], vector<16xf32>,
          %mul3A_254 = arith.constant 2 : i32
          %mul3A_255 = arith.muli %mul3A_254, %add3A_239 : i32
          %add3A_256 = arith.constant 1 : i32
          %add3A_257 = arith.addi %mul3A_255, %add3A_256 : i32
          %mul3A_258 = arith.constant 2 : i32
          %mul3A_259 = arith.muli %mul3A_258, %add3A_257 : i32
          %add3A_260 = vector.broadcast %mul3A_259 : i32 to vector<16xi32>
          %add3A_261 = arith.addi %add3A_260, %shift_right_arithmetic3A_6 : vector<16xi32>
          %mul3A_262 = arith.constant 2 : i32
          %mul3A_263 = arith.muli %mul3A_262, %add3A_257 : i32
          %add3A_264 = vector.broadcast %mul3A_263 : i32 to vector<16xi32>
          %add3A_265 = arith.addi %add3A_181, %add3A_264 : vector<16xi32>
          %gather3A_266 = tpu.vector_load_idx %arg10[%add3A_265] : memref<7168xf32, #tpu.memory_space<vmem>>[vector<16xi32>], vector<16xf32>,
          %gather3A_267 = tpu.vector_load_idx %arg13[%add3A_261, %and3A_8] : memref<128x8xf32, #tpu.memory_space<vmem>>[vector<16xi32>, vector<16xi32>], vector<16xf32>,
          %abs3A_268 = math.absf %gather3A_267 : vector<16xf32>
          %mul3A_269 = arith.mulf %abs3A_268, %gather3A_266 : vector<16xf32>
          tpu.vector_store_idx %arg13[%add3A_261, %and3A_8], %mul3A_269 : memref<128x8xf32, #tpu.memory_space<vmem>>[vector<16xi32>, vector<16xi32>], vector<16xf32>,
        }
        %scan3A_186 = arith.constant 32 : i32
        %mul3A_187 = arith.constant 128 : i32
        %mul3A_188 = arith.muli %add3A_172, %mul3A_187 : i32
        %dma_start3A_189 = tpu.memref_slice %arg9[%mul3A_188] : memref<7168xi32, #tpu.memory_space<vmem>> -> memref<128xi32, #tpu.memory_space<vmem>>
        %dma_start3A_190 = arith.constant 0 : i32
        %dma_start3A_191 = arith.constant 0 : i32
        %dma_start3A_192 = tpu.memref_slice %arg17[%dma_start3A_190, %dma_start3A_191] : memref<100352x8xf32, #tpu.memory_space<vmem_shared>> -> memref<100352x8xf32, #tpu.memory_space<vmem_shared>>
        tpu.enqueue_indirect_dma source(%arg13 : memref<128x8xf32, #tpu.memory_space<vmem>>) target(%dma_start3A_192 : memref<100352x8xf32, #tpu.memory_space<vmem_shared>>) offsets(%dma_start3A_189 : memref<128xi32, #tpu.memory_space<vmem>>) semaphore(%arg25 : memref<!tpu.dma_semaphore, #tpu.memory_space<semaphore_mem>>) {add = true}
        %ge3A_193 = arith.constant 1 : i32
        %ge3A_194 = arith.cmpi sge, %add3A_172, %ge3A_193 : i32
        %convert_element_type3A_195 = arith.extui %ge3A_194 : i1 to i32
        %cond3A_196 = arith.constant 0 : i32
        %cond3A_197 = arith.cmpi ne, %convert_element_type3A_195, %cond3A_196 : i32
        scf.if %cond3A_197 {
          %dma_wait3A_235 = arith.constant 0 : i32
          %dma_wait3A_236 = tpu.memref_slice %arg9[%dma_wait3A_235] : memref<7168xi32, #tpu.memory_space<vmem>> -> memref<128xi32, #tpu.memory_space<vmem>>
          %dma_wait3A_237 = arith.constant 0 : i32
          %dma_wait3A_238 = arith.constant 0 : i32
          %dma_wait3A_239 = tpu.memref_slice %arg17[%dma_wait3A_237, %dma_wait3A_238] : memref<100352x8xf32, #tpu.memory_space<vmem_shared>> -> memref<100352x8xf32, #tpu.memory_space<vmem_shared>>
          tpu.wait_indirect_dma semaphore(%arg24 : memref<!tpu.dma_semaphore, #tpu.memory_space<semaphore_mem>>) src(%arg12 : memref<128x8xf32, #tpu.memory_space<vmem>>) dst(%dma_wait3A_239 : memref<100352x8xf32, #tpu.memory_space<vmem_shared>>)
        } else {
        }
        %lt3A_198 = arith.constant 53 : i32
        %lt3A_199 = arith.cmpi slt, %add3A_172, %lt3A_198 : i32
        %convert_element_type3A_200 = arith.extui %lt3A_199 : i1 to i32
        %cond3A_201 = arith.constant 0 : i32
        %cond3A_202 = arith.cmpi ne, %convert_element_type3A_200, %cond3A_201 : i32
        scf.if %cond3A_202 {
          %add3A_235 = arith.constant 4 : i32
          %add3A_236 = arith.addi %add3A_172, %add3A_235 : i32
          %sub3A = arith.constant 1 : i32
          %sub3A_237 = arith.subi %add3A_236, %sub3A : i32
          %mul3A_238 = arith.constant 128 : i32
          %mul3A_239 = arith.muli %sub3A_237, %mul3A_238 : i32
          %dma_start3A_240 = tpu.memref_slice %arg8[%mul3A_239] : memref<7168xi32, #tpu.memory_space<vmem>> -> memref<128xi32, #tpu.memory_space<vmem>>
          %dma_start3A_241 = arith.constant 0 : i32
          %dma_start3A_242 = arith.constant 0 : i32
          %dma_start3A_243 = tpu.memref_slice %arg2[%dma_start3A_241, %dma_start3A_242] : memref<100000x8xf32, #tpu.memory_space<hbm>> -> memref<100000x8xf32, #tpu.memory_space<hbm>>
          tpu.enqueue_indirect_dma source(%dma_start3A_243 : memref<100000x8xf32, #tpu.memory_space<hbm>>) target(%arg12 : memref<128x8xf32, #tpu.memory_space<vmem>>) offsets(%dma_start3A_240 : memref<128xi32, #tpu.memory_space<vmem>>) semaphore(%arg20 : memref<!tpu.dma_semaphore, #tpu.memory_space<semaphore_mem>>)
        } else {
        }
        %add3A_203 = arith.constant 3 : i32
        %add3A_204 = arith.addi %add3A_106, %add3A_203 : i32
        %dma_wait3A_205 = arith.constant 0 : i32
        %dma_wait3A_206 = tpu.memref_slice %arg8[%dma_wait3A_205] : memref<7168xi32, #tpu.memory_space<vmem>> -> memref<128xi32, #tpu.memory_space<vmem>>
        %dma_wait3A_207 = arith.constant 0 : i32
        %dma_wait3A_208 = arith.constant 0 : i32
        %dma_wait3A_209 = tpu.memref_slice %arg2[%dma_wait3A_207, %dma_wait3A_208] : memref<100000x8xf32, #tpu.memory_space<hbm>> -> memref<100000x8xf32, #tpu.memory_space<hbm>>
        tpu.wait_indirect_dma semaphore(%arg22 : memref<!tpu.dma_semaphore, #tpu.memory_space<semaphore_mem>>) src(%dma_wait3A_209 : memref<100000x8xf32, #tpu.memory_space<hbm>>) dst(%arg14 : memref<128x8xf32, #tpu.memory_space<vmem>>)
        %mul3A_210 = arith.constant 128 : i32
        %mul3A_211 = arith.muli %add3A_204, %mul3A_210 : i32
        %add3A_212 = vector.broadcast %mul3A_211 : i32 to vector<16xi32>
        %add3A_213 = arith.addi %add3A_212, %shift_right_arithmetic3A_6 : vector<16xi32>
        %scan3A_214 = arith.constant 0 : i32
        %scan3A_215 = arith.constant 32 : i32
        %scan3A_216 = arith.addi %scan3A_214, %scan3A_215 : i32
        %scan3A_217 = arith.constant 1 : i32
        scf.for %scan3A_235 = %scan3A_214 to %scan3A_216 step %scan3A_217  : i32 {
          %mul3A_236 = arith.constant 1 : i32
          %mul3A_237 = arith.muli %scan3A_235, %mul3A_236 : i32
          %add3A_238 = arith.constant 0 : i32
          %add3A_239 = arith.addi %add3A_238, %mul3A_237 : i32
          %mul3A_240 = arith.constant 2 : i32
          %mul3A_241 = arith.muli %mul3A_240, %add3A_239 : i32
          %add3A_242 = arith.constant 0 : i32
          %add3A_243 = arith.addi %mul3A_241, %add3A_242 : i32
          %mul3A_244 = arith.constant 2 : i32
          %mul3A_245 = arith.muli %mul3A_244, %add3A_243 : i32
          %add3A_246 = vector.broadcast %mul3A_245 : i32 to vector<16xi32>
          %add3A_247 = arith.addi %add3A_246, %shift_right_arithmetic3A_6 : vector<16xi32>
          %mul3A_248 = arith.constant 2 : i32
          %mul3A_249 = arith.muli %mul3A_248, %add3A_243 : i32
          %add3A_250 = vector.broadcast %mul3A_249 : i32 to vector<16xi32>
          %add3A_251 = arith.addi %add3A_213, %add3A_250 : vector<16xi32>
          %gather3A = tpu.vector_load_idx %arg10[%add3A_251] : memref<7168xf32, #tpu.memory_space<vmem>>[vector<16xi32>], vector<16xf32>,
          %gather3A_252 = tpu.vector_load_idx %arg14[%add3A_247, %and3A_8] : memref<128x8xf32, #tpu.memory_space<vmem>>[vector<16xi32>, vector<16xi32>], vector<16xf32>,
          %abs3A = math.absf %gather3A_252 : vector<16xf32>
          %mul3A_253 = arith.mulf %abs3A, %gather3A : vector<16xf32>
          tpu.vector_store_idx %arg14[%add3A_247, %and3A_8], %mul3A_253 : memref<128x8xf32, #tpu.memory_space<vmem>>[vector<16xi32>, vector<16xi32>], vector<16xf32>,
          %mul3A_254 = arith.constant 2 : i32
          %mul3A_255 = arith.muli %mul3A_254, %add3A_239 : i32
          %add3A_256 = arith.constant 1 : i32
          %add3A_257 = arith.addi %mul3A_255, %add3A_256 : i32
          %mul3A_258 = arith.constant 2 : i32
          %mul3A_259 = arith.muli %mul3A_258, %add3A_257 : i32
          %add3A_260 = vector.broadcast %mul3A_259 : i32 to vector<16xi32>
          %add3A_261 = arith.addi %add3A_260, %shift_right_arithmetic3A_6 : vector<16xi32>
          %mul3A_262 = arith.constant 2 : i32
          %mul3A_263 = arith.muli %mul3A_262, %add3A_257 : i32
          %add3A_264 = vector.broadcast %mul3A_263 : i32 to vector<16xi32>
          %add3A_265 = arith.addi %add3A_213, %add3A_264 : vector<16xi32>
          %gather3A_266 = tpu.vector_load_idx %arg10[%add3A_265] : memref<7168xf32, #tpu.memory_space<vmem>>[vector<16xi32>], vector<16xf32>,
          %gather3A_267 = tpu.vector_load_idx %arg14[%add3A_261, %and3A_8] : memref<128x8xf32, #tpu.memory_space<vmem>>[vector<16xi32>, vector<16xi32>], vector<16xf32>,
          %abs3A_268 = math.absf %gather3A_267 : vector<16xf32>
          %mul3A_269 = arith.mulf %abs3A_268, %gather3A_266 : vector<16xf32>
          tpu.vector_store_idx %arg14[%add3A_261, %and3A_8], %mul3A_269 : memref<128x8xf32, #tpu.memory_space<vmem>>[vector<16xi32>, vector<16xi32>], vector<16xf32>,
        }
        %scan3A_218 = arith.constant 32 : i32
        %mul3A_219 = arith.constant 128 : i32
        %mul3A_220 = arith.muli %add3A_204, %mul3A_219 : i32
        %dma_start3A_221 = tpu.memref_slice %arg9[%mul3A_220] : memref<7168xi32, #tpu.memory_space<vmem>> -> memref<128xi32, #tpu.memory_space<vmem>>
        %dma_start3A_222 = arith.constant 0 : i32
        %dma_start3A_223 = arith.constant 0 : i32
        %dma_start3A_224 = tpu.memref_slice %arg17[%dma_start3A_222, %dma_start3A_223] : memref<100352x8xf32, #tpu.memory_space<vmem_shared>> -> memref<100352x8xf32, #tpu.memory_space<vmem_shared>>
        tpu.enqueue_indirect_dma source(%arg14 : memref<128x8xf32, #tpu.memory_space<vmem>>) target(%dma_start3A_224 : memref<100352x8xf32, #tpu.memory_space<vmem_shared>>) offsets(%dma_start3A_221 : memref<128xi32, #tpu.memory_space<vmem>>) semaphore(%arg26 : memref<!tpu.dma_semaphore, #tpu.memory_space<semaphore_mem>>) {add = true}
        %ge3A_225 = arith.constant 1 : i32
        %ge3A_226 = arith.cmpi sge, %add3A_204, %ge3A_225 : i32
        %convert_element_type3A_227 = arith.extui %ge3A_226 : i1 to i32
        %cond3A_228 = arith.constant 0 : i32
        %cond3A_229 = arith.cmpi ne, %convert_element_type3A_227, %cond3A_228 : i32
        scf.if %cond3A_229 {
          %dma_wait3A_235 = arith.constant 0 : i32
          %dma_wait3A_236 = tpu.memref_slice %arg9[%dma_wait3A_235] : memref<7168xi32, #tpu.memory_space<vmem>> -> memref<128xi32, #tpu.memory_space<vmem>>
          %dma_wait3A_237 = arith.constant 0 : i32
          %dma_wait3A_238 = arith.constant 0 : i32
          %dma_wait3A_239 = tpu.memref_slice %arg17[%dma_wait3A_237, %dma_wait3A_238] : memref<100352x8xf32, #tpu.memory_space<vmem_shared>> -> memref<100352x8xf32, #tpu.memory_space<vmem_shared>>
          tpu.wait_indirect_dma semaphore(%arg25 : memref<!tpu.dma_semaphore, #tpu.memory_space<semaphore_mem>>) src(%arg13 : memref<128x8xf32, #tpu.memory_space<vmem>>) dst(%dma_wait3A_239 : memref<100352x8xf32, #tpu.memory_space<vmem_shared>>)
        } else {
        }
        %lt3A_230 = arith.constant 53 : i32
        %lt3A_231 = arith.cmpi slt, %add3A_204, %lt3A_230 : i32
        %convert_element_type3A_232 = arith.extui %lt3A_231 : i1 to i32
        %cond3A_233 = arith.constant 0 : i32
        %cond3A_234 = arith.cmpi ne, %convert_element_type3A_232, %cond3A_233 : i32
        scf.if %cond3A_234 {
          %add3A_235 = arith.constant 4 : i32
          %add3A_236 = arith.addi %add3A_204, %add3A_235 : i32
          %sub3A = arith.constant 1 : i32
          %sub3A_237 = arith.subi %add3A_236, %sub3A : i32
          %mul3A_238 = arith.constant 128 : i32
          %mul3A_239 = arith.muli %sub3A_237, %mul3A_238 : i32
          %dma_start3A_240 = tpu.memref_slice %arg8[%mul3A_239] : memref<7168xi32, #tpu.memory_space<vmem>> -> memref<128xi32, #tpu.memory_space<vmem>>
          %dma_start3A_241 = arith.constant 0 : i32
          %dma_start3A_242 = arith.constant 0 : i32
          %dma_start3A_243 = tpu.memref_slice %arg2[%dma_start3A_241, %dma_start3A_242] : memref<100000x8xf32, #tpu.memory_space<hbm>> -> memref<100000x8xf32, #tpu.memory_space<hbm>>
          tpu.enqueue_indirect_dma source(%dma_start3A_243 : memref<100000x8xf32, #tpu.memory_space<hbm>>) target(%arg13 : memref<128x8xf32, #tpu.memory_space<vmem>>) offsets(%dma_start3A_240 : memref<128xi32, #tpu.memory_space<vmem>>) semaphore(%arg21 : memref<!tpu.dma_semaphore, #tpu.memory_space<semaphore_mem>>)
        } else {
        }
      }
      %scan3A_96 = arith.constant 14 : i32
      %dma_wait3A_97 = arith.constant 0 : i32
      %dma_wait3A_98 = tpu.memref_slice %arg9[%dma_wait3A_97] : memref<7168xi32, #tpu.memory_space<vmem>> -> memref<128xi32, #tpu.memory_space<vmem>>
      %dma_wait3A_99 = arith.constant 0 : i32
      %dma_wait3A_100 = arith.constant 0 : i32
      %dma_wait3A_101 = tpu.memref_slice %arg17[%dma_wait3A_99, %dma_wait3A_100] : memref<100352x8xf32, #tpu.memory_space<vmem_shared>> -> memref<100352x8xf32, #tpu.memory_space<vmem_shared>>
      tpu.wait_indirect_dma semaphore(%arg26 : memref<!tpu.dma_semaphore, #tpu.memory_space<semaphore_mem>>) src(%arg14 : memref<128x8xf32, #tpu.memory_space<vmem>>) dst(%dma_wait3A_101 : memref<100352x8xf32, #tpu.memory_space<vmem_shared>>)
    }
    %scan3A_18 = arith.constant 6 : i32
    %ge3A = arith.constant 21 : i32
    %ge3A_19 = arith.cmpi sge, %add3A, %ge3A : i32
    %convert_element_type3A = arith.extui %ge3A_19 : i1 to i32
    %cond3A = arith.constant 0 : i32
    %cond3A_20 = arith.cmpi ne, %convert_element_type3A, %cond3A : i32
    scf.if %cond3A_20 {
      %add3A_33 = arith.constant 336 : i32
      %add3A_34 = arith.addi %add3A_14, %add3A_33 : i32
      %mul3A_35 = arith.constant 128 : i32
      %mul3A_36 = arith.muli %add3A_34, %mul3A_35 : i32
      %dma_start3A = arith.constant 0 : i32
      %dma_start3A_37 = tpu.memref_slice %arg8[%dma_start3A] : memref<7168xi32, #tpu.memory_space<vmem>> -> memref<6656xi32, #tpu.memory_space<vmem>>
      %dma_start3A_38 = tpu.memref_slice %arg3[%mul3A_36] : memref<1600000xi32, #tpu.memory_space<hbm>> -> memref<6656xi32, #tpu.memory_space<hbm>>
      %dma_start3A_39 = arith.constant 0 : i32
      %dma_start3A_40 = tpu.memref_slice %arg8[%dma_start3A_39] : memref<7168xi32, #tpu.memory_space<vmem>> -> memref<6656xi32, #tpu.memory_space<vmem>>
      %dma_start3A_41 = tpu.memref_slice %arg3[%mul3A_36] : memref<1600000xi32, #tpu.memory_space<hbm>> -> memref<6656xi32, #tpu.memory_space<hbm>>
      tpu.enqueue_dma source(%dma_start3A_41 : memref<6656xi32, #tpu.memory_space<hbm>>) target(%dma_start3A_40 : memref<6656xi32, #tpu.memory_space<vmem>>) target_semaphore(%arg18 : memref<!tpu.dma_semaphore, #tpu.memory_space<semaphore_mem>>)
      %dma_start3A_42 = arith.constant 0 : i32
      %dma_start3A_43 = tpu.memref_slice %arg9[%dma_start3A_42] : memref<7168xi32, #tpu.memory_space<vmem>> -> memref<6656xi32, #tpu.memory_space<vmem>>
      %dma_start3A_44 = tpu.memref_slice %arg4[%mul3A_36] : memref<1600000xi32, #tpu.memory_space<hbm>> -> memref<6656xi32, #tpu.memory_space<hbm>>
      %dma_start3A_45 = arith.constant 0 : i32
      %dma_start3A_46 = tpu.memref_slice %arg9[%dma_start3A_45] : memref<7168xi32, #tpu.memory_space<vmem>> -> memref<6656xi32, #tpu.memory_space<vmem>>
      %dma_start3A_47 = tpu.memref_slice %arg4[%mul3A_36] : memref<1600000xi32, #tpu.memory_space<hbm>> -> memref<6656xi32, #tpu.memory_space<hbm>>
      tpu.enqueue_dma source(%dma_start3A_47 : memref<6656xi32, #tpu.memory_space<hbm>>) target(%dma_start3A_46 : memref<6656xi32, #tpu.memory_space<vmem>>) target_semaphore(%arg18 : memref<!tpu.dma_semaphore, #tpu.memory_space<semaphore_mem>>)
      %dma_start3A_48 = arith.constant 0 : i32
      %dma_start3A_49 = tpu.memref_slice %arg10[%dma_start3A_48] : memref<7168xf32, #tpu.memory_space<vmem>> -> memref<6656xf32, #tpu.memory_space<vmem>>
      %dma_start3A_50 = tpu.memref_slice %arg5[%mul3A_36] : memref<1600000xf32, #tpu.memory_space<hbm>> -> memref<6656xf32, #tpu.memory_space<hbm>>
      %dma_start3A_51 = arith.constant 0 : i32
      %dma_start3A_52 = tpu.memref_slice %arg10[%dma_start3A_51] : memref<7168xf32, #tpu.memory_space<vmem>> -> memref<6656xf32, #tpu.memory_space<vmem>>
      %dma_start3A_53 = tpu.memref_slice %arg5[%mul3A_36] : memref<1600000xf32, #tpu.memory_space<hbm>> -> memref<6656xf32, #tpu.memory_space<hbm>>
      tpu.enqueue_dma source(%dma_start3A_53 : memref<6656xf32, #tpu.memory_space<hbm>>) target(%dma_start3A_52 : memref<6656xf32, #tpu.memory_space<vmem>>) target_semaphore(%arg18 : memref<!tpu.dma_semaphore, #tpu.memory_space<semaphore_mem>>)
      %dma_wait3A = arith.constant 0 : i32
      %dma_wait3A_54 = tpu.memref_slice %arg8[%dma_wait3A] : memref<7168xi32, #tpu.memory_space<vmem>> -> memref<6656xi32, #tpu.memory_space<vmem>>
      %dma_wait3A_55 = tpu.memref_slice %arg3[%mul3A_36] : memref<1600000xi32, #tpu.memory_space<hbm>> -> memref<6656xi32, #tpu.memory_space<hbm>>
      %dma_wait3A_56 = arith.constant 0 : i32
      %dma_wait3A_57 = tpu.memref_slice %arg8[%dma_wait3A_56] : memref<7168xi32, #tpu.memory_space<vmem>> -> memref<6656xi32, #tpu.memory_space<vmem>>
      %dma_wait3A_58 = tpu.memref_slice %arg3[%mul3A_36] : memref<1600000xi32, #tpu.memory_space<hbm>> -> memref<6656xi32, #tpu.memory_space<hbm>>
      tpu.wait_dma2 semaphore(%arg18 : memref<!tpu.dma_semaphore, #tpu.memory_space<semaphore_mem>>) src(%dma_wait3A_58 : memref<6656xi32, #tpu.memory_space<hbm>>) dst(%dma_wait3A_57 : memref<6656xi32, #tpu.memory_space<vmem>>)
      %dma_wait3A_59 = arith.constant 0 : i32
      %dma_wait3A_60 = tpu.memref_slice %arg9[%dma_wait3A_59] : memref<7168xi32, #tpu.memory_space<vmem>> -> memref<6656xi32, #tpu.memory_space<vmem>>
      %dma_wait3A_61 = tpu.memref_slice %arg4[%mul3A_36] : memref<1600000xi32, #tpu.memory_space<hbm>> -> memref<6656xi32, #tpu.memory_space<hbm>>
      %dma_wait3A_62 = arith.constant 0 : i32
      %dma_wait3A_63 = tpu.memref_slice %arg9[%dma_wait3A_62] : memref<7168xi32, #tpu.memory_space<vmem>> -> memref<6656xi32, #tpu.memory_space<vmem>>
      %dma_wait3A_64 = tpu.memref_slice %arg4[%mul3A_36] : memref<1600000xi32, #tpu.memory_space<hbm>> -> memref<6656xi32, #tpu.memory_space<hbm>>
      tpu.wait_dma2 semaphore(%arg18 : memref<!tpu.dma_semaphore, #tpu.memory_space<semaphore_mem>>) src(%dma_wait3A_64 : memref<6656xi32, #tpu.memory_space<hbm>>) dst(%dma_wait3A_63 : memref<6656xi32, #tpu.memory_space<vmem>>)
      %dma_wait3A_65 = arith.constant 0 : i32
      %dma_wait3A_66 = tpu.memref_slice %arg10[%dma_wait3A_65] : memref<7168xf32, #tpu.memory_space<vmem>> -> memref<6656xf32, #tpu.memory_space<vmem>>
      %dma_wait3A_67 = tpu.memref_slice %arg5[%mul3A_36] : memref<1600000xf32, #tpu.memory_space<hbm>> -> memref<6656xf32, #tpu.memory_space<hbm>>
      %dma_wait3A_68 = arith.constant 0 : i32
      %dma_wait3A_69 = tpu.memref_slice %arg10[%dma_wait3A_68] : memref<7168xf32, #tpu.memory_space<vmem>> -> memref<6656xf32, #tpu.memory_space<vmem>>
      %dma_wait3A_70 = tpu.memref_slice %arg5[%mul3A_36] : memref<1600000xf32, #tpu.memory_space<hbm>> -> memref<6656xf32, #tpu.memory_space<hbm>>
      tpu.wait_dma2 semaphore(%arg18 : memref<!tpu.dma_semaphore, #tpu.memory_space<semaphore_mem>>) src(%dma_wait3A_70 : memref<6656xf32, #tpu.memory_space<hbm>>) dst(%dma_wait3A_69 : memref<6656xf32, #tpu.memory_space<vmem>>)
      %dma_start3A_71 = arith.constant 0 : i32
      %dma_start3A_72 = tpu.memref_slice %arg8[%dma_start3A_71] : memref<7168xi32, #tpu.memory_space<vmem>> -> memref<128xi32, #tpu.memory_space<vmem>>
      %dma_start3A_73 = arith.constant 0 : i32
      %dma_start3A_74 = arith.constant 0 : i32
      %dma_start3A_75 = tpu.memref_slice %arg2[%dma_start3A_73, %dma_start3A_74] : memref<100000x8xf32, #tpu.memory_space<hbm>> -> memref<100000x8xf32, #tpu.memory_space<hbm>>
      tpu.enqueue_indirect_dma source(%dma_start3A_75 : memref<100000x8xf32, #tpu.memory_space<hbm>>) target(%arg11 : memref<128x8xf32, #tpu.memory_space<vmem>>) offsets(%dma_start3A_72 : memref<128xi32, #tpu.memory_space<vmem>>) semaphore(%arg19 : memref<!tpu.dma_semaphore, #tpu.memory_space<semaphore_mem>>)
      %dma_start3A_76 = arith.constant 128 : i32
      %dma_start3A_77 = tpu.memref_slice %arg8[%dma_start3A_76] : memref<7168xi32, #tpu.memory_space<vmem>> -> memref<128xi32, #tpu.memory_space<vmem>>
      %dma_start3A_78 = arith.constant 0 : i32
      %dma_start3A_79 = arith.constant 0 : i32
      %dma_start3A_80 = tpu.memref_slice %arg2[%dma_start3A_78, %dma_start3A_79] : memref<100000x8xf32, #tpu.memory_space<hbm>> -> memref<100000x8xf32, #tpu.memory_space<hbm>>
      tpu.enqueue_indirect_dma source(%dma_start3A_80 : memref<100000x8xf32, #tpu.memory_space<hbm>>) target(%arg12 : memref<128x8xf32, #tpu.memory_space<vmem>>) offsets(%dma_start3A_77 : memref<128xi32, #tpu.memory_space<vmem>>) semaphore(%arg20 : memref<!tpu.dma_semaphore, #tpu.memory_space<semaphore_mem>>)
      %dma_start3A_81 = arith.constant 256 : i32
      %dma_start3A_82 = tpu.memref_slice %arg8[%dma_start3A_81] : memref<7168xi32, #tpu.memory_space<vmem>> -> memref<128xi32, #tpu.memory_space<vmem>>
      %dma_start3A_83 = arith.constant 0 : i32
      %dma_start3A_84 = arith.constant 0 : i32
      %dma_start3A_85 = tpu.memref_slice %arg2[%dma_start3A_83, %dma_start3A_84] : memref<100000x8xf32, #tpu.memory_space<hbm>> -> memref<100000x8xf32, #tpu.memory_space<hbm>>
      tpu.enqueue_indirect_dma source(%dma_start3A_85 : memref<100000x8xf32, #tpu.memory_space<hbm>>) target(%arg13 : memref<128x8xf32, #tpu.memory_space<vmem>>) offsets(%dma_start3A_82 : memref<128xi32, #tpu.memory_space<vmem>>) semaphore(%arg21 : memref<!tpu.dma_semaphore, #tpu.memory_space<semaphore_mem>>)
      %scan3A_86 = arith.constant 0 : i32
      %scan3A_87 = arith.constant 13 : i32
      %scan3A_88 = arith.addi %scan3A_86, %scan3A_87 : i32
      %scan3A_89 = arith.constant 1 : i32
      scf.for %scan3A_96 = %scan3A_86 to %scan3A_88 step %scan3A_89  : i32 {
        %mul3A_97 = arith.constant 4 : i32
        %mul3A_98 = arith.muli %scan3A_96, %mul3A_97 : i32
        %add3A_99 = arith.constant 0 : i32
        %add3A_100 = arith.addi %add3A_99, %mul3A_98 : i32
        %add3A_101 = arith.constant 0 : i32
        %add3A_102 = arith.addi %add3A_100, %add3A_101 : i32
        %dma_wait3A_103 = arith.constant 0 : i32
        %dma_wait3A_104 = tpu.memref_slice %arg8[%dma_wait3A_103] : memref<7168xi32, #tpu.memory_space<vmem>> -> memref<128xi32, #tpu.memory_space<vmem>>
        %dma_wait3A_105 = arith.constant 0 : i32
        %dma_wait3A_106 = arith.constant 0 : i32
        %dma_wait3A_107 = tpu.memref_slice %arg2[%dma_wait3A_105, %dma_wait3A_106] : memref<100000x8xf32, #tpu.memory_space<hbm>> -> memref<100000x8xf32, #tpu.memory_space<hbm>>
        tpu.wait_indirect_dma semaphore(%arg19 : memref<!tpu.dma_semaphore, #tpu.memory_space<semaphore_mem>>) src(%dma_wait3A_107 : memref<100000x8xf32, #tpu.memory_space<hbm>>) dst(%arg11 : memref<128x8xf32, #tpu.memory_space<vmem>>)
        %mul3A_108 = arith.constant 128 : i32
        %mul3A_109 = arith.muli %add3A_102, %mul3A_108 : i32
        %add3A_110 = vector.broadcast %mul3A_109 : i32 to vector<16xi32>
        %add3A_111 = arith.addi %add3A_110, %shift_right_arithmetic3A_6 : vector<16xi32>
        %scan3A_112 = arith.constant 0 : i32
        %scan3A_113 = arith.constant 32 : i32
        %scan3A_114 = arith.addi %scan3A_112, %scan3A_113 : i32
        %scan3A_115 = arith.constant 1 : i32
        scf.for %scan3A_229 = %scan3A_112 to %scan3A_114 step %scan3A_115  : i32 {
          %mul3A_230 = arith.constant 1 : i32
          %mul3A_231 = arith.muli %scan3A_229, %mul3A_230 : i32
          %add3A_232 = arith.constant 0 : i32
          %add3A_233 = arith.addi %add3A_232, %mul3A_231 : i32
          %mul3A_234 = arith.constant 2 : i32
          %mul3A_235 = arith.muli %mul3A_234, %add3A_233 : i32
          %add3A_236 = arith.constant 0 : i32
          %add3A_237 = arith.addi %mul3A_235, %add3A_236 : i32
          %mul3A_238 = arith.constant 2 : i32
          %mul3A_239 = arith.muli %mul3A_238, %add3A_237 : i32
          %add3A_240 = vector.broadcast %mul3A_239 : i32 to vector<16xi32>
          %add3A_241 = arith.addi %add3A_240, %shift_right_arithmetic3A_6 : vector<16xi32>
          %mul3A_242 = arith.constant 2 : i32
          %mul3A_243 = arith.muli %mul3A_242, %add3A_237 : i32
          %add3A_244 = vector.broadcast %mul3A_243 : i32 to vector<16xi32>
          %add3A_245 = arith.addi %add3A_111, %add3A_244 : vector<16xi32>
          %gather3A = tpu.vector_load_idx %arg10[%add3A_245] : memref<7168xf32, #tpu.memory_space<vmem>>[vector<16xi32>], vector<16xf32>,
          %gather3A_246 = tpu.vector_load_idx %arg11[%add3A_241, %and3A_8] : memref<128x8xf32, #tpu.memory_space<vmem>>[vector<16xi32>, vector<16xi32>], vector<16xf32>,
          %abs3A = math.absf %gather3A_246 : vector<16xf32>
          %mul3A_247 = arith.mulf %abs3A, %gather3A : vector<16xf32>
          tpu.vector_store_idx %arg11[%add3A_241, %and3A_8], %mul3A_247 : memref<128x8xf32, #tpu.memory_space<vmem>>[vector<16xi32>, vector<16xi32>], vector<16xf32>,
          %mul3A_248 = arith.constant 2 : i32
          %mul3A_249 = arith.muli %mul3A_248, %add3A_233 : i32
          %add3A_250 = arith.constant 1 : i32
          %add3A_251 = arith.addi %mul3A_249, %add3A_250 : i32
          %mul3A_252 = arith.constant 2 : i32
          %mul3A_253 = arith.muli %mul3A_252, %add3A_251 : i32
          %add3A_254 = vector.broadcast %mul3A_253 : i32 to vector<16xi32>
          %add3A_255 = arith.addi %add3A_254, %shift_right_arithmetic3A_6 : vector<16xi32>
          %mul3A_256 = arith.constant 2 : i32
          %mul3A_257 = arith.muli %mul3A_256, %add3A_251 : i32
          %add3A_258 = vector.broadcast %mul3A_257 : i32 to vector<16xi32>
          %add3A_259 = arith.addi %add3A_111, %add3A_258 : vector<16xi32>
          %gather3A_260 = tpu.vector_load_idx %arg10[%add3A_259] : memref<7168xf32, #tpu.memory_space<vmem>>[vector<16xi32>], vector<16xf32>,
          %gather3A_261 = tpu.vector_load_idx %arg11[%add3A_255, %and3A_8] : memref<128x8xf32, #tpu.memory_space<vmem>>[vector<16xi32>, vector<16xi32>], vector<16xf32>,
          %abs3A_262 = math.absf %gather3A_261 : vector<16xf32>
          %mul3A_263 = arith.mulf %abs3A_262, %gather3A_260 : vector<16xf32>
          tpu.vector_store_idx %arg11[%add3A_255, %and3A_8], %mul3A_263 : memref<128x8xf32, #tpu.memory_space<vmem>>[vector<16xi32>, vector<16xi32>], vector<16xf32>,
        }
        %scan3A_116 = arith.constant 32 : i32
        %mul3A_117 = arith.constant 128 : i32
        %mul3A_118 = arith.muli %add3A_102, %mul3A_117 : i32
        %dma_start3A_119 = tpu.memref_slice %arg9[%mul3A_118] : memref<7168xi32, #tpu.memory_space<vmem>> -> memref<128xi32, #tpu.memory_space<vmem>>
        %dma_start3A_120 = arith.constant 0 : i32
        %dma_start3A_121 = arith.constant 0 : i32
        %dma_start3A_122 = tpu.memref_slice %arg17[%dma_start3A_120, %dma_start3A_121] : memref<100352x8xf32, #tpu.memory_space<vmem_shared>> -> memref<100352x8xf32, #tpu.memory_space<vmem_shared>>
        tpu.enqueue_indirect_dma source(%arg11 : memref<128x8xf32, #tpu.memory_space<vmem>>) target(%dma_start3A_122 : memref<100352x8xf32, #tpu.memory_space<vmem_shared>>) offsets(%dma_start3A_119 : memref<128xi32, #tpu.memory_space<vmem>>) semaphore(%arg23 : memref<!tpu.dma_semaphore, #tpu.memory_space<semaphore_mem>>) {add = true}
        %ge3A_123 = arith.constant 1 : i32
        %ge3A_124 = arith.cmpi sge, %add3A_102, %ge3A_123 : i32
        %convert_element_type3A_125 = arith.extui %ge3A_124 : i1 to i32
        %cond3A_126 = arith.constant 0 : i32
        %cond3A_127 = arith.cmpi ne, %convert_element_type3A_125, %cond3A_126 : i32
        scf.if %cond3A_127 {
          %dma_wait3A_229 = arith.constant 0 : i32
          %dma_wait3A_230 = tpu.memref_slice %arg9[%dma_wait3A_229] : memref<7168xi32, #tpu.memory_space<vmem>> -> memref<128xi32, #tpu.memory_space<vmem>>
          %dma_wait3A_231 = arith.constant 0 : i32
          %dma_wait3A_232 = arith.constant 0 : i32
          %dma_wait3A_233 = tpu.memref_slice %arg17[%dma_wait3A_231, %dma_wait3A_232] : memref<100352x8xf32, #tpu.memory_space<vmem_shared>> -> memref<100352x8xf32, #tpu.memory_space<vmem_shared>>
          tpu.wait_indirect_dma semaphore(%arg26 : memref<!tpu.dma_semaphore, #tpu.memory_space<semaphore_mem>>) src(%arg14 : memref<128x8xf32, #tpu.memory_space<vmem>>) dst(%dma_wait3A_233 : memref<100352x8xf32, #tpu.memory_space<vmem_shared>>)
        } else {
        }
        %lt3A_128 = arith.constant 49 : i32
        %lt3A_129 = arith.cmpi slt, %add3A_102, %lt3A_128 : i32
        %convert_element_type3A_130 = arith.extui %lt3A_129 : i1 to i32
        %cond3A_131 = arith.constant 0 : i32
        %cond3A_132 = arith.cmpi ne, %convert_element_type3A_130, %cond3A_131 : i32
        scf.if %cond3A_132 {
          %add3A_229 = arith.constant 4 : i32
          %add3A_230 = arith.addi %add3A_102, %add3A_229 : i32
          %sub3A = arith.constant 1 : i32
          %sub3A_231 = arith.subi %add3A_230, %sub3A : i32
          %mul3A_232 = arith.constant 128 : i32
          %mul3A_233 = arith.muli %sub3A_231, %mul3A_232 : i32
          %dma_start3A_234 = tpu.memref_slice %arg8[%mul3A_233] : memref<7168xi32, #tpu.memory_space<vmem>> -> memref<128xi32, #tpu.memory_space<vmem>>
          %dma_start3A_235 = arith.constant 0 : i32
          %dma_start3A_236 = arith.constant 0 : i32
          %dma_start3A_237 = tpu.memref_slice %arg2[%dma_start3A_235, %dma_start3A_236] : memref<100000x8xf32, #tpu.memory_space<hbm>> -> memref<100000x8xf32, #tpu.memory_space<hbm>>
          tpu.enqueue_indirect_dma source(%dma_start3A_237 : memref<100000x8xf32, #tpu.memory_space<hbm>>) target(%arg14 : memref<128x8xf32, #tpu.memory_space<vmem>>) offsets(%dma_start3A_234 : memref<128xi32, #tpu.memory_space<vmem>>) semaphore(%arg22 : memref<!tpu.dma_semaphore, #tpu.memory_space<semaphore_mem>>)
        } else {
        }
        %add3A_133 = arith.constant 1 : i32
        %add3A_134 = arith.addi %add3A_100, %add3A_133 : i32
        %dma_wait3A_135 = arith.constant 0 : i32
        %dma_wait3A_136 = tpu.memref_slice %arg8[%dma_wait3A_135] : memref<7168xi32, #tpu.memory_space<vmem>> -> memref<128xi32, #tpu.memory_space<vmem>>
        %dma_wait3A_137 = arith.constant 0 : i32
        %dma_wait3A_138 = arith.constant 0 : i32
        %dma_wait3A_139 = tpu.memref_slice %arg2[%dma_wait3A_137, %dma_wait3A_138] : memref<100000x8xf32, #tpu.memory_space<hbm>> -> memref<100000x8xf32, #tpu.memory_space<hbm>>
        tpu.wait_indirect_dma semaphore(%arg20 : memref<!tpu.dma_semaphore, #tpu.memory_space<semaphore_mem>>) src(%dma_wait3A_139 : memref<100000x8xf32, #tpu.memory_space<hbm>>) dst(%arg12 : memref<128x8xf32, #tpu.memory_space<vmem>>)
        %mul3A_140 = arith.constant 128 : i32
        %mul3A_141 = arith.muli %add3A_134, %mul3A_140 : i32
        %add3A_142 = vector.broadcast %mul3A_141 : i32 to vector<16xi32>
        %add3A_143 = arith.addi %add3A_142, %shift_right_arithmetic3A_6 : vector<16xi32>
        %scan3A_144 = arith.constant 0 : i32
        %scan3A_145 = arith.constant 32 : i32
        %scan3A_146 = arith.addi %scan3A_144, %scan3A_145 : i32
        %scan3A_147 = arith.constant 1 : i32
        scf.for %scan3A_229 = %scan3A_144 to %scan3A_146 step %scan3A_147  : i32 {
          %mul3A_230 = arith.constant 1 : i32
          %mul3A_231 = arith.muli %scan3A_229, %mul3A_230 : i32
          %add3A_232 = arith.constant 0 : i32
          %add3A_233 = arith.addi %add3A_232, %mul3A_231 : i32
          %mul3A_234 = arith.constant 2 : i32
          %mul3A_235 = arith.muli %mul3A_234, %add3A_233 : i32
          %add3A_236 = arith.constant 0 : i32
          %add3A_237 = arith.addi %mul3A_235, %add3A_236 : i32
          %mul3A_238 = arith.constant 2 : i32
          %mul3A_239 = arith.muli %mul3A_238, %add3A_237 : i32
          %add3A_240 = vector.broadcast %mul3A_239 : i32 to vector<16xi32>
          %add3A_241 = arith.addi %add3A_240, %shift_right_arithmetic3A_6 : vector<16xi32>
          %mul3A_242 = arith.constant 2 : i32
          %mul3A_243 = arith.muli %mul3A_242, %add3A_237 : i32
          %add3A_244 = vector.broadcast %mul3A_243 : i32 to vector<16xi32>
          %add3A_245 = arith.addi %add3A_143, %add3A_244 : vector<16xi32>
          %gather3A = tpu.vector_load_idx %arg10[%add3A_245] : memref<7168xf32, #tpu.memory_space<vmem>>[vector<16xi32>], vector<16xf32>,
          %gather3A_246 = tpu.vector_load_idx %arg12[%add3A_241, %and3A_8] : memref<128x8xf32, #tpu.memory_space<vmem>>[vector<16xi32>, vector<16xi32>], vector<16xf32>,
          %abs3A = math.absf %gather3A_246 : vector<16xf32>
          %mul3A_247 = arith.mulf %abs3A, %gather3A : vector<16xf32>
          tpu.vector_store_idx %arg12[%add3A_241, %and3A_8], %mul3A_247 : memref<128x8xf32, #tpu.memory_space<vmem>>[vector<16xi32>, vector<16xi32>], vector<16xf32>,
          %mul3A_248 = arith.constant 2 : i32
          %mul3A_249 = arith.muli %mul3A_248, %add3A_233 : i32
          %add3A_250 = arith.constant 1 : i32
          %add3A_251 = arith.addi %mul3A_249, %add3A_250 : i32
          %mul3A_252 = arith.constant 2 : i32
          %mul3A_253 = arith.muli %mul3A_252, %add3A_251 : i32
          %add3A_254 = vector.broadcast %mul3A_253 : i32 to vector<16xi32>
          %add3A_255 = arith.addi %add3A_254, %shift_right_arithmetic3A_6 : vector<16xi32>
          %mul3A_256 = arith.constant 2 : i32
          %mul3A_257 = arith.muli %mul3A_256, %add3A_251 : i32
          %add3A_258 = vector.broadcast %mul3A_257 : i32 to vector<16xi32>
          %add3A_259 = arith.addi %add3A_143, %add3A_258 : vector<16xi32>
          %gather3A_260 = tpu.vector_load_idx %arg10[%add3A_259] : memref<7168xf32, #tpu.memory_space<vmem>>[vector<16xi32>], vector<16xf32>,
          %gather3A_261 = tpu.vector_load_idx %arg12[%add3A_255, %and3A_8] : memref<128x8xf32, #tpu.memory_space<vmem>>[vector<16xi32>, vector<16xi32>], vector<16xf32>,
          %abs3A_262 = math.absf %gather3A_261 : vector<16xf32>
          %mul3A_263 = arith.mulf %abs3A_262, %gather3A_260 : vector<16xf32>
          tpu.vector_store_idx %arg12[%add3A_255, %and3A_8], %mul3A_263 : memref<128x8xf32, #tpu.memory_space<vmem>>[vector<16xi32>, vector<16xi32>], vector<16xf32>,
        }
        %scan3A_148 = arith.constant 32 : i32
        %mul3A_149 = arith.constant 128 : i32
        %mul3A_150 = arith.muli %add3A_134, %mul3A_149 : i32
        %dma_start3A_151 = tpu.memref_slice %arg9[%mul3A_150] : memref<7168xi32, #tpu.memory_space<vmem>> -> memref<128xi32, #tpu.memory_space<vmem>>
        %dma_start3A_152 = arith.constant 0 : i32
        %dma_start3A_153 = arith.constant 0 : i32
        %dma_start3A_154 = tpu.memref_slice %arg17[%dma_start3A_152, %dma_start3A_153] : memref<100352x8xf32, #tpu.memory_space<vmem_shared>> -> memref<100352x8xf32, #tpu.memory_space<vmem_shared>>
        tpu.enqueue_indirect_dma source(%arg12 : memref<128x8xf32, #tpu.memory_space<vmem>>) target(%dma_start3A_154 : memref<100352x8xf32, #tpu.memory_space<vmem_shared>>) offsets(%dma_start3A_151 : memref<128xi32, #tpu.memory_space<vmem>>) semaphore(%arg24 : memref<!tpu.dma_semaphore, #tpu.memory_space<semaphore_mem>>) {add = true}
        %ge3A_155 = arith.constant 1 : i32
        %ge3A_156 = arith.cmpi sge, %add3A_134, %ge3A_155 : i32
        %convert_element_type3A_157 = arith.extui %ge3A_156 : i1 to i32
        %cond3A_158 = arith.constant 0 : i32
        %cond3A_159 = arith.cmpi ne, %convert_element_type3A_157, %cond3A_158 : i32
        scf.if %cond3A_159 {
          %dma_wait3A_229 = arith.constant 0 : i32
          %dma_wait3A_230 = tpu.memref_slice %arg9[%dma_wait3A_229] : memref<7168xi32, #tpu.memory_space<vmem>> -> memref<128xi32, #tpu.memory_space<vmem>>
          %dma_wait3A_231 = arith.constant 0 : i32
          %dma_wait3A_232 = arith.constant 0 : i32
          %dma_wait3A_233 = tpu.memref_slice %arg17[%dma_wait3A_231, %dma_wait3A_232] : memref<100352x8xf32, #tpu.memory_space<vmem_shared>> -> memref<100352x8xf32, #tpu.memory_space<vmem_shared>>
          tpu.wait_indirect_dma semaphore(%arg23 : memref<!tpu.dma_semaphore, #tpu.memory_space<semaphore_mem>>) src(%arg11 : memref<128x8xf32, #tpu.memory_space<vmem>>) dst(%dma_wait3A_233 : memref<100352x8xf32, #tpu.memory_space<vmem_shared>>)
        } else {
        }
        %lt3A_160 = arith.constant 49 : i32
        %lt3A_161 = arith.cmpi slt, %add3A_134, %lt3A_160 : i32
        %convert_element_type3A_162 = arith.extui %lt3A_161 : i1 to i32
        %cond3A_163 = arith.constant 0 : i32
        %cond3A_164 = arith.cmpi ne, %convert_element_type3A_162, %cond3A_163 : i32
        scf.if %cond3A_164 {
          %add3A_229 = arith.constant 4 : i32
          %add3A_230 = arith.addi %add3A_134, %add3A_229 : i32
          %sub3A = arith.constant 1 : i32
          %sub3A_231 = arith.subi %add3A_230, %sub3A : i32
          %mul3A_232 = arith.constant 128 : i32
          %mul3A_233 = arith.muli %sub3A_231, %mul3A_232 : i32
          %dma_start3A_234 = tpu.memref_slice %arg8[%mul3A_233] : memref<7168xi32, #tpu.memory_space<vmem>> -> memref<128xi32, #tpu.memory_space<vmem>>
          %dma_start3A_235 = arith.constant 0 : i32
          %dma_start3A_236 = arith.constant 0 : i32
          %dma_start3A_237 = tpu.memref_slice %arg2[%dma_start3A_235, %dma_start3A_236] : memref<100000x8xf32, #tpu.memory_space<hbm>> -> memref<100000x8xf32, #tpu.memory_space<hbm>>
          tpu.enqueue_indirect_dma source(%dma_start3A_237 : memref<100000x8xf32, #tpu.memory_space<hbm>>) target(%arg11 : memref<128x8xf32, #tpu.memory_space<vmem>>) offsets(%dma_start3A_234 : memref<128xi32, #tpu.memory_space<vmem>>) semaphore(%arg19 : memref<!tpu.dma_semaphore, #tpu.memory_space<semaphore_mem>>)
        } else {
        }
        %add3A_165 = arith.constant 2 : i32
        %add3A_166 = arith.addi %add3A_100, %add3A_165 : i32
        %dma_wait3A_167 = arith.constant 0 : i32
        %dma_wait3A_168 = tpu.memref_slice %arg8[%dma_wait3A_167] : memref<7168xi32, #tpu.memory_space<vmem>> -> memref<128xi32, #tpu.memory_space<vmem>>
        %dma_wait3A_169 = arith.constant 0 : i32
        %dma_wait3A_170 = arith.constant 0 : i32
        %dma_wait3A_171 = tpu.memref_slice %arg2[%dma_wait3A_169, %dma_wait3A_170] : memref<100000x8xf32, #tpu.memory_space<hbm>> -> memref<100000x8xf32, #tpu.memory_space<hbm>>
        tpu.wait_indirect_dma semaphore(%arg21 : memref<!tpu.dma_semaphore, #tpu.memory_space<semaphore_mem>>) src(%dma_wait3A_171 : memref<100000x8xf32, #tpu.memory_space<hbm>>) dst(%arg13 : memref<128x8xf32, #tpu.memory_space<vmem>>)
        %mul3A_172 = arith.constant 128 : i32
        %mul3A_173 = arith.muli %add3A_166, %mul3A_172 : i32
        %add3A_174 = vector.broadcast %mul3A_173 : i32 to vector<16xi32>
        %add3A_175 = arith.addi %add3A_174, %shift_right_arithmetic3A_6 : vector<16xi32>
        %scan3A_176 = arith.constant 0 : i32
        %scan3A_177 = arith.constant 32 : i32
        %scan3A_178 = arith.addi %scan3A_176, %scan3A_177 : i32
        %scan3A_179 = arith.constant 1 : i32
        scf.for %scan3A_229 = %scan3A_176 to %scan3A_178 step %scan3A_179  : i32 {
          %mul3A_230 = arith.constant 1 : i32
          %mul3A_231 = arith.muli %scan3A_229, %mul3A_230 : i32
          %add3A_232 = arith.constant 0 : i32
          %add3A_233 = arith.addi %add3A_232, %mul3A_231 : i32
          %mul3A_234 = arith.constant 2 : i32
          %mul3A_235 = arith.muli %mul3A_234, %add3A_233 : i32
          %add3A_236 = arith.constant 0 : i32
          %add3A_237 = arith.addi %mul3A_235, %add3A_236 : i32
          %mul3A_238 = arith.constant 2 : i32
          %mul3A_239 = arith.muli %mul3A_238, %add3A_237 : i32
          %add3A_240 = vector.broadcast %mul3A_239 : i32 to vector<16xi32>
          %add3A_241 = arith.addi %add3A_240, %shift_right_arithmetic3A_6 : vector<16xi32>
          %mul3A_242 = arith.constant 2 : i32
          %mul3A_243 = arith.muli %mul3A_242, %add3A_237 : i32
          %add3A_244 = vector.broadcast %mul3A_243 : i32 to vector<16xi32>
          %add3A_245 = arith.addi %add3A_175, %add3A_244 : vector<16xi32>
          %gather3A = tpu.vector_load_idx %arg10[%add3A_245] : memref<7168xf32, #tpu.memory_space<vmem>>[vector<16xi32>], vector<16xf32>,
          %gather3A_246 = tpu.vector_load_idx %arg13[%add3A_241, %and3A_8] : memref<128x8xf32, #tpu.memory_space<vmem>>[vector<16xi32>, vector<16xi32>], vector<16xf32>,
          %abs3A = math.absf %gather3A_246 : vector<16xf32>
          %mul3A_247 = arith.mulf %abs3A, %gather3A : vector<16xf32>
          tpu.vector_store_idx %arg13[%add3A_241, %and3A_8], %mul3A_247 : memref<128x8xf32, #tpu.memory_space<vmem>>[vector<16xi32>, vector<16xi32>], vector<16xf32>,
          %mul3A_248 = arith.constant 2 : i32
          %mul3A_249 = arith.muli %mul3A_248, %add3A_233 : i32
          %add3A_250 = arith.constant 1 : i32
          %add3A_251 = arith.addi %mul3A_249, %add3A_250 : i32
          %mul3A_252 = arith.constant 2 : i32
          %mul3A_253 = arith.muli %mul3A_252, %add3A_251 : i32
          %add3A_254 = vector.broadcast %mul3A_253 : i32 to vector<16xi32>
          %add3A_255 = arith.addi %add3A_254, %shift_right_arithmetic3A_6 : vector<16xi32>
          %mul3A_256 = arith.constant 2 : i32
          %mul3A_257 = arith.muli %mul3A_256, %add3A_251 : i32
          %add3A_258 = vector.broadcast %mul3A_257 : i32 to vector<16xi32>
          %add3A_259 = arith.addi %add3A_175, %add3A_258 : vector<16xi32>
          %gather3A_260 = tpu.vector_load_idx %arg10[%add3A_259] : memref<7168xf32, #tpu.memory_space<vmem>>[vector<16xi32>], vector<16xf32>,
          %gather3A_261 = tpu.vector_load_idx %arg13[%add3A_255, %and3A_8] : memref<128x8xf32, #tpu.memory_space<vmem>>[vector<16xi32>, vector<16xi32>], vector<16xf32>,
          %abs3A_262 = math.absf %gather3A_261 : vector<16xf32>
          %mul3A_263 = arith.mulf %abs3A_262, %gather3A_260 : vector<16xf32>
          tpu.vector_store_idx %arg13[%add3A_255, %and3A_8], %mul3A_263 : memref<128x8xf32, #tpu.memory_space<vmem>>[vector<16xi32>, vector<16xi32>], vector<16xf32>,
        }
        %scan3A_180 = arith.constant 32 : i32
        %mul3A_181 = arith.constant 128 : i32
        %mul3A_182 = arith.muli %add3A_166, %mul3A_181 : i32
        %dma_start3A_183 = tpu.memref_slice %arg9[%mul3A_182] : memref<7168xi32, #tpu.memory_space<vmem>> -> memref<128xi32, #tpu.memory_space<vmem>>
        %dma_start3A_184 = arith.constant 0 : i32
        %dma_start3A_185 = arith.constant 0 : i32
        %dma_start3A_186 = tpu.memref_slice %arg17[%dma_start3A_184, %dma_start3A_185] : memref<100352x8xf32, #tpu.memory_space<vmem_shared>> -> memref<100352x8xf32, #tpu.memory_space<vmem_shared>>
        tpu.enqueue_indirect_dma source(%arg13 : memref<128x8xf32, #tpu.memory_space<vmem>>) target(%dma_start3A_186 : memref<100352x8xf32, #tpu.memory_space<vmem_shared>>) offsets(%dma_start3A_183 : memref<128xi32, #tpu.memory_space<vmem>>) semaphore(%arg25 : memref<!tpu.dma_semaphore, #tpu.memory_space<semaphore_mem>>) {add = true}
        %ge3A_187 = arith.constant 1 : i32
        %ge3A_188 = arith.cmpi sge, %add3A_166, %ge3A_187 : i32
        %convert_element_type3A_189 = arith.extui %ge3A_188 : i1 to i32
        %cond3A_190 = arith.constant 0 : i32
        %cond3A_191 = arith.cmpi ne, %convert_element_type3A_189, %cond3A_190 : i32
        scf.if %cond3A_191 {
          %dma_wait3A_229 = arith.constant 0 : i32
          %dma_wait3A_230 = tpu.memref_slice %arg9[%dma_wait3A_229] : memref<7168xi32, #tpu.memory_space<vmem>> -> memref<128xi32, #tpu.memory_space<vmem>>
          %dma_wait3A_231 = arith.constant 0 : i32
          %dma_wait3A_232 = arith.constant 0 : i32
          %dma_wait3A_233 = tpu.memref_slice %arg17[%dma_wait3A_231, %dma_wait3A_232] : memref<100352x8xf32, #tpu.memory_space<vmem_shared>> -> memref<100352x8xf32, #tpu.memory_space<vmem_shared>>
          tpu.wait_indirect_dma semaphore(%arg24 : memref<!tpu.dma_semaphore, #tpu.memory_space<semaphore_mem>>) src(%arg12 : memref<128x8xf32, #tpu.memory_space<vmem>>) dst(%dma_wait3A_233 : memref<100352x8xf32, #tpu.memory_space<vmem_shared>>)
        } else {
        }
        %lt3A_192 = arith.constant 49 : i32
        %lt3A_193 = arith.cmpi slt, %add3A_166, %lt3A_192 : i32
        %convert_element_type3A_194 = arith.extui %lt3A_193 : i1 to i32
        %cond3A_195 = arith.constant 0 : i32
        %cond3A_196 = arith.cmpi ne, %convert_element_type3A_194, %cond3A_195 : i32
        scf.if %cond3A_196 {
          %add3A_229 = arith.constant 4 : i32
          %add3A_230 = arith.addi %add3A_166, %add3A_229 : i32
          %sub3A = arith.constant 1 : i32
          %sub3A_231 = arith.subi %add3A_230, %sub3A : i32
          %mul3A_232 = arith.constant 128 : i32
          %mul3A_233 = arith.muli %sub3A_231, %mul3A_232 : i32
          %dma_start3A_234 = tpu.memref_slice %arg8[%mul3A_233] : memref<7168xi32, #tpu.memory_space<vmem>> -> memref<128xi32, #tpu.memory_space<vmem>>
          %dma_start3A_235 = arith.constant 0 : i32
          %dma_start3A_236 = arith.constant 0 : i32
          %dma_start3A_237 = tpu.memref_slice %arg2[%dma_start3A_235, %dma_start3A_236] : memref<100000x8xf32, #tpu.memory_space<hbm>> -> memref<100000x8xf32, #tpu.memory_space<hbm>>
          tpu.enqueue_indirect_dma source(%dma_start3A_237 : memref<100000x8xf32, #tpu.memory_space<hbm>>) target(%arg12 : memref<128x8xf32, #tpu.memory_space<vmem>>) offsets(%dma_start3A_234 : memref<128xi32, #tpu.memory_space<vmem>>) semaphore(%arg20 : memref<!tpu.dma_semaphore, #tpu.memory_space<semaphore_mem>>)
        } else {
        }
        %add3A_197 = arith.constant 3 : i32
        %add3A_198 = arith.addi %add3A_100, %add3A_197 : i32
        %dma_wait3A_199 = arith.constant 0 : i32
        %dma_wait3A_200 = tpu.memref_slice %arg8[%dma_wait3A_199] : memref<7168xi32, #tpu.memory_space<vmem>> -> memref<128xi32, #tpu.memory_space<vmem>>
        %dma_wait3A_201 = arith.constant 0 : i32
        %dma_wait3A_202 = arith.constant 0 : i32
        %dma_wait3A_203 = tpu.memref_slice %arg2[%dma_wait3A_201, %dma_wait3A_202] : memref<100000x8xf32, #tpu.memory_space<hbm>> -> memref<100000x8xf32, #tpu.memory_space<hbm>>
        tpu.wait_indirect_dma semaphore(%arg22 : memref<!tpu.dma_semaphore, #tpu.memory_space<semaphore_mem>>) src(%dma_wait3A_203 : memref<100000x8xf32, #tpu.memory_space<hbm>>) dst(%arg14 : memref<128x8xf32, #tpu.memory_space<vmem>>)
        %mul3A_204 = arith.constant 128 : i32
        %mul3A_205 = arith.muli %add3A_198, %mul3A_204 : i32
        %add3A_206 = vector.broadcast %mul3A_205 : i32 to vector<16xi32>
        %add3A_207 = arith.addi %add3A_206, %shift_right_arithmetic3A_6 : vector<16xi32>
        %scan3A_208 = arith.constant 0 : i32
        %scan3A_209 = arith.constant 32 : i32
        %scan3A_210 = arith.addi %scan3A_208, %scan3A_209 : i32
        %scan3A_211 = arith.constant 1 : i32
        scf.for %scan3A_229 = %scan3A_208 to %scan3A_210 step %scan3A_211  : i32 {
          %mul3A_230 = arith.constant 1 : i32
          %mul3A_231 = arith.muli %scan3A_229, %mul3A_230 : i32
          %add3A_232 = arith.constant 0 : i32
          %add3A_233 = arith.addi %add3A_232, %mul3A_231 : i32
          %mul3A_234 = arith.constant 2 : i32
          %mul3A_235 = arith.muli %mul3A_234, %add3A_233 : i32
          %add3A_236 = arith.constant 0 : i32
          %add3A_237 = arith.addi %mul3A_235, %add3A_236 : i32
          %mul3A_238 = arith.constant 2 : i32
          %mul3A_239 = arith.muli %mul3A_238, %add3A_237 : i32
          %add3A_240 = vector.broadcast %mul3A_239 : i32 to vector<16xi32>
          %add3A_241 = arith.addi %add3A_240, %shift_right_arithmetic3A_6 : vector<16xi32>
          %mul3A_242 = arith.constant 2 : i32
          %mul3A_243 = arith.muli %mul3A_242, %add3A_237 : i32
          %add3A_244 = vector.broadcast %mul3A_243 : i32 to vector<16xi32>
          %add3A_245 = arith.addi %add3A_207, %add3A_244 : vector<16xi32>
          %gather3A = tpu.vector_load_idx %arg10[%add3A_245] : memref<7168xf32, #tpu.memory_space<vmem>>[vector<16xi32>], vector<16xf32>,
          %gather3A_246 = tpu.vector_load_idx %arg14[%add3A_241, %and3A_8] : memref<128x8xf32, #tpu.memory_space<vmem>>[vector<16xi32>, vector<16xi32>], vector<16xf32>,
          %abs3A = math.absf %gather3A_246 : vector<16xf32>
          %mul3A_247 = arith.mulf %abs3A, %gather3A : vector<16xf32>
          tpu.vector_store_idx %arg14[%add3A_241, %and3A_8], %mul3A_247 : memref<128x8xf32, #tpu.memory_space<vmem>>[vector<16xi32>, vector<16xi32>], vector<16xf32>,
          %mul3A_248 = arith.constant 2 : i32
          %mul3A_249 = arith.muli %mul3A_248, %add3A_233 : i32
          %add3A_250 = arith.constant 1 : i32
          %add3A_251 = arith.addi %mul3A_249, %add3A_250 : i32
          %mul3A_252 = arith.constant 2 : i32
          %mul3A_253 = arith.muli %mul3A_252, %add3A_251 : i32
          %add3A_254 = vector.broadcast %mul3A_253 : i32 to vector<16xi32>
          %add3A_255 = arith.addi %add3A_254, %shift_right_arithmetic3A_6 : vector<16xi32>
          %mul3A_256 = arith.constant 2 : i32
          %mul3A_257 = arith.muli %mul3A_256, %add3A_251 : i32
          %add3A_258 = vector.broadcast %mul3A_257 : i32 to vector<16xi32>
          %add3A_259 = arith.addi %add3A_207, %add3A_258 : vector<16xi32>
          %gather3A_260 = tpu.vector_load_idx %arg10[%add3A_259] : memref<7168xf32, #tpu.memory_space<vmem>>[vector<16xi32>], vector<16xf32>,
          %gather3A_261 = tpu.vector_load_idx %arg14[%add3A_255, %and3A_8] : memref<128x8xf32, #tpu.memory_space<vmem>>[vector<16xi32>, vector<16xi32>], vector<16xf32>,
          %abs3A_262 = math.absf %gather3A_261 : vector<16xf32>
          %mul3A_263 = arith.mulf %abs3A_262, %gather3A_260 : vector<16xf32>
          tpu.vector_store_idx %arg14[%add3A_255, %and3A_8], %mul3A_263 : memref<128x8xf32, #tpu.memory_space<vmem>>[vector<16xi32>, vector<16xi32>], vector<16xf32>,
        }
        %scan3A_212 = arith.constant 32 : i32
        %mul3A_213 = arith.constant 128 : i32
        %mul3A_214 = arith.muli %add3A_198, %mul3A_213 : i32
        %dma_start3A_215 = tpu.memref_slice %arg9[%mul3A_214] : memref<7168xi32, #tpu.memory_space<vmem>> -> memref<128xi32, #tpu.memory_space<vmem>>
        %dma_start3A_216 = arith.constant 0 : i32
        %dma_start3A_217 = arith.constant 0 : i32
        %dma_start3A_218 = tpu.memref_slice %arg17[%dma_start3A_216, %dma_start3A_217] : memref<100352x8xf32, #tpu.memory_space<vmem_shared>> -> memref<100352x8xf32, #tpu.memory_space<vmem_shared>>
        tpu.enqueue_indirect_dma source(%arg14 : memref<128x8xf32, #tpu.memory_space<vmem>>) target(%dma_start3A_218 : memref<100352x8xf32, #tpu.memory_space<vmem_shared>>) offsets(%dma_start3A_215 : memref<128xi32, #tpu.memory_space<vmem>>) semaphore(%arg26 : memref<!tpu.dma_semaphore, #tpu.memory_space<semaphore_mem>>) {add = true}
        %ge3A_219 = arith.constant 1 : i32
        %ge3A_220 = arith.cmpi sge, %add3A_198, %ge3A_219 : i32
        %convert_element_type3A_221 = arith.extui %ge3A_220 : i1 to i32
        %cond3A_222 = arith.constant 0 : i32
        %cond3A_223 = arith.cmpi ne, %convert_element_type3A_221, %cond3A_222 : i32
        scf.if %cond3A_223 {
          %dma_wait3A_229 = arith.constant 0 : i32
          %dma_wait3A_230 = tpu.memref_slice %arg9[%dma_wait3A_229] : memref<7168xi32, #tpu.memory_space<vmem>> -> memref<128xi32, #tpu.memory_space<vmem>>
          %dma_wait3A_231 = arith.constant 0 : i32
          %dma_wait3A_232 = arith.constant 0 : i32
          %dma_wait3A_233 = tpu.memref_slice %arg17[%dma_wait3A_231, %dma_wait3A_232] : memref<100352x8xf32, #tpu.memory_space<vmem_shared>> -> memref<100352x8xf32, #tpu.memory_space<vmem_shared>>
          tpu.wait_indirect_dma semaphore(%arg25 : memref<!tpu.dma_semaphore, #tpu.memory_space<semaphore_mem>>) src(%arg13 : memref<128x8xf32, #tpu.memory_space<vmem>>) dst(%dma_wait3A_233 : memref<100352x8xf32, #tpu.memory_space<vmem_shared>>)
        } else {
        }
        %lt3A_224 = arith.constant 49 : i32
        %lt3A_225 = arith.cmpi slt, %add3A_198, %lt3A_224 : i32
        %convert_element_type3A_226 = arith.extui %lt3A_225 : i1 to i32
        %cond3A_227 = arith.constant 0 : i32
        %cond3A_228 = arith.cmpi ne, %convert_element_type3A_226, %cond3A_227 : i32
        scf.if %cond3A_228 {
          %add3A_229 = arith.constant 4 : i32
          %add3A_230 = arith.addi %add3A_198, %add3A_229 : i32
          %sub3A = arith.constant 1 : i32
          %sub3A_231 = arith.subi %add3A_230, %sub3A : i32
          %mul3A_232 = arith.constant 128 : i32
          %mul3A_233 = arith.muli %sub3A_231, %mul3A_232 : i32
          %dma_start3A_234 = tpu.memref_slice %arg8[%mul3A_233] : memref<7168xi32, #tpu.memory_space<vmem>> -> memref<128xi32, #tpu.memory_space<vmem>>
          %dma_start3A_235 = arith.constant 0 : i32
          %dma_start3A_236 = arith.constant 0 : i32
          %dma_start3A_237 = tpu.memref_slice %arg2[%dma_start3A_235, %dma_start3A_236] : memref<100000x8xf32, #tpu.memory_space<hbm>> -> memref<100000x8xf32, #tpu.memory_space<hbm>>
          tpu.enqueue_indirect_dma source(%dma_start3A_237 : memref<100000x8xf32, #tpu.memory_space<hbm>>) target(%arg13 : memref<128x8xf32, #tpu.memory_space<vmem>>) offsets(%dma_start3A_234 : memref<128xi32, #tpu.memory_space<vmem>>) semaphore(%arg21 : memref<!tpu.dma_semaphore, #tpu.memory_space<semaphore_mem>>)
        } else {
        }
      }
      %scan3A_90 = arith.constant 13 : i32
      %dma_wait3A_91 = arith.constant 0 : i32
      %dma_wait3A_92 = tpu.memref_slice %arg9[%dma_wait3A_91] : memref<7168xi32, #tpu.memory_space<vmem>> -> memref<128xi32, #tpu.memory_space<vmem>>
      %dma_wait3A_93 = arith.constant 0 : i32
      %dma_wait3A_94 = arith.constant 0 : i32
      %dma_wait3A_95 = tpu.memref_slice %arg17[%dma_wait3A_93, %dma_wait3A_94] : memref<100352x8xf32, #tpu.memory_space<vmem_shared>> -> memref<100352x8xf32, #tpu.memory_space<vmem_shared>>
      tpu.wait_indirect_dma semaphore(%arg26 : memref<!tpu.dma_semaphore, #tpu.memory_space<semaphore_mem>>) src(%arg14 : memref<128x8xf32, #tpu.memory_space<vmem>>) dst(%dma_wait3A_95 : memref<100352x8xf32, #tpu.memory_space<vmem_shared>>)
    } else {
    }
    %lt3A = arith.constant 21 : i32
    %lt3A_21 = arith.cmpi slt, %add3A, %lt3A : i32
    %convert_element_type3A_22 = arith.extui %lt3A_21 : i1 to i32
    %cond3A_23 = arith.constant 0 : i32
    %cond3A_24 = arith.cmpi ne, %convert_element_type3A_22, %cond3A_23 : i32
    scf.if %cond3A_24 {
      %add3A_33 = arith.constant 336 : i32
      %add3A_34 = arith.addi %add3A_14, %add3A_33 : i32
      %mul3A_35 = arith.constant 128 : i32
      %mul3A_36 = arith.muli %add3A_34, %mul3A_35 : i32
      %dma_start3A = arith.constant 0 : i32
      %dma_start3A_37 = tpu.memref_slice %arg8[%dma_start3A] : memref<7168xi32, #tpu.memory_space<vmem>> -> memref<7168xi32, #tpu.memory_space<vmem>>
      %dma_start3A_38 = tpu.memref_slice %arg3[%mul3A_36] : memref<1600000xi32, #tpu.memory_space<hbm>> -> memref<7168xi32, #tpu.memory_space<hbm>>
      %dma_start3A_39 = arith.constant 0 : i32
      %dma_start3A_40 = tpu.memref_slice %arg8[%dma_start3A_39] : memref<7168xi32, #tpu.memory_space<vmem>> -> memref<7168xi32, #tpu.memory_space<vmem>>
      %dma_start3A_41 = tpu.memref_slice %arg3[%mul3A_36] : memref<1600000xi32, #tpu.memory_space<hbm>> -> memref<7168xi32, #tpu.memory_space<hbm>>
      tpu.enqueue_dma source(%dma_start3A_41 : memref<7168xi32, #tpu.memory_space<hbm>>) target(%dma_start3A_40 : memref<7168xi32, #tpu.memory_space<vmem>>) target_semaphore(%arg18 : memref<!tpu.dma_semaphore, #tpu.memory_space<semaphore_mem>>)
      %dma_start3A_42 = arith.constant 0 : i32
      %dma_start3A_43 = tpu.memref_slice %arg9[%dma_start3A_42] : memref<7168xi32, #tpu.memory_space<vmem>> -> memref<7168xi32, #tpu.memory_space<vmem>>
      %dma_start3A_44 = tpu.memref_slice %arg4[%mul3A_36] : memref<1600000xi32, #tpu.memory_space<hbm>> -> memref<7168xi32, #tpu.memory_space<hbm>>
      %dma_start3A_45 = arith.constant 0 : i32
      %dma_start3A_46 = tpu.memref_slice %arg9[%dma_start3A_45] : memref<7168xi32, #tpu.memory_space<vmem>> -> memref<7168xi32, #tpu.memory_space<vmem>>
      %dma_start3A_47 = tpu.memref_slice %arg4[%mul3A_36] : memref<1600000xi32, #tpu.memory_space<hbm>> -> memref<7168xi32, #tpu.memory_space<hbm>>
      tpu.enqueue_dma source(%dma_start3A_47 : memref<7168xi32, #tpu.memory_space<hbm>>) target(%dma_start3A_46 : memref<7168xi32, #tpu.memory_space<vmem>>) target_semaphore(%arg18 : memref<!tpu.dma_semaphore, #tpu.memory_space<semaphore_mem>>)
      %dma_start3A_48 = arith.constant 0 : i32
      %dma_start3A_49 = tpu.memref_slice %arg10[%dma_start3A_48] : memref<7168xf32, #tpu.memory_space<vmem>> -> memref<7168xf32, #tpu.memory_space<vmem>>
      %dma_start3A_50 = tpu.memref_slice %arg5[%mul3A_36] : memref<1600000xf32, #tpu.memory_space<hbm>> -> memref<7168xf32, #tpu.memory_space<hbm>>
      %dma_start3A_51 = arith.constant 0 : i32
      %dma_start3A_52 = tpu.memref_slice %arg10[%dma_start3A_51] : memref<7168xf32, #tpu.memory_space<vmem>> -> memref<7168xf32, #tpu.memory_space<vmem>>
      %dma_start3A_53 = tpu.memref_slice %arg5[%mul3A_36] : memref<1600000xf32, #tpu.memory_space<hbm>> -> memref<7168xf32, #tpu.memory_space<hbm>>
      tpu.enqueue_dma source(%dma_start3A_53 : memref<7168xf32, #tpu.memory_space<hbm>>) target(%dma_start3A_52 : memref<7168xf32, #tpu.memory_space<vmem>>) target_semaphore(%arg18 : memref<!tpu.dma_semaphore, #tpu.memory_space<semaphore_mem>>)
      %dma_wait3A = arith.constant 0 : i32
      %dma_wait3A_54 = tpu.memref_slice %arg8[%dma_wait3A] : memref<7168xi32, #tpu.memory_space<vmem>> -> memref<7168xi32, #tpu.memory_space<vmem>>
      %dma_wait3A_55 = tpu.memref_slice %arg3[%mul3A_36] : memref<1600000xi32, #tpu.memory_space<hbm>> -> memref<7168xi32, #tpu.memory_space<hbm>>
      %dma_wait3A_56 = arith.constant 0 : i32
      %dma_wait3A_57 = tpu.memref_slice %arg8[%dma_wait3A_56] : memref<7168xi32, #tpu.memory_space<vmem>> -> memref<7168xi32, #tpu.memory_space<vmem>>
      %dma_wait3A_58 = tpu.memref_slice %arg3[%mul3A_36] : memref<1600000xi32, #tpu.memory_space<hbm>> -> memref<7168xi32, #tpu.memory_space<hbm>>
      tpu.wait_dma2 semaphore(%arg18 : memref<!tpu.dma_semaphore, #tpu.memory_space<semaphore_mem>>) src(%dma_wait3A_58 : memref<7168xi32, #tpu.memory_space<hbm>>) dst(%dma_wait3A_57 : memref<7168xi32, #tpu.memory_space<vmem>>)
      %dma_wait3A_59 = arith.constant 0 : i32
      %dma_wait3A_60 = tpu.memref_slice %arg9[%dma_wait3A_59] : memref<7168xi32, #tpu.memory_space<vmem>> -> memref<7168xi32, #tpu.memory_space<vmem>>
      %dma_wait3A_61 = tpu.memref_slice %arg4[%mul3A_36] : memref<1600000xi32, #tpu.memory_space<hbm>> -> memref<7168xi32, #tpu.memory_space<hbm>>
      %dma_wait3A_62 = arith.constant 0 : i32
      %dma_wait3A_63 = tpu.memref_slice %arg9[%dma_wait3A_62] : memref<7168xi32, #tpu.memory_space<vmem>> -> memref<7168xi32, #tpu.memory_space<vmem>>
      %dma_wait3A_64 = tpu.memref_slice %arg4[%mul3A_36] : memref<1600000xi32, #tpu.memory_space<hbm>> -> memref<7168xi32, #tpu.memory_space<hbm>>
      tpu.wait_dma2 semaphore(%arg18 : memref<!tpu.dma_semaphore, #tpu.memory_space<semaphore_mem>>) src(%dma_wait3A_64 : memref<7168xi32, #tpu.memory_space<hbm>>) dst(%dma_wait3A_63 : memref<7168xi32, #tpu.memory_space<vmem>>)
      %dma_wait3A_65 = arith.constant 0 : i32
      %dma_wait3A_66 = tpu.memref_slice %arg10[%dma_wait3A_65] : memref<7168xf32, #tpu.memory_space<vmem>> -> memref<7168xf32, #tpu.memory_space<vmem>>
      %dma_wait3A_67 = tpu.memref_slice %arg5[%mul3A_36] : memref<1600000xf32, #tpu.memory_space<hbm>> -> memref<7168xf32, #tpu.memory_space<hbm>>
      %dma_wait3A_68 = arith.constant 0 : i32
      %dma_wait3A_69 = tpu.memref_slice %arg10[%dma_wait3A_68] : memref<7168xf32, #tpu.memory_space<vmem>> -> memref<7168xf32, #tpu.memory_space<vmem>>
      %dma_wait3A_70 = tpu.memref_slice %arg5[%mul3A_36] : memref<1600000xf32, #tpu.memory_space<hbm>> -> memref<7168xf32, #tpu.memory_space<hbm>>
      tpu.wait_dma2 semaphore(%arg18 : memref<!tpu.dma_semaphore, #tpu.memory_space<semaphore_mem>>) src(%dma_wait3A_70 : memref<7168xf32, #tpu.memory_space<hbm>>) dst(%dma_wait3A_69 : memref<7168xf32, #tpu.memory_space<vmem>>)
      %dma_start3A_71 = arith.constant 0 : i32
      %dma_start3A_72 = tpu.memref_slice %arg8[%dma_start3A_71] : memref<7168xi32, #tpu.memory_space<vmem>> -> memref<128xi32, #tpu.memory_space<vmem>>
      %dma_start3A_73 = arith.constant 0 : i32
      %dma_start3A_74 = arith.constant 0 : i32
      %dma_start3A_75 = tpu.memref_slice %arg2[%dma_start3A_73, %dma_start3A_74] : memref<100000x8xf32, #tpu.memory_space<hbm>> -> memref<100000x8xf32, #tpu.memory_space<hbm>>
      tpu.enqueue_indirect_dma source(%dma_start3A_75 : memref<100000x8xf32, #tpu.memory_space<hbm>>) target(%arg11 : memref<128x8xf32, #tpu.memory_space<vmem>>) offsets(%dma_start3A_72 : memref<128xi32, #tpu.memory_space<vmem>>) semaphore(%arg19 : memref<!tpu.dma_semaphore, #tpu.memory_space<semaphore_mem>>)
      %dma_start3A_76 = arith.constant 128 : i32
      %dma_start3A_77 = tpu.memref_slice %arg8[%dma_start3A_76] : memref<7168xi32, #tpu.memory_space<vmem>> -> memref<128xi32, #tpu.memory_space<vmem>>
      %dma_start3A_78 = arith.constant 0 : i32
      %dma_start3A_79 = arith.constant 0 : i32
      %dma_start3A_80 = tpu.memref_slice %arg2[%dma_start3A_78, %dma_start3A_79] : memref<100000x8xf32, #tpu.memory_space<hbm>> -> memref<100000x8xf32, #tpu.memory_space<hbm>>
      tpu.enqueue_indirect_dma source(%dma_start3A_80 : memref<100000x8xf32, #tpu.memory_space<hbm>>) target(%arg12 : memref<128x8xf32, #tpu.memory_space<vmem>>) offsets(%dma_start3A_77 : memref<128xi32, #tpu.memory_space<vmem>>) semaphore(%arg20 : memref<!tpu.dma_semaphore, #tpu.memory_space<semaphore_mem>>)
      %dma_start3A_81 = arith.constant 256 : i32
      %dma_start3A_82 = tpu.memref_slice %arg8[%dma_start3A_81] : memref<7168xi32, #tpu.memory_space<vmem>> -> memref<128xi32, #tpu.memory_space<vmem>>
      %dma_start3A_83 = arith.constant 0 : i32
      %dma_start3A_84 = arith.constant 0 : i32
      %dma_start3A_85 = tpu.memref_slice %arg2[%dma_start3A_83, %dma_start3A_84] : memref<100000x8xf32, #tpu.memory_space<hbm>> -> memref<100000x8xf32, #tpu.memory_space<hbm>>
      tpu.enqueue_indirect_dma source(%dma_start3A_85 : memref<100000x8xf32, #tpu.memory_space<hbm>>) target(%arg13 : memref<128x8xf32, #tpu.memory_space<vmem>>) offsets(%dma_start3A_82 : memref<128xi32, #tpu.memory_space<vmem>>) semaphore(%arg21 : memref<!tpu.dma_semaphore, #tpu.memory_space<semaphore_mem>>)
      %scan3A_86 = arith.constant 0 : i32
      %scan3A_87 = arith.constant 14 : i32
      %scan3A_88 = arith.addi %scan3A_86, %scan3A_87 : i32
      %scan3A_89 = arith.constant 1 : i32
      scf.for %scan3A_96 = %scan3A_86 to %scan3A_88 step %scan3A_89  : i32 {
        %mul3A_97 = arith.constant 4 : i32
        %mul3A_98 = arith.muli %scan3A_96, %mul3A_97 : i32
        %add3A_99 = arith.constant 0 : i32
        %add3A_100 = arith.addi %add3A_99, %mul3A_98 : i32
        %add3A_101 = arith.constant 0 : i32
        %add3A_102 = arith.addi %add3A_100, %add3A_101 : i32
        %dma_wait3A_103 = arith.constant 0 : i32
        %dma_wait3A_104 = tpu.memref_slice %arg8[%dma_wait3A_103] : memref<7168xi32, #tpu.memory_space<vmem>> -> memref<128xi32, #tpu.memory_space<vmem>>
        %dma_wait3A_105 = arith.constant 0 : i32
        %dma_wait3A_106 = arith.constant 0 : i32
        %dma_wait3A_107 = tpu.memref_slice %arg2[%dma_wait3A_105, %dma_wait3A_106] : memref<100000x8xf32, #tpu.memory_space<hbm>> -> memref<100000x8xf32, #tpu.memory_space<hbm>>
        tpu.wait_indirect_dma semaphore(%arg19 : memref<!tpu.dma_semaphore, #tpu.memory_space<semaphore_mem>>) src(%dma_wait3A_107 : memref<100000x8xf32, #tpu.memory_space<hbm>>) dst(%arg11 : memref<128x8xf32, #tpu.memory_space<vmem>>)
        %mul3A_108 = arith.constant 128 : i32
        %mul3A_109 = arith.muli %add3A_102, %mul3A_108 : i32
        %add3A_110 = vector.broadcast %mul3A_109 : i32 to vector<16xi32>
        %add3A_111 = arith.addi %add3A_110, %shift_right_arithmetic3A_6 : vector<16xi32>
        %scan3A_112 = arith.constant 0 : i32
        %scan3A_113 = arith.constant 32 : i32
        %scan3A_114 = arith.addi %scan3A_112, %scan3A_113 : i32
        %scan3A_115 = arith.constant 1 : i32
        scf.for %scan3A_229 = %scan3A_112 to %scan3A_114 step %scan3A_115  : i32 {
          %mul3A_230 = arith.constant 1 : i32
          %mul3A_231 = arith.muli %scan3A_229, %mul3A_230 : i32
          %add3A_232 = arith.constant 0 : i32
          %add3A_233 = arith.addi %add3A_232, %mul3A_231 : i32
          %mul3A_234 = arith.constant 2 : i32
          %mul3A_235 = arith.muli %mul3A_234, %add3A_233 : i32
          %add3A_236 = arith.constant 0 : i32
          %add3A_237 = arith.addi %mul3A_235, %add3A_236 : i32
          %mul3A_238 = arith.constant 2 : i32
          %mul3A_239 = arith.muli %mul3A_238, %add3A_237 : i32
          %add3A_240 = vector.broadcast %mul3A_239 : i32 to vector<16xi32>
          %add3A_241 = arith.addi %add3A_240, %shift_right_arithmetic3A_6 : vector<16xi32>
          %mul3A_242 = arith.constant 2 : i32
          %mul3A_243 = arith.muli %mul3A_242, %add3A_237 : i32
          %add3A_244 = vector.broadcast %mul3A_243 : i32 to vector<16xi32>
          %add3A_245 = arith.addi %add3A_111, %add3A_244 : vector<16xi32>
          %gather3A = tpu.vector_load_idx %arg10[%add3A_245] : memref<7168xf32, #tpu.memory_space<vmem>>[vector<16xi32>], vector<16xf32>,
          %gather3A_246 = tpu.vector_load_idx %arg11[%add3A_241, %and3A_8] : memref<128x8xf32, #tpu.memory_space<vmem>>[vector<16xi32>, vector<16xi32>], vector<16xf32>,
          %abs3A = math.absf %gather3A_246 : vector<16xf32>
          %mul3A_247 = arith.mulf %abs3A, %gather3A : vector<16xf32>
          tpu.vector_store_idx %arg11[%add3A_241, %and3A_8], %mul3A_247 : memref<128x8xf32, #tpu.memory_space<vmem>>[vector<16xi32>, vector<16xi32>], vector<16xf32>,
          %mul3A_248 = arith.constant 2 : i32
          %mul3A_249 = arith.muli %mul3A_248, %add3A_233 : i32
          %add3A_250 = arith.constant 1 : i32
          %add3A_251 = arith.addi %mul3A_249, %add3A_250 : i32
          %mul3A_252 = arith.constant 2 : i32
          %mul3A_253 = arith.muli %mul3A_252, %add3A_251 : i32
          %add3A_254 = vector.broadcast %mul3A_253 : i32 to vector<16xi32>
          %add3A_255 = arith.addi %add3A_254, %shift_right_arithmetic3A_6 : vector<16xi32>
          %mul3A_256 = arith.constant 2 : i32
          %mul3A_257 = arith.muli %mul3A_256, %add3A_251 : i32
          %add3A_258 = vector.broadcast %mul3A_257 : i32 to vector<16xi32>
          %add3A_259 = arith.addi %add3A_111, %add3A_258 : vector<16xi32>
          %gather3A_260 = tpu.vector_load_idx %arg10[%add3A_259] : memref<7168xf32, #tpu.memory_space<vmem>>[vector<16xi32>], vector<16xf32>,
          %gather3A_261 = tpu.vector_load_idx %arg11[%add3A_255, %and3A_8] : memref<128x8xf32, #tpu.memory_space<vmem>>[vector<16xi32>, vector<16xi32>], vector<16xf32>,
          %abs3A_262 = math.absf %gather3A_261 : vector<16xf32>
          %mul3A_263 = arith.mulf %abs3A_262, %gather3A_260 : vector<16xf32>
          tpu.vector_store_idx %arg11[%add3A_255, %and3A_8], %mul3A_263 : memref<128x8xf32, #tpu.memory_space<vmem>>[vector<16xi32>, vector<16xi32>], vector<16xf32>,
        }
        %scan3A_116 = arith.constant 32 : i32
        %mul3A_117 = arith.constant 128 : i32
        %mul3A_118 = arith.muli %add3A_102, %mul3A_117 : i32
        %dma_start3A_119 = tpu.memref_slice %arg9[%mul3A_118] : memref<7168xi32, #tpu.memory_space<vmem>> -> memref<128xi32, #tpu.memory_space<vmem>>
        %dma_start3A_120 = arith.constant 0 : i32
        %dma_start3A_121 = arith.constant 0 : i32
        %dma_start3A_122 = tpu.memref_slice %arg17[%dma_start3A_120, %dma_start3A_121] : memref<100352x8xf32, #tpu.memory_space<vmem_shared>> -> memref<100352x8xf32, #tpu.memory_space<vmem_shared>>
        tpu.enqueue_indirect_dma source(%arg11 : memref<128x8xf32, #tpu.memory_space<vmem>>) target(%dma_start3A_122 : memref<100352x8xf32, #tpu.memory_space<vmem_shared>>) offsets(%dma_start3A_119 : memref<128xi32, #tpu.memory_space<vmem>>) semaphore(%arg23 : memref<!tpu.dma_semaphore, #tpu.memory_space<semaphore_mem>>) {add = true}
        %ge3A_123 = arith.constant 1 : i32
        %ge3A_124 = arith.cmpi sge, %add3A_102, %ge3A_123 : i32
        %convert_element_type3A_125 = arith.extui %ge3A_124 : i1 to i32
        %cond3A_126 = arith.constant 0 : i32
        %cond3A_127 = arith.cmpi ne, %convert_element_type3A_125, %cond3A_126 : i32
        scf.if %cond3A_127 {
          %dma_wait3A_229 = arith.constant 0 : i32
          %dma_wait3A_230 = tpu.memref_slice %arg9[%dma_wait3A_229] : memref<7168xi32, #tpu.memory_space<vmem>> -> memref<128xi32, #tpu.memory_space<vmem>>
          %dma_wait3A_231 = arith.constant 0 : i32
          %dma_wait3A_232 = arith.constant 0 : i32
          %dma_wait3A_233 = tpu.memref_slice %arg17[%dma_wait3A_231, %dma_wait3A_232] : memref<100352x8xf32, #tpu.memory_space<vmem_shared>> -> memref<100352x8xf32, #tpu.memory_space<vmem_shared>>
          tpu.wait_indirect_dma semaphore(%arg26 : memref<!tpu.dma_semaphore, #tpu.memory_space<semaphore_mem>>) src(%arg14 : memref<128x8xf32, #tpu.memory_space<vmem>>) dst(%dma_wait3A_233 : memref<100352x8xf32, #tpu.memory_space<vmem_shared>>)
        } else {
        }
        %lt3A_128 = arith.constant 53 : i32
        %lt3A_129 = arith.cmpi slt, %add3A_102, %lt3A_128 : i32
        %convert_element_type3A_130 = arith.extui %lt3A_129 : i1 to i32
        %cond3A_131 = arith.constant 0 : i32
        %cond3A_132 = arith.cmpi ne, %convert_element_type3A_130, %cond3A_131 : i32
        scf.if %cond3A_132 {
          %add3A_229 = arith.constant 4 : i32
          %add3A_230 = arith.addi %add3A_102, %add3A_229 : i32
          %sub3A = arith.constant 1 : i32
          %sub3A_231 = arith.subi %add3A_230, %sub3A : i32
          %mul3A_232 = arith.constant 128 : i32
          %mul3A_233 = arith.muli %sub3A_231, %mul3A_232 : i32
          %dma_start3A_234 = tpu.memref_slice %arg8[%mul3A_233] : memref<7168xi32, #tpu.memory_space<vmem>> -> memref<128xi32, #tpu.memory_space<vmem>>
          %dma_start3A_235 = arith.constant 0 : i32
          %dma_start3A_236 = arith.constant 0 : i32
          %dma_start3A_237 = tpu.memref_slice %arg2[%dma_start3A_235, %dma_start3A_236] : memref<100000x8xf32, #tpu.memory_space<hbm>> -> memref<100000x8xf32, #tpu.memory_space<hbm>>
          tpu.enqueue_indirect_dma source(%dma_start3A_237 : memref<100000x8xf32, #tpu.memory_space<hbm>>) target(%arg14 : memref<128x8xf32, #tpu.memory_space<vmem>>) offsets(%dma_start3A_234 : memref<128xi32, #tpu.memory_space<vmem>>) semaphore(%arg22 : memref<!tpu.dma_semaphore, #tpu.memory_space<semaphore_mem>>)
        } else {
        }
        %add3A_133 = arith.constant 1 : i32
        %add3A_134 = arith.addi %add3A_100, %add3A_133 : i32
        %dma_wait3A_135 = arith.constant 0 : i32
        %dma_wait3A_136 = tpu.memref_slice %arg8[%dma_wait3A_135] : memref<7168xi32, #tpu.memory_space<vmem>> -> memref<128xi32, #tpu.memory_space<vmem>>
        %dma_wait3A_137 = arith.constant 0 : i32
        %dma_wait3A_138 = arith.constant 0 : i32
        %dma_wait3A_139 = tpu.memref_slice %arg2[%dma_wait3A_137, %dma_wait3A_138] : memref<100000x8xf32, #tpu.memory_space<hbm>> -> memref<100000x8xf32, #tpu.memory_space<hbm>>
        tpu.wait_indirect_dma semaphore(%arg20 : memref<!tpu.dma_semaphore, #tpu.memory_space<semaphore_mem>>) src(%dma_wait3A_139 : memref<100000x8xf32, #tpu.memory_space<hbm>>) dst(%arg12 : memref<128x8xf32, #tpu.memory_space<vmem>>)
        %mul3A_140 = arith.constant 128 : i32
        %mul3A_141 = arith.muli %add3A_134, %mul3A_140 : i32
        %add3A_142 = vector.broadcast %mul3A_141 : i32 to vector<16xi32>
        %add3A_143 = arith.addi %add3A_142, %shift_right_arithmetic3A_6 : vector<16xi32>
        %scan3A_144 = arith.constant 0 : i32
        %scan3A_145 = arith.constant 32 : i32
        %scan3A_146 = arith.addi %scan3A_144, %scan3A_145 : i32
        %scan3A_147 = arith.constant 1 : i32
        scf.for %scan3A_229 = %scan3A_144 to %scan3A_146 step %scan3A_147  : i32 {
          %mul3A_230 = arith.constant 1 : i32
          %mul3A_231 = arith.muli %scan3A_229, %mul3A_230 : i32
          %add3A_232 = arith.constant 0 : i32
          %add3A_233 = arith.addi %add3A_232, %mul3A_231 : i32
          %mul3A_234 = arith.constant 2 : i32
          %mul3A_235 = arith.muli %mul3A_234, %add3A_233 : i32
          %add3A_236 = arith.constant 0 : i32
          %add3A_237 = arith.addi %mul3A_235, %add3A_236 : i32
          %mul3A_238 = arith.constant 2 : i32
          %mul3A_239 = arith.muli %mul3A_238, %add3A_237 : i32
          %add3A_240 = vector.broadcast %mul3A_239 : i32 to vector<16xi32>
          %add3A_241 = arith.addi %add3A_240, %shift_right_arithmetic3A_6 : vector<16xi32>
          %mul3A_242 = arith.constant 2 : i32
          %mul3A_243 = arith.muli %mul3A_242, %add3A_237 : i32
          %add3A_244 = vector.broadcast %mul3A_243 : i32 to vector<16xi32>
          %add3A_245 = arith.addi %add3A_143, %add3A_244 : vector<16xi32>
          %gather3A = tpu.vector_load_idx %arg10[%add3A_245] : memref<7168xf32, #tpu.memory_space<vmem>>[vector<16xi32>], vector<16xf32>,
          %gather3A_246 = tpu.vector_load_idx %arg12[%add3A_241, %and3A_8] : memref<128x8xf32, #tpu.memory_space<vmem>>[vector<16xi32>, vector<16xi32>], vector<16xf32>,
          %abs3A = math.absf %gather3A_246 : vector<16xf32>
          %mul3A_247 = arith.mulf %abs3A, %gather3A : vector<16xf32>
          tpu.vector_store_idx %arg12[%add3A_241, %and3A_8], %mul3A_247 : memref<128x8xf32, #tpu.memory_space<vmem>>[vector<16xi32>, vector<16xi32>], vector<16xf32>,
          %mul3A_248 = arith.constant 2 : i32
          %mul3A_249 = arith.muli %mul3A_248, %add3A_233 : i32
          %add3A_250 = arith.constant 1 : i32
          %add3A_251 = arith.addi %mul3A_249, %add3A_250 : i32
          %mul3A_252 = arith.constant 2 : i32
          %mul3A_253 = arith.muli %mul3A_252, %add3A_251 : i32
          %add3A_254 = vector.broadcast %mul3A_253 : i32 to vector<16xi32>
          %add3A_255 = arith.addi %add3A_254, %shift_right_arithmetic3A_6 : vector<16xi32>
          %mul3A_256 = arith.constant 2 : i32
          %mul3A_257 = arith.muli %mul3A_256, %add3A_251 : i32
          %add3A_258 = vector.broadcast %mul3A_257 : i32 to vector<16xi32>
          %add3A_259 = arith.addi %add3A_143, %add3A_258 : vector<16xi32>
          %gather3A_260 = tpu.vector_load_idx %arg10[%add3A_259] : memref<7168xf32, #tpu.memory_space<vmem>>[vector<16xi32>], vector<16xf32>,
          %gather3A_261 = tpu.vector_load_idx %arg12[%add3A_255, %and3A_8] : memref<128x8xf32, #tpu.memory_space<vmem>>[vector<16xi32>, vector<16xi32>], vector<16xf32>,
          %abs3A_262 = math.absf %gather3A_261 : vector<16xf32>
          %mul3A_263 = arith.mulf %abs3A_262, %gather3A_260 : vector<16xf32>
          tpu.vector_store_idx %arg12[%add3A_255, %and3A_8], %mul3A_263 : memref<128x8xf32, #tpu.memory_space<vmem>>[vector<16xi32>, vector<16xi32>], vector<16xf32>,
        }
        %scan3A_148 = arith.constant 32 : i32
        %mul3A_149 = arith.constant 128 : i32
        %mul3A_150 = arith.muli %add3A_134, %mul3A_149 : i32
        %dma_start3A_151 = tpu.memref_slice %arg9[%mul3A_150] : memref<7168xi32, #tpu.memory_space<vmem>> -> memref<128xi32, #tpu.memory_space<vmem>>
        %dma_start3A_152 = arith.constant 0 : i32
        %dma_start3A_153 = arith.constant 0 : i32
        %dma_start3A_154 = tpu.memref_slice %arg17[%dma_start3A_152, %dma_start3A_153] : memref<100352x8xf32, #tpu.memory_space<vmem_shared>> -> memref<100352x8xf32, #tpu.memory_space<vmem_shared>>
        tpu.enqueue_indirect_dma source(%arg12 : memref<128x8xf32, #tpu.memory_space<vmem>>) target(%dma_start3A_154 : memref<100352x8xf32, #tpu.memory_space<vmem_shared>>) offsets(%dma_start3A_151 : memref<128xi32, #tpu.memory_space<vmem>>) semaphore(%arg24 : memref<!tpu.dma_semaphore, #tpu.memory_space<semaphore_mem>>) {add = true}
        %ge3A_155 = arith.constant 1 : i32
        %ge3A_156 = arith.cmpi sge, %add3A_134, %ge3A_155 : i32
        %convert_element_type3A_157 = arith.extui %ge3A_156 : i1 to i32
        %cond3A_158 = arith.constant 0 : i32
        %cond3A_159 = arith.cmpi ne, %convert_element_type3A_157, %cond3A_158 : i32
        scf.if %cond3A_159 {
          %dma_wait3A_229 = arith.constant 0 : i32
          %dma_wait3A_230 = tpu.memref_slice %arg9[%dma_wait3A_229] : memref<7168xi32, #tpu.memory_space<vmem>> -> memref<128xi32, #tpu.memory_space<vmem>>
          %dma_wait3A_231 = arith.constant 0 : i32
          %dma_wait3A_232 = arith.constant 0 : i32
          %dma_wait3A_233 = tpu.memref_slice %arg17[%dma_wait3A_231, %dma_wait3A_232] : memref<100352x8xf32, #tpu.memory_space<vmem_shared>> -> memref<100352x8xf32, #tpu.memory_space<vmem_shared>>
          tpu.wait_indirect_dma semaphore(%arg23 : memref<!tpu.dma_semaphore, #tpu.memory_space<semaphore_mem>>) src(%arg11 : memref<128x8xf32, #tpu.memory_space<vmem>>) dst(%dma_wait3A_233 : memref<100352x8xf32, #tpu.memory_space<vmem_shared>>)
        } else {
        }
        %lt3A_160 = arith.constant 53 : i32
        %lt3A_161 = arith.cmpi slt, %add3A_134, %lt3A_160 : i32
        %convert_element_type3A_162 = arith.extui %lt3A_161 : i1 to i32
        %cond3A_163 = arith.constant 0 : i32
        %cond3A_164 = arith.cmpi ne, %convert_element_type3A_162, %cond3A_163 : i32
        scf.if %cond3A_164 {
          %add3A_229 = arith.constant 4 : i32
          %add3A_230 = arith.addi %add3A_134, %add3A_229 : i32
          %sub3A = arith.constant 1 : i32
          %sub3A_231 = arith.subi %add3A_230, %sub3A : i32
          %mul3A_232 = arith.constant 128 : i32
          %mul3A_233 = arith.muli %sub3A_231, %mul3A_232 : i32
          %dma_start3A_234 = tpu.memref_slice %arg8[%mul3A_233] : memref<7168xi32, #tpu.memory_space<vmem>> -> memref<128xi32, #tpu.memory_space<vmem>>
          %dma_start3A_235 = arith.constant 0 : i32
          %dma_start3A_236 = arith.constant 0 : i32
          %dma_start3A_237 = tpu.memref_slice %arg2[%dma_start3A_235, %dma_start3A_236] : memref<100000x8xf32, #tpu.memory_space<hbm>> -> memref<100000x8xf32, #tpu.memory_space<hbm>>
          tpu.enqueue_indirect_dma source(%dma_start3A_237 : memref<100000x8xf32, #tpu.memory_space<hbm>>) target(%arg11 : memref<128x8xf32, #tpu.memory_space<vmem>>) offsets(%dma_start3A_234 : memref<128xi32, #tpu.memory_space<vmem>>) semaphore(%arg19 : memref<!tpu.dma_semaphore, #tpu.memory_space<semaphore_mem>>)
        } else {
        }
        %add3A_165 = arith.constant 2 : i32
        %add3A_166 = arith.addi %add3A_100, %add3A_165 : i32
        %dma_wait3A_167 = arith.constant 0 : i32
        %dma_wait3A_168 = tpu.memref_slice %arg8[%dma_wait3A_167] : memref<7168xi32, #tpu.memory_space<vmem>> -> memref<128xi32, #tpu.memory_space<vmem>>
        %dma_wait3A_169 = arith.constant 0 : i32
        %dma_wait3A_170 = arith.constant 0 : i32
        %dma_wait3A_171 = tpu.memref_slice %arg2[%dma_wait3A_169, %dma_wait3A_170] : memref<100000x8xf32, #tpu.memory_space<hbm>> -> memref<100000x8xf32, #tpu.memory_space<hbm>>
        tpu.wait_indirect_dma semaphore(%arg21 : memref<!tpu.dma_semaphore, #tpu.memory_space<semaphore_mem>>) src(%dma_wait3A_171 : memref<100000x8xf32, #tpu.memory_space<hbm>>) dst(%arg13 : memref<128x8xf32, #tpu.memory_space<vmem>>)
        %mul3A_172 = arith.constant 128 : i32
        %mul3A_173 = arith.muli %add3A_166, %mul3A_172 : i32
        %add3A_174 = vector.broadcast %mul3A_173 : i32 to vector<16xi32>
        %add3A_175 = arith.addi %add3A_174, %shift_right_arithmetic3A_6 : vector<16xi32>
        %scan3A_176 = arith.constant 0 : i32
        %scan3A_177 = arith.constant 32 : i32
        %scan3A_178 = arith.addi %scan3A_176, %scan3A_177 : i32
        %scan3A_179 = arith.constant 1 : i32
        scf.for %scan3A_229 = %scan3A_176 to %scan3A_178 step %scan3A_179  : i32 {
          %mul3A_230 = arith.constant 1 : i32
          %mul3A_231 = arith.muli %scan3A_229, %mul3A_230 : i32
          %add3A_232 = arith.constant 0 : i32
          %add3A_233 = arith.addi %add3A_232, %mul3A_231 : i32
          %mul3A_234 = arith.constant 2 : i32
          %mul3A_235 = arith.muli %mul3A_234, %add3A_233 : i32
          %add3A_236 = arith.constant 0 : i32
          %add3A_237 = arith.addi %mul3A_235, %add3A_236 : i32
          %mul3A_238 = arith.constant 2 : i32
          %mul3A_239 = arith.muli %mul3A_238, %add3A_237 : i32
          %add3A_240 = vector.broadcast %mul3A_239 : i32 to vector<16xi32>
          %add3A_241 = arith.addi %add3A_240, %shift_right_arithmetic3A_6 : vector<16xi32>
          %mul3A_242 = arith.constant 2 : i32
          %mul3A_243 = arith.muli %mul3A_242, %add3A_237 : i32
          %add3A_244 = vector.broadcast %mul3A_243 : i32 to vector<16xi32>
          %add3A_245 = arith.addi %add3A_175, %add3A_244 : vector<16xi32>
          %gather3A = tpu.vector_load_idx %arg10[%add3A_245] : memref<7168xf32, #tpu.memory_space<vmem>>[vector<16xi32>], vector<16xf32>,
          %gather3A_246 = tpu.vector_load_idx %arg13[%add3A_241, %and3A_8] : memref<128x8xf32, #tpu.memory_space<vmem>>[vector<16xi32>, vector<16xi32>], vector<16xf32>,
          %abs3A = math.absf %gather3A_246 : vector<16xf32>
          %mul3A_247 = arith.mulf %abs3A, %gather3A : vector<16xf32>
          tpu.vector_store_idx %arg13[%add3A_241, %and3A_8], %mul3A_247 : memref<128x8xf32, #tpu.memory_space<vmem>>[vector<16xi32>, vector<16xi32>], vector<16xf32>,
          %mul3A_248 = arith.constant 2 : i32
          %mul3A_249 = arith.muli %mul3A_248, %add3A_233 : i32
          %add3A_250 = arith.constant 1 : i32
          %add3A_251 = arith.addi %mul3A_249, %add3A_250 : i32
          %mul3A_252 = arith.constant 2 : i32
          %mul3A_253 = arith.muli %mul3A_252, %add3A_251 : i32
          %add3A_254 = vector.broadcast %mul3A_253 : i32 to vector<16xi32>
          %add3A_255 = arith.addi %add3A_254, %shift_right_arithmetic3A_6 : vector<16xi32>
          %mul3A_256 = arith.constant 2 : i32
          %mul3A_257 = arith.muli %mul3A_256, %add3A_251 : i32
          %add3A_258 = vector.broadcast %mul3A_257 : i32 to vector<16xi32>
          %add3A_259 = arith.addi %add3A_175, %add3A_258 : vector<16xi32>
          %gather3A_260 = tpu.vector_load_idx %arg10[%add3A_259] : memref<7168xf32, #tpu.memory_space<vmem>>[vector<16xi32>], vector<16xf32>,
          %gather3A_261 = tpu.vector_load_idx %arg13[%add3A_255, %and3A_8] : memref<128x8xf32, #tpu.memory_space<vmem>>[vector<16xi32>, vector<16xi32>], vector<16xf32>,
          %abs3A_262 = math.absf %gather3A_261 : vector<16xf32>
          %mul3A_263 = arith.mulf %abs3A_262, %gather3A_260 : vector<16xf32>
          tpu.vector_store_idx %arg13[%add3A_255, %and3A_8], %mul3A_263 : memref<128x8xf32, #tpu.memory_space<vmem>>[vector<16xi32>, vector<16xi32>], vector<16xf32>,
        }
        %scan3A_180 = arith.constant 32 : i32
        %mul3A_181 = arith.constant 128 : i32
        %mul3A_182 = arith.muli %add3A_166, %mul3A_181 : i32
        %dma_start3A_183 = tpu.memref_slice %arg9[%mul3A_182] : memref<7168xi32, #tpu.memory_space<vmem>> -> memref<128xi32, #tpu.memory_space<vmem>>
        %dma_start3A_184 = arith.constant 0 : i32
        %dma_start3A_185 = arith.constant 0 : i32
        %dma_start3A_186 = tpu.memref_slice %arg17[%dma_start3A_184, %dma_start3A_185] : memref<100352x8xf32, #tpu.memory_space<vmem_shared>> -> memref<100352x8xf32, #tpu.memory_space<vmem_shared>>
        tpu.enqueue_indirect_dma source(%arg13 : memref<128x8xf32, #tpu.memory_space<vmem>>) target(%dma_start3A_186 : memref<100352x8xf32, #tpu.memory_space<vmem_shared>>) offsets(%dma_start3A_183 : memref<128xi32, #tpu.memory_space<vmem>>) semaphore(%arg25 : memref<!tpu.dma_semaphore, #tpu.memory_space<semaphore_mem>>) {add = true}
        %ge3A_187 = arith.constant 1 : i32
        %ge3A_188 = arith.cmpi sge, %add3A_166, %ge3A_187 : i32
        %convert_element_type3A_189 = arith.extui %ge3A_188 : i1 to i32
        %cond3A_190 = arith.constant 0 : i32
        %cond3A_191 = arith.cmpi ne, %convert_element_type3A_189, %cond3A_190 : i32
        scf.if %cond3A_191 {
          %dma_wait3A_229 = arith.constant 0 : i32
          %dma_wait3A_230 = tpu.memref_slice %arg9[%dma_wait3A_229] : memref<7168xi32, #tpu.memory_space<vmem>> -> memref<128xi32, #tpu.memory_space<vmem>>
          %dma_wait3A_231 = arith.constant 0 : i32
          %dma_wait3A_232 = arith.constant 0 : i32
          %dma_wait3A_233 = tpu.memref_slice %arg17[%dma_wait3A_231, %dma_wait3A_232] : memref<100352x8xf32, #tpu.memory_space<vmem_shared>> -> memref<100352x8xf32, #tpu.memory_space<vmem_shared>>
          tpu.wait_indirect_dma semaphore(%arg24 : memref<!tpu.dma_semaphore, #tpu.memory_space<semaphore_mem>>) src(%arg12 : memref<128x8xf32, #tpu.memory_space<vmem>>) dst(%dma_wait3A_233 : memref<100352x8xf32, #tpu.memory_space<vmem_shared>>)
        } else {
        }
        %lt3A_192 = arith.constant 53 : i32
        %lt3A_193 = arith.cmpi slt, %add3A_166, %lt3A_192 : i32
        %convert_element_type3A_194 = arith.extui %lt3A_193 : i1 to i32
        %cond3A_195 = arith.constant 0 : i32
        %cond3A_196 = arith.cmpi ne, %convert_element_type3A_194, %cond3A_195 : i32
        scf.if %cond3A_196 {
          %add3A_229 = arith.constant 4 : i32
          %add3A_230 = arith.addi %add3A_166, %add3A_229 : i32
          %sub3A = arith.constant 1 : i32
          %sub3A_231 = arith.subi %add3A_230, %sub3A : i32
          %mul3A_232 = arith.constant 128 : i32
          %mul3A_233 = arith.muli %sub3A_231, %mul3A_232 : i32
          %dma_start3A_234 = tpu.memref_slice %arg8[%mul3A_233] : memref<7168xi32, #tpu.memory_space<vmem>> -> memref<128xi32, #tpu.memory_space<vmem>>
          %dma_start3A_235 = arith.constant 0 : i32
          %dma_start3A_236 = arith.constant 0 : i32
          %dma_start3A_237 = tpu.memref_slice %arg2[%dma_start3A_235, %dma_start3A_236] : memref<100000x8xf32, #tpu.memory_space<hbm>> -> memref<100000x8xf32, #tpu.memory_space<hbm>>
          tpu.enqueue_indirect_dma source(%dma_start3A_237 : memref<100000x8xf32, #tpu.memory_space<hbm>>) target(%arg12 : memref<128x8xf32, #tpu.memory_space<vmem>>) offsets(%dma_start3A_234 : memref<128xi32, #tpu.memory_space<vmem>>) semaphore(%arg20 : memref<!tpu.dma_semaphore, #tpu.memory_space<semaphore_mem>>)
        } else {
        }
        %add3A_197 = arith.constant 3 : i32
        %add3A_198 = arith.addi %add3A_100, %add3A_197 : i32
        %dma_wait3A_199 = arith.constant 0 : i32
        %dma_wait3A_200 = tpu.memref_slice %arg8[%dma_wait3A_199] : memref<7168xi32, #tpu.memory_space<vmem>> -> memref<128xi32, #tpu.memory_space<vmem>>
        %dma_wait3A_201 = arith.constant 0 : i32
        %dma_wait3A_202 = arith.constant 0 : i32
        %dma_wait3A_203 = tpu.memref_slice %arg2[%dma_wait3A_201, %dma_wait3A_202] : memref<100000x8xf32, #tpu.memory_space<hbm>> -> memref<100000x8xf32, #tpu.memory_space<hbm>>
        tpu.wait_indirect_dma semaphore(%arg22 : memref<!tpu.dma_semaphore, #tpu.memory_space<semaphore_mem>>) src(%dma_wait3A_203 : memref<100000x8xf32, #tpu.memory_space<hbm>>) dst(%arg14 : memref<128x8xf32, #tpu.memory_space<vmem>>)
        %mul3A_204 = arith.constant 128 : i32
        %mul3A_205 = arith.muli %add3A_198, %mul3A_204 : i32
        %add3A_206 = vector.broadcast %mul3A_205 : i32 to vector<16xi32>
        %add3A_207 = arith.addi %add3A_206, %shift_right_arithmetic3A_6 : vector<16xi32>
        %scan3A_208 = arith.constant 0 : i32
        %scan3A_209 = arith.constant 32 : i32
        %scan3A_210 = arith.addi %scan3A_208, %scan3A_209 : i32
        %scan3A_211 = arith.constant 1 : i32
        scf.for %scan3A_229 = %scan3A_208 to %scan3A_210 step %scan3A_211  : i32 {
          %mul3A_230 = arith.constant 1 : i32
          %mul3A_231 = arith.muli %scan3A_229, %mul3A_230 : i32
          %add3A_232 = arith.constant 0 : i32
          %add3A_233 = arith.addi %add3A_232, %mul3A_231 : i32
          %mul3A_234 = arith.constant 2 : i32
          %mul3A_235 = arith.muli %mul3A_234, %add3A_233 : i32
          %add3A_236 = arith.constant 0 : i32
          %add3A_237 = arith.addi %mul3A_235, %add3A_236 : i32
          %mul3A_238 = arith.constant 2 : i32
          %mul3A_239 = arith.muli %mul3A_238, %add3A_237 : i32
          %add3A_240 = vector.broadcast %mul3A_239 : i32 to vector<16xi32>
          %add3A_241 = arith.addi %add3A_240, %shift_right_arithmetic3A_6 : vector<16xi32>
          %mul3A_242 = arith.constant 2 : i32
          %mul3A_243 = arith.muli %mul3A_242, %add3A_237 : i32
          %add3A_244 = vector.broadcast %mul3A_243 : i32 to vector<16xi32>
          %add3A_245 = arith.addi %add3A_207, %add3A_244 : vector<16xi32>
          %gather3A = tpu.vector_load_idx %arg10[%add3A_245] : memref<7168xf32, #tpu.memory_space<vmem>>[vector<16xi32>], vector<16xf32>,
          %gather3A_246 = tpu.vector_load_idx %arg14[%add3A_241, %and3A_8] : memref<128x8xf32, #tpu.memory_space<vmem>>[vector<16xi32>, vector<16xi32>], vector<16xf32>,
          %abs3A = math.absf %gather3A_246 : vector<16xf32>
          %mul3A_247 = arith.mulf %abs3A, %gather3A : vector<16xf32>
          tpu.vector_store_idx %arg14[%add3A_241, %and3A_8], %mul3A_247 : memref<128x8xf32, #tpu.memory_space<vmem>>[vector<16xi32>, vector<16xi32>], vector<16xf32>,
          %mul3A_248 = arith.constant 2 : i32
          %mul3A_249 = arith.muli %mul3A_248, %add3A_233 : i32
          %add3A_250 = arith.constant 1 : i32
          %add3A_251 = arith.addi %mul3A_249, %add3A_250 : i32
          %mul3A_252 = arith.constant 2 : i32
          %mul3A_253 = arith.muli %mul3A_252, %add3A_251 : i32
          %add3A_254 = vector.broadcast %mul3A_253 : i32 to vector<16xi32>
          %add3A_255 = arith.addi %add3A_254, %shift_right_arithmetic3A_6 : vector<16xi32>
          %mul3A_256 = arith.constant 2 : i32
          %mul3A_257 = arith.muli %mul3A_256, %add3A_251 : i32
          %add3A_258 = vector.broadcast %mul3A_257 : i32 to vector<16xi32>
          %add3A_259 = arith.addi %add3A_207, %add3A_258 : vector<16xi32>
          %gather3A_260 = tpu.vector_load_idx %arg10[%add3A_259] : memref<7168xf32, #tpu.memory_space<vmem>>[vector<16xi32>], vector<16xf32>,
          %gather3A_261 = tpu.vector_load_idx %arg14[%add3A_255, %and3A_8] : memref<128x8xf32, #tpu.memory_space<vmem>>[vector<16xi32>, vector<16xi32>], vector<16xf32>,
          %abs3A_262 = math.absf %gather3A_261 : vector<16xf32>
          %mul3A_263 = arith.mulf %abs3A_262, %gather3A_260 : vector<16xf32>
          tpu.vector_store_idx %arg14[%add3A_255, %and3A_8], %mul3A_263 : memref<128x8xf32, #tpu.memory_space<vmem>>[vector<16xi32>, vector<16xi32>], vector<16xf32>,
        }
        %scan3A_212 = arith.constant 32 : i32
        %mul3A_213 = arith.constant 128 : i32
        %mul3A_214 = arith.muli %add3A_198, %mul3A_213 : i32
        %dma_start3A_215 = tpu.memref_slice %arg9[%mul3A_214] : memref<7168xi32, #tpu.memory_space<vmem>> -> memref<128xi32, #tpu.memory_space<vmem>>
        %dma_start3A_216 = arith.constant 0 : i32
        %dma_start3A_217 = arith.constant 0 : i32
        %dma_start3A_218 = tpu.memref_slice %arg17[%dma_start3A_216, %dma_start3A_217] : memref<100352x8xf32, #tpu.memory_space<vmem_shared>> -> memref<100352x8xf32, #tpu.memory_space<vmem_shared>>
        tpu.enqueue_indirect_dma source(%arg14 : memref<128x8xf32, #tpu.memory_space<vmem>>) target(%dma_start3A_218 : memref<100352x8xf32, #tpu.memory_space<vmem_shared>>) offsets(%dma_start3A_215 : memref<128xi32, #tpu.memory_space<vmem>>) semaphore(%arg26 : memref<!tpu.dma_semaphore, #tpu.memory_space<semaphore_mem>>) {add = true}
        %ge3A_219 = arith.constant 1 : i32
        %ge3A_220 = arith.cmpi sge, %add3A_198, %ge3A_219 : i32
        %convert_element_type3A_221 = arith.extui %ge3A_220 : i1 to i32
        %cond3A_222 = arith.constant 0 : i32
        %cond3A_223 = arith.cmpi ne, %convert_element_type3A_221, %cond3A_222 : i32
        scf.if %cond3A_223 {
          %dma_wait3A_229 = arith.constant 0 : i32
          %dma_wait3A_230 = tpu.memref_slice %arg9[%dma_wait3A_229] : memref<7168xi32, #tpu.memory_space<vmem>> -> memref<128xi32, #tpu.memory_space<vmem>>
          %dma_wait3A_231 = arith.constant 0 : i32
          %dma_wait3A_232 = arith.constant 0 : i32
          %dma_wait3A_233 = tpu.memref_slice %arg17[%dma_wait3A_231, %dma_wait3A_232] : memref<100352x8xf32, #tpu.memory_space<vmem_shared>> -> memref<100352x8xf32, #tpu.memory_space<vmem_shared>>
          tpu.wait_indirect_dma semaphore(%arg25 : memref<!tpu.dma_semaphore, #tpu.memory_space<semaphore_mem>>) src(%arg13 : memref<128x8xf32, #tpu.memory_space<vmem>>) dst(%dma_wait3A_233 : memref<100352x8xf32, #tpu.memory_space<vmem_shared>>)
        } else {
        }
        %lt3A_224 = arith.constant 53 : i32
        %lt3A_225 = arith.cmpi slt, %add3A_198, %lt3A_224 : i32
        %convert_element_type3A_226 = arith.extui %lt3A_225 : i1 to i32
        %cond3A_227 = arith.constant 0 : i32
        %cond3A_228 = arith.cmpi ne, %convert_element_type3A_226, %cond3A_227 : i32
        scf.if %cond3A_228 {
          %add3A_229 = arith.constant 4 : i32
          %add3A_230 = arith.addi %add3A_198, %add3A_229 : i32
          %sub3A = arith.constant 1 : i32
          %sub3A_231 = arith.subi %add3A_230, %sub3A : i32
          %mul3A_232 = arith.constant 128 : i32
          %mul3A_233 = arith.muli %sub3A_231, %mul3A_232 : i32
          %dma_start3A_234 = tpu.memref_slice %arg8[%mul3A_233] : memref<7168xi32, #tpu.memory_space<vmem>> -> memref<128xi32, #tpu.memory_space<vmem>>
          %dma_start3A_235 = arith.constant 0 : i32
          %dma_start3A_236 = arith.constant 0 : i32
          %dma_start3A_237 = tpu.memref_slice %arg2[%dma_start3A_235, %dma_start3A_236] : memref<100000x8xf32, #tpu.memory_space<hbm>> -> memref<100000x8xf32, #tpu.memory_space<hbm>>
          tpu.enqueue_indirect_dma source(%dma_start3A_237 : memref<100000x8xf32, #tpu.memory_space<hbm>>) target(%arg13 : memref<128x8xf32, #tpu.memory_space<vmem>>) offsets(%dma_start3A_234 : memref<128xi32, #tpu.memory_space<vmem>>) semaphore(%arg21 : memref<!tpu.dma_semaphore, #tpu.memory_space<semaphore_mem>>)
        } else {
        }
      }
      %scan3A_90 = arith.constant 14 : i32
      %dma_wait3A_91 = arith.constant 0 : i32
      %dma_wait3A_92 = tpu.memref_slice %arg9[%dma_wait3A_91] : memref<7168xi32, #tpu.memory_space<vmem>> -> memref<128xi32, #tpu.memory_space<vmem>>
      %dma_wait3A_93 = arith.constant 0 : i32
      %dma_wait3A_94 = arith.constant 0 : i32
      %dma_wait3A_95 = tpu.memref_slice %arg17[%dma_wait3A_93, %dma_wait3A_94] : memref<100352x8xf32, #tpu.memory_space<vmem_shared>> -> memref<100352x8xf32, #tpu.memory_space<vmem_shared>>
      tpu.wait_indirect_dma semaphore(%arg26 : memref<!tpu.dma_semaphore, #tpu.memory_space<semaphore_mem>>) src(%arg14 : memref<128x8xf32, #tpu.memory_space<vmem>>) dst(%dma_wait3A_95 : memref<100352x8xf32, #tpu.memory_space<vmem_shared>>)
    } else {
    }
    %barrier3A_25 = arith.constant 0 : index
    tpu.barrier barrier_id(%barrier3A_25)
    %mul3A_26 = arith.constant 49 : i32
    %mul3A_27 = arith.muli %arg1, %mul3A_26 : i32
    %scan3A_28 = arith.constant 0 : i32
    %scan3A_29 = arith.constant 7 : i32
    %scan3A_30 = arith.addi %scan3A_28, %scan3A_29 : i32
    %scan3A_31 = arith.constant 1 : i32
    scf.for %scan3A_33 = %scan3A_28 to %scan3A_30 step %scan3A_31  : i32 {
      %mul3A_34 = arith.constant 1 : i32
      %mul3A_35 = arith.muli %scan3A_33, %mul3A_34 : i32
      %add3A_36 = arith.constant 0 : i32
      %add3A_37 = arith.addi %add3A_36, %mul3A_35 : i32
      %mul3A_38 = arith.constant 7 : i32
      %mul3A_39 = arith.muli %add3A_37, %mul3A_38 : i32
      %add3A_40 = arith.addi %mul3A_27, %mul3A_39 : i32
      %mul3A_41 = arith.constant 128 : i32
      %mul3A_42 = arith.muli %add3A_40, %mul3A_41 : i32
      "tpu.region"() ({
        %run_scoped3A = tpu.sem_alloc : memref<!tpu.dma_semaphore, #tpu.memory_space<semaphore_mem>>
        %dma_start3A = arith.constant 0 : i32
        %dma_start3A_48 = tpu.memref_slice %arg17[%mul3A_42, %dma_start3A] : memref<100352x8xf32, #tpu.memory_space<vmem_shared>> -> memref<896x8xf32, #tpu.memory_space<vmem_shared>>
        %dma_start3A_49 = arith.constant 0 : i32
        %dma_start3A_50 = tpu.memref_slice %arg17[%mul3A_42, %dma_start3A_49] : memref<100352x8xf32, #tpu.memory_space<vmem_shared>> -> memref<896x8xf32, #tpu.memory_space<vmem_shared>>
        tpu.enqueue_dma source(%dma_start3A_50 : memref<896x8xf32, #tpu.memory_space<vmem_shared>>) target(%arg15 : memref<896x8xf32, #tpu.memory_space<vmem>>) target_semaphore(%run_scoped3A : memref<!tpu.dma_semaphore, #tpu.memory_space<semaphore_mem>>)
        %dma_wait3A = arith.constant 0 : i32
        %dma_wait3A_51 = tpu.memref_slice %arg17[%mul3A_42, %dma_wait3A] : memref<100352x8xf32, #tpu.memory_space<vmem_shared>> -> memref<896x8xf32, #tpu.memory_space<vmem_shared>>
        %dma_wait3A_52 = arith.constant 0 : i32
        %dma_wait3A_53 = tpu.memref_slice %arg17[%mul3A_42, %dma_wait3A_52] : memref<100352x8xf32, #tpu.memory_space<vmem_shared>> -> memref<896x8xf32, #tpu.memory_space<vmem_shared>>
        tpu.wait_dma2 semaphore(%run_scoped3A : memref<!tpu.dma_semaphore, #tpu.memory_space<semaphore_mem>>) src(%dma_wait3A_53 : memref<896x8xf32, #tpu.memory_space<vmem_shared>>) dst(%arg15 : memref<896x8xf32, #tpu.memory_space<vmem>>)
        tpu.yield
      }) : () -> ()
      %scan3A_43 = arith.constant 0 : i32
      %scan3A_44 = arith.constant 7 : i32
      %scan3A_45 = arith.addi %scan3A_43, %scan3A_44 : i32
      %scan3A_46 = arith.constant 1 : i32
      scf.for %scan3A_48 = %scan3A_43 to %scan3A_45 step %scan3A_46  : i32 {
        %mul3A_49 = arith.constant 1 : i32
        %mul3A_50 = arith.muli %scan3A_48, %mul3A_49 : i32
        %add3A_51 = arith.constant 0 : i32
        %add3A_52 = arith.addi %add3A_51, %mul3A_50 : i32
        %mul3A_53 = arith.constant 128 : i32
        %mul3A_54 = arith.muli %add3A_52, %mul3A_53 : i32
        %broadcast_in_dim3A = arith.constant 0 : i32
        %broadcast_in_dim3A_55 = vector.broadcast %broadcast_in_dim3A : i32 to vector<16xi32>
        %add3A_56 = arith.constant 0 : i32
        %add3A_57 = arith.addi %mul3A_54, %add3A_56 : i32
        %add3A_58 = vector.broadcast %add3A_57 : i32 to vector<16xi32>
        %add3A_59 = arith.addi %add3A_58, %iota3A : vector<16xi32>
        %gather3A = tpu.vector_load_idx %arg15[%add3A_59, %broadcast_in_dim3A_55] : memref<896x8xf32, #tpu.memory_space<vmem>>[vector<16xi32>, vector<16xi32>], vector<16xf32>,
        %swap3A = arith.constant 0 : i32
        %swap3A_60 = arith.index_cast %add3A_52 : i32 to index
        %swap3A_61 = arith.index_cast %swap3A : i32 to index
        %swap3A_62 = arith.constant 0 : index
        %swap3A_63 = tpu.vector_load %arg16[%swap3A_60, %swap3A_61, %swap3A_62] {strides = array<i32>} : memref<7x8x128xf32, #tpu.memory_space<vmem>>, vector<16xf32>,
        tpu.vector_store %arg16[%swap3A_60, %swap3A_61, %swap3A_62], %gather3A {strides = array<i32>} : memref<7x8x128xf32, #tpu.memory_space<vmem>>, vector<16xf32>,
        %add3A_64 = arith.constant 16 : i32
        %add3A_65 = arith.addi %mul3A_54, %add3A_64 : i32
        %add3A_66 = vector.broadcast %add3A_65 : i32 to vector<16xi32>
        %add3A_67 = arith.addi %add3A_66, %iota3A : vector<16xi32>
        %gather3A_68 = tpu.vector_load_idx %arg15[%add3A_67, %broadcast_in_dim3A_55] : memref<896x8xf32, #tpu.memory_space<vmem>>[vector<16xi32>, vector<16xi32>], vector<16xf32>,
        %swap3A_69 = arith.constant 0 : i32
        %swap3A_70 = arith.index_cast %add3A_52 : i32 to index
        %swap3A_71 = arith.index_cast %swap3A_69 : i32 to index
        %swap3A_72 = arith.constant 16 : index
        %swap3A_73 = tpu.vector_load %arg16[%swap3A_70, %swap3A_71, %swap3A_72] {strides = array<i32>} : memref<7x8x128xf32, #tpu.memory_space<vmem>>, vector<16xf32>,
        tpu.vector_store %arg16[%swap3A_70, %swap3A_71, %swap3A_72], %gather3A_68 {strides = array<i32>} : memref<7x8x128xf32, #tpu.memory_space<vmem>>, vector<16xf32>,
        %add3A_74 = arith.constant 32 : i32
        %add3A_75 = arith.addi %mul3A_54, %add3A_74 : i32
        %add3A_76 = vector.broadcast %add3A_75 : i32 to vector<16xi32>
        %add3A_77 = arith.addi %add3A_76, %iota3A : vector<16xi32>
        %gather3A_78 = tpu.vector_load_idx %arg15[%add3A_77, %broadcast_in_dim3A_55] : memref<896x8xf32, #tpu.memory_space<vmem>>[vector<16xi32>, vector<16xi32>], vector<16xf32>,
        %swap3A_79 = arith.constant 0 : i32
        %swap3A_80 = arith.index_cast %add3A_52 : i32 to index
        %swap3A_81 = arith.index_cast %swap3A_79 : i32 to index
        %swap3A_82 = arith.constant 32 : index
        %swap3A_83 = tpu.vector_load %arg16[%swap3A_80, %swap3A_81, %swap3A_82] {strides = array<i32>} : memref<7x8x128xf32, #tpu.memory_space<vmem>>, vector<16xf32>,
        tpu.vector_store %arg16[%swap3A_80, %swap3A_81, %swap3A_82], %gather3A_78 {strides = array<i32>} : memref<7x8x128xf32, #tpu.memory_space<vmem>>, vector<16xf32>,
        %add3A_84 = arith.constant 48 : i32
        %add3A_85 = arith.addi %mul3A_54, %add3A_84 : i32
        %add3A_86 = vector.broadcast %add3A_85 : i32 to vector<16xi32>
        %add3A_87 = arith.addi %add3A_86, %iota3A : vector<16xi32>
        %gather3A_88 = tpu.vector_load_idx %arg15[%add3A_87, %broadcast_in_dim3A_55] : memref<896x8xf32, #tpu.memory_space<vmem>>[vector<16xi32>, vector<16xi32>], vector<16xf32>,
        %swap3A_89 = arith.constant 0 : i32
        %swap3A_90 = arith.index_cast %add3A_52 : i32 to index
        %swap3A_91 = arith.index_cast %swap3A_89 : i32 to index
        %swap3A_92 = arith.constant 48 : index
        %swap3A_93 = tpu.vector_load %arg16[%swap3A_90, %swap3A_91, %swap3A_92] {strides = array<i32>} : memref<7x8x128xf32, #tpu.memory_space<vmem>>, vector<16xf32>,
        tpu.vector_store %arg16[%swap3A_90, %swap3A_91, %swap3A_92], %gather3A_88 {strides = array<i32>} : memref<7x8x128xf32, #tpu.memory_space<vmem>>, vector<16xf32>,
        %add3A_94 = arith.constant 64 : i32
        %add3A_95 = arith.addi %mul3A_54, %add3A_94 : i32
        %add3A_96 = vector.broadcast %add3A_95 : i32 to vector<16xi32>
        %add3A_97 = arith.addi %add3A_96, %iota3A : vector<16xi32>
        %gather3A_98 = tpu.vector_load_idx %arg15[%add3A_97, %broadcast_in_dim3A_55] : memref<896x8xf32, #tpu.memory_space<vmem>>[vector<16xi32>, vector<16xi32>], vector<16xf32>,
        %swap3A_99 = arith.constant 0 : i32
        %swap3A_100 = arith.index_cast %add3A_52 : i32 to index
        %swap3A_101 = arith.index_cast %swap3A_99 : i32 to index
        %swap3A_102 = arith.constant 64 : index
        %swap3A_103 = tpu.vector_load %arg16[%swap3A_100, %swap3A_101, %swap3A_102] {strides = array<i32>} : memref<7x8x128xf32, #tpu.memory_space<vmem>>, vector<16xf32>,
        tpu.vector_store %arg16[%swap3A_100, %swap3A_101, %swap3A_102], %gather3A_98 {strides = array<i32>} : memref<7x8x128xf32, #tpu.memory_space<vmem>>, vector<16xf32>,
        %add3A_104 = arith.constant 80 : i32
        %add3A_105 = arith.addi %mul3A_54, %add3A_104 : i32
        %add3A_106 = vector.broadcast %add3A_105 : i32 to vector<16xi32>
        %add3A_107 = arith.addi %add3A_106, %iota3A : vector<16xi32>
        %gather3A_108 = tpu.vector_load_idx %arg15[%add3A_107, %broadcast_in_dim3A_55] : memref<896x8xf32, #tpu.memory_space<vmem>>[vector<16xi32>, vector<16xi32>], vector<16xf32>,
        %swap3A_109 = arith.constant 0 : i32
        %swap3A_110 = arith.index_cast %add3A_52 : i32 to index
        %swap3A_111 = arith.index_cast %swap3A_109 : i32 to index
        %swap3A_112 = arith.constant 80 : index
        %swap3A_113 = tpu.vector_load %arg16[%swap3A_110, %swap3A_111, %swap3A_112] {strides = array<i32>} : memref<7x8x128xf32, #tpu.memory_space<vmem>>, vector<16xf32>,
        tpu.vector_store %arg16[%swap3A_110, %swap3A_111, %swap3A_112], %gather3A_108 {strides = array<i32>} : memref<7x8x128xf32, #tpu.memory_space<vmem>>, vector<16xf32>,
        %add3A_114 = arith.constant 96 : i32
        %add3A_115 = arith.addi %mul3A_54, %add3A_114 : i32
        %add3A_116 = vector.broadcast %add3A_115 : i32 to vector<16xi32>
        %add3A_117 = arith.addi %add3A_116, %iota3A : vector<16xi32>
        %gather3A_118 = tpu.vector_load_idx %arg15[%add3A_117, %broadcast_in_dim3A_55] : memref<896x8xf32, #tpu.memory_space<vmem>>[vector<16xi32>, vector<16xi32>], vector<16xf32>,
        %swap3A_119 = arith.constant 0 : i32
        %swap3A_120 = arith.index_cast %add3A_52 : i32 to index
        %swap3A_121 = arith.index_cast %swap3A_119 : i32 to index
        %swap3A_122 = arith.constant 96 : index
        %swap3A_123 = tpu.vector_load %arg16[%swap3A_120, %swap3A_121, %swap3A_122] {strides = array<i32>} : memref<7x8x128xf32, #tpu.memory_space<vmem>>, vector<16xf32>,
        tpu.vector_store %arg16[%swap3A_120, %swap3A_121, %swap3A_122], %gather3A_118 {strides = array<i32>} : memref<7x8x128xf32, #tpu.memory_space<vmem>>, vector<16xf32>,
        %add3A_124 = arith.constant 112 : i32
        %add3A_125 = arith.addi %mul3A_54, %add3A_124 : i32
        %add3A_126 = vector.broadcast %add3A_125 : i32 to vector<16xi32>
        %add3A_127 = arith.addi %add3A_126, %iota3A : vector<16xi32>
        %gather3A_128 = tpu.vector_load_idx %arg15[%add3A_127, %broadcast_in_dim3A_55] : memref<896x8xf32, #tpu.memory_space<vmem>>[vector<16xi32>, vector<16xi32>], vector<16xf32>,
        %swap3A_129 = arith.constant 0 : i32
        %swap3A_130 = arith.index_cast %add3A_52 : i32 to index
        %swap3A_131 = arith.index_cast %swap3A_129 : i32 to index
        %swap3A_132 = arith.constant 112 : index
        %swap3A_133 = tpu.vector_load %arg16[%swap3A_130, %swap3A_131, %swap3A_132] {strides = array<i32>} : memref<7x8x128xf32, #tpu.memory_space<vmem>>, vector<16xf32>,
        tpu.vector_store %arg16[%swap3A_130, %swap3A_131, %swap3A_132], %gather3A_128 {strides = array<i32>} : memref<7x8x128xf32, #tpu.memory_space<vmem>>, vector<16xf32>,
        %broadcast_in_dim3A_134 = arith.constant 1 : i32
        %broadcast_in_dim3A_135 = vector.broadcast %broadcast_in_dim3A_134 : i32 to vector<16xi32>
        %add3A_136 = arith.constant 0 : i32
        %add3A_137 = arith.addi %mul3A_54, %add3A_136 : i32
        %add3A_138 = vector.broadcast %add3A_137 : i32 to vector<16xi32>
        %add3A_139 = arith.addi %add3A_138, %iota3A : vector<16xi32>
        %gather3A_140 = tpu.vector_load_idx %arg15[%add3A_139, %broadcast_in_dim3A_135] : memref<896x8xf32, #tpu.memory_space<vmem>>[vector<16xi32>, vector<16xi32>], vector<16xf32>,
        %swap3A_141 = arith.constant 1 : i32
        %swap3A_142 = arith.index_cast %add3A_52 : i32 to index
        %swap3A_143 = arith.index_cast %swap3A_141 : i32 to index
        %swap3A_144 = arith.constant 0 : index
        %swap3A_145 = tpu.vector_load %arg16[%swap3A_142, %swap3A_143, %swap3A_144] {strides = array<i32>} : memref<7x8x128xf32, #tpu.memory_space<vmem>>, vector<16xf32>,
        tpu.vector_store %arg16[%swap3A_142, %swap3A_143, %swap3A_144], %gather3A_140 {strides = array<i32>} : memref<7x8x128xf32, #tpu.memory_space<vmem>>, vector<16xf32>,
        %add3A_146 = arith.constant 16 : i32
        %add3A_147 = arith.addi %mul3A_54, %add3A_146 : i32
        %add3A_148 = vector.broadcast %add3A_147 : i32 to vector<16xi32>
        %add3A_149 = arith.addi %add3A_148, %iota3A : vector<16xi32>
        %gather3A_150 = tpu.vector_load_idx %arg15[%add3A_149, %broadcast_in_dim3A_135] : memref<896x8xf32, #tpu.memory_space<vmem>>[vector<16xi32>, vector<16xi32>], vector<16xf32>,
        %swap3A_151 = arith.constant 1 : i32
        %swap3A_152 = arith.index_cast %add3A_52 : i32 to index
        %swap3A_153 = arith.index_cast %swap3A_151 : i32 to index
        %swap3A_154 = arith.constant 16 : index
        %swap3A_155 = tpu.vector_load %arg16[%swap3A_152, %swap3A_153, %swap3A_154] {strides = array<i32>} : memref<7x8x128xf32, #tpu.memory_space<vmem>>, vector<16xf32>,
        tpu.vector_store %arg16[%swap3A_152, %swap3A_153, %swap3A_154], %gather3A_150 {strides = array<i32>} : memref<7x8x128xf32, #tpu.memory_space<vmem>>, vector<16xf32>,
        %add3A_156 = arith.constant 32 : i32
        %add3A_157 = arith.addi %mul3A_54, %add3A_156 : i32
        %add3A_158 = vector.broadcast %add3A_157 : i32 to vector<16xi32>
        %add3A_159 = arith.addi %add3A_158, %iota3A : vector<16xi32>
        %gather3A_160 = tpu.vector_load_idx %arg15[%add3A_159, %broadcast_in_dim3A_135] : memref<896x8xf32, #tpu.memory_space<vmem>>[vector<16xi32>, vector<16xi32>], vector<16xf32>,
        %swap3A_161 = arith.constant 1 : i32
        %swap3A_162 = arith.index_cast %add3A_52 : i32 to index
        %swap3A_163 = arith.index_cast %swap3A_161 : i32 to index
        %swap3A_164 = arith.constant 32 : index
        %swap3A_165 = tpu.vector_load %arg16[%swap3A_162, %swap3A_163, %swap3A_164] {strides = array<i32>} : memref<7x8x128xf32, #tpu.memory_space<vmem>>, vector<16xf32>,
        tpu.vector_store %arg16[%swap3A_162, %swap3A_163, %swap3A_164], %gather3A_160 {strides = array<i32>} : memref<7x8x128xf32, #tpu.memory_space<vmem>>, vector<16xf32>,
        %add3A_166 = arith.constant 48 : i32
        %add3A_167 = arith.addi %mul3A_54, %add3A_166 : i32
        %add3A_168 = vector.broadcast %add3A_167 : i32 to vector<16xi32>
        %add3A_169 = arith.addi %add3A_168, %iota3A : vector<16xi32>
        %gather3A_170 = tpu.vector_load_idx %arg15[%add3A_169, %broadcast_in_dim3A_135] : memref<896x8xf32, #tpu.memory_space<vmem>>[vector<16xi32>, vector<16xi32>], vector<16xf32>,
        %swap3A_171 = arith.constant 1 : i32
        %swap3A_172 = arith.index_cast %add3A_52 : i32 to index
        %swap3A_173 = arith.index_cast %swap3A_171 : i32 to index
        %swap3A_174 = arith.constant 48 : index
        %swap3A_175 = tpu.vector_load %arg16[%swap3A_172, %swap3A_173, %swap3A_174] {strides = array<i32>} : memref<7x8x128xf32, #tpu.memory_space<vmem>>, vector<16xf32>,
        tpu.vector_store %arg16[%swap3A_172, %swap3A_173, %swap3A_174], %gather3A_170 {strides = array<i32>} : memref<7x8x128xf32, #tpu.memory_space<vmem>>, vector<16xf32>,
        %add3A_176 = arith.constant 64 : i32
        %add3A_177 = arith.addi %mul3A_54, %add3A_176 : i32
        %add3A_178 = vector.broadcast %add3A_177 : i32 to vector<16xi32>
        %add3A_179 = arith.addi %add3A_178, %iota3A : vector<16xi32>
        %gather3A_180 = tpu.vector_load_idx %arg15[%add3A_179, %broadcast_in_dim3A_135] : memref<896x8xf32, #tpu.memory_space<vmem>>[vector<16xi32>, vector<16xi32>], vector<16xf32>,
        %swap3A_181 = arith.constant 1 : i32
        %swap3A_182 = arith.index_cast %add3A_52 : i32 to index
        %swap3A_183 = arith.index_cast %swap3A_181 : i32 to index
        %swap3A_184 = arith.constant 64 : index
        %swap3A_185 = tpu.vector_load %arg16[%swap3A_182, %swap3A_183, %swap3A_184] {strides = array<i32>} : memref<7x8x128xf32, #tpu.memory_space<vmem>>, vector<16xf32>,
        tpu.vector_store %arg16[%swap3A_182, %swap3A_183, %swap3A_184], %gather3A_180 {strides = array<i32>} : memref<7x8x128xf32, #tpu.memory_space<vmem>>, vector<16xf32>,
        %add3A_186 = arith.constant 80 : i32
        %add3A_187 = arith.addi %mul3A_54, %add3A_186 : i32
        %add3A_188 = vector.broadcast %add3A_187 : i32 to vector<16xi32>
        %add3A_189 = arith.addi %add3A_188, %iota3A : vector<16xi32>
        %gather3A_190 = tpu.vector_load_idx %arg15[%add3A_189, %broadcast_in_dim3A_135] : memref<896x8xf32, #tpu.memory_space<vmem>>[vector<16xi32>, vector<16xi32>], vector<16xf32>,
        %swap3A_191 = arith.constant 1 : i32
        %swap3A_192 = arith.index_cast %add3A_52 : i32 to index
        %swap3A_193 = arith.index_cast %swap3A_191 : i32 to index
        %swap3A_194 = arith.constant 80 : index
        %swap3A_195 = tpu.vector_load %arg16[%swap3A_192, %swap3A_193, %swap3A_194] {strides = array<i32>} : memref<7x8x128xf32, #tpu.memory_space<vmem>>, vector<16xf32>,
        tpu.vector_store %arg16[%swap3A_192, %swap3A_193, %swap3A_194], %gather3A_190 {strides = array<i32>} : memref<7x8x128xf32, #tpu.memory_space<vmem>>, vector<16xf32>,
        %add3A_196 = arith.constant 96 : i32
        %add3A_197 = arith.addi %mul3A_54, %add3A_196 : i32
        %add3A_198 = vector.broadcast %add3A_197 : i32 to vector<16xi32>
        %add3A_199 = arith.addi %add3A_198, %iota3A : vector<16xi32>
        %gather3A_200 = tpu.vector_load_idx %arg15[%add3A_199, %broadcast_in_dim3A_135] : memref<896x8xf32, #tpu.memory_space<vmem>>[vector<16xi32>, vector<16xi32>], vector<16xf32>,
        %swap3A_201 = arith.constant 1 : i32
        %swap3A_202 = arith.index_cast %add3A_52 : i32 to index
        %swap3A_203 = arith.index_cast %swap3A_201 : i32 to index
        %swap3A_204 = arith.constant 96 : index
        %swap3A_205 = tpu.vector_load %arg16[%swap3A_202, %swap3A_203, %swap3A_204] {strides = array<i32>} : memref<7x8x128xf32, #tpu.memory_space<vmem>>, vector<16xf32>,
        tpu.vector_store %arg16[%swap3A_202, %swap3A_203, %swap3A_204], %gather3A_200 {strides = array<i32>} : memref<7x8x128xf32, #tpu.memory_space<vmem>>, vector<16xf32>,
        %add3A_206 = arith.constant 112 : i32
        %add3A_207 = arith.addi %mul3A_54, %add3A_206 : i32
        %add3A_208 = vector.broadcast %add3A_207 : i32 to vector<16xi32>
        %add3A_209 = arith.addi %add3A_208, %iota3A : vector<16xi32>
        %gather3A_210 = tpu.vector_load_idx %arg15[%add3A_209, %broadcast_in_dim3A_135] : memref<896x8xf32, #tpu.memory_space<vmem>>[vector<16xi32>, vector<16xi32>], vector<16xf32>,
        %swap3A_211 = arith.constant 1 : i32
        %swap3A_212 = arith.index_cast %add3A_52 : i32 to index
        %swap3A_213 = arith.index_cast %swap3A_211 : i32 to index
        %swap3A_214 = arith.constant 112 : index
        %swap3A_215 = tpu.vector_load %arg16[%swap3A_212, %swap3A_213, %swap3A_214] {strides = array<i32>} : memref<7x8x128xf32, #tpu.memory_space<vmem>>, vector<16xf32>,
        tpu.vector_store %arg16[%swap3A_212, %swap3A_213, %swap3A_214], %gather3A_210 {strides = array<i32>} : memref<7x8x128xf32, #tpu.memory_space<vmem>>, vector<16xf32>,
        %broadcast_in_dim3A_216 = arith.constant 2 : i32
        %broadcast_in_dim3A_217 = vector.broadcast %broadcast_in_dim3A_216 : i32 to vector<16xi32>
        %add3A_218 = arith.constant 0 : i32
        %add3A_219 = arith.addi %mul3A_54, %add3A_218 : i32
        %add3A_220 = vector.broadcast %add3A_219 : i32 to vector<16xi32>
        %add3A_221 = arith.addi %add3A_220, %iota3A : vector<16xi32>
        %gather3A_222 = tpu.vector_load_idx %arg15[%add3A_221, %broadcast_in_dim3A_217] : memref<896x8xf32, #tpu.memory_space<vmem>>[vector<16xi32>, vector<16xi32>], vector<16xf32>,
        %swap3A_223 = arith.constant 2 : i32
        %swap3A_224 = arith.index_cast %add3A_52 : i32 to index
        %swap3A_225 = arith.index_cast %swap3A_223 : i32 to index
        %swap3A_226 = arith.constant 0 : index
        %swap3A_227 = tpu.vector_load %arg16[%swap3A_224, %swap3A_225, %swap3A_226] {strides = array<i32>} : memref<7x8x128xf32, #tpu.memory_space<vmem>>, vector<16xf32>,
        tpu.vector_store %arg16[%swap3A_224, %swap3A_225, %swap3A_226], %gather3A_222 {strides = array<i32>} : memref<7x8x128xf32, #tpu.memory_space<vmem>>, vector<16xf32>,
        %add3A_228 = arith.constant 16 : i32
        %add3A_229 = arith.addi %mul3A_54, %add3A_228 : i32
        %add3A_230 = vector.broadcast %add3A_229 : i32 to vector<16xi32>
        %add3A_231 = arith.addi %add3A_230, %iota3A : vector<16xi32>
        %gather3A_232 = tpu.vector_load_idx %arg15[%add3A_231, %broadcast_in_dim3A_217] : memref<896x8xf32, #tpu.memory_space<vmem>>[vector<16xi32>, vector<16xi32>], vector<16xf32>,
        %swap3A_233 = arith.constant 2 : i32
        %swap3A_234 = arith.index_cast %add3A_52 : i32 to index
        %swap3A_235 = arith.index_cast %swap3A_233 : i32 to index
        %swap3A_236 = arith.constant 16 : index
        %swap3A_237 = tpu.vector_load %arg16[%swap3A_234, %swap3A_235, %swap3A_236] {strides = array<i32>} : memref<7x8x128xf32, #tpu.memory_space<vmem>>, vector<16xf32>,
        tpu.vector_store %arg16[%swap3A_234, %swap3A_235, %swap3A_236], %gather3A_232 {strides = array<i32>} : memref<7x8x128xf32, #tpu.memory_space<vmem>>, vector<16xf32>,
        %add3A_238 = arith.constant 32 : i32
        %add3A_239 = arith.addi %mul3A_54, %add3A_238 : i32
        %add3A_240 = vector.broadcast %add3A_239 : i32 to vector<16xi32>
        %add3A_241 = arith.addi %add3A_240, %iota3A : vector<16xi32>
        %gather3A_242 = tpu.vector_load_idx %arg15[%add3A_241, %broadcast_in_dim3A_217] : memref<896x8xf32, #tpu.memory_space<vmem>>[vector<16xi32>, vector<16xi32>], vector<16xf32>,
        %swap3A_243 = arith.constant 2 : i32
        %swap3A_244 = arith.index_cast %add3A_52 : i32 to index
        %swap3A_245 = arith.index_cast %swap3A_243 : i32 to index
        %swap3A_246 = arith.constant 32 : index
        %swap3A_247 = tpu.vector_load %arg16[%swap3A_244, %swap3A_245, %swap3A_246] {strides = array<i32>} : memref<7x8x128xf32, #tpu.memory_space<vmem>>, vector<16xf32>,
        tpu.vector_store %arg16[%swap3A_244, %swap3A_245, %swap3A_246], %gather3A_242 {strides = array<i32>} : memref<7x8x128xf32, #tpu.memory_space<vmem>>, vector<16xf32>,
        %add3A_248 = arith.constant 48 : i32
        %add3A_249 = arith.addi %mul3A_54, %add3A_248 : i32
        %add3A_250 = vector.broadcast %add3A_249 : i32 to vector<16xi32>
        %add3A_251 = arith.addi %add3A_250, %iota3A : vector<16xi32>
        %gather3A_252 = tpu.vector_load_idx %arg15[%add3A_251, %broadcast_in_dim3A_217] : memref<896x8xf32, #tpu.memory_space<vmem>>[vector<16xi32>, vector<16xi32>], vector<16xf32>,
        %swap3A_253 = arith.constant 2 : i32
        %swap3A_254 = arith.index_cast %add3A_52 : i32 to index
        %swap3A_255 = arith.index_cast %swap3A_253 : i32 to index
        %swap3A_256 = arith.constant 48 : index
        %swap3A_257 = tpu.vector_load %arg16[%swap3A_254, %swap3A_255, %swap3A_256] {strides = array<i32>} : memref<7x8x128xf32, #tpu.memory_space<vmem>>, vector<16xf32>,
        tpu.vector_store %arg16[%swap3A_254, %swap3A_255, %swap3A_256], %gather3A_252 {strides = array<i32>} : memref<7x8x128xf32, #tpu.memory_space<vmem>>, vector<16xf32>,
        %add3A_258 = arith.constant 64 : i32
        %add3A_259 = arith.addi %mul3A_54, %add3A_258 : i32
        %add3A_260 = vector.broadcast %add3A_259 : i32 to vector<16xi32>
        %add3A_261 = arith.addi %add3A_260, %iota3A : vector<16xi32>
        %gather3A_262 = tpu.vector_load_idx %arg15[%add3A_261, %broadcast_in_dim3A_217] : memref<896x8xf32, #tpu.memory_space<vmem>>[vector<16xi32>, vector<16xi32>], vector<16xf32>,
        %swap3A_263 = arith.constant 2 : i32
        %swap3A_264 = arith.index_cast %add3A_52 : i32 to index
        %swap3A_265 = arith.index_cast %swap3A_263 : i32 to index
        %swap3A_266 = arith.constant 64 : index
        %swap3A_267 = tpu.vector_load %arg16[%swap3A_264, %swap3A_265, %swap3A_266] {strides = array<i32>} : memref<7x8x128xf32, #tpu.memory_space<vmem>>, vector<16xf32>,
        tpu.vector_store %arg16[%swap3A_264, %swap3A_265, %swap3A_266], %gather3A_262 {strides = array<i32>} : memref<7x8x128xf32, #tpu.memory_space<vmem>>, vector<16xf32>,
        %add3A_268 = arith.constant 80 : i32
        %add3A_269 = arith.addi %mul3A_54, %add3A_268 : i32
        %add3A_270 = vector.broadcast %add3A_269 : i32 to vector<16xi32>
        %add3A_271 = arith.addi %add3A_270, %iota3A : vector<16xi32>
        %gather3A_272 = tpu.vector_load_idx %arg15[%add3A_271, %broadcast_in_dim3A_217] : memref<896x8xf32, #tpu.memory_space<vmem>>[vector<16xi32>, vector<16xi32>], vector<16xf32>,
        %swap3A_273 = arith.constant 2 : i32
        %swap3A_274 = arith.index_cast %add3A_52 : i32 to index
        %swap3A_275 = arith.index_cast %swap3A_273 : i32 to index
        %swap3A_276 = arith.constant 80 : index
        %swap3A_277 = tpu.vector_load %arg16[%swap3A_274, %swap3A_275, %swap3A_276] {strides = array<i32>} : memref<7x8x128xf32, #tpu.memory_space<vmem>>, vector<16xf32>,
        tpu.vector_store %arg16[%swap3A_274, %swap3A_275, %swap3A_276], %gather3A_272 {strides = array<i32>} : memref<7x8x128xf32, #tpu.memory_space<vmem>>, vector<16xf32>,
        %add3A_278 = arith.constant 96 : i32
        %add3A_279 = arith.addi %mul3A_54, %add3A_278 : i32
        %add3A_280 = vector.broadcast %add3A_279 : i32 to vector<16xi32>
        %add3A_281 = arith.addi %add3A_280, %iota3A : vector<16xi32>
        %gather3A_282 = tpu.vector_load_idx %arg15[%add3A_281, %broadcast_in_dim3A_217] : memref<896x8xf32, #tpu.memory_space<vmem>>[vector<16xi32>, vector<16xi32>], vector<16xf32>,
        %swap3A_283 = arith.constant 2 : i32
        %swap3A_284 = arith.index_cast %add3A_52 : i32 to index
        %swap3A_285 = arith.index_cast %swap3A_283 : i32 to index
        %swap3A_286 = arith.constant 96 : index
        %swap3A_287 = tpu.vector_load %arg16[%swap3A_284, %swap3A_285, %swap3A_286] {strides = array<i32>} : memref<7x8x128xf32, #tpu.memory_space<vmem>>, vector<16xf32>,
        tpu.vector_store %arg16[%swap3A_284, %swap3A_285, %swap3A_286], %gather3A_282 {strides = array<i32>} : memref<7x8x128xf32, #tpu.memory_space<vmem>>, vector<16xf32>,
        %add3A_288 = arith.constant 112 : i32
        %add3A_289 = arith.addi %mul3A_54, %add3A_288 : i32
        %add3A_290 = vector.broadcast %add3A_289 : i32 to vector<16xi32>
        %add3A_291 = arith.addi %add3A_290, %iota3A : vector<16xi32>
        %gather3A_292 = tpu.vector_load_idx %arg15[%add3A_291, %broadcast_in_dim3A_217] : memref<896x8xf32, #tpu.memory_space<vmem>>[vector<16xi32>, vector<16xi32>], vector<16xf32>,
        %swap3A_293 = arith.constant 2 : i32
        %swap3A_294 = arith.index_cast %add3A_52 : i32 to index
        %swap3A_295 = arith.index_cast %swap3A_293 : i32 to index
        %swap3A_296 = arith.constant 112 : index
        %swap3A_297 = tpu.vector_load %arg16[%swap3A_294, %swap3A_295, %swap3A_296] {strides = array<i32>} : memref<7x8x128xf32, #tpu.memory_space<vmem>>, vector<16xf32>,
        tpu.vector_store %arg16[%swap3A_294, %swap3A_295, %swap3A_296], %gather3A_292 {strides = array<i32>} : memref<7x8x128xf32, #tpu.memory_space<vmem>>, vector<16xf32>,
        %broadcast_in_dim3A_298 = arith.constant 3 : i32
        %broadcast_in_dim3A_299 = vector.broadcast %broadcast_in_dim3A_298 : i32 to vector<16xi32>
        %add3A_300 = arith.constant 0 : i32
        %add3A_301 = arith.addi %mul3A_54, %add3A_300 : i32
        %add3A_302 = vector.broadcast %add3A_301 : i32 to vector<16xi32>
        %add3A_303 = arith.addi %add3A_302, %iota3A : vector<16xi32>
        %gather3A_304 = tpu.vector_load_idx %arg15[%add3A_303, %broadcast_in_dim3A_299] : memref<896x8xf32, #tpu.memory_space<vmem>>[vector<16xi32>, vector<16xi32>], vector<16xf32>,
        %swap3A_305 = arith.constant 3 : i32
        %swap3A_306 = arith.index_cast %add3A_52 : i32 to index
        %swap3A_307 = arith.index_cast %swap3A_305 : i32 to index
        %swap3A_308 = arith.constant 0 : index
        %swap3A_309 = tpu.vector_load %arg16[%swap3A_306, %swap3A_307, %swap3A_308] {strides = array<i32>} : memref<7x8x128xf32, #tpu.memory_space<vmem>>, vector<16xf32>,
        tpu.vector_store %arg16[%swap3A_306, %swap3A_307, %swap3A_308], %gather3A_304 {strides = array<i32>} : memref<7x8x128xf32, #tpu.memory_space<vmem>>, vector<16xf32>,
        %add3A_310 = arith.constant 16 : i32
        %add3A_311 = arith.addi %mul3A_54, %add3A_310 : i32
        %add3A_312 = vector.broadcast %add3A_311 : i32 to vector<16xi32>
        %add3A_313 = arith.addi %add3A_312, %iota3A : vector<16xi32>
        %gather3A_314 = tpu.vector_load_idx %arg15[%add3A_313, %broadcast_in_dim3A_299] : memref<896x8xf32, #tpu.memory_space<vmem>>[vector<16xi32>, vector<16xi32>], vector<16xf32>,
        %swap3A_315 = arith.constant 3 : i32
        %swap3A_316 = arith.index_cast %add3A_52 : i32 to index
        %swap3A_317 = arith.index_cast %swap3A_315 : i32 to index
        %swap3A_318 = arith.constant 16 : index
        %swap3A_319 = tpu.vector_load %arg16[%swap3A_316, %swap3A_317, %swap3A_318] {strides = array<i32>} : memref<7x8x128xf32, #tpu.memory_space<vmem>>, vector<16xf32>,
        tpu.vector_store %arg16[%swap3A_316, %swap3A_317, %swap3A_318], %gather3A_314 {strides = array<i32>} : memref<7x8x128xf32, #tpu.memory_space<vmem>>, vector<16xf32>,
        %add3A_320 = arith.constant 32 : i32
        %add3A_321 = arith.addi %mul3A_54, %add3A_320 : i32
        %add3A_322 = vector.broadcast %add3A_321 : i32 to vector<16xi32>
        %add3A_323 = arith.addi %add3A_322, %iota3A : vector<16xi32>
        %gather3A_324 = tpu.vector_load_idx %arg15[%add3A_323, %broadcast_in_dim3A_299] : memref<896x8xf32, #tpu.memory_space<vmem>>[vector<16xi32>, vector<16xi32>], vector<16xf32>,
        %swap3A_325 = arith.constant 3 : i32
        %swap3A_326 = arith.index_cast %add3A_52 : i32 to index
        %swap3A_327 = arith.index_cast %swap3A_325 : i32 to index
        %swap3A_328 = arith.constant 32 : index
        %swap3A_329 = tpu.vector_load %arg16[%swap3A_326, %swap3A_327, %swap3A_328] {strides = array<i32>} : memref<7x8x128xf32, #tpu.memory_space<vmem>>, vector<16xf32>,
        tpu.vector_store %arg16[%swap3A_326, %swap3A_327, %swap3A_328], %gather3A_324 {strides = array<i32>} : memref<7x8x128xf32, #tpu.memory_space<vmem>>, vector<16xf32>,
        %add3A_330 = arith.constant 48 : i32
        %add3A_331 = arith.addi %mul3A_54, %add3A_330 : i32
        %add3A_332 = vector.broadcast %add3A_331 : i32 to vector<16xi32>
        %add3A_333 = arith.addi %add3A_332, %iota3A : vector<16xi32>
        %gather3A_334 = tpu.vector_load_idx %arg15[%add3A_333, %broadcast_in_dim3A_299] : memref<896x8xf32, #tpu.memory_space<vmem>>[vector<16xi32>, vector<16xi32>], vector<16xf32>,
        %swap3A_335 = arith.constant 3 : i32
        %swap3A_336 = arith.index_cast %add3A_52 : i32 to index
        %swap3A_337 = arith.index_cast %swap3A_335 : i32 to index
        %swap3A_338 = arith.constant 48 : index
        %swap3A_339 = tpu.vector_load %arg16[%swap3A_336, %swap3A_337, %swap3A_338] {strides = array<i32>} : memref<7x8x128xf32, #tpu.memory_space<vmem>>, vector<16xf32>,
        tpu.vector_store %arg16[%swap3A_336, %swap3A_337, %swap3A_338], %gather3A_334 {strides = array<i32>} : memref<7x8x128xf32, #tpu.memory_space<vmem>>, vector<16xf32>,
        %add3A_340 = arith.constant 64 : i32
        %add3A_341 = arith.addi %mul3A_54, %add3A_340 : i32
        %add3A_342 = vector.broadcast %add3A_341 : i32 to vector<16xi32>
        %add3A_343 = arith.addi %add3A_342, %iota3A : vector<16xi32>
        %gather3A_344 = tpu.vector_load_idx %arg15[%add3A_343, %broadcast_in_dim3A_299] : memref<896x8xf32, #tpu.memory_space<vmem>>[vector<16xi32>, vector<16xi32>], vector<16xf32>,
        %swap3A_345 = arith.constant 3 : i32
        %swap3A_346 = arith.index_cast %add3A_52 : i32 to index
        %swap3A_347 = arith.index_cast %swap3A_345 : i32 to index
        %swap3A_348 = arith.constant 64 : index
        %swap3A_349 = tpu.vector_load %arg16[%swap3A_346, %swap3A_347, %swap3A_348] {strides = array<i32>} : memref<7x8x128xf32, #tpu.memory_space<vmem>>, vector<16xf32>,
        tpu.vector_store %arg16[%swap3A_346, %swap3A_347, %swap3A_348], %gather3A_344 {strides = array<i32>} : memref<7x8x128xf32, #tpu.memory_space<vmem>>, vector<16xf32>,
        %add3A_350 = arith.constant 80 : i32
        %add3A_351 = arith.addi %mul3A_54, %add3A_350 : i32
        %add3A_352 = vector.broadcast %add3A_351 : i32 to vector<16xi32>
        %add3A_353 = arith.addi %add3A_352, %iota3A : vector<16xi32>
        %gather3A_354 = tpu.vector_load_idx %arg15[%add3A_353, %broadcast_in_dim3A_299] : memref<896x8xf32, #tpu.memory_space<vmem>>[vector<16xi32>, vector<16xi32>], vector<16xf32>,
        %swap3A_355 = arith.constant 3 : i32
        %swap3A_356 = arith.index_cast %add3A_52 : i32 to index
        %swap3A_357 = arith.index_cast %swap3A_355 : i32 to index
        %swap3A_358 = arith.constant 80 : index
        %swap3A_359 = tpu.vector_load %arg16[%swap3A_356, %swap3A_357, %swap3A_358] {strides = array<i32>} : memref<7x8x128xf32, #tpu.memory_space<vmem>>, vector<16xf32>,
        tpu.vector_store %arg16[%swap3A_356, %swap3A_357, %swap3A_358], %gather3A_354 {strides = array<i32>} : memref<7x8x128xf32, #tpu.memory_space<vmem>>, vector<16xf32>,
        %add3A_360 = arith.constant 96 : i32
        %add3A_361 = arith.addi %mul3A_54, %add3A_360 : i32
        %add3A_362 = vector.broadcast %add3A_361 : i32 to vector<16xi32>
        %add3A_363 = arith.addi %add3A_362, %iota3A : vector<16xi32>
        %gather3A_364 = tpu.vector_load_idx %arg15[%add3A_363, %broadcast_in_dim3A_299] : memref<896x8xf32, #tpu.memory_space<vmem>>[vector<16xi32>, vector<16xi32>], vector<16xf32>,
        %swap3A_365 = arith.constant 3 : i32
        %swap3A_366 = arith.index_cast %add3A_52 : i32 to index
        %swap3A_367 = arith.index_cast %swap3A_365 : i32 to index
        %swap3A_368 = arith.constant 96 : index
        %swap3A_369 = tpu.vector_load %arg16[%swap3A_366, %swap3A_367, %swap3A_368] {strides = array<i32>} : memref<7x8x128xf32, #tpu.memory_space<vmem>>, vector<16xf32>,
        tpu.vector_store %arg16[%swap3A_366, %swap3A_367, %swap3A_368], %gather3A_364 {strides = array<i32>} : memref<7x8x128xf32, #tpu.memory_space<vmem>>, vector<16xf32>,
        %add3A_370 = arith.constant 112 : i32
        %add3A_371 = arith.addi %mul3A_54, %add3A_370 : i32
        %add3A_372 = vector.broadcast %add3A_371 : i32 to vector<16xi32>
        %add3A_373 = arith.addi %add3A_372, %iota3A : vector<16xi32>
        %gather3A_374 = tpu.vector_load_idx %arg15[%add3A_373, %broadcast_in_dim3A_299] : memref<896x8xf32, #tpu.memory_space<vmem>>[vector<16xi32>, vector<16xi32>], vector<16xf32>,
        %swap3A_375 = arith.constant 3 : i32
        %swap3A_376 = arith.index_cast %add3A_52 : i32 to index
        %swap3A_377 = arith.index_cast %swap3A_375 : i32 to index
        %swap3A_378 = arith.constant 112 : index
        %swap3A_379 = tpu.vector_load %arg16[%swap3A_376, %swap3A_377, %swap3A_378] {strides = array<i32>} : memref<7x8x128xf32, #tpu.memory_space<vmem>>, vector<16xf32>,
        tpu.vector_store %arg16[%swap3A_376, %swap3A_377, %swap3A_378], %gather3A_374 {strides = array<i32>} : memref<7x8x128xf32, #tpu.memory_space<vmem>>, vector<16xf32>,
        %broadcast_in_dim3A_380 = arith.constant 4 : i32
        %broadcast_in_dim3A_381 = vector.broadcast %broadcast_in_dim3A_380 : i32 to vector<16xi32>
        %add3A_382 = arith.constant 0 : i32
        %add3A_383 = arith.addi %mul3A_54, %add3A_382 : i32
        %add3A_384 = vector.broadcast %add3A_383 : i32 to vector<16xi32>
        %add3A_385 = arith.addi %add3A_384, %iota3A : vector<16xi32>
        %gather3A_386 = tpu.vector_load_idx %arg15[%add3A_385, %broadcast_in_dim3A_381] : memref<896x8xf32, #tpu.memory_space<vmem>>[vector<16xi32>, vector<16xi32>], vector<16xf32>,
        %swap3A_387 = arith.constant 4 : i32
        %swap3A_388 = arith.index_cast %add3A_52 : i32 to index
        %swap3A_389 = arith.index_cast %swap3A_387 : i32 to index
        %swap3A_390 = arith.constant 0 : index
        %swap3A_391 = tpu.vector_load %arg16[%swap3A_388, %swap3A_389, %swap3A_390] {strides = array<i32>} : memref<7x8x128xf32, #tpu.memory_space<vmem>>, vector<16xf32>,
        tpu.vector_store %arg16[%swap3A_388, %swap3A_389, %swap3A_390], %gather3A_386 {strides = array<i32>} : memref<7x8x128xf32, #tpu.memory_space<vmem>>, vector<16xf32>,
        %add3A_392 = arith.constant 16 : i32
        %add3A_393 = arith.addi %mul3A_54, %add3A_392 : i32
        %add3A_394 = vector.broadcast %add3A_393 : i32 to vector<16xi32>
        %add3A_395 = arith.addi %add3A_394, %iota3A : vector<16xi32>
        %gather3A_396 = tpu.vector_load_idx %arg15[%add3A_395, %broadcast_in_dim3A_381] : memref<896x8xf32, #tpu.memory_space<vmem>>[vector<16xi32>, vector<16xi32>], vector<16xf32>,
        %swap3A_397 = arith.constant 4 : i32
        %swap3A_398 = arith.index_cast %add3A_52 : i32 to index
        %swap3A_399 = arith.index_cast %swap3A_397 : i32 to index
        %swap3A_400 = arith.constant 16 : index
        %swap3A_401 = tpu.vector_load %arg16[%swap3A_398, %swap3A_399, %swap3A_400] {strides = array<i32>} : memref<7x8x128xf32, #tpu.memory_space<vmem>>, vector<16xf32>,
        tpu.vector_store %arg16[%swap3A_398, %swap3A_399, %swap3A_400], %gather3A_396 {strides = array<i32>} : memref<7x8x128xf32, #tpu.memory_space<vmem>>, vector<16xf32>,
        %add3A_402 = arith.constant 32 : i32
        %add3A_403 = arith.addi %mul3A_54, %add3A_402 : i32
        %add3A_404 = vector.broadcast %add3A_403 : i32 to vector<16xi32>
        %add3A_405 = arith.addi %add3A_404, %iota3A : vector<16xi32>
        %gather3A_406 = tpu.vector_load_idx %arg15[%add3A_405, %broadcast_in_dim3A_381] : memref<896x8xf32, #tpu.memory_space<vmem>>[vector<16xi32>, vector<16xi32>], vector<16xf32>,
        %swap3A_407 = arith.constant 4 : i32
        %swap3A_408 = arith.index_cast %add3A_52 : i32 to index
        %swap3A_409 = arith.index_cast %swap3A_407 : i32 to index
        %swap3A_410 = arith.constant 32 : index
        %swap3A_411 = tpu.vector_load %arg16[%swap3A_408, %swap3A_409, %swap3A_410] {strides = array<i32>} : memref<7x8x128xf32, #tpu.memory_space<vmem>>, vector<16xf32>,
        tpu.vector_store %arg16[%swap3A_408, %swap3A_409, %swap3A_410], %gather3A_406 {strides = array<i32>} : memref<7x8x128xf32, #tpu.memory_space<vmem>>, vector<16xf32>,
        %add3A_412 = arith.constant 48 : i32
        %add3A_413 = arith.addi %mul3A_54, %add3A_412 : i32
        %add3A_414 = vector.broadcast %add3A_413 : i32 to vector<16xi32>
        %add3A_415 = arith.addi %add3A_414, %iota3A : vector<16xi32>
        %gather3A_416 = tpu.vector_load_idx %arg15[%add3A_415, %broadcast_in_dim3A_381] : memref<896x8xf32, #tpu.memory_space<vmem>>[vector<16xi32>, vector<16xi32>], vector<16xf32>,
        %swap3A_417 = arith.constant 4 : i32
        %swap3A_418 = arith.index_cast %add3A_52 : i32 to index
        %swap3A_419 = arith.index_cast %swap3A_417 : i32 to index
        %swap3A_420 = arith.constant 48 : index
        %swap3A_421 = tpu.vector_load %arg16[%swap3A_418, %swap3A_419, %swap3A_420] {strides = array<i32>} : memref<7x8x128xf32, #tpu.memory_space<vmem>>, vector<16xf32>,
        tpu.vector_store %arg16[%swap3A_418, %swap3A_419, %swap3A_420], %gather3A_416 {strides = array<i32>} : memref<7x8x128xf32, #tpu.memory_space<vmem>>, vector<16xf32>,
        %add3A_422 = arith.constant 64 : i32
        %add3A_423 = arith.addi %mul3A_54, %add3A_422 : i32
        %add3A_424 = vector.broadcast %add3A_423 : i32 to vector<16xi32>
        %add3A_425 = arith.addi %add3A_424, %iota3A : vector<16xi32>
        %gather3A_426 = tpu.vector_load_idx %arg15[%add3A_425, %broadcast_in_dim3A_381] : memref<896x8xf32, #tpu.memory_space<vmem>>[vector<16xi32>, vector<16xi32>], vector<16xf32>,
        %swap3A_427 = arith.constant 4 : i32
        %swap3A_428 = arith.index_cast %add3A_52 : i32 to index
        %swap3A_429 = arith.index_cast %swap3A_427 : i32 to index
        %swap3A_430 = arith.constant 64 : index
        %swap3A_431 = tpu.vector_load %arg16[%swap3A_428, %swap3A_429, %swap3A_430] {strides = array<i32>} : memref<7x8x128xf32, #tpu.memory_space<vmem>>, vector<16xf32>,
        tpu.vector_store %arg16[%swap3A_428, %swap3A_429, %swap3A_430], %gather3A_426 {strides = array<i32>} : memref<7x8x128xf32, #tpu.memory_space<vmem>>, vector<16xf32>,
        %add3A_432 = arith.constant 80 : i32
        %add3A_433 = arith.addi %mul3A_54, %add3A_432 : i32
        %add3A_434 = vector.broadcast %add3A_433 : i32 to vector<16xi32>
        %add3A_435 = arith.addi %add3A_434, %iota3A : vector<16xi32>
        %gather3A_436 = tpu.vector_load_idx %arg15[%add3A_435, %broadcast_in_dim3A_381] : memref<896x8xf32, #tpu.memory_space<vmem>>[vector<16xi32>, vector<16xi32>], vector<16xf32>,
        %swap3A_437 = arith.constant 4 : i32
        %swap3A_438 = arith.index_cast %add3A_52 : i32 to index
        %swap3A_439 = arith.index_cast %swap3A_437 : i32 to index
        %swap3A_440 = arith.constant 80 : index
        %swap3A_441 = tpu.vector_load %arg16[%swap3A_438, %swap3A_439, %swap3A_440] {strides = array<i32>} : memref<7x8x128xf32, #tpu.memory_space<vmem>>, vector<16xf32>,
        tpu.vector_store %arg16[%swap3A_438, %swap3A_439, %swap3A_440], %gather3A_436 {strides = array<i32>} : memref<7x8x128xf32, #tpu.memory_space<vmem>>, vector<16xf32>,
        %add3A_442 = arith.constant 96 : i32
        %add3A_443 = arith.addi %mul3A_54, %add3A_442 : i32
        %add3A_444 = vector.broadcast %add3A_443 : i32 to vector<16xi32>
        %add3A_445 = arith.addi %add3A_444, %iota3A : vector<16xi32>
        %gather3A_446 = tpu.vector_load_idx %arg15[%add3A_445, %broadcast_in_dim3A_381] : memref<896x8xf32, #tpu.memory_space<vmem>>[vector<16xi32>, vector<16xi32>], vector<16xf32>,
        %swap3A_447 = arith.constant 4 : i32
        %swap3A_448 = arith.index_cast %add3A_52 : i32 to index
        %swap3A_449 = arith.index_cast %swap3A_447 : i32 to index
        %swap3A_450 = arith.constant 96 : index
        %swap3A_451 = tpu.vector_load %arg16[%swap3A_448, %swap3A_449, %swap3A_450] {strides = array<i32>} : memref<7x8x128xf32, #tpu.memory_space<vmem>>, vector<16xf32>,
        tpu.vector_store %arg16[%swap3A_448, %swap3A_449, %swap3A_450], %gather3A_446 {strides = array<i32>} : memref<7x8x128xf32, #tpu.memory_space<vmem>>, vector<16xf32>,
        %add3A_452 = arith.constant 112 : i32
        %add3A_453 = arith.addi %mul3A_54, %add3A_452 : i32
        %add3A_454 = vector.broadcast %add3A_453 : i32 to vector<16xi32>
        %add3A_455 = arith.addi %add3A_454, %iota3A : vector<16xi32>
        %gather3A_456 = tpu.vector_load_idx %arg15[%add3A_455, %broadcast_in_dim3A_381] : memref<896x8xf32, #tpu.memory_space<vmem>>[vector<16xi32>, vector<16xi32>], vector<16xf32>,
        %swap3A_457 = arith.constant 4 : i32
        %swap3A_458 = arith.index_cast %add3A_52 : i32 to index
        %swap3A_459 = arith.index_cast %swap3A_457 : i32 to index
        %swap3A_460 = arith.constant 112 : index
        %swap3A_461 = tpu.vector_load %arg16[%swap3A_458, %swap3A_459, %swap3A_460] {strides = array<i32>} : memref<7x8x128xf32, #tpu.memory_space<vmem>>, vector<16xf32>,
        tpu.vector_store %arg16[%swap3A_458, %swap3A_459, %swap3A_460], %gather3A_456 {strides = array<i32>} : memref<7x8x128xf32, #tpu.memory_space<vmem>>, vector<16xf32>,
        %broadcast_in_dim3A_462 = arith.constant 5 : i32
        %broadcast_in_dim3A_463 = vector.broadcast %broadcast_in_dim3A_462 : i32 to vector<16xi32>
        %add3A_464 = arith.constant 0 : i32
        %add3A_465 = arith.addi %mul3A_54, %add3A_464 : i32
        %add3A_466 = vector.broadcast %add3A_465 : i32 to vector<16xi32>
        %add3A_467 = arith.addi %add3A_466, %iota3A : vector<16xi32>
        %gather3A_468 = tpu.vector_load_idx %arg15[%add3A_467, %broadcast_in_dim3A_463] : memref<896x8xf32, #tpu.memory_space<vmem>>[vector<16xi32>, vector<16xi32>], vector<16xf32>,
        %swap3A_469 = arith.constant 5 : i32
        %swap3A_470 = arith.index_cast %add3A_52 : i32 to index
        %swap3A_471 = arith.index_cast %swap3A_469 : i32 to index
        %swap3A_472 = arith.constant 0 : index
        %swap3A_473 = tpu.vector_load %arg16[%swap3A_470, %swap3A_471, %swap3A_472] {strides = array<i32>} : memref<7x8x128xf32, #tpu.memory_space<vmem>>, vector<16xf32>,
        tpu.vector_store %arg16[%swap3A_470, %swap3A_471, %swap3A_472], %gather3A_468 {strides = array<i32>} : memref<7x8x128xf32, #tpu.memory_space<vmem>>, vector<16xf32>,
        %add3A_474 = arith.constant 16 : i32
        %add3A_475 = arith.addi %mul3A_54, %add3A_474 : i32
        %add3A_476 = vector.broadcast %add3A_475 : i32 to vector<16xi32>
        %add3A_477 = arith.addi %add3A_476, %iota3A : vector<16xi32>
        %gather3A_478 = tpu.vector_load_idx %arg15[%add3A_477, %broadcast_in_dim3A_463] : memref<896x8xf32, #tpu.memory_space<vmem>>[vector<16xi32>, vector<16xi32>], vector<16xf32>,
        %swap3A_479 = arith.constant 5 : i32
        %swap3A_480 = arith.index_cast %add3A_52 : i32 to index
        %swap3A_481 = arith.index_cast %swap3A_479 : i32 to index
        %swap3A_482 = arith.constant 16 : index
        %swap3A_483 = tpu.vector_load %arg16[%swap3A_480, %swap3A_481, %swap3A_482] {strides = array<i32>} : memref<7x8x128xf32, #tpu.memory_space<vmem>>, vector<16xf32>,
        tpu.vector_store %arg16[%swap3A_480, %swap3A_481, %swap3A_482], %gather3A_478 {strides = array<i32>} : memref<7x8x128xf32, #tpu.memory_space<vmem>>, vector<16xf32>,
        %add3A_484 = arith.constant 32 : i32
        %add3A_485 = arith.addi %mul3A_54, %add3A_484 : i32
        %add3A_486 = vector.broadcast %add3A_485 : i32 to vector<16xi32>
        %add3A_487 = arith.addi %add3A_486, %iota3A : vector<16xi32>
        %gather3A_488 = tpu.vector_load_idx %arg15[%add3A_487, %broadcast_in_dim3A_463] : memref<896x8xf32, #tpu.memory_space<vmem>>[vector<16xi32>, vector<16xi32>], vector<16xf32>,
        %swap3A_489 = arith.constant 5 : i32
        %swap3A_490 = arith.index_cast %add3A_52 : i32 to index
        %swap3A_491 = arith.index_cast %swap3A_489 : i32 to index
        %swap3A_492 = arith.constant 32 : index
        %swap3A_493 = tpu.vector_load %arg16[%swap3A_490, %swap3A_491, %swap3A_492] {strides = array<i32>} : memref<7x8x128xf32, #tpu.memory_space<vmem>>, vector<16xf32>,
        tpu.vector_store %arg16[%swap3A_490, %swap3A_491, %swap3A_492], %gather3A_488 {strides = array<i32>} : memref<7x8x128xf32, #tpu.memory_space<vmem>>, vector<16xf32>,
        %add3A_494 = arith.constant 48 : i32
        %add3A_495 = arith.addi %mul3A_54, %add3A_494 : i32
        %add3A_496 = vector.broadcast %add3A_495 : i32 to vector<16xi32>
        %add3A_497 = arith.addi %add3A_496, %iota3A : vector<16xi32>
        %gather3A_498 = tpu.vector_load_idx %arg15[%add3A_497, %broadcast_in_dim3A_463] : memref<896x8xf32, #tpu.memory_space<vmem>>[vector<16xi32>, vector<16xi32>], vector<16xf32>,
        %swap3A_499 = arith.constant 5 : i32
        %swap3A_500 = arith.index_cast %add3A_52 : i32 to index
        %swap3A_501 = arith.index_cast %swap3A_499 : i32 to index
        %swap3A_502 = arith.constant 48 : index
        %swap3A_503 = tpu.vector_load %arg16[%swap3A_500, %swap3A_501, %swap3A_502] {strides = array<i32>} : memref<7x8x128xf32, #tpu.memory_space<vmem>>, vector<16xf32>,
        tpu.vector_store %arg16[%swap3A_500, %swap3A_501, %swap3A_502], %gather3A_498 {strides = array<i32>} : memref<7x8x128xf32, #tpu.memory_space<vmem>>, vector<16xf32>,
        %add3A_504 = arith.constant 64 : i32
        %add3A_505 = arith.addi %mul3A_54, %add3A_504 : i32
        %add3A_506 = vector.broadcast %add3A_505 : i32 to vector<16xi32>
        %add3A_507 = arith.addi %add3A_506, %iota3A : vector<16xi32>
        %gather3A_508 = tpu.vector_load_idx %arg15[%add3A_507, %broadcast_in_dim3A_463] : memref<896x8xf32, #tpu.memory_space<vmem>>[vector<16xi32>, vector<16xi32>], vector<16xf32>,
        %swap3A_509 = arith.constant 5 : i32
        %swap3A_510 = arith.index_cast %add3A_52 : i32 to index
        %swap3A_511 = arith.index_cast %swap3A_509 : i32 to index
        %swap3A_512 = arith.constant 64 : index
        %swap3A_513 = tpu.vector_load %arg16[%swap3A_510, %swap3A_511, %swap3A_512] {strides = array<i32>} : memref<7x8x128xf32, #tpu.memory_space<vmem>>, vector<16xf32>,
        tpu.vector_store %arg16[%swap3A_510, %swap3A_511, %swap3A_512], %gather3A_508 {strides = array<i32>} : memref<7x8x128xf32, #tpu.memory_space<vmem>>, vector<16xf32>,
        %add3A_514 = arith.constant 80 : i32
        %add3A_515 = arith.addi %mul3A_54, %add3A_514 : i32
        %add3A_516 = vector.broadcast %add3A_515 : i32 to vector<16xi32>
        %add3A_517 = arith.addi %add3A_516, %iota3A : vector<16xi32>
        %gather3A_518 = tpu.vector_load_idx %arg15[%add3A_517, %broadcast_in_dim3A_463] : memref<896x8xf32, #tpu.memory_space<vmem>>[vector<16xi32>, vector<16xi32>], vector<16xf32>,
        %swap3A_519 = arith.constant 5 : i32
        %swap3A_520 = arith.index_cast %add3A_52 : i32 to index
        %swap3A_521 = arith.index_cast %swap3A_519 : i32 to index
        %swap3A_522 = arith.constant 80 : index
        %swap3A_523 = tpu.vector_load %arg16[%swap3A_520, %swap3A_521, %swap3A_522] {strides = array<i32>} : memref<7x8x128xf32, #tpu.memory_space<vmem>>, vector<16xf32>,
        tpu.vector_store %arg16[%swap3A_520, %swap3A_521, %swap3A_522], %gather3A_518 {strides = array<i32>} : memref<7x8x128xf32, #tpu.memory_space<vmem>>, vector<16xf32>,
        %add3A_524 = arith.constant 96 : i32
        %add3A_525 = arith.addi %mul3A_54, %add3A_524 : i32
        %add3A_526 = vector.broadcast %add3A_525 : i32 to vector<16xi32>
        %add3A_527 = arith.addi %add3A_526, %iota3A : vector<16xi32>
        %gather3A_528 = tpu.vector_load_idx %arg15[%add3A_527, %broadcast_in_dim3A_463] : memref<896x8xf32, #tpu.memory_space<vmem>>[vector<16xi32>, vector<16xi32>], vector<16xf32>,
        %swap3A_529 = arith.constant 5 : i32
        %swap3A_530 = arith.index_cast %add3A_52 : i32 to index
        %swap3A_531 = arith.index_cast %swap3A_529 : i32 to index
        %swap3A_532 = arith.constant 96 : index
        %swap3A_533 = tpu.vector_load %arg16[%swap3A_530, %swap3A_531, %swap3A_532] {strides = array<i32>} : memref<7x8x128xf32, #tpu.memory_space<vmem>>, vector<16xf32>,
        tpu.vector_store %arg16[%swap3A_530, %swap3A_531, %swap3A_532], %gather3A_528 {strides = array<i32>} : memref<7x8x128xf32, #tpu.memory_space<vmem>>, vector<16xf32>,
        %add3A_534 = arith.constant 112 : i32
        %add3A_535 = arith.addi %mul3A_54, %add3A_534 : i32
        %add3A_536 = vector.broadcast %add3A_535 : i32 to vector<16xi32>
        %add3A_537 = arith.addi %add3A_536, %iota3A : vector<16xi32>
        %gather3A_538 = tpu.vector_load_idx %arg15[%add3A_537, %broadcast_in_dim3A_463] : memref<896x8xf32, #tpu.memory_space<vmem>>[vector<16xi32>, vector<16xi32>], vector<16xf32>,
        %swap3A_539 = arith.constant 5 : i32
        %swap3A_540 = arith.index_cast %add3A_52 : i32 to index
        %swap3A_541 = arith.index_cast %swap3A_539 : i32 to index
        %swap3A_542 = arith.constant 112 : index
        %swap3A_543 = tpu.vector_load %arg16[%swap3A_540, %swap3A_541, %swap3A_542] {strides = array<i32>} : memref<7x8x128xf32, #tpu.memory_space<vmem>>, vector<16xf32>,
        tpu.vector_store %arg16[%swap3A_540, %swap3A_541, %swap3A_542], %gather3A_538 {strides = array<i32>} : memref<7x8x128xf32, #tpu.memory_space<vmem>>, vector<16xf32>,
        %broadcast_in_dim3A_544 = arith.constant 6 : i32
        %broadcast_in_dim3A_545 = vector.broadcast %broadcast_in_dim3A_544 : i32 to vector<16xi32>
        %add3A_546 = arith.constant 0 : i32
        %add3A_547 = arith.addi %mul3A_54, %add3A_546 : i32
        %add3A_548 = vector.broadcast %add3A_547 : i32 to vector<16xi32>
        %add3A_549 = arith.addi %add3A_548, %iota3A : vector<16xi32>
        %gather3A_550 = tpu.vector_load_idx %arg15[%add3A_549, %broadcast_in_dim3A_545] : memref<896x8xf32, #tpu.memory_space<vmem>>[vector<16xi32>, vector<16xi32>], vector<16xf32>,
        %swap3A_551 = arith.constant 6 : i32
        %swap3A_552 = arith.index_cast %add3A_52 : i32 to index
        %swap3A_553 = arith.index_cast %swap3A_551 : i32 to index
        %swap3A_554 = arith.constant 0 : index
        %swap3A_555 = tpu.vector_load %arg16[%swap3A_552, %swap3A_553, %swap3A_554] {strides = array<i32>} : memref<7x8x128xf32, #tpu.memory_space<vmem>>, vector<16xf32>,
        tpu.vector_store %arg16[%swap3A_552, %swap3A_553, %swap3A_554], %gather3A_550 {strides = array<i32>} : memref<7x8x128xf32, #tpu.memory_space<vmem>>, vector<16xf32>,
        %add3A_556 = arith.constant 16 : i32
        %add3A_557 = arith.addi %mul3A_54, %add3A_556 : i32
        %add3A_558 = vector.broadcast %add3A_557 : i32 to vector<16xi32>
        %add3A_559 = arith.addi %add3A_558, %iota3A : vector<16xi32>
        %gather3A_560 = tpu.vector_load_idx %arg15[%add3A_559, %broadcast_in_dim3A_545] : memref<896x8xf32, #tpu.memory_space<vmem>>[vector<16xi32>, vector<16xi32>], vector<16xf32>,
        %swap3A_561 = arith.constant 6 : i32
        %swap3A_562 = arith.index_cast %add3A_52 : i32 to index
        %swap3A_563 = arith.index_cast %swap3A_561 : i32 to index
        %swap3A_564 = arith.constant 16 : index
        %swap3A_565 = tpu.vector_load %arg16[%swap3A_562, %swap3A_563, %swap3A_564] {strides = array<i32>} : memref<7x8x128xf32, #tpu.memory_space<vmem>>, vector<16xf32>,
        tpu.vector_store %arg16[%swap3A_562, %swap3A_563, %swap3A_564], %gather3A_560 {strides = array<i32>} : memref<7x8x128xf32, #tpu.memory_space<vmem>>, vector<16xf32>,
        %add3A_566 = arith.constant 32 : i32
        %add3A_567 = arith.addi %mul3A_54, %add3A_566 : i32
        %add3A_568 = vector.broadcast %add3A_567 : i32 to vector<16xi32>
        %add3A_569 = arith.addi %add3A_568, %iota3A : vector<16xi32>
        %gather3A_570 = tpu.vector_load_idx %arg15[%add3A_569, %broadcast_in_dim3A_545] : memref<896x8xf32, #tpu.memory_space<vmem>>[vector<16xi32>, vector<16xi32>], vector<16xf32>,
        %swap3A_571 = arith.constant 6 : i32
        %swap3A_572 = arith.index_cast %add3A_52 : i32 to index
        %swap3A_573 = arith.index_cast %swap3A_571 : i32 to index
        %swap3A_574 = arith.constant 32 : index
        %swap3A_575 = tpu.vector_load %arg16[%swap3A_572, %swap3A_573, %swap3A_574] {strides = array<i32>} : memref<7x8x128xf32, #tpu.memory_space<vmem>>, vector<16xf32>,
        tpu.vector_store %arg16[%swap3A_572, %swap3A_573, %swap3A_574], %gather3A_570 {strides = array<i32>} : memref<7x8x128xf32, #tpu.memory_space<vmem>>, vector<16xf32>,
        %add3A_576 = arith.constant 48 : i32
        %add3A_577 = arith.addi %mul3A_54, %add3A_576 : i32
        %add3A_578 = vector.broadcast %add3A_577 : i32 to vector<16xi32>
        %add3A_579 = arith.addi %add3A_578, %iota3A : vector<16xi32>
        %gather3A_580 = tpu.vector_load_idx %arg15[%add3A_579, %broadcast_in_dim3A_545] : memref<896x8xf32, #tpu.memory_space<vmem>>[vector<16xi32>, vector<16xi32>], vector<16xf32>,
        %swap3A_581 = arith.constant 6 : i32
        %swap3A_582 = arith.index_cast %add3A_52 : i32 to index
        %swap3A_583 = arith.index_cast %swap3A_581 : i32 to index
        %swap3A_584 = arith.constant 48 : index
        %swap3A_585 = tpu.vector_load %arg16[%swap3A_582, %swap3A_583, %swap3A_584] {strides = array<i32>} : memref<7x8x128xf32, #tpu.memory_space<vmem>>, vector<16xf32>,
        tpu.vector_store %arg16[%swap3A_582, %swap3A_583, %swap3A_584], %gather3A_580 {strides = array<i32>} : memref<7x8x128xf32, #tpu.memory_space<vmem>>, vector<16xf32>,
        %add3A_586 = arith.constant 64 : i32
        %add3A_587 = arith.addi %mul3A_54, %add3A_586 : i32
        %add3A_588 = vector.broadcast %add3A_587 : i32 to vector<16xi32>
        %add3A_589 = arith.addi %add3A_588, %iota3A : vector<16xi32>
        %gather3A_590 = tpu.vector_load_idx %arg15[%add3A_589, %broadcast_in_dim3A_545] : memref<896x8xf32, #tpu.memory_space<vmem>>[vector<16xi32>, vector<16xi32>], vector<16xf32>,
        %swap3A_591 = arith.constant 6 : i32
        %swap3A_592 = arith.index_cast %add3A_52 : i32 to index
        %swap3A_593 = arith.index_cast %swap3A_591 : i32 to index
        %swap3A_594 = arith.constant 64 : index
        %swap3A_595 = tpu.vector_load %arg16[%swap3A_592, %swap3A_593, %swap3A_594] {strides = array<i32>} : memref<7x8x128xf32, #tpu.memory_space<vmem>>, vector<16xf32>,
        tpu.vector_store %arg16[%swap3A_592, %swap3A_593, %swap3A_594], %gather3A_590 {strides = array<i32>} : memref<7x8x128xf32, #tpu.memory_space<vmem>>, vector<16xf32>,
        %add3A_596 = arith.constant 80 : i32
        %add3A_597 = arith.addi %mul3A_54, %add3A_596 : i32
        %add3A_598 = vector.broadcast %add3A_597 : i32 to vector<16xi32>
        %add3A_599 = arith.addi %add3A_598, %iota3A : vector<16xi32>
        %gather3A_600 = tpu.vector_load_idx %arg15[%add3A_599, %broadcast_in_dim3A_545] : memref<896x8xf32, #tpu.memory_space<vmem>>[vector<16xi32>, vector<16xi32>], vector<16xf32>,
        %swap3A_601 = arith.constant 6 : i32
        %swap3A_602 = arith.index_cast %add3A_52 : i32 to index
        %swap3A_603 = arith.index_cast %swap3A_601 : i32 to index
        %swap3A_604 = arith.constant 80 : index
        %swap3A_605 = tpu.vector_load %arg16[%swap3A_602, %swap3A_603, %swap3A_604] {strides = array<i32>} : memref<7x8x128xf32, #tpu.memory_space<vmem>>, vector<16xf32>,
        tpu.vector_store %arg16[%swap3A_602, %swap3A_603, %swap3A_604], %gather3A_600 {strides = array<i32>} : memref<7x8x128xf32, #tpu.memory_space<vmem>>, vector<16xf32>,
        %add3A_606 = arith.constant 96 : i32
        %add3A_607 = arith.addi %mul3A_54, %add3A_606 : i32
        %add3A_608 = vector.broadcast %add3A_607 : i32 to vector<16xi32>
        %add3A_609 = arith.addi %add3A_608, %iota3A : vector<16xi32>
        %gather3A_610 = tpu.vector_load_idx %arg15[%add3A_609, %broadcast_in_dim3A_545] : memref<896x8xf32, #tpu.memory_space<vmem>>[vector<16xi32>, vector<16xi32>], vector<16xf32>,
        %swap3A_611 = arith.constant 6 : i32
        %swap3A_612 = arith.index_cast %add3A_52 : i32 to index
        %swap3A_613 = arith.index_cast %swap3A_611 : i32 to index
        %swap3A_614 = arith.constant 96 : index
        %swap3A_615 = tpu.vector_load %arg16[%swap3A_612, %swap3A_613, %swap3A_614] {strides = array<i32>} : memref<7x8x128xf32, #tpu.memory_space<vmem>>, vector<16xf32>,
        tpu.vector_store %arg16[%swap3A_612, %swap3A_613, %swap3A_614], %gather3A_610 {strides = array<i32>} : memref<7x8x128xf32, #tpu.memory_space<vmem>>, vector<16xf32>,
        %add3A_616 = arith.constant 112 : i32
        %add3A_617 = arith.addi %mul3A_54, %add3A_616 : i32
        %add3A_618 = vector.broadcast %add3A_617 : i32 to vector<16xi32>
        %add3A_619 = arith.addi %add3A_618, %iota3A : vector<16xi32>
        %gather3A_620 = tpu.vector_load_idx %arg15[%add3A_619, %broadcast_in_dim3A_545] : memref<896x8xf32, #tpu.memory_space<vmem>>[vector<16xi32>, vector<16xi32>], vector<16xf32>,
        %swap3A_621 = arith.constant 6 : i32
        %swap3A_622 = arith.index_cast %add3A_52 : i32 to index
        %swap3A_623 = arith.index_cast %swap3A_621 : i32 to index
        %swap3A_624 = arith.constant 112 : index
        %swap3A_625 = tpu.vector_load %arg16[%swap3A_622, %swap3A_623, %swap3A_624] {strides = array<i32>} : memref<7x8x128xf32, #tpu.memory_space<vmem>>, vector<16xf32>,
        tpu.vector_store %arg16[%swap3A_622, %swap3A_623, %swap3A_624], %gather3A_620 {strides = array<i32>} : memref<7x8x128xf32, #tpu.memory_space<vmem>>, vector<16xf32>,
        %broadcast_in_dim3A_626 = arith.constant 7 : i32
        %broadcast_in_dim3A_627 = vector.broadcast %broadcast_in_dim3A_626 : i32 to vector<16xi32>
        %add3A_628 = arith.constant 0 : i32
        %add3A_629 = arith.addi %mul3A_54, %add3A_628 : i32
        %add3A_630 = vector.broadcast %add3A_629 : i32 to vector<16xi32>
        %add3A_631 = arith.addi %add3A_630, %iota3A : vector<16xi32>
        %gather3A_632 = tpu.vector_load_idx %arg15[%add3A_631, %broadcast_in_dim3A_627] : memref<896x8xf32, #tpu.memory_space<vmem>>[vector<16xi32>, vector<16xi32>], vector<16xf32>,
        %swap3A_633 = arith.constant 7 : i32
        %swap3A_634 = arith.index_cast %add3A_52 : i32 to index
        %swap3A_635 = arith.index_cast %swap3A_633 : i32 to index
        %swap3A_636 = arith.constant 0 : index
        %swap3A_637 = tpu.vector_load %arg16[%swap3A_634, %swap3A_635, %swap3A_636] {strides = array<i32>} : memref<7x8x128xf32, #tpu.memory_space<vmem>>, vector<16xf32>,
        tpu.vector_store %arg16[%swap3A_634, %swap3A_635, %swap3A_636], %gather3A_632 {strides = array<i32>} : memref<7x8x128xf32, #tpu.memory_space<vmem>>, vector<16xf32>,
        %add3A_638 = arith.constant 16 : i32
        %add3A_639 = arith.addi %mul3A_54, %add3A_638 : i32
        %add3A_640 = vector.broadcast %add3A_639 : i32 to vector<16xi32>
        %add3A_641 = arith.addi %add3A_640, %iota3A : vector<16xi32>
        %gather3A_642 = tpu.vector_load_idx %arg15[%add3A_641, %broadcast_in_dim3A_627] : memref<896x8xf32, #tpu.memory_space<vmem>>[vector<16xi32>, vector<16xi32>], vector<16xf32>,
        %swap3A_643 = arith.constant 7 : i32
        %swap3A_644 = arith.index_cast %add3A_52 : i32 to index
        %swap3A_645 = arith.index_cast %swap3A_643 : i32 to index
        %swap3A_646 = arith.constant 16 : index
        %swap3A_647 = tpu.vector_load %arg16[%swap3A_644, %swap3A_645, %swap3A_646] {strides = array<i32>} : memref<7x8x128xf32, #tpu.memory_space<vmem>>, vector<16xf32>,
        tpu.vector_store %arg16[%swap3A_644, %swap3A_645, %swap3A_646], %gather3A_642 {strides = array<i32>} : memref<7x8x128xf32, #tpu.memory_space<vmem>>, vector<16xf32>,
        %add3A_648 = arith.constant 32 : i32
        %add3A_649 = arith.addi %mul3A_54, %add3A_648 : i32
        %add3A_650 = vector.broadcast %add3A_649 : i32 to vector<16xi32>
        %add3A_651 = arith.addi %add3A_650, %iota3A : vector<16xi32>
        %gather3A_652 = tpu.vector_load_idx %arg15[%add3A_651, %broadcast_in_dim3A_627] : memref<896x8xf32, #tpu.memory_space<vmem>>[vector<16xi32>, vector<16xi32>], vector<16xf32>,
        %swap3A_653 = arith.constant 7 : i32
        %swap3A_654 = arith.index_cast %add3A_52 : i32 to index
        %swap3A_655 = arith.index_cast %swap3A_653 : i32 to index
        %swap3A_656 = arith.constant 32 : index
        %swap3A_657 = tpu.vector_load %arg16[%swap3A_654, %swap3A_655, %swap3A_656] {strides = array<i32>} : memref<7x8x128xf32, #tpu.memory_space<vmem>>, vector<16xf32>,
        tpu.vector_store %arg16[%swap3A_654, %swap3A_655, %swap3A_656], %gather3A_652 {strides = array<i32>} : memref<7x8x128xf32, #tpu.memory_space<vmem>>, vector<16xf32>,
        %add3A_658 = arith.constant 48 : i32
        %add3A_659 = arith.addi %mul3A_54, %add3A_658 : i32
        %add3A_660 = vector.broadcast %add3A_659 : i32 to vector<16xi32>
        %add3A_661 = arith.addi %add3A_660, %iota3A : vector<16xi32>
        %gather3A_662 = tpu.vector_load_idx %arg15[%add3A_661, %broadcast_in_dim3A_627] : memref<896x8xf32, #tpu.memory_space<vmem>>[vector<16xi32>, vector<16xi32>], vector<16xf32>,
        %swap3A_663 = arith.constant 7 : i32
        %swap3A_664 = arith.index_cast %add3A_52 : i32 to index
        %swap3A_665 = arith.index_cast %swap3A_663 : i32 to index
        %swap3A_666 = arith.constant 48 : index
        %swap3A_667 = tpu.vector_load %arg16[%swap3A_664, %swap3A_665, %swap3A_666] {strides = array<i32>} : memref<7x8x128xf32, #tpu.memory_space<vmem>>, vector<16xf32>,
        tpu.vector_store %arg16[%swap3A_664, %swap3A_665, %swap3A_666], %gather3A_662 {strides = array<i32>} : memref<7x8x128xf32, #tpu.memory_space<vmem>>, vector<16xf32>,
        %add3A_668 = arith.constant 64 : i32
        %add3A_669 = arith.addi %mul3A_54, %add3A_668 : i32
        %add3A_670 = vector.broadcast %add3A_669 : i32 to vector<16xi32>
        %add3A_671 = arith.addi %add3A_670, %iota3A : vector<16xi32>
        %gather3A_672 = tpu.vector_load_idx %arg15[%add3A_671, %broadcast_in_dim3A_627] : memref<896x8xf32, #tpu.memory_space<vmem>>[vector<16xi32>, vector<16xi32>], vector<16xf32>,
        %swap3A_673 = arith.constant 7 : i32
        %swap3A_674 = arith.index_cast %add3A_52 : i32 to index
        %swap3A_675 = arith.index_cast %swap3A_673 : i32 to index
        %swap3A_676 = arith.constant 64 : index
        %swap3A_677 = tpu.vector_load %arg16[%swap3A_674, %swap3A_675, %swap3A_676] {strides = array<i32>} : memref<7x8x128xf32, #tpu.memory_space<vmem>>, vector<16xf32>,
        tpu.vector_store %arg16[%swap3A_674, %swap3A_675, %swap3A_676], %gather3A_672 {strides = array<i32>} : memref<7x8x128xf32, #tpu.memory_space<vmem>>, vector<16xf32>,
        %add3A_678 = arith.constant 80 : i32
        %add3A_679 = arith.addi %mul3A_54, %add3A_678 : i32
        %add3A_680 = vector.broadcast %add3A_679 : i32 to vector<16xi32>
        %add3A_681 = arith.addi %add3A_680, %iota3A : vector<16xi32>
        %gather3A_682 = tpu.vector_load_idx %arg15[%add3A_681, %broadcast_in_dim3A_627] : memref<896x8xf32, #tpu.memory_space<vmem>>[vector<16xi32>, vector<16xi32>], vector<16xf32>,
        %swap3A_683 = arith.constant 7 : i32
        %swap3A_684 = arith.index_cast %add3A_52 : i32 to index
        %swap3A_685 = arith.index_cast %swap3A_683 : i32 to index
        %swap3A_686 = arith.constant 80 : index
        %swap3A_687 = tpu.vector_load %arg16[%swap3A_684, %swap3A_685, %swap3A_686] {strides = array<i32>} : memref<7x8x128xf32, #tpu.memory_space<vmem>>, vector<16xf32>,
        tpu.vector_store %arg16[%swap3A_684, %swap3A_685, %swap3A_686], %gather3A_682 {strides = array<i32>} : memref<7x8x128xf32, #tpu.memory_space<vmem>>, vector<16xf32>,
        %add3A_688 = arith.constant 96 : i32
        %add3A_689 = arith.addi %mul3A_54, %add3A_688 : i32
        %add3A_690 = vector.broadcast %add3A_689 : i32 to vector<16xi32>
        %add3A_691 = arith.addi %add3A_690, %iota3A : vector<16xi32>
        %gather3A_692 = tpu.vector_load_idx %arg15[%add3A_691, %broadcast_in_dim3A_627] : memref<896x8xf32, #tpu.memory_space<vmem>>[vector<16xi32>, vector<16xi32>], vector<16xf32>,
        %swap3A_693 = arith.constant 7 : i32
        %swap3A_694 = arith.index_cast %add3A_52 : i32 to index
        %swap3A_695 = arith.index_cast %swap3A_693 : i32 to index
        %swap3A_696 = arith.constant 96 : index
        %swap3A_697 = tpu.vector_load %arg16[%swap3A_694, %swap3A_695, %swap3A_696] {strides = array<i32>} : memref<7x8x128xf32, #tpu.memory_space<vmem>>, vector<16xf32>,
        tpu.vector_store %arg16[%swap3A_694, %swap3A_695, %swap3A_696], %gather3A_692 {strides = array<i32>} : memref<7x8x128xf32, #tpu.memory_space<vmem>>, vector<16xf32>,
        %add3A_698 = arith.constant 112 : i32
        %add3A_699 = arith.addi %mul3A_54, %add3A_698 : i32
        %add3A_700 = vector.broadcast %add3A_699 : i32 to vector<16xi32>
        %add3A_701 = arith.addi %add3A_700, %iota3A : vector<16xi32>
        %gather3A_702 = tpu.vector_load_idx %arg15[%add3A_701, %broadcast_in_dim3A_627] : memref<896x8xf32, #tpu.memory_space<vmem>>[vector<16xi32>, vector<16xi32>], vector<16xf32>,
        %swap3A_703 = arith.constant 7 : i32
        %swap3A_704 = arith.index_cast %add3A_52 : i32 to index
        %swap3A_705 = arith.index_cast %swap3A_703 : i32 to index
        %swap3A_706 = arith.constant 112 : index
        %swap3A_707 = tpu.vector_load %arg16[%swap3A_704, %swap3A_705, %swap3A_706] {strides = array<i32>} : memref<7x8x128xf32, #tpu.memory_space<vmem>>, vector<16xf32>,
        tpu.vector_store %arg16[%swap3A_704, %swap3A_705, %swap3A_706], %gather3A_702 {strides = array<i32>} : memref<7x8x128xf32, #tpu.memory_space<vmem>>, vector<16xf32>,
      }
      %scan3A_47 = arith.constant 7 : i32
      "tpu.region"() ({
        %run_scoped3A = tpu.sem_alloc : memref<!tpu.dma_semaphore, #tpu.memory_space<semaphore_mem>>
        %dma_start3A = arith.constant 0 : i32
        %dma_start3A_48 = arith.constant 0 : i32
        %dma_start3A_49 = arith.constant 0 : i32
        %dma_start3A_50 = tpu.memref_slice %arg7[%arg0, %dma_start3A, %dma_start3A_48, %dma_start3A_49] : memref<2x784x8x128xf32, #tpu.memory_space<hbm>> -> memref<1x784x8x128xf32, #tpu.memory_space<hbm>>
        %dma_start3A_51 = tpu.memref_squeeze %dma_start3A_50 : memref<1x784x8x128xf32, #tpu.memory_space<hbm>> -> memref<784x8x128xf32, #tpu.memory_space<hbm>>
        %dma_start3A_52 = arith.constant 0 : i32
        %dma_start3A_53 = arith.constant 0 : i32
        %dma_start3A_54 = tpu.memref_slice %dma_start3A_51[%add3A_40, %dma_start3A_52, %dma_start3A_53] : memref<784x8x128xf32, #tpu.memory_space<hbm>> -> memref<7x8x128xf32, #tpu.memory_space<hbm>>
        %dma_start3A_55 = arith.constant 0 : i32
        %dma_start3A_56 = arith.constant 0 : i32
        %dma_start3A_57 = arith.constant 0 : i32
        %dma_start3A_58 = tpu.memref_slice %arg7[%arg0, %dma_start3A_55, %dma_start3A_56, %dma_start3A_57] : memref<2x784x8x128xf32, #tpu.memory_space<hbm>> -> memref<1x784x8x128xf32, #tpu.memory_space<hbm>>
        %dma_start3A_59 = tpu.memref_squeeze %dma_start3A_58 : memref<1x784x8x128xf32, #tpu.memory_space<hbm>> -> memref<784x8x128xf32, #tpu.memory_space<hbm>>
        %dma_start3A_60 = arith.constant 0 : i32
        %dma_start3A_61 = arith.constant 0 : i32
        %dma_start3A_62 = tpu.memref_slice %dma_start3A_59[%add3A_40, %dma_start3A_60, %dma_start3A_61] : memref<784x8x128xf32, #tpu.memory_space<hbm>> -> memref<7x8x128xf32, #tpu.memory_space<hbm>>
        tpu.enqueue_dma source(%arg16 : memref<7x8x128xf32, #tpu.memory_space<vmem>>) target(%dma_start3A_62 : memref<7x8x128xf32, #tpu.memory_space<hbm>>) target_semaphore(%run_scoped3A : memref<!tpu.dma_semaphore, #tpu.memory_space<semaphore_mem>>)
        %dma_wait3A = arith.constant 0 : i32
        %dma_wait3A_63 = arith.constant 0 : i32
        %dma_wait3A_64 = arith.constant 0 : i32
        %dma_wait3A_65 = tpu.memref_slice %arg7[%arg0, %dma_wait3A, %dma_wait3A_63, %dma_wait3A_64] : memref<2x784x8x128xf32, #tpu.memory_space<hbm>> -> memref<1x784x8x128xf32, #tpu.memory_space<hbm>>
        %dma_wait3A_66 = tpu.memref_squeeze %dma_wait3A_65 : memref<1x784x8x128xf32, #tpu.memory_space<hbm>> -> memref<784x8x128xf32, #tpu.memory_space<hbm>>
        %dma_wait3A_67 = arith.constant 0 : i32
        %dma_wait3A_68 = arith.constant 0 : i32
        %dma_wait3A_69 = tpu.memref_slice %dma_wait3A_66[%add3A_40, %dma_wait3A_67, %dma_wait3A_68] : memref<784x8x128xf32, #tpu.memory_space<hbm>> -> memref<7x8x128xf32, #tpu.memory_space<hbm>>
        %dma_wait3A_70 = arith.constant 0 : i32
        %dma_wait3A_71 = arith.constant 0 : i32
        %dma_wait3A_72 = arith.constant 0 : i32
        %dma_wait3A_73 = tpu.memref_slice %arg7[%arg0, %dma_wait3A_70, %dma_wait3A_71, %dma_wait3A_72] : memref<2x784x8x128xf32, #tpu.memory_space<hbm>> -> memref<1x784x8x128xf32, #tpu.memory_space<hbm>>
        %dma_wait3A_74 = tpu.memref_squeeze %dma_wait3A_73 : memref<1x784x8x128xf32, #tpu.memory_space<hbm>> -> memref<784x8x128xf32, #tpu.memory_space<hbm>>
        %dma_wait3A_75 = arith.constant 0 : i32
        %dma_wait3A_76 = arith.constant 0 : i32
        %dma_wait3A_77 = tpu.memref_slice %dma_wait3A_74[%add3A_40, %dma_wait3A_75, %dma_wait3A_76] : memref<784x8x128xf32, #tpu.memory_space<hbm>> -> memref<7x8x128xf32, #tpu.memory_space<hbm>>
        tpu.wait_dma2 semaphore(%run_scoped3A : memref<!tpu.dma_semaphore, #tpu.memory_space<semaphore_mem>>) src(%arg16 : memref<7x8x128xf32, #tpu.memory_space<vmem>>) dst(%dma_wait3A_77 : memref<7x8x128xf32, #tpu.memory_space<hbm>>)
        tpu.yield
      }) : () -> ()
    }
    %scan3A_32 = arith.constant 7 : i32
    return
  }
}

module attributes {stable_mosaic.version = 14 : i64} {
  func.func @_tc_elem_kernel(%arg0: i32, %arg1: memref<8x2048xf32, #tpu.memory_space<vmem>>, %arg2: memref<2x16x8x128xf32, #tpu.memory_space<vmem>>, %arg3: memref<1x2048xf32, #tpu.memory_space<vmem>>, %arg4: memref<1x2048xf32, #tpu.memory_space<vmem>>, %arg5: memref<8x2048xf32, #tpu.memory_space<vmem>>, %arg6: memref<8x2048xf32, #tpu.memory_space<vmem>>) attributes {dimension_semantics = [#tpu.dimension_semantics<arbitrary>], iteration_bounds = array<i64: 49>, scalar_prefetch = 0 : i64, scratch_operands = 0 : i64, tpu.core_type = #tpu.core_type<tc>, window_params = [{transform_indices = @transform_0, window_bounds = array<i64: 8, 2048>}, {transform_indices = @transform_1, window_bounds = array<i64: 2, 16, 8, 128>}, {transform_indices = @transform_2, window_bounds = array<i64: 1, 2048>}, {transform_indices = @transform_3, window_bounds = array<i64: 1, 2048>}, {transform_indices = @transform_4, window_bounds = array<i64: 8, 2048>}, {transform_indices = @transform_5, window_bounds = array<i64: 8, 2048>}]} {
    %get3A = arith.constant 0 : index
    %get3A_0 = arith.constant 0 : index
    %get3A_1 = arith.constant 0 : index
    %get3A_2 = arith.constant 0 : index
    %get3A_3 = vector.load %arg2[%get3A, %get3A_0, %get3A_1, %get3A_2] : memref<2x16x8x128xf32, #tpu.memory_space<vmem>>, vector<2x16x8x128xf32>
    %slice3A = vector.extract_strided_slice %get3A_3 {offsets = [0, 0, 0, 0], sizes = [1, 16, 8, 128], strides = [1, 1, 1, 1]} : vector<2x16x8x128xf32> to vector<1x16x8x128xf32>
    %squeeze3A = vector.shape_cast %slice3A : vector<1x16x8x128xf32> to vector<16x8x128xf32>
    %slice3A_4 = vector.extract_strided_slice %get3A_3 {offsets = [1, 0, 0, 0], sizes = [1, 16, 8, 128], strides = [1, 1, 1, 1]} : vector<2x16x8x128xf32> to vector<1x16x8x128xf32>
    %squeeze3A_5 = vector.shape_cast %slice3A_4 : vector<1x16x8x128xf32> to vector<16x8x128xf32>
    %add3A = arith.addf %squeeze3A, %squeeze3A_5 : vector<16x8x128xf32>
    %transpose3A = tpu.transpose %add3A, [1, 0, 2] : vector<16x8x128xf32> -> vector<8x16x128xf32>
    %reshape3A = vector.shape_cast %transpose3A : vector<8x16x128xf32> to vector<8x2048xf32>
    %get3A_6 = arith.constant 0 : index
    %get3A_7 = arith.constant 0 : index
    %get3A_8 = vector.load %arg1[%get3A_6, %get3A_7] : memref<8x2048xf32, #tpu.memory_space<vmem>>, vector<8x2048xf32>
    %add3A_9 = arith.addf %get3A_8, %reshape3A : vector<8x2048xf32>
    %jit3A = arith.constant -1.000000e+01 : f32
    %jit3A_10 = arith.constant 1.000000e+01 : f32
    %max3A = vector.broadcast %jit3A : f32 to vector<8x2048xf32>
    %max3A_11 = arith.maximumf %max3A, %add3A_9 : vector<8x2048xf32>
    %min3A = vector.broadcast %jit3A_10 : f32 to vector<8x2048xf32>
    %min3A_12 = arith.minimumf %min3A, %max3A_11 : vector<8x2048xf32>
    %get3A_13 = arith.constant 0 : index
    %get3A_14 = arith.constant 0 : index
    %get3A_15 = vector.load %arg3[%get3A_13, %get3A_14] : memref<1x2048xf32, #tpu.memory_space<vmem>>, vector<1x2048xf32>
    %get3A_16 = arith.constant 0 : index
    %get3A_17 = arith.constant 0 : index
    %get3A_18 = vector.load %arg4[%get3A_16, %get3A_17] : memref<1x2048xf32, #tpu.memory_space<vmem>>, vector<1x2048xf32>
    %sub3A = vector.broadcast %get3A_15 : vector<1x2048xf32> to vector<8x2048xf32>
    %sub3A_19 = arith.subf %min3A_12, %sub3A : vector<8x2048xf32>
    %max3A_20 = arith.constant 0.000000e+00 : f32
    %max3A_21 = vector.broadcast %max3A_20 : f32 to vector<8x2048xf32>
    %max3A_22 = arith.maximumf %sub3A_19, %max3A_21 : vector<8x2048xf32>
    %gt3A = vector.broadcast %get3A_15 : vector<1x2048xf32> to vector<8x2048xf32>
    %gt3A_23 = arith.cmpf ogt, %min3A_12, %gt3A : vector<8x2048xf32>
    %not3A = arith.constant dense<true> : vector<8x2048xi1>
    %not3A_24 = arith.xori %gt3A_23, %not3A : vector<8x2048xi1>
    %eq3A = arith.constant 0.000000e+00 : f32
    %eq3A_25 = vector.broadcast %eq3A : f32 to vector<8x2048xf32>
    %eq3A_26 = arith.cmpf oeq, %min3A_12, %eq3A_25 : vector<8x2048xf32>
    %and3A = arith.andi %not3A_24, %eq3A_26 : vector<8x2048xi1>
    %neg3A = arith.constant 0.000000e+00 : f32
    %neg3A_27 = vector.broadcast %neg3A : f32 to vector<1x2048xf32>
    %neg3A_28 = arith.subf %neg3A_27, %get3A_18 : vector<1x2048xf32>
    %broadcast_in_dim3A = vector.shape_cast %neg3A_28 : vector<1x2048xf32> to vector<1x2048xf32>
    %broadcast_in_dim3A_29 = vector.broadcast %broadcast_in_dim3A : vector<1x2048xf32> to vector<8x2048xf32>
    %select_n3A = arith.select %and3A, %broadcast_in_dim3A_29, %min3A_12 : vector<8x2048xi1>, vector<8x2048xf32>
    %select_n3A_30 = arith.select %gt3A_23, %max3A_22, %select_n3A : vector<8x2048xi1>, vector<8x2048xf32>
    %swap3A = arith.constant 0 : index
    %swap3A_31 = arith.constant 0 : index
    %swap3A_32 = vector.load %arg5[%swap3A, %swap3A_31] : memref<8x2048xf32, #tpu.memory_space<vmem>>, vector<8x2048xf32>
    tpu.vector_store %arg5[%swap3A, %swap3A_31], %max3A_22 {strides = array<i32>} : memref<8x2048xf32, #tpu.memory_space<vmem>>, vector<8x2048xf32>,
    %swap3A_33 = arith.constant 0 : index
    %swap3A_34 = arith.constant 0 : index
    %swap3A_35 = vector.load %arg6[%swap3A_33, %swap3A_34] : memref<8x2048xf32, #tpu.memory_space<vmem>>, vector<8x2048xf32>
    tpu.vector_store %arg6[%swap3A_33, %swap3A_34], %select_n3A_30 {strides = array<i32>} : memref<8x2048xf32, #tpu.memory_space<vmem>>, vector<8x2048xf32>,
    return
  }
  func.func @transform_0(%arg0: i32) -> (i32, i32) {
    %c0_i32 = arith.constant 0 : i32
    %c0_i32_0 = arith.constant 0 : i32
    return %c0_i32, %arg0 : i32, i32
  }
  func.func @transform_1(%arg0: i32) -> (i32, i32, i32, i32) {
    %c0_i32 = arith.constant 0 : i32
    %c0_i32_0 = arith.constant 0 : i32
    %c0_i32_1 = arith.constant 0 : i32
    %c0_i32_2 = arith.constant 0 : i32
    return %c0_i32, %arg0, %c0_i32_0, %c0_i32_1 : i32, i32, i32, i32
  }
  func.func @transform_2(%arg0: i32) -> (i32, i32) {
    %c0_i32 = arith.constant 0 : i32
    %c0_i32_0 = arith.constant 0 : i32
    return %c0_i32, %arg0 : i32, i32
  }
  func.func @transform_3(%arg0: i32) -> (i32, i32) {
    %c0_i32 = arith.constant 0 : i32
    %c0_i32_0 = arith.constant 0 : i32
    return %c0_i32, %arg0 : i32, i32
  }
  func.func @transform_4(%arg0: i32) -> (i32, i32) {
    %c0_i32 = arith.constant 0 : i32
    %c0_i32_0 = arith.constant 0 : i32
    return %c0_i32, %arg0 : i32, i32
  }
  func.func @transform_5(%arg0: i32) -> (i32, i32) {
    %c0_i32 = arith.constant 0 : i32
    %c0_i32_0 = arith.constant 0 : i32
    return %c0_i32, %arg0 : i32, i32
  }
}

</mosaic_0001>

<sc_bundles>
// kernel: kernel.4.cloned.1.call-start
scs
__scs_entry_jumppad:
0x0: {  	(pc) =	sbr.rel $0x88, $3  }
0x1: {  	(tag) =	ssettag $0x0;
	lr =	simm.s32 $0x1  }
0x2: {  	[smem:$0x3F9A] =	sst lr;
	_ =	strace $0xD0000000  }
0x3: {  	_ = 	snop  }
0x4: {  	_ = 	snop  }
0x5: {  	_ = 	snop  }
0x6: {  	_ = 	snop  }
0x7: {  	_ = 	snop  }
__scs_overlays_trampoline_lowered:
0x8: {  	[smem:$0x3FA9] =	sst s0  }
0x9: {  	[smem:$0x3FAA] =	sst s1  }
0xa: {  	[smem:$0x3FAB] =	sst s2  }
0xb: {  	[smem:$0x3FAC] =	sst s3  }
0xc: {  	[smem:$0x3FAD] =	sst s4  }
0xd: {  	[smem:$0x3FAE] =	sst s5  }
0xe: {  	[smem:$0x3FAF] =	sst s6  }
0xf: {  	[smem:$0x3FB0] =	sst s7  }
0x10: {  	[smem:$0x3FB1] =	sst s8  }
0x11: {  	[smem:$0x3FB2] =	sst s9;
	s0 =	simm.s32 @!p0 $0x0  }
0x12: {  	s1 =	sld [smem:$0x3F98];
	s0 =	simm.s32 @p0 $0x1  }
0x13: {  	[smem:$0x3FB3] =	sst s0;
	s0 =	simm.s32 @!p1 $0x0  }
0x14: {  	s2 =	sld [smem:$0x3F97];
	s0 =	simm.s32 @p1 $0x1  }
0x15: {  	[smem:$0x3FB4] =	sst s0;
	s0 =	simm.s32 @!p2 $0x0  }
0x16: {  	s3 =	sld [smem:$0x3FDB];
	s0 =	simm.s32 @p2 $0x1  }
0x17: {  	s4 =	simm.s32 $0x1BF5;
	[smem:$0x3FB6] =	sst s0  }
0x18: {  	s0 =	sld [smem:$0x3F99];
	_ =	swait.ge [sflag:s4], $0x0  }
0x19: {  	s7 =	sld [smem:$0x3F9A]  }
0x1a: {  	s8 =	sadd.s32 $0xFFFFE003, lr  }
0x1b: {  	s9 =	sadd.s32 $0xFFFFFEF7, lr;
	s5 =	simm.s32 $0xFFFFFFFF;
	p2 =	slt.u32 s8, $0xFFFFF086  }
0x1c: {  	p1 =	slt.u32 s9, $0xF7A;
	s5 =	simm.s32 @!p2 $0x0  }
0x1d: {  	s5 =	simm.s32 @p1 $0x1;
	p0 =	seq.s32 s7, s2  }
0x1e: {  	s7 =	smul.u32 @!p0 $0xF7A, s2;
	p2 =	seq.s32 @!p0 s5, $0x0  }
0x1f: {  	s9 =	smul.u32 $0xF7A, s1;
	s8 =	simm.s32 @!p0 $0x1BF5;
	p2 =	por !p2, p0  }
0x20: {  	[sflag:s8] =	ssyncset.s32 @!p0 $0xFFFFF086;
	s6 =	sadd.s32 @!p0 s3, s7;
	s7 =	simm.s32 @!p0 $0x108  }
0x21: {  	s3 =	sadd.s32 s3, s9;
	s6 =	sadd.s32 @!p0 $0x88, s6;
	s7 =	simm.s32 @p2 $0x1082  }
0x22: {  	[simem:s7], [sflag:s8] =	dma.local @!p0 [hbm:s6], $0xF7A  }
0x23: {  	s9 =	sor.u32 $0xD0000000, s2;
	s6 =	simm.s32 $0x108;
	_ =	swait.ge @!p0 [sflag:s8], $0x0  }
0x24: {  	s3 =	sadd.s32 $0x88, s3;
	s6 =	simm.s32 @!p1 $0x1082;
	[sflag:s4] =	ssyncset.s32 $0xFFFFF086  }
0x25: {  	[simem:s6], [sflag:s4] =	dma.local [hbm:s3], $0xF7A  }
0x26: {  	[smem:$0x3F9A] =	sst s1;
	(tag) =	ssettag s2;
	_ =	strace s9  }
0x27: {  	s1 =	sld [smem:$0x3FAA]  }
0x28: {  	s2 =	sld [smem:$0x3FAB]  }
0x29: {  	s4 =	sld [smem:$0x3FAD]  }
0x2a: {  	p0 =	seq.s32 s5, $0x0;
	s5 =	sld [smem:$0x3FAE]  }
0x2b: {  	s6 =	sld [smem:$0x3FAF]  }
0x2c: {  	s7 =	sld [smem:$0x3FB0]  }
0x2d: {  	s3 =	simm.s32 $0x108;
	s8 =	sld [smem:$0x3FB1]  }
0x2e: {  	s3 =	simm.s32 @!p0 $0x1082;
	s9 =	sld [smem:$0x3FB2]  }
0x2f: {  	lr =	sadd.s32 s0, s3;
	s0 =	sld [smem:$0x3FA9]  }
0x30: {  	s3 =	sld [smem:$0x3FAC]  }
0x31: {  	[smem:$0x3FB5] =	sst s10  }
0x32: {  	s10 =	sld [smem:$0x3FB3];
	_ =	sdelay $0x3  }
0x33: {  	p0 =	seq.s32 s10, $0x1;
	s10 =	sld [smem:$0x3FB5];
	_ =	sdelay $0x3  }
0x34: {  	[smem:$0x3FB5] =	sst s10  }
0x35: {  	s10 =	sld [smem:$0x3FB4];
	_ =	sdelay $0x3  }
0x36: {  	p1 =	seq.s32 s10, $0x1;
	s10 =	sld [smem:$0x3FB5];
	_ =	sdelay $0x3  }
0x37: {  	[smem:$0x3FB5] =	sst s10  }
0x38: {  	s10 =	sld [smem:$0x3FB6]  }
0x39: {  	_ = 	snop;
	(pc) =	sbr.ind lr, $3  }
0x3a: {  	_ = 	snop  }
0x3b: {  	_ = 	snop  }
0x3c: {  	p2 =	seq.s32 s10, $0x1;
	s10 =	sld [smem:$0x3FB5]  }
0x3d: {  	_ =	shalt  }
0x3e: {  	_ =	shalt  }
0x3f: {  	_ =	shalt  }
0x40: {  	_ =	shalt  }
0x41: {  	_ =	shalt  }
0x42: {  	_ =	shalt  }
0x43: {  	_ =	shalt  }
0x44: {  	_ =	shalt  }
0x45: {  	_ =	shalt  }
0x46: {  	_ =	shalt  }
0x47: {  	_ =	shalt  }
0x48: {  	_ =	shalt  }
0x49: {  	_ =	shalt  }
0x4a: {  	_ =	shalt  }
0x4b: {  	_ =	shalt  }
0x4c: {  	_ =	shalt  }
0x4d: {  	_ =	shalt  }
0x4e: {  	_ =	shalt  }
0x4f: {  	_ =	shalt  }
0x50: {  	_ =	shalt  }
0x51: {  	_ =	shalt  }
0x52: {  	_ =	shalt  }
0x53: {  	_ =	shalt  }
0x54: {  	_ =	shalt  }
0x55: {  	_ =	shalt  }
0x56: {  	_ =	shalt  }
0x57: {  	_ =	shalt  }
0x58: {  	_ =	shalt  }
0x59: {  	_ =	shalt  }
0x5a: {  	_ =	shalt  }
0x5b: {  	_ =	shalt  }
0x5c: {  	_ =	shalt  }
0x5d: {  	_ =	shalt  }
0x5e: {  	_ =	shalt  }
0x5f: {  	_ =	shalt  }
0x60: {  	_ =	shalt  }
0x61: {  	_ =	shalt  }
0x62: {  	_ =	shalt  }
0x63: {  	_ =	shalt  }
0x64: {  	_ =	shalt  }
0x65: {  	_ =	shalt  }
0x66: {  	_ =	shalt  }
0x67: {  	_ =	shalt  }
0x68: {  	_ =	shalt  }
0x69: {  	_ =	shalt  }
0x6a: {  	_ =	shalt  }
0x6b: {  	_ =	shalt  }
0x6c: {  	_ =	shalt  }
0x6d: {  	_ =	shalt  }
0x6e: {  	_ =	shalt  }
0x6f: {  	_ =	shalt  }
0x70: {  	_ =	shalt  }
0x71: {  	_ =	shalt  }
0x72: {  	_ =	shalt  }
0x73: {  	_ =	shalt  }
0x74: {  	_ =	shalt  }
0x75: {  	_ =	shalt  }
0x76: {  	_ =	shalt  }
0x77: {  	_ =	shalt  }
0x78: {  	_ =	shalt  }
0x79: {  	_ =	shalt  }
0x7a: {  	_ =	shalt  }
0x7b: {  	_ =	shalt  }
0x7c: {  	_ =	shalt  }
0x7d: {  	_ =	shalt  }
0x7e: {  	_ =	shalt  }
0x7f: {  	_ =	shalt  }
0x80: {  	_ =	shalt  }
0x81: {  	_ =	shalt  }
0x82: {  	_ =	shalt  }
0x83: {  	_ =	shalt  }
0x84: {  	_ =	shalt  }
0x85: {  	_ =	shalt  }
0x86: {  	_ =	shalt  }
0x87: {  	_ =	shalt  }
.Lfunc_end0:
.L_simem_size_0:
called_computation_lowered:
.L_overlay_start_0:
0x88: {  	s2 =	sld [smem:$0x3FD9]  }
0x89: {  	s3 =	sld [smem:$0x3FFE];
	_ =	sdelay $0x1  }
0x8a: {  	s1 =	srdreg.scid  }
0x8b: {  	s0 =	sand.u32 $0x1, s1  }
0x8c: {  	s14 =	sshll.u32 s0, $0xA;
	s2 =	sadd.s32 s3, s2  }
0x8d: {  	s2 =	sadd.s32 s2, s14  }
0x8e: {  	[smem:$0x3FC1] =	sst s2  }
0x8f: {  	_ = 	snop  }
0x90: {  	s2 =	sld [smem:$0x3FD0]  }
0x91: {  	s15 =	sld [smem:$0x3FC7]  }
0x92: {  	s4 =	sld [smem:$0x3FC4]  }
0x93: {  	s6 =	simm.s32 $0xA;
	s7 =	simm.s32 $0x10;
	s5 =	sld [smem:$0x3FC3]  }
0x94: {  	[smem:s7], [sflag:s6] =	dma.local [hbm:s2], $0x1  }
0x95: {  	_ =	swait.eq [sflag:s6], $0x1  }
0x96: {  	[sflag:s6] =	ssyncset.done $0x0  }
0x97: {  	[sflag:s6] =	ssyncadd.s32 $0xFFFFFFFF  }
0x98: {  	s16 =	sld [smem:$0x12];
	(tm) =	ssettm $0x1  }
0x99: {  	s17 =	sld [smem:$0x3FFB];
	_ =	sdelay $0x3  }
0x9a: {  	_ =	strace s17  }
0x9b: {  	s6 =	sld [smem:$0x3FFC];
	_ =	sdelay $0x3  }
0x9c: {  	_ =	strace s6  }
0x9d: {  	s6 =	sld [smem:$0x3FFD];
	_ =	sdelay $0x3  }
0x9e: {  	_ =	strace s6  }
0x9f: {  	_ =	strace $0x8FFFFFFF  }
0xa0: {  	s18 =	sld [smem:$0x3FDB];
	_ =	sdelay $0x1  }
0xa1: {  	s19 =	simm.s32 $_scs_section_size  }
0xa2: {  	s8 =	simm.s32 $_size__tile_overlayer_lowered;
	s9 =	simm.s32 $_tile_overlayer_lowered  }
0xa3: {  	s22 =	simm.s32 $0x1BFF;
	s21 =	sshll.u32 s9, $0x1;
	s6 =	sadd.s32 s19, s18  }
0xa4: {  	s10 =	simm.s32 $0x0;
	s20 =	sshll.u32 s8, $0x1;
	s8 =	sadd.s32 s21, s6  }
0xa5: {  	[timem:s10], [sflag:s22] =	dma.local [hbm:s8], s20  }
0xa6: {  	_ =	swait.ge [sflag:s22], s20  }
0xa7: {  	s7 =	ssub.s32 $0x0, s20;
	[sflag:s22] =	ssyncset.done $0x0  }
0xa8: {  	[sflag:s22] =	ssyncadd.s32 s7;
	_ =	sdelay $0x1  }
0xa9: {  	s23 =	simm.s32 $0x1B8B  }
0xaa: {  	_ =	swait.ge [sflag:s23], $0x1  }
0xab: {  	[sflag:s23] =	ssyncset.done $0x0  }
0xac: {  	s25 =	simm.s32 $0x1B8E;
	s24 =	sld [smem:$0x3FFE];
	[sflag:s23] =	ssyncadd.s32 $0xFFFFFFFF  }
0xad: {  	s26 =	simm.s32 $execute0_lowered;
	[smem:$0x3FD2] =	sst s25  }
0xae: {  	s8 =	sshll.u32 s26, $0x1;
	_ =	strace $0x80000046;
	[dreg:$0x1] =	wrdreg $0xFFFFFFFF  }
0xaf: {  	s28 =	simm.s32 $_size_execute0_lowered;
	s6 =	sadd.s32 s6, s8;
	[dreg:$0x0] =	wrdreg $0x0  }
0xb0: {  	s8 =	sshll.u32 s28, $0x1;
	[dreg:$0x2] =	wrdreg s6  }
0xb1: {  	[dreg:$0x3] =	wrdreg s8  }
0xb2: {  	[dreg:$0x4] =	wrdreg $0xC0  }
0xb3: {  	_ =	task [dreg:s10], $0x5FFFF  }
0xb4: {  	[dreg:$0x1] =	wrdreg $0xFFFFFFFF  }
0xb5: {  	[dreg:$0x0] =	wrdreg $0x60  }
0xb6: {  	[dreg:$0x2] =	wrdreg s16  }
0xb7: {  	[dreg:$0x3] =	wrdreg s4  }
0xb8: {  	[dreg:$0x4] =	wrdreg s5  }
0xb9: {  	[dreg:$0x5] =	wrdreg s15  }
0xba: {  	[dreg:$0x6] =	wrdreg s24  }
0xbb: {  	[dreg:$0x7] =	wrdreg $0x9C000  }
0xbc: {  	[dreg:$0x8] =	wrdreg $0x9  }
0xbd: {  	_ =	task.clear_ibuf [dreg:s10], $0x9FFFF;
	_ =	strace $0x90000046  }
0xbe: {  	s29 =	simm.s32 $0x9;
	_ =	strace $0x80000048  }
0xbf: {  	_ =	swait.ge [sflag:s29], $0x1  }
0xc0: {  	[sflag:s29] =	ssyncadd.s32 $0xFFFFFFFF  }
0xc1: {  	_ =	strace $0x90000048  }
0xc2: {  	_ =	sfence  }
0xc3: {  	s30 =	sld [smem:$0x0];
	_ =	sdelay $0x2  }
0xc4: {  	s31 =	sshll.u32 s1, $0xD;
	s1 =	sshrl.u32 s1, $0x2  }
0xc5: {  	s3 =	sand.u32 $0x4000, s31;
	s1 =	sadd.s32 s1, s30  }
0xc6: {  	s0 =	sor.u32 s3, s0;
	s1 =	sshll.u32 s1, $0x11  }
0xc7: {  	s0 =	sor.u32 s1, s0  }
0xc8: {  	s0 =	sadd.s32 $0x8F2B, s0  }
0xc9: {  	[sflag:s0] =	ssyncadd.remote.s32 $0x1  }
0xca: {  	_ =	sfence.sel $0xFFFF  }
0xcb: {  	[dreg:$0x0] =	wrdreg $0xFFFFFFFF;
	(pc) =	sbr.abs _section_cstart, $3  }
0xcc: {  	[dreg:$0x1] =	wrdreg $0xFFFFFFFF  }
0xcd: {  	_ =	task.clear_ibuf [dreg:s10], $0x2FFFF;
	_ =	strace $0x9FFFFFFF  }
0xce: {  	(tm) =	ssettm $0x7FFFFFFF  }
0xcf: {  	_ =	shalt  }
tec
execute0_lowered:
.L_overlay_start_1:
0x0: {  	(tag) =	ssettag $0x1  }
0x1: {  	s1 =	rddreg [dreg:$0x0]  }
0x2: {  	s10 =	rddreg [dreg:$0x1]  }
0x3: {  	s11 =	rddreg [dreg:$0x2]  }
0x4: {  	s12 =	rddreg [dreg:$0x3]  }
0x5: {  	s0 =	rddreg [dreg:$0x4]  }
0x6: {  	s6 =	rddreg [dreg:$0x5];
	s2 =	srdreg.scid;
	s3 =	simm.s32 $0x0  }
0x7: {  	s13 =	stileid.u32;
	s18 =	simm.s32 $0xA;
	s28 =	simm.s32 $0x2  }
0x8: {  	s29 =	simm.s32 $0x6000;
	s30 =	simm.s32 $0x3;
	s31 =	simm.s32 $0x6  }
0x9: {  	s2 =	sand.u32 $0x1, s2;
	[smem:$0x7FF] =	sst s3;
	s19 =	smul.u32 $0xC400, s13  }
0xa: {  	s22 =	sshll.u32 s13, $0x6;
	s4 =	sshll.u32 s2, $0x4;
	_ =	strace $0x80000047  }
0xb: {  	s5 =	smul.u32 $0x18800, s2;
	s2 =	ssub.s32 $0x2, s2;
	s4 =	sor.u32 s13, s4  }
0xc: {  	s7 =	sshrl.u32 s19, $0x3;
	s20 =	sshrl.u32 s2, $0x1;
	s13 =	smul.u32 $0x31, s13  }
0xd: {  	s3 =	sadd.s32 s19, s6;
	s8 =	smul.u32 $0x184, s4;
	s9 =	smin.u32 s4, $0x15  }
0xe: {  	s7 =	sadd.s32 s7, s0;
	s0 =	sadd.s32 s5, s0;
	s2 =	ssub.s32 s2, s20  }
0xf: {  	s26 =	sshrl.u32 s3, $0x3;
	s20 =	simm.s32 $0x3800;
	p0 =	slt.u32 s4, $0x15  }
0x10: {  	s3 =	simm.s32 $0x0;
	s9 =	sshll.u32 s9, $0x2;
	s7 =	sadd.s32 $0xE00, s7  }
0x11: {  	s14 =	sadd.s32 $0x19600, s0;
	s25 =	smax.u32 s2, $0x1;
	[dreg:$0xf] =	wrdreg s26  }
0x12: {  	s26 =	simm.s32 $0x5C00;
	s0 =	simm.s32 $0x4;
	[dreg:$0xc] =	wrdreg s13  }
0x13: {  	s8 =	sadd.s32 s8, s9;
	[dreg:$0x7] =	wrdreg s7;
	s7 =	sor.u32 $0x1C0A, s22  }
0x14: {  	[dreg:$0xe] =	wrdreg s25;
	s22 =	simm.s32 $0x80;
	s21 =	sshll.u32 s8, $0x4  }
0x15: {  	s9 =	simm.s32 $0x5;
	[dreg:$0xd] =	wrdreg s14;
	s5 =	sadd.s32 $0x1500, s21  }
0x16: {  	s15 =	smov.u32 s8;
	[dreg:$0x8] =	wrdreg s7;
	s23 =	sadd.s32 s10, s5  }
0x17: {  	s21 =	simm.s32 $0x1;
	s24 =	sadd.s32 s11, s5;
	[dreg:$0x9] =	wrdreg s23  }
0x18: {  	v3 =	vlaneseq.u32;
	s5 =	sadd.s32 s12, s5;
	s10 =	simm.s32 $0x8;
	[dreg:$0xa] =	wrdreg s24  }
0x19: {  	v0 =	vshrl.u32 v3, $0x3;
	s11 =	simm.s32 $0x9;
	s12 =	simm.s32 $0x6400;
	[dreg:$0xb] =	wrdreg s5  }
0x1a: {  	v2 =	vand.u32 $0x7, v3;
	v3 =	vmul.u32 $0x8, v3;
	v1 =	vmul.u32 $0x8, v0;
	s23 =	simm.s32 $0x5400;
	s24 =	simm.s32 $0x5800;
	s5 =	simm.s32 $0x7  }
.LBB2_1:
0x1b: {  	[dreg:$0x10] =	wrdreg s3  }
0x1c: {  	s2 =	rddreg [dreg:$0x7]  }
0x1d: {  	s25 =	rddreg [dreg:$0x8]  }
0x1e: {  	s4 =	rddreg [dreg:$0xf]  }
0x1f: {  	[spmem:s4], [sflag:s25] =	dma.local [hbm:s2], $0x1880  }
0x20: {  	_ =	swait.ge [sflag:s18], $0x1880  }
0x21: {  	[sflag:s18] =	ssyncset.done $0x0  }
0x22: {  	[sflag:s18] =	ssyncadd.s32 $0xFFFFE780  }
0x23: {  	s2 =	simm.s32 $0x0;
	[bflag:$0x0] =	sbarrier.arrive $0xFFFF  }
.LBB2_2:
0x24: {  	s3 =	smul.u32 $0x38, s2;
	_ =	sdelay $0x1  }
0x25: {  	s3 =	sadd.s32 s15, s3  }
0x26: {  	s3 =	sshll.u32 s3, $0x4  }
0x27: {  	s16 =	rddreg [dreg:$0x1];
	s4 =	sand.u32 $0x1FFFFFC0, s3  }
0x28: {  	s17 =	rddreg [dreg:$0x2];
	s3 =	simm.s32 $0x0;
	s7 =	sadd.s32 s16, s4  }
0x29: {  	[tilespmem:s3], [sflag:$0x1] =	stream.linear.gather [hbm4b:s7+s3], $0x1C00, $0x38;
	[tilespmem:$0x16000] =	vst v63  }
0x2a: {  	s8 =	simm.s32 $0x1C00;
	s19 =	rddreg [dreg:$0x3];
	s7 =	sadd.s32 s17, s4  }
0x2b: {  	[tilespmem:s8], [sflag:$0x1] =	stream.linear.gather [hbm4b:s7+s3], $0x1C00, $0x38;
	[tilespmem:$0x16000] =	vst v63  }
0x2c: {  	s4 =	sadd.s32 s19, s4  }
0x2d: {  	[tilespmem:s20], [sflag:$0x1] =	stream.linear.gather [hbm4b:s4+s3], $0x1C00, $0x38;
	[tilespmem:$0x16000] =	vst v63  }
0x2e: {  	_ =	swait.ge [sflag:s21], $0x1C00  }
0x2f: {  	[sflag:s21] =	ssyncset.done $0x0  }
0x30: {  	[sflag:s21] =	ssyncadd.s32 $0xFFFFE400  }
0x31: {  	_ =	swait.ge [sflag:s21], $0x1C00  }
0x32: {  	[sflag:s21] =	ssyncset.done $0x0  }
0x33: {  	[sflag:s21] =	ssyncadd.s32 $0xFFFFE400  }
0x34: {  	_ =	swait.ge [sflag:s21], $0x1C00  }
0x35: {  	[sflag:s21] =	ssyncset.done $0x0  }
0x36: {  	[sflag:s21] =	ssyncadd.s32 $0xFFFFE400  }
0x37: {  	[tilespmem:s23], [sflag:$0x2] =	stream.indirect.gather [hbm4b:s1+s22], $0x8, s3, s22, $0xb8;
	[tilespmem:$0x16000] =	vst v63  }
0x38: {  	_ = 	snop  }
0x39: {  	[tilespmem:s24], [sflag:$0x3] =	stream.indirect.gather [hbm4b:s1+s22], $0x8, s22, s22, $0xb8;
	[tilespmem:$0x16000] =	vst v63  }
0x3a: {  	s25 =	simm.s32 $0x100;
	s4 =	simm.s32 $0x0  }
0x3b: {  	[tilespmem:s26], [sflag:$0x4] =	stream.indirect.gather [hbm4b:s1+s22], $0x8, s25, s22, $0xb8;
	[tilespmem:$0x16000] =	vst v63  }
.LBB2_3:
0x3c: {  	v4 =	vmov s3  }
0x3d: {  	v4 =	vshll.u32 v4, $0x3  }
0x3e: {  	s7 =	sshll.u32 s4, $0x9;
	v5 =	vor.u32 v1, v4  }
0x3f: {  	v4 =	vor.u32 s7, v0;
	v5 =	vor.u32 v2, v5  }
0x40: {  	v6 =	vor.u32 s3, v4  }
0x41: {  	_ =	swait.ge [sflag:s28], $0x400  }
0x42: {  	[sflag:s28] =	ssyncset.done $0x0  }
0x43: {  	[sflag:s28] =	ssyncadd.s32 $0xFFFFFC00  }
0x44: {  	s13 =	simm.s32 $0x2;
	v7 =	vld.idx.msk [tilespmem:v5+s23+$0x0], $0xffff  }
0x45: {  	v8 =	vld.idx.msk [tilespmem:v6+s20+$0x0], $0xffff;
	v6 =	vmov s13  }
0x46: {  	v6 =	vshll.u32 v6, $0x3  }
0x47: {  	v6 =	vor.u32 v1, v6  }
0x48: {  	v6 =	vor.u32 v2, v6  }
0x49: {  	v7 =	vand.u32 $0x7FFFFFFF, v7  }
0x4a: {  	v9 =	vor.u32 s13, v4;
	v7 =	vmul.f32 v7, v8;
	_ =	sdelay $0x1  }
0x4b: {  	[tilespmem:v5+s23+$0x0] =	vst.idx.msk $0xffff, v7  }
0x4c: {  	v5 =	vld.idx.msk [tilespmem:v6+s23+$0x0], $0xffff  }
0x4d: {  	s13 =	simm.s32 $0x4  }
0x4e: {  	v7 =	vmov s13;
	v8 =	vld.idx.msk [tilespmem:v9+s20+$0x0], $0xffff  }
0x4f: {  	v7 =	vshll.u32 v7, $0x3  }
0x50: {  	v7 =	vor.u32 v1, v7  }
0x51: {  	v9 =	vand.u32 $0x7FFFFFFF, v5;
	v5 =	vor.u32 v2, v7  }
0x52: {  	v7 =	vor.u32 s13, v4  }
0x53: {  	s16 =	simm.s32 $0x8;
	v8 =	vmul.f32 v9, v8  }
.LBB2_4:
0x54: {  	_ = 	snop  }
0x55: {  	p1 =	sne.s32 s16, $0x7C;
	s17 =	smov.u32 s16;
	s16 =	sadd.s32 $0x4, s16;
	[tilespmem:v6+s23+$0x0] =	vst.idx.msk $0xffff, v8  }
0x56: {  	v8 =	vld.idx.msk [tilespmem:v5+s23+$0x0], $0xffff  }
0x57: {  	s19 =	sadd.s32 $0x2, s13;
	s13 =	smov.u32 s17;
	v7 =	vld.idx.msk [tilespmem:v7+s20+$0x0], $0xffff  }
0x58: {  	v6 =	vmov s19  }
0x59: {  	v6 =	vshll.u32 v6, $0x3  }
0x5a: {  	v6 =	vor.u32 v1, v6  }
0x5b: {  	v6 =	vor.u32 v2, v6  }
0x5c: {  	v9 =	vor.u32 s19, v4;
	v8 =	vand.u32 $0x7FFFFFFF, v8  }
0x5d: {  	v7 =	vmul.f32 v8, v7;
	_ =	sdelay $0x1  }
0x5e: {  	[tilespmem:v5+s23+$0x0] =	vst.idx.msk $0xffff, v7  }
0x5f: {  	v8 =	vld.idx.msk [tilespmem:v6+s23+$0x0], $0xffff  }
0x60: {  	v9 =	vld.idx.msk [tilespmem:v9+s20+$0x0], $0xffff  }
0x61: {  	v5 =	vmov s13  }
.Ltmp0:
0x62: {  	v5 =	vshll.u32 v5, $0x3;
	(pc) =	sbr.rel @p1 .LBB2_4-.Ltmp0, $4  }
0x63: {  	v5 =	vor.u32 v1, v5  }
0x64: {  	v5 =	vor.u32 v2, v5  }
0x65: {  	v7 =	vor.u32 s13, v4;
	v8 =	vand.u32 $0x7FFFFFFF, v8  }
0x66: {  	v8 =	vmul.f32 v8, v9  }
0x67: {  	_ =	sdelay $0x3  }
0x68: {  	[tilespmem:v6+s23+$0x0] =	vst.idx.msk $0xffff, v8  }
0x69: {  	s13 =	sadd.s32 $0x2, s13;
	v6 =	vld.idx.msk [tilespmem:v5+s23+$0x0], $0xffff  }
0x6a: {  	v8 =	vmov s13;
	v7 =	vld.idx.msk [tilespmem:v7+s20+$0x0], $0xffff  }
0x6b: {  	v8 =	vshll.u32 v8, $0x3  }
0x6c: {  	v8 =	vor.u32 v1, v8  }
0x6d: {  	v8 =	vor.u32 v2, v8  }
0x6e: {  	v4 =	vor.u32 s13, v4;
	v6 =	vand.u32 $0x7FFFFFFF, v6  }
0x6f: {  	v6 =	vmul.f32 v6, v7;
	_ =	sdelay $0x1  }
0x70: {  	[tilespmem:v5+s23+$0x0] =	vst.idx.msk $0xffff, v6  }
0x71: {  	v5 =	vld.idx.msk [tilespmem:v8+s23+$0x0], $0xffff  }
0x72: {  	v4 =	vld.idx.msk [tilespmem:v4+s20+$0x0], $0xffff;
	_ =	sdelay $0x3  }
0x73: {  	v5 =	vand.u32 $0x7FFFFFFF, v5  }
0x74: {  	v4 =	vmul.f32 v5, v4  }
0x75: {  	s8 =	sadd.s32 $0x1C00, s7;
	p1 =	seq.s32 s4, $0x0  }
0x76: {  	s19 =	simm.s32 $0x0;
	s17 =	sshll.u32 s4, $0x2;
	s25 =	simm.s32 @!p1 $0x9;
	[tilespmem:v8+s23+$0x0] =	vst.idx.msk $0xffff, v4  }
0x77: {  	v4 =	vmov s19;
	[spmem:s6] =	stream.indirect.scatter.add.f32 [tilespmem:s23], [sflag:$0x6], $0x8, s8, s22, $0xb8;
	[tilespmem:$0x16000] =	vst v63  }
0x78: {  	s13 =	sor.u32 $0x1, s17;
	v4 =	vshll.u32 v4, $0x3;
	_ =	swait.ge @!p1 [sflag:s25], $0x400  }
0x79: {  	s16 =	sand.u32 $0x3FFFFE00, s7;
	s7 =	sshll.u32 s13, $0x7;
	v5 =	vor.u32 v1, v4;
	[sflag:s25] =	ssyncset.done @!p1 $0x0  }
0x7a: {  	s14 =	sor.u32 $0x180, s16;
	v4 =	vor.u32 s7, v0;
	v5 =	vor.u32 v2, v5;
	[sflag:s25] =	ssyncadd.s32 @!p1 $0xFFFFFC00  }
0x7b: {  	v6 =	vor.u32 s19, v4;
	[tilespmem:s29], [sflag:$0x5] =	stream.indirect.gather [hbm4b:s1+s22], $0x8, s14, s22, $0xb8;
	[tilespmem:$0x16000] =	vst v63  }
0x7c: {  	_ =	swait.ge [sflag:s30], $0x400  }
0x7d: {  	[sflag:s30] =	ssyncset.done $0x0  }
0x7e: {  	[sflag:s30] =	ssyncadd.s32 $0xFFFFFC00  }
0x7f: {  	s25 =	simm.s32 $0x2;
	v7 =	vld.idx.msk [tilespmem:v5+s24+$0x0], $0xffff  }
0x80: {  	v8 =	vld.idx.msk [tilespmem:v6+s20+$0x0], $0xffff;
	v6 =	vmov s25  }
0x81: {  	v6 =	vshll.u32 v6, $0x3  }
0x82: {  	v6 =	vor.u32 v1, v6  }
0x83: {  	v6 =	vor.u32 v2, v6  }
0x84: {  	v7 =	vand.u32 $0x7FFFFFFF, v7  }
0x85: {  	v9 =	vor.u32 s25, v4;
	v7 =	vmul.f32 v7, v8;
	_ =	sdelay $0x1  }
0x86: {  	[tilespmem:v5+s24+$0x0] =	vst.idx.msk $0xffff, v7  }
0x87: {  	v5 =	vld.idx.msk [tilespmem:v6+s24+$0x0], $0xffff  }
0x88: {  	s19 =	simm.s32 $0x4  }
0x89: {  	v7 =	vmov s19;
	v8 =	vld.idx.msk [tilespmem:v9+s20+$0x0], $0xffff  }
0x8a: {  	v7 =	vshll.u32 v7, $0x3  }
0x8b: {  	v7 =	vor.u32 v1, v7  }
0x8c: {  	v9 =	vand.u32 $0x7FFFFFFF, v5;
	v5 =	vor.u32 v2, v7  }
0x8d: {  	v7 =	vor.u32 s19, v4  }
0x8e: {  	s25 =	simm.s32 $0x8;
	v8 =	vmul.f32 v9, v8  }
.LBB2_6:
0x8f: {  	_ = 	snop  }
0x90: {  	p1 =	sne.s32 s25, $0x7C;
	s8 =	smov.u32 s25;
	s25 =	sadd.s32 $0x4, s25;
	[tilespmem:v6+s24+$0x0] =	vst.idx.msk $0xffff, v8  }
0x91: {  	v8 =	vld.idx.msk [tilespmem:v5+s24+$0x0], $0xffff  }
0x92: {  	s14 =	sadd.s32 $0x2, s19;
	s19 =	smov.u32 s8;
	v7 =	vld.idx.msk [tilespmem:v7+s20+$0x0], $0xffff  }
0x93: {  	v6 =	vmov s14  }
0x94: {  	v6 =	vshll.u32 v6, $0x3  }
0x95: {  	v6 =	vor.u32 v1, v6  }
0x96: {  	v6 =	vor.u32 v2, v6  }
0x97: {  	v9 =	vor.u32 s14, v4;
	v8 =	vand.u32 $0x7FFFFFFF, v8  }
0x98: {  	v7 =	vmul.f32 v8, v7;
	_ =	sdelay $0x1  }
0x99: {  	[tilespmem:v5+s24+$0x0] =	vst.idx.msk $0xffff, v7  }
0x9a: {  	v8 =	vld.idx.msk [tilespmem:v6+s24+$0x0], $0xffff  }
0x9b: {  	v9 =	vld.idx.msk [tilespmem:v9+s20+$0x0], $0xffff  }
0x9c: {  	v5 =	vmov s19  }
.Ltmp1:
0x9d: {  	v5 =	vshll.u32 v5, $0x3;
	(pc) =	sbr.rel @p1 .LBB2_6-.Ltmp1, $4  }
0x9e: {  	v5 =	vor.u32 v1, v5  }
0x9f: {  	v5 =	vor.u32 v2, v5  }
0xa0: {  	v7 =	vor.u32 s19, v4;
	v8 =	vand.u32 $0x7FFFFFFF, v8  }
0xa1: {  	v8 =	vmul.f32 v8, v9  }
0xa2: {  	_ =	sdelay $0x3  }
0xa3: {  	[tilespmem:v6+s24+$0x0] =	vst.idx.msk $0xffff, v8  }
0xa4: {  	s8 =	sadd.s32 $0x2, s19;
	v6 =	vld.idx.msk [tilespmem:v5+s24+$0x0], $0xffff  }
0xa5: {  	v8 =	vmov s8;
	v7 =	vld.idx.msk [tilespmem:v7+s20+$0x0], $0xffff  }
0xa6: {  	v8 =	vshll.u32 v8, $0x3  }
0xa7: {  	v8 =	vor.u32 v1, v8  }
0xa8: {  	v8 =	vor.u32 v2, v8  }
0xa9: {  	v4 =	vor.u32 s8, v4;
	v6 =	vand.u32 $0x7FFFFFFF, v6  }
0xaa: {  	v6 =	vmul.f32 v6, v7;
	_ =	sdelay $0x1  }
0xab: {  	[tilespmem:v5+s24+$0x0] =	vst.idx.msk $0xffff, v6  }
0xac: {  	v5 =	vld.idx.msk [tilespmem:v8+s24+$0x0], $0xffff  }
0xad: {  	v4 =	vld.idx.msk [tilespmem:v4+s20+$0x0], $0xffff;
	_ =	sdelay $0x3  }
0xae: {  	v5 =	vand.u32 $0x7FFFFFFF, v5  }
0xaf: {  	v4 =	vmul.f32 v5, v4;
	_ =	sdelay $0x1  }
0xb0: {  	s7 =	sadd.s32 $0x1C00, s7;
	s8 =	simm.s32 $0x0;
	[tilespmem:v8+s24+$0x0] =	vst.idx.msk $0xffff, v4  }
0xb1: {  	v4 =	vmov s8;
	[spmem:s6] =	stream.indirect.scatter.add.f32 [tilespmem:s24], [sflag:$0x7], $0x8, s7, s22, $0xb8;
	[tilespmem:$0x16000] =	vst v63  }
0xb2: {  	p1 =	sgt.u32 s13, $0x34;
	s7 =	sor.u32 $0x2, s17;
	v4 =	vshll.u32 v4, $0x3;
	_ =	swait.ge [sflag:s31], $0x400  }
0xb3: {  	s14 =	sadd.s32 @!p1 $0x200, s16;
	s13 =	sshll.u32 s7, $0x7;
	v5 =	vor.u32 v1, v4;
	[sflag:s31] =	ssyncset.done $0x0  }
0xb4: {  	s19 =	simm.s32 @!p1 $0x80;
	s25 =	simm.s32 @!p1 $0x5400;
	v4 =	vor.u32 s13, v0;
	v5 =	vor.u32 v2, v5;
	[sflag:s31] =	ssyncadd.s32 $0xFFFFFC00  }
0xb5: {  	v6 =	vor.u32 s8, v4;
	[tilespmem:s25], [sflag:$0x2] =	stream.indirect.gather @!p1 [hbm4b:s1+s19], $0x8, s14, s19, $0xb8;
	[tilespmem:$0x16000] =	vst v63  }
0xb6: {  	_ =	swait.ge [sflag:s0], $0x400  }
0xb7: {  	[sflag:s0] =	ssyncset.done $0x0  }
0xb8: {  	[sflag:s0] =	ssyncadd.s32 $0xFFFFFC00  }
0xb9: {  	s25 =	simm.s32 $0x2;
	v7 =	vld.idx.msk [tilespmem:v5+s26+$0x0], $0xffff  }
0xba: {  	v8 =	vld.idx.msk [tilespmem:v6+s20+$0x0], $0xffff;
	v6 =	vmov s25  }
0xbb: {  	v6 =	vshll.u32 v6, $0x3  }
0xbc: {  	v6 =	vor.u32 v1, v6  }
0xbd: {  	v6 =	vor.u32 v2, v6  }
0xbe: {  	v7 =	vand.u32 $0x7FFFFFFF, v7  }
0xbf: {  	v9 =	vor.u32 s25, v4;
	v7 =	vmul.f32 v7, v8;
	_ =	sdelay $0x1  }
0xc0: {  	[tilespmem:v5+s26+$0x0] =	vst.idx.msk $0xffff, v7  }
0xc1: {  	v5 =	vld.idx.msk [tilespmem:v6+s26+$0x0], $0xffff  }
0xc2: {  	s19 =	simm.s32 $0x4  }
0xc3: {  	v7 =	vmov s19;
	v8 =	vld.idx.msk [tilespmem:v9+s20+$0x0], $0xffff  }
0xc4: {  	v7 =	vshll.u32 v7, $0x3  }
0xc5: {  	v7 =	vor.u32 v1, v7  }
0xc6: {  	v9 =	vand.u32 $0x7FFFFFFF, v5;
	v5 =	vor.u32 v2, v7  }
0xc7: {  	v7 =	vor.u32 s19, v4  }
0xc8: {  	s25 =	simm.s32 $0x8;
	v8 =	vmul.f32 v9, v8  }
.LBB2_8:
0xc9: {  	_ = 	snop  }
0xca: {  	p1 =	sne.s32 s25, $0x7C;
	s8 =	smov.u32 s25;
	s25 =	sadd.s32 $0x4, s25;
	[tilespmem:v6+s26+$0x0] =	vst.idx.msk $0xffff, v8  }
0xcb: {  	v8 =	vld.idx.msk [tilespmem:v5+s26+$0x0], $0xffff  }
0xcc: {  	s14 =	sadd.s32 $0x2, s19;
	s19 =	smov.u32 s8;
	v7 =	vld.idx.msk [tilespmem:v7+s20+$0x0], $0xffff  }
0xcd: {  	v6 =	vmov s14  }
0xce: {  	v6 =	vshll.u32 v6, $0x3  }
0xcf: {  	v6 =	vor.u32 v1, v6  }
0xd0: {  	v6 =	vor.u32 v2, v6  }
0xd1: {  	v9 =	vor.u32 s14, v4;
	v8 =	vand.u32 $0x7FFFFFFF, v8  }
0xd2: {  	v7 =	vmul.f32 v8, v7;
	_ =	sdelay $0x1  }
0xd3: {  	[tilespmem:v5+s26+$0x0] =	vst.idx.msk $0xffff, v7  }
0xd4: {  	v8 =	vld.idx.msk [tilespmem:v6+s26+$0x0], $0xffff  }
0xd5: {  	v9 =	vld.idx.msk [tilespmem:v9+s20+$0x0], $0xffff  }
0xd6: {  	v5 =	vmov s19  }
.Ltmp2:
0xd7: {  	v5 =	vshll.u32 v5, $0x3;
	(pc) =	sbr.rel @p1 .LBB2_8-.Ltmp2, $4  }
0xd8: {  	v5 =	vor.u32 v1, v5  }
0xd9: {  	v5 =	vor.u32 v2, v5  }
0xda: {  	v7 =	vor.u32 s19, v4;
	v8 =	vand.u32 $0x7FFFFFFF, v8  }
0xdb: {  	v8 =	vmul.f32 v8, v9  }
0xdc: {  	_ =	sdelay $0x3  }
0xdd: {  	[tilespmem:v6+s26+$0x0] =	vst.idx.msk $0xffff, v8  }
0xde: {  	s8 =	sadd.s32 $0x2, s19;
	v6 =	vld.idx.msk [tilespmem:v5+s26+$0x0], $0xffff  }
0xdf: {  	v8 =	vmov s8;
	v7 =	vld.idx.msk [tilespmem:v7+s20+$0x0], $0xffff  }
0xe0: {  	v8 =	vshll.u32 v8, $0x3  }
0xe1: {  	v8 =	vor.u32 v1, v8  }
0xe2: {  	v8 =	vor.u32 v2, v8  }
0xe3: {  	v4 =	vor.u32 s8, v4;
	v6 =	vand.u32 $0x7FFFFFFF, v6  }
0xe4: {  	v6 =	vmul.f32 v6, v7;
	_ =	sdelay $0x1  }
0xe5: {  	[tilespmem:v5+s26+$0x0] =	vst.idx.msk $0xffff, v6  }
0xe6: {  	v5 =	vld.idx.msk [tilespmem:v8+s26+$0x0], $0xffff  }
0xe7: {  	v4 =	vld.idx.msk [tilespmem:v4+s20+$0x0], $0xffff;
	_ =	sdelay $0x3  }
0xe8: {  	v5 =	vand.u32 $0x7FFFFFFF, v5  }
0xe9: {  	v4 =	vmul.f32 v5, v4;
	_ =	sdelay $0x1  }
0xea: {  	s19 =	sadd.s32 $0x1C00, s13;
	s25 =	simm.s32 $0x0;
	[tilespmem:v8+s26+$0x0] =	vst.idx.msk $0xffff, v4  }
0xeb: {  	v4 =	vmov s25;
	[spmem:s6] =	stream.indirect.scatter.add.f32 [tilespmem:s26], [sflag:$0x8], $0x8, s19, s22, $0xb8;
	[tilespmem:$0x16000] =	vst v63  }
0xec: {  	s13 =	sor.u32 $0x3, s17;
	p1 =	sgt.u32 s7, $0x34;
	v4 =	vshll.u32 v4, $0x3;
	_ =	swait.ge [sflag:s5], $0x400  }
0xed: {  	s7 =	sshll.u32 s13, $0x7;
	s14 =	sadd.s32 @!p1 $0x280, s16;
	v5 =	vor.u32 v1, v4;
	[sflag:s5] =	ssyncset.done $0x0  }
0xee: {  	s17 =	simm.s32 @!p1 $0x80;
	s19 =	simm.s32 @!p1 $0x5800;
	v4 =	vor.u32 s7, v0;
	v5 =	vor.u32 v2, v5;
	[sflag:s5] =	ssyncadd.s32 $0xFFFFFC00  }
0xef: {  	v6 =	vor.u32 s25, v4;
	[tilespmem:s19], [sflag:$0x3] =	stream.indirect.gather @!p1 [hbm4b:s1+s17], $0x8, s14, s17, $0xb8;
	[tilespmem:$0x16000] =	vst v63  }
0xf0: {  	_ =	swait.ge [sflag:s9], $0x400  }
0xf1: {  	[sflag:s9] =	ssyncset.done $0x0  }
0xf2: {  	[sflag:s9] =	ssyncadd.s32 $0xFFFFFC00  }
0xf3: {  	s25 =	simm.s32 $0x2;
	v7 =	vld.idx.msk [tilespmem:v5+s29+$0x0], $0xffff  }
0xf4: {  	v8 =	vld.idx.msk [tilespmem:v6+s20+$0x0], $0xffff;
	v6 =	vmov s25  }
0xf5: {  	v6 =	vshll.u32 v6, $0x3  }
0xf6: {  	v6 =	vor.u32 v1, v6  }
0xf7: {  	v6 =	vor.u32 v2, v6  }
0xf8: {  	v7 =	vand.u32 $0x7FFFFFFF, v7  }
0xf9: {  	v9 =	vor.u32 s25, v4;
	v7 =	vmul.f32 v7, v8;
	_ =	sdelay $0x1  }
0xfa: {  	[tilespmem:v5+s29+$0x0] =	vst.idx.msk $0xffff, v7  }
0xfb: {  	v5 =	vld.idx.msk [tilespmem:v6+s29+$0x0], $0xffff  }
0xfc: {  	s17 =	simm.s32 $0x4  }
0xfd: {  	v7 =	vmov s17;
	v8 =	vld.idx.msk [tilespmem:v9+s20+$0x0], $0xffff  }
0xfe: {  	v7 =	vshll.u32 v7, $0x3  }
0xff: {  	v7 =	vor.u32 v1, v7  }
0x100: {  	v9 =	vand.u32 $0x7FFFFFFF, v5;
	v5 =	vor.u32 v2, v7  }
0x101: {  	v7 =	vor.u32 s17, v4  }
0x102: {  	s19 =	simm.s32 $0x8;
	v8 =	vmul.f32 v9, v8  }
.LBB2_10:
0x103: {  	_ = 	snop  }
0x104: {  	p1 =	sne.s32 s19, $0x7C;
	s8 =	smov.u32 s19;
	s19 =	sadd.s32 $0x4, s19;
	[tilespmem:v6+s29+$0x0] =	vst.idx.msk $0xffff, v8  }
0x105: {  	v8 =	vld.idx.msk [tilespmem:v5+s29+$0x0], $0xffff  }
0x106: {  	s14 =	sadd.s32 $0x2, s17;
	s17 =	smov.u32 s8;
	v7 =	vld.idx.msk [tilespmem:v7+s20+$0x0], $0xffff  }
0x107: {  	v6 =	vmov s14  }
0x108: {  	v6 =	vshll.u32 v6, $0x3  }
0x109: {  	v6 =	vor.u32 v1, v6  }
0x10a: {  	v6 =	vor.u32 v2, v6  }
0x10b: {  	v9 =	vor.u32 s14, v4;
	v8 =	vand.u32 $0x7FFFFFFF, v8  }
0x10c: {  	v7 =	vmul.f32 v8, v7;
	_ =	sdelay $0x1  }
0x10d: {  	[tilespmem:v5+s29+$0x0] =	vst.idx.msk $0xffff, v7  }
0x10e: {  	v8 =	vld.idx.msk [tilespmem:v6+s29+$0x0], $0xffff  }
0x10f: {  	v9 =	vld.idx.msk [tilespmem:v9+s20+$0x0], $0xffff  }
0x110: {  	v5 =	vmov s17  }
.Ltmp3:
0x111: {  	v5 =	vshll.u32 v5, $0x3;
	(pc) =	sbr.rel @p1 .LBB2_10-.Ltmp3, $4  }
0x112: {  	v5 =	vor.u32 v1, v5  }
0x113: {  	v5 =	vor.u32 v2, v5  }
0x114: {  	v7 =	vor.u32 s17, v4;
	v8 =	vand.u32 $0x7FFFFFFF, v8  }
0x115: {  	v8 =	vmul.f32 v8, v9  }
0x116: {  	_ =	sdelay $0x3  }
0x117: {  	[tilespmem:v6+s29+$0x0] =	vst.idx.msk $0xffff, v8  }
0x118: {  	s8 =	sadd.s32 $0x2, s17;
	v6 =	vld.idx.msk [tilespmem:v5+s29+$0x0], $0xffff  }
0x119: {  	v63 =	vmov s8;
	v7 =	vld.idx.msk [tilespmem:v7+s20+$0x0], $0xffff  }
0x11a: {  	v8 =	vshll.u32 v63, $0x3  }
0x11b: {  	v8 =	vor.u32 v1, v8  }
0x11c: {  	v8 =	vor.u32 v2, v8  }
0x11d: {  	v4 =	vor.u32 s8, v4;
	v6 =	vand.u32 $0x7FFFFFFF, v6  }
0x11e: {  	v6 =	vmul.f32 v6, v7;
	_ =	sdelay $0x1  }
0x11f: {  	[tilespmem:v5+s29+$0x0] =	vst.idx.msk $0xffff, v6  }
0x120: {  	v5 =	vld.idx.msk [tilespmem:v8+s29+$0x0], $0xffff  }
0x121: {  	v4 =	vld.idx.msk [tilespmem:v4+s20+$0x0], $0xffff;
	_ =	sdelay $0x3  }
0x122: {  	v5 =	vand.u32 $0x7FFFFFFF, v5  }
0x123: {  	v4 =	vmul.f32 v5, v4;
	_ =	sdelay $0x1  }
0x124: {  	s7 =	sadd.s32 $0x1C00, s7;
	[tilespmem:v8+s29+$0x0] =	vst.idx.msk $0xffff, v4  }
0x125: {  	[spmem:s6] =	stream.indirect.scatter.add.f32 [tilespmem:s29], [sflag:$0x9], $0x8, s7, s22, $0xb8;
	[tilespmem:$0x16000] =	vst v63  }
0x126: {  	p1 =	sgt.u32 s13, $0x34;
	_ =	swait.ge [sflag:s10], $0x400  }
0x127: {  	s4 =	sadd.s32 $0x1, s4;
	s8 =	simm.s32 @!p1 $0x80;
	[sflag:s10] =	ssyncset.done $0x0  }
0x128: {  	s13 =	simm.s32 @!p1 $0x5C00;
	s7 =	sadd.s32 @!p1 $0x300, s16;
	[sflag:s10] =	ssyncadd.s32 $0xFFFFFC00  }
0x129: {  	[tilespmem:s13], [sflag:$0x4] =	stream.indirect.gather @!p1 [hbm4b:s1+s8], $0x8, s7, s8, $0xb8;
	[tilespmem:$0x16000] =	vst v63  }
0x12a: {  	p1 =	sne.s32 s4, $0xE  }
.Ltmp4:
0x12b: {  	_ = 	snop;
	(pc) =	sbr.rel @p1 .LBB2_3-.Ltmp4, $1  }
0x12c: {  	_ =	sdelay $0x3  }
0x12d: {  	s2 =	sadd.s32 $0x1, s2  }
0x12e: {  	p1 =	sne.s32 s2, $0x6  }
.Ltmp5:
0x12f: {  	_ = 	snop;
	(pc) =	sbr.rel @p1 .LBB2_2-.Ltmp5, $4  }
0x130: {  	_ = 	snop  }
0x131: {  	_ =	swait.ge [sflag:s11], $0x400  }
0x132: {  	[sflag:s11] =	ssyncset.done $0x0  }
0x133: {  	[sflag:s11] =	ssyncadd.s32 $0xFFFFFC00  }
.Ltmp6:
0x134: {  	(pc) =	sbr.rel @p0 .LBB2_24-.Ltmp6, $2  }
0x135: {  	_ =	sdelay $0x2  }
0x136: {  	s2 =	simm.s32 $0x0  }
0x137: {  	s3 =	rddreg [dreg:$0x9]  }
0x138: {  	[tilespmem:s2], [sflag:$0x1] =	stream.linear.gather [hbm4b:s3+s2], $0x1A00, $0x38;
	[tilespmem:$0x16000] =	vst v63  }
0x139: {  	s17 =	rddreg [dreg:$0xa];
	s4 =	simm.s32 $0x1C00  }
0x13a: {  	[tilespmem:s4], [sflag:$0x1] =	stream.linear.gather [hbm4b:s17+s2], $0x1A00, $0x38;
	[tilespmem:$0x16000] =	vst v63  }
0x13b: {  	s19 =	rddreg [dreg:$0xb]  }
0x13c: {  	[tilespmem:s20], [sflag:$0x1] =	stream.linear.gather [hbm4b:s19+s2], $0x1A00, $0x38;
	[tilespmem:$0x16000] =	vst v63  }
0x13d: {  	_ =	swait.ge [sflag:s21], $0x1A00  }
0x13e: {  	[sflag:s21] =	ssyncset.done $0x0  }
0x13f: {  	[sflag:s21] =	ssyncadd.s32 $0xFFFFE600  }
0x140: {  	_ =	swait.ge [sflag:s21], $0x1A00  }
0x141: {  	[sflag:s21] =	ssyncset.done $0x0  }
0x142: {  	[sflag:s21] =	ssyncadd.s32 $0xFFFFE600  }
0x143: {  	_ =	swait.ge [sflag:s21], $0x1A00  }
0x144: {  	[sflag:s21] =	ssyncset.done $0x0  }
0x145: {  	[sflag:s21] =	ssyncadd.s32 $0xFFFFE600  }
0x146: {  	[tilespmem:s23], [sflag:$0x2] =	stream.indirect.gather [hbm4b:s1+s22], $0x8, s2, s22, $0xb8;
	[tilespmem:$0x16000] =	vst v63  }
0x147: {  	_ = 	snop  }
0x148: {  	[tilespmem:s24], [sflag:$0x3] =	stream.indirect.gather [hbm4b:s1+s22], $0x8, s22, s22, $0xb8;
	[tilespmem:$0x16000] =	vst v63  }
0x149: {  	s25 =	simm.s32 $0x100;
	s3 =	simm.s32 $0x0  }
0x14a: {  	[tilespmem:s26], [sflag:$0x4] =	stream.indirect.gather [hbm4b:s1+s22], $0x8, s25, s22, $0xb8;
	[tilespmem:$0x16000] =	vst v63  }
.LBB2_15:
0x14b: {  	v4 =	vmov s2  }
0x14c: {  	v4 =	vshll.u32 v4, $0x3  }
0x14d: {  	s4 =	sshll.u32 s3, $0x9;
	v5 =	vor.u32 v1, v4  }
0x14e: {  	v4 =	vor.u32 s4, v0;
	v5 =	vor.u32 v2, v5  }
0x14f: {  	v6 =	vor.u32 s2, v4  }
0x150: {  	_ =	swait.ge [sflag:s28], $0x400  }
0x151: {  	[sflag:s28] =	ssyncset.done $0x0  }
0x152: {  	[sflag:s28] =	ssyncadd.s32 $0xFFFFFC00  }
0x153: {  	s7 =	simm.s32 $0x2;
	v7 =	vld.idx.msk [tilespmem:v5+s23+$0x0], $0xffff  }
0x154: {  	v8 =	vld.idx.msk [tilespmem:v6+s20+$0x0], $0xffff;
	v6 =	vmov s7  }
0x155: {  	v6 =	vshll.u32 v6, $0x3  }
0x156: {  	v6 =	vor.u32 v1, v6  }
0x157: {  	v6 =	vor.u32 v2, v6  }
0x158: {  	v7 =	vand.u32 $0x7FFFFFFF, v7  }
0x159: {  	v9 =	vor.u32 s7, v4;
	v7 =	vmul.f32 v7, v8;
	_ =	sdelay $0x1  }
0x15a: {  	[tilespmem:v5+s23+$0x0] =	vst.idx.msk $0xffff, v7  }
0x15b: {  	v5 =	vld.idx.msk [tilespmem:v6+s23+$0x0], $0xffff  }
0x15c: {  	s7 =	simm.s32 $0x4  }
0x15d: {  	v7 =	vmov s7;
	v8 =	vld.idx.msk [tilespmem:v9+s20+$0x0], $0xffff  }
0x15e: {  	v7 =	vshll.u32 v7, $0x3  }
0x15f: {  	v7 =	vor.u32 v1, v7  }
0x160: {  	v9 =	vand.u32 $0x7FFFFFFF, v5;
	v5 =	vor.u32 v2, v7  }
0x161: {  	v7 =	vor.u32 s7, v4  }
0x162: {  	s13 =	simm.s32 $0x8;
	v8 =	vmul.f32 v9, v8  }
.LBB2_16:
0x163: {  	_ = 	snop  }
0x164: {  	p1 =	sne.s32 s13, $0x7C;
	s8 =	smov.u32 s13;
	s13 =	sadd.s32 $0x4, s13;
	[tilespmem:v6+s23+$0x0] =	vst.idx.msk $0xffff, v8  }
0x165: {  	v8 =	vld.idx.msk [tilespmem:v5+s23+$0x0], $0xffff  }
0x166: {  	s14 =	sadd.s32 $0x2, s7;
	s7 =	smov.u32 s8;
	v7 =	vld.idx.msk [tilespmem:v7+s20+$0x0], $0xffff  }
0x167: {  	v6 =	vmov s14  }
0x168: {  	v6 =	vshll.u32 v6, $0x3  }
0x169: {  	v6 =	vor.u32 v1, v6  }
0x16a: {  	v6 =	vor.u32 v2, v6  }
0x16b: {  	v9 =	vor.u32 s14, v4;
	v8 =	vand.u32 $0x7FFFFFFF, v8  }
0x16c: {  	v7 =	vmul.f32 v8, v7;
	_ =	sdelay $0x1  }
0x16d: {  	[tilespmem:v5+s23+$0x0] =	vst.idx.msk $0xffff, v7  }
0x16e: {  	v8 =	vld.idx.msk [tilespmem:v6+s23+$0x0], $0xffff  }
0x16f: {  	v9 =	vld.idx.msk [tilespmem:v9+s20+$0x0], $0xffff  }
0x170: {  	v5 =	vmov s7  }
.Ltmp7:
0x171: {  	v5 =	vshll.u32 v5, $0x3;
	(pc) =	sbr.rel @p1 .LBB2_16-.Ltmp7, $4  }
0x172: {  	v5 =	vor.u32 v1, v5  }
0x173: {  	v5 =	vor.u32 v2, v5  }
0x174: {  	v7 =	vor.u32 s7, v4;
	v8 =	vand.u32 $0x7FFFFFFF, v8  }
0x175: {  	v8 =	vmul.f32 v8, v9  }
0x176: {  	_ =	sdelay $0x3  }
0x177: {  	[tilespmem:v6+s23+$0x0] =	vst.idx.msk $0xffff, v8  }
0x178: {  	s7 =	sadd.s32 $0x2, s7;
	v6 =	vld.idx.msk [tilespmem:v5+s23+$0x0], $0xffff  }
0x179: {  	v8 =	vmov s7;
	v7 =	vld.idx.msk [tilespmem:v7+s20+$0x0], $0xffff  }
0x17a: {  	v8 =	vshll.u32 v8, $0x3  }
0x17b: {  	v8 =	vor.u32 v1, v8  }
0x17c: {  	v8 =	vor.u32 v2, v8  }
0x17d: {  	v4 =	vor.u32 s7, v4;
	v6 =	vand.u32 $0x7FFFFFFF, v6  }
0x17e: {  	v6 =	vmul.f32 v6, v7;
	_ =	sdelay $0x1  }
0x17f: {  	[tilespmem:v5+s23+$0x0] =	vst.idx.msk $0xffff, v6  }
0x180: {  	v5 =	vld.idx.msk [tilespmem:v8+s23+$0x0], $0xffff  }
0x181: {  	v4 =	vld.idx.msk [tilespmem:v4+s20+$0x0], $0xffff;
	_ =	sdelay $0x3  }
0x182: {  	v5 =	vand.u32 $0x7FFFFFFF, v5  }
0x183: {  	v4 =	vmul.f32 v5, v4  }
0x184: {  	s17 =	sadd.s32 $0x1C00, s4;
	p1 =	seq.s32 s3, $0x0  }
0x185: {  	s8 =	simm.s32 $0x0;
	s16 =	sshll.u32 s3, $0x2;
	s14 =	simm.s32 @!p1 $0x9;
	[tilespmem:v8+s23+$0x0] =	vst.idx.msk $0xffff, v4  }
0x186: {  	v4 =	vmov s8;
	[spmem:s6] =	stream.indirect.scatter.add.f32 [tilespmem:s23], [sflag:$0x6], $0x8, s17, s22, $0xb8;
	[tilespmem:$0x16000] =	vst v63  }
0x187: {  	s13 =	sor.u32 $0x1, s16;
	v4 =	vshll.u32 v4, $0x3;
	_ =	swait.ge @!p1 [sflag:s14], $0x400  }
0x188: {  	s4 =	sand.u32 $0x3FFFFE00, s4;
	s7 =	sshll.u32 s13, $0x7;
	v5 =	vor.u32 v1, v4;
	[sflag:s14] =	ssyncset.done @!p1 $0x0  }
0x189: {  	s19 =	sor.u32 $0x180, s4;
	v4 =	vor.u32 s7, v0;
	v5 =	vor.u32 v2, v5;
	[sflag:s14] =	ssyncadd.s32 @!p1 $0xFFFFFC00  }
0x18a: {  	v6 =	vor.u32 s8, v4;
	[tilespmem:s29], [sflag:$0x5] =	stream.indirect.gather [hbm4b:s1+s22], $0x8, s19, s22, $0xb8;
	[tilespmem:$0x16000] =	vst v63  }
0x18b: {  	_ =	swait.ge [sflag:s30], $0x400  }
0x18c: {  	[sflag:s30] =	ssyncset.done $0x0  }
0x18d: {  	[sflag:s30] =	ssyncadd.s32 $0xFFFFFC00  }
0x18e: {  	s25 =	simm.s32 $0x2;
	v7 =	vld.idx.msk [tilespmem:v5+s24+$0x0], $0xffff  }
0x18f: {  	v8 =	vld.idx.msk [tilespmem:v6+s20+$0x0], $0xffff;
	v6 =	vmov s25  }
0x190: {  	v6 =	vshll.u32 v6, $0x3  }
0x191: {  	v6 =	vor.u32 v1, v6  }
0x192: {  	v6 =	vor.u32 v2, v6  }
0x193: {  	v7 =	vand.u32 $0x7FFFFFFF, v7  }
0x194: {  	v9 =	vor.u32 s25, v4;
	v7 =	vmul.f32 v7, v8;
	_ =	sdelay $0x1  }
0x195: {  	[tilespmem:v5+s24+$0x0] =	vst.idx.msk $0xffff, v7  }
0x196: {  	v5 =	vld.idx.msk [tilespmem:v6+s24+$0x0], $0xffff  }
0x197: {  	s17 =	simm.s32 $0x4  }
0x198: {  	v7 =	vmov s17;
	v8 =	vld.idx.msk [tilespmem:v9+s20+$0x0], $0xffff  }
0x199: {  	v7 =	vshll.u32 v7, $0x3  }
0x19a: {  	v7 =	vor.u32 v1, v7  }
0x19b: {  	v9 =	vand.u32 $0x7FFFFFFF, v5;
	v5 =	vor.u32 v2, v7  }
0x19c: {  	v7 =	vor.u32 s17, v4  }
0x19d: {  	s19 =	simm.s32 $0x8;
	v8 =	vmul.f32 v9, v8  }
.LBB2_18:
0x19e: {  	_ = 	snop  }
0x19f: {  	p1 =	sne.s32 s19, $0x7C;
	s8 =	smov.u32 s19;
	s19 =	sadd.s32 $0x4, s19;
	[tilespmem:v6+s24+$0x0] =	vst.idx.msk $0xffff, v8  }
0x1a0: {  	v8 =	vld.idx.msk [tilespmem:v5+s24+$0x0], $0xffff  }
0x1a1: {  	s14 =	sadd.s32 $0x2, s17;
	s17 =	smov.u32 s8;
	v7 =	vld.idx.msk [tilespmem:v7+s20+$0x0], $0xffff  }
0x1a2: {  	v6 =	vmov s14  }
0x1a3: {  	v6 =	vshll.u32 v6, $0x3  }
0x1a4: {  	v6 =	vor.u32 v1, v6  }
0x1a5: {  	v6 =	vor.u32 v2, v6  }
0x1a6: {  	v9 =	vor.u32 s14, v4;
	v8 =	vand.u32 $0x7FFFFFFF, v8  }
0x1a7: {  	v7 =	vmul.f32 v8, v7;
	_ =	sdelay $0x1  }
0x1a8: {  	[tilespmem:v5+s24+$0x0] =	vst.idx.msk $0xffff, v7  }
0x1a9: {  	v8 =	vld.idx.msk [tilespmem:v6+s24+$0x0], $0xffff  }
0x1aa: {  	v9 =	vld.idx.msk [tilespmem:v9+s20+$0x0], $0xffff  }
0x1ab: {  	v5 =	vmov s17  }
.Ltmp8:
0x1ac: {  	v5 =	vshll.u32 v5, $0x3;
	(pc) =	sbr.rel @p1 .LBB2_18-.Ltmp8, $4  }
0x1ad: {  	v5 =	vor.u32 v1, v5  }
0x1ae: {  	v5 =	vor.u32 v2, v5  }
0x1af: {  	v7 =	vor.u32 s17, v4;
	v8 =	vand.u32 $0x7FFFFFFF, v8  }
0x1b0: {  	v8 =	vmul.f32 v8, v9  }
0x1b1: {  	_ =	sdelay $0x3  }
0x1b2: {  	[tilespmem:v6+s24+$0x0] =	vst.idx.msk $0xffff, v8  }
0x1b3: {  	s8 =	sadd.s32 $0x2, s17;
	v6 =	vld.idx.msk [tilespmem:v5+s24+$0x0], $0xffff  }
0x1b4: {  	v8 =	vmov s8;
	v7 =	vld.idx.msk [tilespmem:v7+s20+$0x0], $0xffff  }
0x1b5: {  	v8 =	vshll.u32 v8, $0x3  }
0x1b6: {  	v8 =	vor.u32 v1, v8  }
0x1b7: {  	v8 =	vor.u32 v2, v8  }
0x1b8: {  	v4 =	vor.u32 s8, v4;
	v6 =	vand.u32 $0x7FFFFFFF, v6  }
0x1b9: {  	v6 =	vmul.f32 v6, v7;
	_ =	sdelay $0x1  }
0x1ba: {  	[tilespmem:v5+s24+$0x0] =	vst.idx.msk $0xffff, v6  }
0x1bb: {  	v5 =	vld.idx.msk [tilespmem:v8+s24+$0x0], $0xffff  }
0x1bc: {  	v4 =	vld.idx.msk [tilespmem:v4+s20+$0x0], $0xffff;
	_ =	sdelay $0x3  }
0x1bd: {  	v5 =	vand.u32 $0x7FFFFFFF, v5  }
0x1be: {  	v4 =	vmul.f32 v5, v4;
	_ =	sdelay $0x1  }
0x1bf: {  	s7 =	sadd.s32 $0x1C00, s7;
	s25 =	simm.s32 $0x0;
	[tilespmem:v8+s24+$0x0] =	vst.idx.msk $0xffff, v4  }
0x1c0: {  	v4 =	vmov s25;
	[spmem:s6] =	stream.indirect.scatter.add.f32 [tilespmem:s24], [sflag:$0x7], $0x8, s7, s22, $0xb8;
	[tilespmem:$0x16000] =	vst v63  }
0x1c1: {  	p1 =	sgt.u32 s13, $0x30;
	s7 =	sor.u32 $0x2, s16;
	v4 =	vshll.u32 v4, $0x3;
	_ =	swait.ge [sflag:s31], $0x400  }
0x1c2: {  	s14 =	sadd.s32 @!p1 $0x200, s4;
	s13 =	sshll.u32 s7, $0x7;
	v5 =	vor.u32 v1, v4;
	[sflag:s31] =	ssyncset.done $0x0  }
0x1c3: {  	s17 =	simm.s32 @!p1 $0x80;
	s19 =	simm.s32 @!p1 $0x5400;
	v4 =	vor.u32 s13, v0;
	v5 =	vor.u32 v2, v5;
	[sflag:s31] =	ssyncadd.s32 $0xFFFFFC00  }
0x1c4: {  	v6 =	vor.u32 s25, v4;
	[tilespmem:s19], [sflag:$0x2] =	stream.indirect.gather @!p1 [hbm4b:s1+s17], $0x8, s14, s17, $0xb8;
	[tilespmem:$0x16000] =	vst v63  }
0x1c5: {  	_ =	swait.ge [sflag:s0], $0x400  }
0x1c6: {  	[sflag:s0] =	ssyncset.done $0x0  }
0x1c7: {  	[sflag:s0] =	ssyncadd.s32 $0xFFFFFC00  }
0x1c8: {  	s25 =	simm.s32 $0x2;
	v7 =	vld.idx.msk [tilespmem:v5+s26+$0x0], $0xffff  }
0x1c9: {  	v8 =	vld.idx.msk [tilespmem:v6+s20+$0x0], $0xffff;
	v6 =	vmov s25  }
0x1ca: {  	v6 =	vshll.u32 v6, $0x3  }
0x1cb: {  	v6 =	vor.u32 v1, v6  }
0x1cc: {  	v6 =	vor.u32 v2, v6  }
0x1cd: {  	v7 =	vand.u32 $0x7FFFFFFF, v7  }
0x1ce: {  	v9 =	vor.u32 s25, v4;
	v7 =	vmul.f32 v7, v8;
	_ =	sdelay $0x1  }
0x1cf: {  	[tilespmem:v5+s26+$0x0] =	vst.idx.msk $0xffff, v7  }
0x1d0: {  	v5 =	vld.idx.msk [tilespmem:v6+s26+$0x0], $0xffff  }
0x1d1: {  	s17 =	simm.s32 $0x4  }
0x1d2: {  	v7 =	vmov s17;
	v8 =	vld.idx.msk [tilespmem:v9+s20+$0x0], $0xffff  }
0x1d3: {  	v7 =	vshll.u32 v7, $0x3  }
0x1d4: {  	v7 =	vor.u32 v1, v7  }
0x1d5: {  	v9 =	vand.u32 $0x7FFFFFFF, v5;
	v5 =	vor.u32 v2, v7  }
0x1d6: {  	v7 =	vor.u32 s17, v4  }
0x1d7: {  	s19 =	simm.s32 $0x8;
	v8 =	vmul.f32 v9, v8  }
.LBB2_20:
0x1d8: {  	_ = 	snop  }
0x1d9: {  	p1 =	sne.s32 s19, $0x7C;
	s8 =	smov.u32 s19;
	s19 =	sadd.s32 $0x4, s19;
	[tilespmem:v6+s26+$0x0] =	vst.idx.msk $0xffff, v8  }
0x1da: {  	v8 =	vld.idx.msk [tilespmem:v5+s26+$0x0], $0xffff  }
0x1db: {  	s14 =	sadd.s32 $0x2, s17;
	s17 =	smov.u32 s8;
	v7 =	vld.idx.msk [tilespmem:v7+s20+$0x0], $0xffff  }
0x1dc: {  	v6 =	vmov s14  }
0x1dd: {  	v6 =	vshll.u32 v6, $0x3  }
0x1de: {  	v6 =	vor.u32 v1, v6  }
0x1df: {  	v6 =	vor.u32 v2, v6  }
0x1e0: {  	v9 =	vor.u32 s14, v4;
	v8 =	vand.u32 $0x7FFFFFFF, v8  }
0x1e1: {  	v7 =	vmul.f32 v8, v7;
	_ =	sdelay $0x1  }
0x1e2: {  	[tilespmem:v5+s26+$0x0] =	vst.idx.msk $0xffff, v7  }
0x1e3: {  	v8 =	vld.idx.msk [tilespmem:v6+s26+$0x0], $0xffff  }
0x1e4: {  	v9 =	vld.idx.msk [tilespmem:v9+s20+$0x0], $0xffff  }
0x1e5: {  	v5 =	vmov s17  }
.Ltmp9:
0x1e6: {  	v5 =	vshll.u32 v5, $0x3;
	(pc) =	sbr.rel @p1 .LBB2_20-.Ltmp9, $4  }
0x1e7: {  	v5 =	vor.u32 v1, v5  }
0x1e8: {  	v5 =	vor.u32 v2, v5  }
0x1e9: {  	v7 =	vor.u32 s17, v4;
	v8 =	vand.u32 $0x7FFFFFFF, v8  }
0x1ea: {  	v8 =	vmul.f32 v8, v9  }
0x1eb: {  	_ =	sdelay $0x3  }
0x1ec: {  	[tilespmem:v6+s26+$0x0] =	vst.idx.msk $0xffff, v8  }
0x1ed: {  	s8 =	sadd.s32 $0x2, s17;
	v6 =	vld.idx.msk [tilespmem:v5+s26+$0x0], $0xffff  }
0x1ee: {  	v8 =	vmov s8;
	v7 =	vld.idx.msk [tilespmem:v7+s20+$0x0], $0xffff  }
0x1ef: {  	v8 =	vshll.u32 v8, $0x3  }
0x1f0: {  	v8 =	vor.u32 v1, v8  }
0x1f1: {  	v8 =	vor.u32 v2, v8  }
0x1f2: {  	v4 =	vor.u32 s8, v4;
	v6 =	vand.u32 $0x7FFFFFFF, v6  }
0x1f3: {  	v6 =	vmul.f32 v6, v7;
	_ =	sdelay $0x1  }
0x1f4: {  	[tilespmem:v5+s26+$0x0] =	vst.idx.msk $0xffff, v6  }
0x1f5: {  	v5 =	vld.idx.msk [tilespmem:v8+s26+$0x0], $0xffff  }
0x1f6: {  	v4 =	vld.idx.msk [tilespmem:v4+s20+$0x0], $0xffff;
	_ =	sdelay $0x3  }
0x1f7: {  	v5 =	vand.u32 $0x7FFFFFFF, v5  }
0x1f8: {  	v4 =	vmul.f32 v5, v4;
	_ =	sdelay $0x1  }
0x1f9: {  	s17 =	sadd.s32 $0x1C00, s13;
	s19 =	simm.s32 $0x0;
	[tilespmem:v8+s26+$0x0] =	vst.idx.msk $0xffff, v4  }
0x1fa: {  	v4 =	vmov s19;
	[spmem:s6] =	stream.indirect.scatter.add.f32 [tilespmem:s26], [sflag:$0x8], $0x8, s17, s22, $0xb8;
	[tilespmem:$0x16000] =	vst v63  }
0x1fb: {  	s13 =	sor.u32 $0x3, s16;
	p1 =	sgt.u32 s7, $0x30;
	v4 =	vshll.u32 v4, $0x3;
	_ =	swait.ge [sflag:s5], $0x400  }
0x1fc: {  	s7 =	sshll.u32 s13, $0x7;
	s14 =	sadd.s32 @!p1 $0x280, s4;
	v5 =	vor.u32 v1, v4;
	[sflag:s5] =	ssyncset.done $0x0  }
0x1fd: {  	s16 =	simm.s32 @!p1 $0x80;
	s17 =	simm.s32 @!p1 $0x5800;
	v4 =	vor.u32 s7, v0;
	v5 =	vor.u32 v2, v5;
	[sflag:s5] =	ssyncadd.s32 $0xFFFFFC00  }
0x1fe: {  	v6 =	vor.u32 s19, v4;
	[tilespmem:s17], [sflag:$0x3] =	stream.indirect.gather @!p1 [hbm4b:s1+s16], $0x8, s14, s16, $0xb8;
	[tilespmem:$0x16000] =	vst v63  }
0x1ff: {  	_ =	swait.ge [sflag:s9], $0x400  }
0x200: {  	[sflag:s9] =	ssyncset.done $0x0  }
0x201: {  	[sflag:s9] =	ssyncadd.s32 $0xFFFFFC00  }
0x202: {  	s25 =	simm.s32 $0x2;
	v7 =	vld.idx.msk [tilespmem:v5+s29+$0x0], $0xffff  }
0x203: {  	v8 =	vld.idx.msk [tilespmem:v6+s20+$0x0], $0xffff;
	v6 =	vmov s25  }
0x204: {  	v6 =	vshll.u32 v6, $0x3  }
0x205: {  	v6 =	vor.u32 v1, v6  }
0x206: {  	v6 =	vor.u32 v2, v6  }
0x207: {  	v7 =	vand.u32 $0x7FFFFFFF, v7  }
0x208: {  	v9 =	vor.u32 s25, v4;
	v7 =	vmul.f32 v7, v8;
	_ =	sdelay $0x1  }
0x209: {  	[tilespmem:v5+s29+$0x0] =	vst.idx.msk $0xffff, v7  }
0x20a: {  	v5 =	vld.idx.msk [tilespmem:v6+s29+$0x0], $0xffff  }
0x20b: {  	s16 =	simm.s32 $0x4  }
0x20c: {  	v7 =	vmov s16;
	v8 =	vld.idx.msk [tilespmem:v9+s20+$0x0], $0xffff  }
0x20d: {  	v7 =	vshll.u32 v7, $0x3  }
0x20e: {  	v7 =	vor.u32 v1, v7  }
0x20f: {  	v9 =	vand.u32 $0x7FFFFFFF, v5;
	v5 =	vor.u32 v2, v7  }
0x210: {  	v7 =	vor.u32 s16, v4  }
0x211: {  	s17 =	simm.s32 $0x8;
	v8 =	vmul.f32 v9, v8  }
.LBB2_22:
0x212: {  	_ = 	snop  }
0x213: {  	p1 =	sne.s32 s17, $0x7C;
	s8 =	smov.u32 s17;
	s17 =	sadd.s32 $0x4, s17;
	[tilespmem:v6+s29+$0x0] =	vst.idx.msk $0xffff, v8  }
0x214: {  	v8 =	vld.idx.msk [tilespmem:v5+s29+$0x0], $0xffff  }
0x215: {  	s14 =	sadd.s32 $0x2, s16;
	s16 =	smov.u32 s8;
	v7 =	vld.idx.msk [tilespmem:v7+s20+$0x0], $0xffff  }
0x216: {  	v6 =	vmov s14  }
0x217: {  	v6 =	vshll.u32 v6, $0x3  }
0x218: {  	v6 =	vor.u32 v1, v6  }
0x219: {  	v6 =	vor.u32 v2, v6  }
0x21a: {  	v9 =	vor.u32 s14, v4;
	v8 =	vand.u32 $0x7FFFFFFF, v8  }
0x21b: {  	v7 =	vmul.f32 v8, v7;
	_ =	sdelay $0x1  }
0x21c: {  	[tilespmem:v5+s29+$0x0] =	vst.idx.msk $0xffff, v7  }
0x21d: {  	v8 =	vld.idx.msk [tilespmem:v6+s29+$0x0], $0xffff  }
0x21e: {  	v9 =	vld.idx.msk [tilespmem:v9+s20+$0x0], $0xffff  }
0x21f: {  	v5 =	vmov s16  }
.Ltmp10:
0x220: {  	v5 =	vshll.u32 v5, $0x3;
	(pc) =	sbr.rel @p1 .LBB2_22-.Ltmp10, $4  }
0x221: {  	v5 =	vor.u32 v1, v5  }
0x222: {  	v5 =	vor.u32 v2, v5  }
0x223: {  	v7 =	vor.u32 s16, v4;
	v8 =	vand.u32 $0x7FFFFFFF, v8  }
0x224: {  	v8 =	vmul.f32 v8, v9  }
0x225: {  	_ =	sdelay $0x3  }
0x226: {  	[tilespmem:v6+s29+$0x0] =	vst.idx.msk $0xffff, v8  }
0x227: {  	s8 =	sadd.s32 $0x2, s16;
	v6 =	vld.idx.msk [tilespmem:v5+s29+$0x0], $0xffff  }
0x228: {  	v63 =	vmov s8;
	v7 =	vld.idx.msk [tilespmem:v7+s20+$0x0], $0xffff  }
0x229: {  	v8 =	vshll.u32 v63, $0x3  }
0x22a: {  	v8 =	vor.u32 v1, v8  }
0x22b: {  	v8 =	vor.u32 v2, v8  }
0x22c: {  	v4 =	vor.u32 s8, v4;
	v6 =	vand.u32 $0x7FFFFFFF, v6  }
0x22d: {  	v6 =	vmul.f32 v6, v7;
	_ =	sdelay $0x1  }
0x22e: {  	[tilespmem:v5+s29+$0x0] =	vst.idx.msk $0xffff, v6  }
0x22f: {  	v5 =	vld.idx.msk [tilespmem:v8+s29+$0x0], $0xffff  }
0x230: {  	v4 =	vld.idx.msk [tilespmem:v4+s20+$0x0], $0xffff;
	_ =	sdelay $0x3  }
0x231: {  	v5 =	vand.u32 $0x7FFFFFFF, v5  }
0x232: {  	v4 =	vmul.f32 v5, v4;
	_ =	sdelay $0x1  }
0x233: {  	s7 =	sadd.s32 $0x1C00, s7;
	[tilespmem:v8+s29+$0x0] =	vst.idx.msk $0xffff, v4  }
0x234: {  	[spmem:s6] =	stream.indirect.scatter.add.f32 [tilespmem:s29], [sflag:$0x9], $0x8, s7, s22, $0xb8;
	[tilespmem:$0x16000] =	vst v63  }
0x235: {  	p1 =	sgt.u32 s13, $0x30;
	_ =	swait.ge [sflag:s10], $0x400  }
0x236: {  	s3 =	sadd.s32 $0x1, s3;
	s4 =	sadd.s32 @!p1 $0x300, s4;
	[sflag:s10] =	ssyncset.done $0x0  }
0x237: {  	s8 =	simm.s32 @!p1 $0x5C00;
	s7 =	simm.s32 @!p1 $0x80;
	[sflag:s10] =	ssyncadd.s32 $0xFFFFFC00  }
0x238: {  	[tilespmem:s8], [sflag:$0x4] =	stream.indirect.gather @!p1 [hbm4b:s1+s7], $0x8, s4, s7, $0xb8;
	[tilespmem:$0x16000] =	vst v63  }
0x239: {  	p1 =	seq.s32 s3, $0xD  }
.Ltmp11:
0x23a: {  	_ = 	snop;
	(pc) =	sbr.rel @!p1 .LBB2_15-.Ltmp11, $4  }
.Ltmp12:
0x23b: {  	_ = 	snop;
	(pc) =	sbr.rel @p1 .LBB2_34-.Ltmp12, $4  }
0x23c: {  	_ = 	snop  }
0x23d: {  	_ = 	snop  }
0x23e: {  	_ = 	snop  }
0x23f: {  	_ = 	snop  }
.LBB2_24:
0x240: {  	s3 =	rddreg [dreg:$0x9]  }
0x241: {  	[tilespmem:s2], [sflag:$0x1] =	stream.linear.gather [hbm4b:s3+s2], $0x1C00, $0x38;
	[tilespmem:$0x16000] =	vst v63  }
0x242: {  	s17 =	rddreg [dreg:$0xa];
	s4 =	simm.s32 $0x1C00  }
0x243: {  	[tilespmem:s4], [sflag:$0x1] =	stream.linear.gather [hbm4b:s17+s2], $0x1C00, $0x38;
	[tilespmem:$0x16000] =	vst v63  }
0x244: {  	s19 =	rddreg [dreg:$0xb]  }
0x245: {  	[tilespmem:s20], [sflag:$0x1] =	stream.linear.gather [hbm4b:s19+s2], $0x1C00, $0x38;
	[tilespmem:$0x16000] =	vst v63  }
0x246: {  	_ =	swait.ge [sflag:s21], $0x1C00  }
0x247: {  	[sflag:s21] =	ssyncset.done $0x0  }
0x248: {  	[sflag:s21] =	ssyncadd.s32 $0xFFFFE400  }
0x249: {  	_ =	swait.ge [sflag:s21], $0x1C00  }
0x24a: {  	[sflag:s21] =	ssyncset.done $0x0  }
0x24b: {  	[sflag:s21] =	ssyncadd.s32 $0xFFFFE400  }
0x24c: {  	_ =	swait.ge [sflag:s21], $0x1C00  }
0x24d: {  	[sflag:s21] =	ssyncset.done $0x0  }
0x24e: {  	[sflag:s21] =	ssyncadd.s32 $0xFFFFE400  }
0x24f: {  	[tilespmem:s23], [sflag:$0x2] =	stream.indirect.gather [hbm4b:s1+s22], $0x8, s2, s22, $0xb8;
	[tilespmem:$0x16000] =	vst v63  }
0x250: {  	_ = 	snop  }
0x251: {  	[tilespmem:s24], [sflag:$0x3] =	stream.indirect.gather [hbm4b:s1+s22], $0x8, s22, s22, $0xb8;
	[tilespmem:$0x16000] =	vst v63  }
0x252: {  	s25 =	simm.s32 $0x100;
	s3 =	simm.s32 $0x0  }
0x253: {  	[tilespmem:s26], [sflag:$0x4] =	stream.indirect.gather [hbm4b:s1+s22], $0x8, s25, s22, $0xb8;
	[tilespmem:$0x16000] =	vst v63  }
.LBB2_25:
0x254: {  	v4 =	vmov s2  }
0x255: {  	v4 =	vshll.u32 v4, $0x3  }
0x256: {  	s4 =	sshll.u32 s3, $0x9;
	v5 =	vor.u32 v1, v4  }
0x257: {  	v4 =	vor.u32 s4, v0;
	v5 =	vor.u32 v2, v5  }
0x258: {  	v6 =	vor.u32 s2, v4  }
0x259: {  	_ =	swait.ge [sflag:s28], $0x400  }
0x25a: {  	[sflag:s28] =	ssyncset.done $0x0  }
0x25b: {  	[sflag:s28] =	ssyncadd.s32 $0xFFFFFC00  }
0x25c: {  	s7 =	simm.s32 $0x2;
	v7 =	vld.idx.msk [tilespmem:v5+s23+$0x0], $0xffff  }
0x25d: {  	v8 =	vld.idx.msk [tilespmem:v6+s20+$0x0], $0xffff;
	v6 =	vmov s7  }
0x25e: {  	v6 =	vshll.u32 v6, $0x3  }
0x25f: {  	v6 =	vor.u32 v1, v6  }
0x260: {  	v6 =	vor.u32 v2, v6  }
0x261: {  	v7 =	vand.u32 $0x7FFFFFFF, v7  }
0x262: {  	v9 =	vor.u32 s7, v4;
	v7 =	vmul.f32 v7, v8;
	_ =	sdelay $0x1  }
0x263: {  	[tilespmem:v5+s23+$0x0] =	vst.idx.msk $0xffff, v7  }
0x264: {  	v5 =	vld.idx.msk [tilespmem:v6+s23+$0x0], $0xffff  }
0x265: {  	s7 =	simm.s32 $0x4  }
0x266: {  	v7 =	vmov s7;
	v8 =	vld.idx.msk [tilespmem:v9+s20+$0x0], $0xffff  }
0x267: {  	v7 =	vshll.u32 v7, $0x3  }
0x268: {  	v7 =	vor.u32 v1, v7  }
0x269: {  	v9 =	vand.u32 $0x7FFFFFFF, v5;
	v5 =	vor.u32 v2, v7  }
0x26a: {  	v7 =	vor.u32 s7, v4  }
0x26b: {  	s13 =	simm.s32 $0x8;
	v8 =	vmul.f32 v9, v8  }
.LBB2_26:
0x26c: {  	_ = 	snop  }
0x26d: {  	p1 =	sne.s32 s13, $0x7C;
	s8 =	smov.u32 s13;
	s13 =	sadd.s32 $0x4, s13;
	[tilespmem:v6+s23+$0x0] =	vst.idx.msk $0xffff, v8  }
0x26e: {  	v8 =	vld.idx.msk [tilespmem:v5+s23+$0x0], $0xffff  }
0x26f: {  	s14 =	sadd.s32 $0x2, s7;
	s7 =	smov.u32 s8;
	v7 =	vld.idx.msk [tilespmem:v7+s20+$0x0], $0xffff  }
0x270: {  	v6 =	vmov s14  }
0x271: {  	v6 =	vshll.u32 v6, $0x3  }
0x272: {  	v6 =	vor.u32 v1, v6  }
0x273: {  	v6 =	vor.u32 v2, v6  }
0x274: {  	v9 =	vor.u32 s14, v4;
	v8 =	vand.u32 $0x7FFFFFFF, v8  }
0x275: {  	v7 =	vmul.f32 v8, v7;
	_ =	sdelay $0x1  }
0x276: {  	[tilespmem:v5+s23+$0x0] =	vst.idx.msk $0xffff, v7  }
0x277: {  	v8 =	vld.idx.msk [tilespmem:v6+s23+$0x0], $0xffff  }
0x278: {  	v9 =	vld.idx.msk [tilespmem:v9+s20+$0x0], $0xffff  }
0x279: {  	v5 =	vmov s7  }
.Ltmp13:
0x27a: {  	v5 =	vshll.u32 v5, $0x3;
	(pc) =	sbr.rel @p1 .LBB2_26-.Ltmp13, $4  }
0x27b: {  	v5 =	vor.u32 v1, v5  }
0x27c: {  	v5 =	vor.u32 v2, v5  }
0x27d: {  	v7 =	vor.u32 s7, v4;
	v8 =	vand.u32 $0x7FFFFFFF, v8  }
0x27e: {  	v8 =	vmul.f32 v8, v9  }
0x27f: {  	_ =	sdelay $0x3  }
0x280: {  	[tilespmem:v6+s23+$0x0] =	vst.idx.msk $0xffff, v8  }
0x281: {  	s7 =	sadd.s32 $0x2, s7;
	v6 =	vld.idx.msk [tilespmem:v5+s23+$0x0], $0xffff  }
0x282: {  	v8 =	vmov s7;
	v7 =	vld.idx.msk [tilespmem:v7+s20+$0x0], $0xffff  }
0x283: {  	v8 =	vshll.u32 v8, $0x3  }
0x284: {  	v8 =	vor.u32 v1, v8  }
0x285: {  	v8 =	vor.u32 v2, v8  }
0x286: {  	v4 =	vor.u32 s7, v4;
	v6 =	vand.u32 $0x7FFFFFFF, v6  }
0x287: {  	v6 =	vmul.f32 v6, v7;
	_ =	sdelay $0x1  }
0x288: {  	[tilespmem:v5+s23+$0x0] =	vst.idx.msk $0xffff, v6  }
0x289: {  	v5 =	vld.idx.msk [tilespmem:v8+s23+$0x0], $0xffff  }
0x28a: {  	v4 =	vld.idx.msk [tilespmem:v4+s20+$0x0], $0xffff;
	_ =	sdelay $0x3  }
0x28b: {  	v5 =	vand.u32 $0x7FFFFFFF, v5  }
0x28c: {  	v4 =	vmul.f32 v5, v4  }
0x28d: {  	s17 =	sadd.s32 $0x1C00, s4;
	p1 =	seq.s32 s3, $0x0  }
0x28e: {  	s8 =	simm.s32 $0x0;
	s16 =	sshll.u32 s3, $0x2;
	s14 =	simm.s32 @!p1 $0x9;
	[tilespmem:v8+s23+$0x0] =	vst.idx.msk $0xffff, v4  }
0x28f: {  	v4 =	vmov s8;
	[spmem:s6] =	stream.indirect.scatter.add.f32 [tilespmem:s23], [sflag:$0x6], $0x8, s17, s22, $0xb8;
	[tilespmem:$0x16000] =	vst v63  }
0x290: {  	s13 =	sor.u32 $0x1, s16;
	v4 =	vshll.u32 v4, $0x3;
	_ =	swait.ge @!p1 [sflag:s14], $0x400  }
0x291: {  	s4 =	sand.u32 $0x3FFFFE00, s4;
	s7 =	sshll.u32 s13, $0x7;
	v5 =	vor.u32 v1, v4;
	[sflag:s14] =	ssyncset.done @!p1 $0x0  }
0x292: {  	s19 =	sor.u32 $0x180, s4;
	v4 =	vor.u32 s7, v0;
	v5 =	vor.u32 v2, v5;
	[sflag:s14] =	ssyncadd.s32 @!p1 $0xFFFFFC00  }
0x293: {  	v6 =	vor.u32 s8, v4;
	[tilespmem:s29], [sflag:$0x5] =	stream.indirect.gather [hbm4b:s1+s22], $0x8, s19, s22, $0xb8;
	[tilespmem:$0x16000] =	vst v63  }
0x294: {  	_ =	swait.ge [sflag:s30], $0x400  }
0x295: {  	[sflag:s30] =	ssyncset.done $0x0  }
0x296: {  	[sflag:s30] =	ssyncadd.s32 $0xFFFFFC00  }
0x297: {  	s25 =	simm.s32 $0x2;
	v7 =	vld.idx.msk [tilespmem:v5+s24+$0x0], $0xffff  }
0x298: {  	v8 =	vld.idx.msk [tilespmem:v6+s20+$0x0], $0xffff;
	v6 =	vmov s25  }
0x299: {  	v6 =	vshll.u32 v6, $0x3  }
0x29a: {  	v6 =	vor.u32 v1, v6  }
0x29b: {  	v6 =	vor.u32 v2, v6  }
0x29c: {  	v7 =	vand.u32 $0x7FFFFFFF, v7  }
0x29d: {  	v9 =	vor.u32 s25, v4;
	v7 =	vmul.f32 v7, v8;
	_ =	sdelay $0x1  }
0x29e: {  	[tilespmem:v5+s24+$0x0] =	vst.idx.msk $0xffff, v7  }
0x29f: {  	v5 =	vld.idx.msk [tilespmem:v6+s24+$0x0], $0xffff  }
0x2a0: {  	s17 =	simm.s32 $0x4  }
0x2a1: {  	v7 =	vmov s17;
	v8 =	vld.idx.msk [tilespmem:v9+s20+$0x0], $0xffff  }
0x2a2: {  	v7 =	vshll.u32 v7, $0x3  }
0x2a3: {  	v7 =	vor.u32 v1, v7  }
0x2a4: {  	v9 =	vand.u32 $0x7FFFFFFF, v5;
	v5 =	vor.u32 v2, v7  }
0x2a5: {  	v7 =	vor.u32 s17, v4  }
0x2a6: {  	s19 =	simm.s32 $0x8;
	v8 =	vmul.f32 v9, v8  }
.LBB2_28:
0x2a7: {  	_ = 	snop  }
0x2a8: {  	p1 =	sne.s32 s19, $0x7C;
	s8 =	smov.u32 s19;
	s19 =	sadd.s32 $0x4, s19;
	[tilespmem:v6+s24+$0x0] =	vst.idx.msk $0xffff, v8  }
0x2a9: {  	v8 =	vld.idx.msk [tilespmem:v5+s24+$0x0], $0xffff  }
0x2aa: {  	s14 =	sadd.s32 $0x2, s17;
	s17 =	smov.u32 s8;
	v7 =	vld.idx.msk [tilespmem:v7+s20+$0x0], $0xffff  }
0x2ab: {  	v6 =	vmov s14  }
0x2ac: {  	v6 =	vshll.u32 v6, $0x3  }
0x2ad: {  	v6 =	vor.u32 v1, v6  }
0x2ae: {  	v6 =	vor.u32 v2, v6  }
0x2af: {  	v9 =	vor.u32 s14, v4;
	v8 =	vand.u32 $0x7FFFFFFF, v8  }
0x2b0: {  	v7 =	vmul.f32 v8, v7;
	_ =	sdelay $0x1  }
0x2b1: {  	[tilespmem:v5+s24+$0x0] =	vst.idx.msk $0xffff, v7  }
0x2b2: {  	v8 =	vld.idx.msk [tilespmem:v6+s24+$0x0], $0xffff  }
0x2b3: {  	v9 =	vld.idx.msk [tilespmem:v9+s20+$0x0], $0xffff  }
0x2b4: {  	v5 =	vmov s17  }
.Ltmp14:
0x2b5: {  	v5 =	vshll.u32 v5, $0x3;
	(pc) =	sbr.rel @p1 .LBB2_28-.Ltmp14, $4  }
0x2b6: {  	v5 =	vor.u32 v1, v5  }
0x2b7: {  	v5 =	vor.u32 v2, v5  }
0x2b8: {  	v7 =	vor.u32 s17, v4;
	v8 =	vand.u32 $0x7FFFFFFF, v8  }
0x2b9: {  	v8 =	vmul.f32 v8, v9  }
0x2ba: {  	_ =	sdelay $0x3  }
0x2bb: {  	[tilespmem:v6+s24+$0x0] =	vst.idx.msk $0xffff, v8  }
0x2bc: {  	s8 =	sadd.s32 $0x2, s17;
	v6 =	vld.idx.msk [tilespmem:v5+s24+$0x0], $0xffff  }
0x2bd: {  	v8 =	vmov s8;
	v7 =	vld.idx.msk [tilespmem:v7+s20+$0x0], $0xffff  }
0x2be: {  	v8 =	vshll.u32 v8, $0x3  }
0x2bf: {  	v8 =	vor.u32 v1, v8  }
0x2c0: {  	v8 =	vor.u32 v2, v8  }
0x2c1: {  	v4 =	vor.u32 s8, v4;
	v6 =	vand.u32 $0x7FFFFFFF, v6  }
0x2c2: {  	v6 =	vmul.f32 v6, v7;
	_ =	sdelay $0x1  }
0x2c3: {  	[tilespmem:v5+s24+$0x0] =	vst.idx.msk $0xffff, v6  }
0x2c4: {  	v5 =	vld.idx.msk [tilespmem:v8+s24+$0x0], $0xffff  }
0x2c5: {  	v4 =	vld.idx.msk [tilespmem:v4+s20+$0x0], $0xffff;
	_ =	sdelay $0x3  }
0x2c6: {  	v5 =	vand.u32 $0x7FFFFFFF, v5  }
0x2c7: {  	v4 =	vmul.f32 v5, v4;
	_ =	sdelay $0x1  }
0x2c8: {  	s7 =	sadd.s32 $0x1C00, s7;
	s25 =	simm.s32 $0x0;
	[tilespmem:v8+s24+$0x0] =	vst.idx.msk $0xffff, v4  }
0x2c9: {  	v4 =	vmov s25;
	[spmem:s6] =	stream.indirect.scatter.add.f32 [tilespmem:s24], [sflag:$0x7], $0x8, s7, s22, $0xb8;
	[tilespmem:$0x16000] =	vst v63  }
0x2ca: {  	p1 =	sgt.u32 s13, $0x34;
	s7 =	sor.u32 $0x2, s16;
	v4 =	vshll.u32 v4, $0x3;
	_ =	swait.ge [sflag:s31], $0x400  }
0x2cb: {  	s14 =	sadd.s32 @!p1 $0x200, s4;
	s13 =	sshll.u32 s7, $0x7;
	v5 =	vor.u32 v1, v4;
	[sflag:s31] =	ssyncset.done $0x0  }
0x2cc: {  	s17 =	simm.s32 @!p1 $0x80;
	s19 =	simm.s32 @!p1 $0x5400;
	v4 =	vor.u32 s13, v0;
	v5 =	vor.u32 v2, v5;
	[sflag:s31] =	ssyncadd.s32 $0xFFFFFC00  }
0x2cd: {  	v6 =	vor.u32 s25, v4;
	[tilespmem:s19], [sflag:$0x2] =	stream.indirect.gather @!p1 [hbm4b:s1+s17], $0x8, s14, s17, $0xb8;
	[tilespmem:$0x16000] =	vst v63  }
0x2ce: {  	_ =	swait.ge [sflag:s0], $0x400  }
0x2cf: {  	[sflag:s0] =	ssyncset.done $0x0  }
0x2d0: {  	[sflag:s0] =	ssyncadd.s32 $0xFFFFFC00  }
0x2d1: {  	s25 =	simm.s32 $0x2;
	v7 =	vld.idx.msk [tilespmem:v5+s26+$0x0], $0xffff  }
0x2d2: {  	v8 =	vld.idx.msk [tilespmem:v6+s20+$0x0], $0xffff;
	v6 =	vmov s25  }
0x2d3: {  	v6 =	vshll.u32 v6, $0x3  }
0x2d4: {  	v6 =	vor.u32 v1, v6  }
0x2d5: {  	v6 =	vor.u32 v2, v6  }
0x2d6: {  	v7 =	vand.u32 $0x7FFFFFFF, v7  }
0x2d7: {  	v9 =	vor.u32 s25, v4;
	v7 =	vmul.f32 v7, v8;
	_ =	sdelay $0x1  }
0x2d8: {  	[tilespmem:v5+s26+$0x0] =	vst.idx.msk $0xffff, v7  }
0x2d9: {  	v5 =	vld.idx.msk [tilespmem:v6+s26+$0x0], $0xffff  }
0x2da: {  	s17 =	simm.s32 $0x4  }
0x2db: {  	v7 =	vmov s17;
	v8 =	vld.idx.msk [tilespmem:v9+s20+$0x0], $0xffff  }
0x2dc: {  	v7 =	vshll.u32 v7, $0x3  }
0x2dd: {  	v7 =	vor.u32 v1, v7  }
0x2de: {  	v9 =	vand.u32 $0x7FFFFFFF, v5;
	v5 =	vor.u32 v2, v7  }
0x2df: {  	v7 =	vor.u32 s17, v4  }
0x2e0: {  	s19 =	simm.s32 $0x8;
	v8 =	vmul.f32 v9, v8  }
.LBB2_30:
0x2e1: {  	_ = 	snop  }
0x2e2: {  	p1 =	sne.s32 s19, $0x7C;
	s8 =	smov.u32 s19;
	s19 =	sadd.s32 $0x4, s19;
	[tilespmem:v6+s26+$0x0] =	vst.idx.msk $0xffff, v8  }
0x2e3: {  	v8 =	vld.idx.msk [tilespmem:v5+s26+$0x0], $0xffff  }
0x2e4: {  	s14 =	sadd.s32 $0x2, s17;
	s17 =	smov.u32 s8;
	v7 =	vld.idx.msk [tilespmem:v7+s20+$0x0], $0xffff  }
0x2e5: {  	v6 =	vmov s14  }
0x2e6: {  	v6 =	vshll.u32 v6, $0x3  }
0x2e7: {  	v6 =	vor.u32 v1, v6  }
0x2e8: {  	v6 =	vor.u32 v2, v6  }
0x2e9: {  	v9 =	vor.u32 s14, v4;
	v8 =	vand.u32 $0x7FFFFFFF, v8  }
0x2ea: {  	v7 =	vmul.f32 v8, v7;
	_ =	sdelay $0x1  }
0x2eb: {  	[tilespmem:v5+s26+$0x0] =	vst.idx.msk $0xffff, v7  }
0x2ec: {  	v8 =	vld.idx.msk [tilespmem:v6+s26+$0x0], $0xffff  }
0x2ed: {  	v9 =	vld.idx.msk [tilespmem:v9+s20+$0x0], $0xffff  }
0x2ee: {  	v5 =	vmov s17  }
.Ltmp15:
0x2ef: {  	v5 =	vshll.u32 v5, $0x3;
	(pc) =	sbr.rel @p1 .LBB2_30-.Ltmp15, $4  }
0x2f0: {  	v5 =	vor.u32 v1, v5  }
0x2f1: {  	v5 =	vor.u32 v2, v5  }
0x2f2: {  	v7 =	vor.u32 s17, v4;
	v8 =	vand.u32 $0x7FFFFFFF, v8  }
0x2f3: {  	v8 =	vmul.f32 v8, v9  }
0x2f4: {  	_ =	sdelay $0x3  }
0x2f5: {  	[tilespmem:v6+s26+$0x0] =	vst.idx.msk $0xffff, v8  }
0x2f6: {  	s8 =	sadd.s32 $0x2, s17;
	v6 =	vld.idx.msk [tilespmem:v5+s26+$0x0], $0xffff  }
0x2f7: {  	v8 =	vmov s8;
	v7 =	vld.idx.msk [tilespmem:v7+s20+$0x0], $0xffff  }
0x2f8: {  	v8 =	vshll.u32 v8, $0x3  }
0x2f9: {  	v8 =	vor.u32 v1, v8  }
0x2fa: {  	v8 =	vor.u32 v2, v8  }
0x2fb: {  	v4 =	vor.u32 s8, v4;
	v6 =	vand.u32 $0x7FFFFFFF, v6  }
0x2fc: {  	v6 =	vmul.f32 v6, v7;
	_ =	sdelay $0x1  }
0x2fd: {  	[tilespmem:v5+s26+$0x0] =	vst.idx.msk $0xffff, v6  }
0x2fe: {  	v5 =	vld.idx.msk [tilespmem:v8+s26+$0x0], $0xffff  }
0x2ff: {  	v4 =	vld.idx.msk [tilespmem:v4+s20+$0x0], $0xffff;
	_ =	sdelay $0x3  }
0x300: {  	v5 =	vand.u32 $0x7FFFFFFF, v5  }
0x301: {  	v4 =	vmul.f32 v5, v4;
	_ =	sdelay $0x1  }
0x302: {  	s17 =	sadd.s32 $0x1C00, s13;
	s19 =	simm.s32 $0x0;
	[tilespmem:v8+s26+$0x0] =	vst.idx.msk $0xffff, v4  }
0x303: {  	v4 =	vmov s19;
	[spmem:s6] =	stream.indirect.scatter.add.f32 [tilespmem:s26], [sflag:$0x8], $0x8, s17, s22, $0xb8;
	[tilespmem:$0x16000] =	vst v63  }
0x304: {  	s13 =	sor.u32 $0x3, s16;
	p1 =	sgt.u32 s7, $0x34;
	v4 =	vshll.u32 v4, $0x3;
	_ =	swait.ge [sflag:s5], $0x400  }
0x305: {  	s7 =	sshll.u32 s13, $0x7;
	s14 =	sadd.s32 @!p1 $0x280, s4;
	v5 =	vor.u32 v1, v4;
	[sflag:s5] =	ssyncset.done $0x0  }
0x306: {  	s16 =	simm.s32 @!p1 $0x80;
	s17 =	simm.s32 @!p1 $0x5800;
	v4 =	vor.u32 s7, v0;
	v5 =	vor.u32 v2, v5;
	[sflag:s5] =	ssyncadd.s32 $0xFFFFFC00  }
0x307: {  	v6 =	vor.u32 s19, v4;
	[tilespmem:s17], [sflag:$0x3] =	stream.indirect.gather @!p1 [hbm4b:s1+s16], $0x8, s14, s16, $0xb8;
	[tilespmem:$0x16000] =	vst v63  }
0x308: {  	_ =	swait.ge [sflag:s9], $0x400  }
0x309: {  	[sflag:s9] =	ssyncset.done $0x0  }
0x30a: {  	[sflag:s9] =	ssyncadd.s32 $0xFFFFFC00  }
0x30b: {  	s25 =	simm.s32 $0x2;
	v7 =	vld.idx.msk [tilespmem:v5+s29+$0x0], $0xffff  }
0x30c: {  	v8 =	vld.idx.msk [tilespmem:v6+s20+$0x0], $0xffff;
	v6 =	vmov s25  }
0x30d: {  	v6 =	vshll.u32 v6, $0x3  }
0x30e: {  	v6 =	vor.u32 v1, v6  }
0x30f: {  	v6 =	vor.u32 v2, v6  }
0x310: {  	v7 =	vand.u32 $0x7FFFFFFF, v7  }
0x311: {  	v9 =	vor.u32 s25, v4;
	v7 =	vmul.f32 v7, v8;
	_ =	sdelay $0x1  }
0x312: {  	[tilespmem:v5+s29+$0x0] =	vst.idx.msk $0xffff, v7  }
0x313: {  	v5 =	vld.idx.msk [tilespmem:v6+s29+$0x0], $0xffff  }
0x314: {  	s16 =	simm.s32 $0x4  }
0x315: {  	v7 =	vmov s16;
	v8 =	vld.idx.msk [tilespmem:v9+s20+$0x0], $0xffff  }
0x316: {  	v7 =	vshll.u32 v7, $0x3  }
0x317: {  	v7 =	vor.u32 v1, v7  }
0x318: {  	v9 =	vand.u32 $0x7FFFFFFF, v5;
	v5 =	vor.u32 v2, v7  }
0x319: {  	v7 =	vor.u32 s16, v4  }
0x31a: {  	s17 =	simm.s32 $0x8;
	v8 =	vmul.f32 v9, v8  }
.LBB2_32:
0x31b: {  	_ = 	snop  }
0x31c: {  	p1 =	sne.s32 s17, $0x7C;
	s8 =	smov.u32 s17;
	s17 =	sadd.s32 $0x4, s17;
	[tilespmem:v6+s29+$0x0] =	vst.idx.msk $0xffff, v8  }
0x31d: {  	v8 =	vld.idx.msk [tilespmem:v5+s29+$0x0], $0xffff  }
0x31e: {  	s14 =	sadd.s32 $0x2, s16;
	s16 =	smov.u32 s8;
	v7 =	vld.idx.msk [tilespmem:v7+s20+$0x0], $0xffff  }
0x31f: {  	v6 =	vmov s14  }
0x320: {  	v6 =	vshll.u32 v6, $0x3  }
0x321: {  	v6 =	vor.u32 v1, v6  }
0x322: {  	v6 =	vor.u32 v2, v6  }
0x323: {  	v9 =	vor.u32 s14, v4;
	v8 =	vand.u32 $0x7FFFFFFF, v8  }
0x324: {  	v7 =	vmul.f32 v8, v7;
	_ =	sdelay $0x1  }
0x325: {  	[tilespmem:v5+s29+$0x0] =	vst.idx.msk $0xffff, v7  }
0x326: {  	v8 =	vld.idx.msk [tilespmem:v6+s29+$0x0], $0xffff  }
0x327: {  	v9 =	vld.idx.msk [tilespmem:v9+s20+$0x0], $0xffff  }
0x328: {  	v5 =	vmov s16  }
.Ltmp16:
0x329: {  	v5 =	vshll.u32 v5, $0x3;
	(pc) =	sbr.rel @p1 .LBB2_32-.Ltmp16, $4  }
0x32a: {  	v5 =	vor.u32 v1, v5  }
0x32b: {  	v5 =	vor.u32 v2, v5  }
0x32c: {  	v7 =	vor.u32 s16, v4;
	v8 =	vand.u32 $0x7FFFFFFF, v8  }
0x32d: {  	v8 =	vmul.f32 v8, v9  }
0x32e: {  	_ =	sdelay $0x3  }
0x32f: {  	[tilespmem:v6+s29+$0x0] =	vst.idx.msk $0xffff, v8  }
0x330: {  	s8 =	sadd.s32 $0x2, s16;
	v6 =	vld.idx.msk [tilespmem:v5+s29+$0x0], $0xffff  }
0x331: {  	v63 =	vmov s8;
	v7 =	vld.idx.msk [tilespmem:v7+s20+$0x0], $0xffff  }
0x332: {  	v8 =	vshll.u32 v63, $0x3  }
0x333: {  	v8 =	vor.u32 v1, v8  }
0x334: {  	v8 =	vor.u32 v2, v8  }
0x335: {  	v4 =	vor.u32 s8, v4;
	v6 =	vand.u32 $0x7FFFFFFF, v6  }
0x336: {  	v6 =	vmul.f32 v6, v7;
	_ =	sdelay $0x1  }
0x337: {  	[tilespmem:v5+s29+$0x0] =	vst.idx.msk $0xffff, v6  }
0x338: {  	v5 =	vld.idx.msk [tilespmem:v8+s29+$0x0], $0xffff  }
0x339: {  	v4 =	vld.idx.msk [tilespmem:v4+s20+$0x0], $0xffff;
	_ =	sdelay $0x3  }
0x33a: {  	v5 =	vand.u32 $0x7FFFFFFF, v5  }
0x33b: {  	v4 =	vmul.f32 v5, v4;
	_ =	sdelay $0x1  }
0x33c: {  	s7 =	sadd.s32 $0x1C00, s7;
	[tilespmem:v8+s29+$0x0] =	vst.idx.msk $0xffff, v4  }
0x33d: {  	[spmem:s6] =	stream.indirect.scatter.add.f32 [tilespmem:s29], [sflag:$0x9], $0x8, s7, s22, $0xb8;
	[tilespmem:$0x16000] =	vst v63  }
0x33e: {  	p1 =	sgt.u32 s13, $0x34;
	_ =	swait.ge [sflag:s10], $0x400  }
0x33f: {  	s3 =	sadd.s32 $0x1, s3;
	s4 =	sadd.s32 @!p1 $0x300, s4;
	[sflag:s10] =	ssyncset.done $0x0  }
0x340: {  	s8 =	simm.s32 @!p1 $0x5C00;
	s7 =	simm.s32 @!p1 $0x80;
	[sflag:s10] =	ssyncadd.s32 $0xFFFFFC00  }
0x341: {  	[tilespmem:s8], [sflag:$0x4] =	stream.indirect.gather @!p1 [hbm4b:s1+s7], $0x8, s4, s7, $0xb8;
	[tilespmem:$0x16000] =	vst v63  }
0x342: {  	p1 =	sne.s32 s3, $0xE  }
.Ltmp17:
0x343: {  	_ = 	snop;
	(pc) =	sbr.rel @p1 .LBB2_25-.Ltmp17, $1  }
0x344: {  	_ =	sdelay $0x3  }
.LBB2_34:
0x345: {  	_ =	swait.ge [sflag:s11], $0x400  }
0x346: {  	[sflag:s11] =	ssyncset.done $0x0  }
0x347: {  	[sflag:s11] =	ssyncadd.s32 $0xFFFFFC00  }
0x348: {  	[bflag:$0x0] =	sbarrier.arrive $0xFFFF  }
0x349: {  	s13 =	rddreg [dreg:$0xc]  }
0x34a: {  	s17 =	simm.s32 $0x0;
	s8 =	simm.s32 $0x0;
	s14 =	rddreg [dreg:$0xd]  }
.LBB2_35:
0x34b: {  	s2 =	smul.u32 $0x7, s17;
	_ =	sdelay $0x1  }
0x34c: {  	s25 =	simm.s32 $0x0;
	s16 =	sadd.s32 s13, s2  }
0x34d: {  	v4 =	vmov s25;
	s3 =	sshll.u32 s16, $0xA  }
0x34e: {  	v4 =	vshll.u32 v4, $0x3;
	s4 =	sand.u32 $0x3FFFFC00, s3  }
0x34f: {  	v4 =	vor.u32 v3, v4;
	s2 =	sadd.s32 s4, s6  }
0x350: {  	[tilespmem:s12], [sflag:$0xA] =	stream.linear.gather [spmem:s2], $0x1C00, $0x38;
	[tilespmem:$0x16000] =	vst v63  }
0x351: {  	_ =	swait.ge [sflag:s18], $0x1C00  }
0x352: {  	s7 =	simm.s32 $0x10;
	[sflag:s18] =	ssyncset.done $0x0  }
0x353: {  	v5 =	vmov s7;
	[sflag:s18] =	ssyncadd.s32 $0xFFFFE400  }
0x354: {  	v5 =	vshll.u32 v5, $0x3;
	v6 =	vld.idx.msk [tilespmem:v4+s12+$0x0], $0xffff  }
0x355: {  	v5 =	vor.u32 v3, v5;
	_ =	sdelay $0x2  }
0x356: {  	s19 =	simm.s32 $0x20;
	s2 =	simm.s32 $0x8200  }
0x357: {  	[tilespmem:s2+$0xFFFFFE00] =	vst v6;
	v6 =	vmov s19  }
0x358: {  	v7 =	vld.idx.msk [tilespmem:v5+s12+$0x0], $0xffff;
	v6 =	vshll.u32 v6, $0x3  }
0x359: {  	v6 =	vor.u32 v3, v6;
	_ =	sdelay $0x2  }
0x35a: {  	s25 =	simm.s32 $0x30  }
0x35b: {  	[tilespmem:s2+$0xFFFFFE10] =	vst v7;
	v7 =	vmov s25  }
0x35c: {  	v8 =	vld.idx.msk [tilespmem:v6+s12+$0x0], $0xffff;
	v7 =	vshll.u32 v7, $0x3  }
0x35d: {  	v7 =	vor.u32 v3, v7;
	_ =	sdelay $0x2  }
0x35e: {  	s4 =	simm.s32 $0x40  }
0x35f: {  	v13 =	vmov s4;
	[tilespmem:s2+$0xFFFFFE20] =	vst v8  }
0x360: {  	v8 =	vshll.u32 v13, $0x3;
	v9 =	vld.idx.msk [tilespmem:v7+s12+$0x0], $0xffff  }
0x361: {  	v8 =	vor.u32 v3, v8;
	_ =	sdelay $0x2  }
0x362: {  	s7 =	simm.s32 $0x50  }
0x363: {  	v14 =	vmov s7;
	[tilespmem:s2+$0xFFFFFE30] =	vst v9  }
0x364: {  	v9 =	vshll.u32 v14, $0x3;
	v10 =	vld.idx.msk [tilespmem:v8+s12+$0x0], $0xffff  }
0x365: {  	v9 =	vor.u32 v3, v9;
	_ =	sdelay $0x2  }
0x366: {  	s19 =	simm.s32 $0x60  }
0x367: {  	v15 =	vmov s19;
	[tilespmem:s2+$0xFFFFFE40] =	vst v10  }
0x368: {  	v10 =	vshll.u32 v15, $0x3;
	v11 =	vld.idx.msk [tilespmem:v9+s12+$0x0], $0xffff  }
0x369: {  	v10 =	vor.u32 v3, v10;
	_ =	sdelay $0x2  }
0x36a: {  	s25 =	simm.s32 $0x70  }
0x36b: {  	v16 =	vmov s25;
	[tilespmem:s2+$0xFFFFFE50] =	vst v11  }
0x36c: {  	v11 =	vshll.u32 v16, $0x3;
	v12 =	vld.idx.msk [tilespmem:v10+s12+$0x0], $0xffff  }
0x36d: {  	v11 =	vor.u32 v3, v11;
	_ =	sdelay $0x3  }
0x36e: {  	[tilespmem:s2+$0xFFFFFE60] =	vst v12  }
0x36f: {  	v12 =	vld.idx.msk [tilespmem:v11+s12+$0x0], $0xffff  }
0x370: {  	v13 =	vor.u32 $0x1, v4;
	_ =	sdelay $0x3  }
0x371: {  	[tilespmem:s2+$0xFFFFFE70] =	vst v12  }
0x372: {  	v12 =	vld.idx.msk [tilespmem:v13+s12+$0x0], $0xffff  }
0x373: {  	v17 =	vor.u32 $0x1, v5;
	_ =	sdelay $0x3  }
0x374: {  	[tilespmem:s2+$0xFFFFFE80] =	vst v12  }
0x375: {  	v12 =	vld.idx.msk [tilespmem:v17+s12+$0x0], $0xffff  }
0x376: {  	v18 =	vor.u32 $0x1, v6;
	_ =	sdelay $0x3  }
0x377: {  	[tilespmem:s2+$0xFFFFFE90] =	vst v12  }
0x378: {  	v12 =	vld.idx.msk [tilespmem:v18+s12+$0x0], $0xffff  }
0x379: {  	v19 =	vor.u32 $0x1, v7;
	_ =	sdelay $0x3  }
0x37a: {  	[tilespmem:s2+$0xFFFFFEA0] =	vst v12  }
0x37b: {  	v12 =	vld.idx.msk [tilespmem:v19+s12+$0x0], $0xffff  }
0x37c: {  	v20 =	vor.u32 $0x1, v8;
	_ =	sdelay $0x3  }
0x37d: {  	[tilespmem:s2+$0xFFFFFEB0] =	vst v12  }
0x37e: {  	v12 =	vld.idx.msk [tilespmem:v20+s12+$0x0], $0xffff  }
0x37f: {  	v21 =	vor.u32 $0x1, v9;
	_ =	sdelay $0x3  }
0x380: {  	[tilespmem:s2+$0xFFFFFEC0] =	vst v12  }
0x381: {  	v12 =	vld.idx.msk [tilespmem:v21+s12+$0x0], $0xffff  }
0x382: {  	v22 =	vor.u32 $0x1, v10;
	_ =	sdelay $0x3  }
0x383: {  	[tilespmem:s2+$0xFFFFFED0] =	vst v12  }
0x384: {  	v12 =	vld.idx.msk [tilespmem:v22+s12+$0x0], $0xffff  }
0x385: {  	v23 =	vor.u32 $0x1, v11;
	_ =	sdelay $0x3  }
0x386: {  	[tilespmem:s2+$0xFFFFFEE0] =	vst v12  }
0x387: {  	v12 =	vld.idx.msk [tilespmem:v23+s12+$0x0], $0xffff  }
0x388: {  	v24 =	vor.u32 $0x2, v4;
	_ =	sdelay $0x3  }
0x389: {  	[tilespmem:s2+$0xFFFFFEF0] =	vst v12  }
0x38a: {  	v12 =	vld.idx.msk [tilespmem:v24+s12+$0x0], $0xffff  }
0x38b: {  	v25 =	vor.u32 $0x2, v5;
	_ =	sdelay $0x3  }
0x38c: {  	[tilespmem:s2+$0xFFFFFF00] =	vst v12  }
0x38d: {  	v12 =	vld.idx.msk [tilespmem:v25+s12+$0x0], $0xffff  }
0x38e: {  	v26 =	vor.u32 $0x2, v6;
	_ =	sdelay $0x3  }
0x38f: {  	[tilespmem:s2+$0xFFFFFF10] =	vst v12  }
0x390: {  	v12 =	vld.idx.msk [tilespmem:v26+s12+$0x0], $0xffff  }
0x391: {  	v27 =	vor.u32 $0x2, v7;
	_ =	sdelay $0x3  }
0x392: {  	[tilespmem:s2+$0xFFFFFF20] =	vst v12  }
0x393: {  	v12 =	vld.idx.msk [tilespmem:v27+s12+$0x0], $0xffff  }
0x394: {  	v28 =	vor.u32 $0x2, v8;
	_ =	sdelay $0x3  }
0x395: {  	[tilespmem:s2+$0xFFFFFF30] =	vst v12  }
0x396: {  	v12 =	vld.idx.msk [tilespmem:v28+s12+$0x0], $0xffff  }
0x397: {  	v29 =	vor.u32 $0x2, v9;
	_ =	sdelay $0x3  }
0x398: {  	[tilespmem:s2+$0xFFFFFF40] =	vst v12  }
0x399: {  	v12 =	vld.idx.msk [tilespmem:v29+s12+$0x0], $0xffff  }
0x39a: {  	v30 =	vor.u32 $0x2, v10;
	_ =	sdelay $0x3  }
0x39b: {  	[tilespmem:s2+$0xFFFFFF50] =	vst v12  }
0x39c: {  	v12 =	vld.idx.msk [tilespmem:v30+s12+$0x0], $0xffff  }
0x39d: {  	v31 =	vor.u32 $0x2, v11;
	_ =	sdelay $0x3  }
0x39e: {  	[tilespmem:s2+$0xFFFFFF60] =	vst v12  }
0x39f: {  	v12 =	vld.idx.msk [tilespmem:v31+s12+$0x0], $0xffff  }
0x3a0: {  	v32 =	vor.u32 $0x3, v4;
	_ =	sdelay $0x3  }
0x3a1: {  	[tilespmem:s2+$0xFFFFFF70] =	vst v12  }
0x3a2: {  	v12 =	vld.idx.msk [tilespmem:v32+s12+$0x0], $0xffff  }
0x3a3: {  	v33 =	vor.u32 $0x3, v5;
	_ =	sdelay $0x3  }
0x3a4: {  	[tilespmem:s2+$0xFFFFFF80] =	vst v12  }
0x3a5: {  	v12 =	vld.idx.msk [tilespmem:v33+s12+$0x0], $0xffff  }
0x3a6: {  	v34 =	vor.u32 $0x3, v6;
	_ =	sdelay $0x3  }
0x3a7: {  	[tilespmem:s2+$0xFFFFFF90] =	vst v12  }
0x3a8: {  	v12 =	vld.idx.msk [tilespmem:v34+s12+$0x0], $0xffff  }
0x3a9: {  	v35 =	vor.u32 $0x3, v7;
	_ =	sdelay $0x3  }
0x3aa: {  	[tilespmem:s2+$0xFFFFFFA0] =	vst v12  }
0x3ab: {  	v12 =	vld.idx.msk [tilespmem:v35+s12+$0x0], $0xffff  }
0x3ac: {  	v36 =	vor.u32 $0x3, v8;
	_ =	sdelay $0x3  }
0x3ad: {  	[tilespmem:s2+$0xFFFFFFB0] =	vst v12  }
0x3ae: {  	v12 =	vld.idx.msk [tilespmem:v36+s12+$0x0], $0xffff  }
0x3af: {  	v37 =	vor.u32 $0x3, v9;
	_ =	sdelay $0x3  }
0x3b0: {  	[tilespmem:s2+$0xFFFFFFC0] =	vst v12  }
0x3b1: {  	v12 =	vld.idx.msk [tilespmem:v37+s12+$0x0], $0xffff  }
0x3b2: {  	v38 =	vor.u32 $0x3, v10;
	_ =	sdelay $0x3  }
0x3b3: {  	[tilespmem:s2+$0xFFFFFFD0] =	vst v12  }
0x3b4: {  	v12 =	vld.idx.msk [tilespmem:v38+s12+$0x0], $0xffff  }
0x3b5: {  	v39 =	vor.u32 $0x3, v11;
	_ =	sdelay $0x3  }
0x3b6: {  	[tilespmem:s2+$0xFFFFFFE0] =	vst v12  }
0x3b7: {  	v12 =	vld.idx.msk [tilespmem:v39+s12+$0x0], $0xffff  }
0x3b8: {  	v40 =	vor.u32 $0x4, v4;
	_ =	sdelay $0x3  }
0x3b9: {  	[tilespmem:s2+$0xFFFFFFF0] =	vst v12  }
0x3ba: {  	v12 =	vld.idx.msk [tilespmem:v40+s12+$0x0], $0xffff  }
0x3bb: {  	v41 =	vor.u32 $0x4, v5;
	_ =	sdelay $0x3  }
0x3bc: {  	[tilespmem:s2+$0x0] =	vst v12  }
0x3bd: {  	v12 =	vld.idx.msk [tilespmem:v41+s12+$0x0], $0xffff  }
0x3be: {  	v42 =	vor.u32 $0x4, v6;
	_ =	sdelay $0x3  }
0x3bf: {  	[tilespmem:s2+$0x10] =	vst v12  }
0x3c0: {  	v12 =	vld.idx.msk [tilespmem:v42+s12+$0x0], $0xffff  }
0x3c1: {  	v43 =	vor.u32 $0x4, v7;
	_ =	sdelay $0x3  }
0x3c2: {  	[tilespmem:s2+$0x20] =	vst v12  }
0x3c3: {  	v12 =	vld.idx.msk [tilespmem:v43+s12+$0x0], $0xffff  }
0x3c4: {  	v44 =	vor.u32 $0x4, v8;
	_ =	sdelay $0x3  }
0x3c5: {  	[tilespmem:s2+$0x30] =	vst v12  }
0x3c6: {  	v12 =	vld.idx.msk [tilespmem:v44+s12+$0x0], $0xffff  }
0x3c7: {  	v45 =	vor.u32 $0x4, v9;
	_ =	sdelay $0x3  }
0x3c8: {  	[tilespmem:s2+$0x40] =	vst v12  }
0x3c9: {  	v12 =	vld.idx.msk [tilespmem:v45+s12+$0x0], $0xffff  }
0x3ca: {  	v46 =	vor.u32 $0x4, v10;
	_ =	sdelay $0x3  }
0x3cb: {  	[tilespmem:s2+$0x50] =	vst v12  }
0x3cc: {  	v12 =	vld.idx.msk [tilespmem:v46+s12+$0x0], $0xffff  }
0x3cd: {  	v47 =	vor.u32 $0x4, v11;
	_ =	sdelay $0x3  }
0x3ce: {  	[tilespmem:s2+$0x60] =	vst v12  }
0x3cf: {  	v12 =	vld.idx.msk [tilespmem:v47+s12+$0x0], $0xffff  }
0x3d0: {  	v48 =	vor.u32 $0x5, v4;
	_ =	sdelay $0x3  }
0x3d1: {  	[tilespmem:s2+$0x70] =	vst v12  }
0x3d2: {  	v12 =	vld.idx.msk [tilespmem:v48+s12+$0x0], $0xffff  }
0x3d3: {  	v49 =	vor.u32 $0x5, v5;
	_ =	sdelay $0x3  }
0x3d4: {  	[tilespmem:s2+$0x80] =	vst v12  }
0x3d5: {  	v12 =	vld.idx.msk [tilespmem:v49+s12+$0x0], $0xffff  }
0x3d6: {  	v50 =	vor.u32 $0x5, v6;
	_ =	sdelay $0x3  }
0x3d7: {  	[tilespmem:s2+$0x90] =	vst v12  }
0x3d8: {  	v12 =	vld.idx.msk [tilespmem:v50+s12+$0x0], $0xffff  }
0x3d9: {  	v51 =	vor.u32 $0x5, v7;
	_ =	sdelay $0x3  }
0x3da: {  	[tilespmem:s2+$0xA0] =	vst v12  }
0x3db: {  	v12 =	vld.idx.msk [tilespmem:v51+s12+$0x0], $0xffff  }
0x3dc: {  	v52 =	vor.u32 $0x5, v8;
	_ =	sdelay $0x3  }
0x3dd: {  	[tilespmem:s2+$0xB0] =	vst v12  }
0x3de: {  	v12 =	vld.idx.msk [tilespmem:v52+s12+$0x0], $0xffff  }
0x3df: {  	v53 =	vor.u32 $0x5, v9;
	_ =	sdelay $0x3  }
0x3e0: {  	[tilespmem:s2+$0xC0] =	vst v12  }
0x3e1: {  	v12 =	vld.idx.msk [tilespmem:v53+s12+$0x0], $0xffff  }
0x3e2: {  	v54 =	vor.u32 $0x5, v10;
	_ =	sdelay $0x3  }
0x3e3: {  	[tilespmem:s2+$0xD0] =	vst v12  }
0x3e4: {  	v12 =	vld.idx.msk [tilespmem:v54+s12+$0x0], $0xffff  }
0x3e5: {  	v55 =	vor.u32 $0x5, v11;
	_ =	sdelay $0x3  }
0x3e6: {  	[tilespmem:s2+$0xE0] =	vst v12  }
0x3e7: {  	v12 =	vld.idx.msk [tilespmem:v55+s12+$0x0], $0xffff  }
0x3e8: {  	v56 =	vor.u32 $0x6, v4;
	_ =	sdelay $0x3  }
0x3e9: {  	[tilespmem:s2+$0xF0] =	vst v12  }
0x3ea: {  	v12 =	vld.idx.msk [tilespmem:v56+s12+$0x0], $0xffff  }
0x3eb: {  	v57 =	vor.u32 $0x6, v5;
	_ =	sdelay $0x3  }
0x3ec: {  	[tilespmem:s2+$0x100] =	vst v12  }
0x3ed: {  	v12 =	vld.idx.msk [tilespmem:v57+s12+$0x0], $0xffff  }
0x3ee: {  	v58 =	vor.u32 $0x6, v6;
	_ =	sdelay $0x3  }
0x3ef: {  	[tilespmem:s2+$0x110] =	vst v12  }
0x3f0: {  	v12 =	vld.idx.msk [tilespmem:v58+s12+$0x0], $0xffff  }
0x3f1: {  	v59 =	vor.u32 $0x6, v7;
	_ =	sdelay $0x3  }
0x3f2: {  	[tilespmem:s2+$0x120] =	vst v12  }
0x3f3: {  	v12 =	vld.idx.msk [tilespmem:v59+s12+$0x0], $0xffff  }
0x3f4: {  	v60 =	vor.u32 $0x6, v8;
	_ =	sdelay $0x3  }
0x3f5: {  	[tilespmem:s2+$0x130] =	vst v12  }
0x3f6: {  	v12 =	vld.idx.msk [tilespmem:v60+s12+$0x0], $0xffff  }
0x3f7: {  	v61 =	vor.u32 $0x6, v9;
	_ =	sdelay $0x3  }
0x3f8: {  	[tilespmem:s2+$0x140] =	vst v12  }
0x3f9: {  	v12 =	vld.idx.msk [tilespmem:v61+s12+$0x0], $0xffff  }
0x3fa: {  	v62 =	vor.u32 $0x6, v10;
	_ =	sdelay $0x3  }
0x3fb: {  	[tilespmem:s2+$0x150] =	vst v12  }
0x3fc: {  	v12 =	vld.idx.msk [tilespmem:v62+s12+$0x0], $0xffff  }
0x3fd: {  	v63 =	vor.u32 $0x6, v11;
	_ =	sdelay $0x3  }
0x3fe: {  	[tilespmem:s2+$0x160] =	vst v12  }
0x3ff: {  	v12 =	vld.idx.msk [tilespmem:v63+s12+$0x0], $0xffff  }
0x400: {  	v4 =	vor.u32 $0x7, v4;
	_ =	sdelay $0x3  }
0x401: {  	[tilespmem:s2+$0x170] =	vst v12  }
0x402: {  	v4 =	vld.idx.msk [tilespmem:v4+s12+$0x0], $0xffff  }
0x403: {  	v5 =	vor.u32 $0x7, v5;
	_ =	sdelay $0x3  }
0x404: {  	[tilespmem:s2+$0x180] =	vst v4  }
0x405: {  	v4 =	vld.idx.msk [tilespmem:v5+s12+$0x0], $0xffff  }
0x406: {  	v5 =	vor.u32 $0x7, v6;
	_ =	sdelay $0x3  }
0x407: {  	[tilespmem:s2+$0x190] =	vst v4  }
0x408: {  	v4 =	vld.idx.msk [tilespmem:v5+s12+$0x0], $0xffff  }
0x409: {  	v5 =	vor.u32 $0x7, v7;
	_ =	sdelay $0x3  }
0x40a: {  	[tilespmem:s2+$0x1A0] =	vst v4  }
0x40b: {  	v4 =	vld.idx.msk [tilespmem:v5+s12+$0x0], $0xffff  }
0x40c: {  	v5 =	vor.u32 $0x7, v8;
	_ =	sdelay $0x3  }
0x40d: {  	[tilespmem:s2+$0x1B0] =	vst v4  }
0x40e: {  	v4 =	vld.idx.msk [tilespmem:v5+s12+$0x0], $0xffff  }
0x40f: {  	v5 =	vor.u32 $0x7, v9;
	_ =	sdelay $0x3  }
0x410: {  	[tilespmem:s2+$0x1C0] =	vst v4  }
0x411: {  	v4 =	vld.idx.msk [tilespmem:v5+s12+$0x0], $0xffff  }
0x412: {  	v5 =	vor.u32 $0x7, v10;
	_ =	sdelay $0x3  }
0x413: {  	[tilespmem:s2+$0x1D0] =	vst v4  }
0x414: {  	v5 =	vld.idx.msk [tilespmem:v5+s12+$0x0], $0xffff  }
0x415: {  	v4 =	vor.u32 $0x7, v11;
	_ =	sdelay $0x3  }
0x416: {  	s7 =	simm.s32 $0x80;
	s3 =	simm.s32 $0xF0;
	s4 =	simm.s32 $0x170;
	[tilespmem:s2+$0x1E0] =	vst v5  }
.LBB2_36:
0x417: {  	p1 =	sne.s32 s4, $0x370;
	v5 =	vmov s7;
	v6 =	vld.idx.msk [tilespmem:v4+s12+$0x0], $0xffff  }
0x418: {  	v4 =	vshll.u32 v5, $0x3  }
0x419: {  	v4 =	vor.u32 v3, v4;
	_ =	sdelay $0x3  }
0x41a: {  	s7 =	sadd.s32 $0xFFFFFFA0, s3;
	[tilespmem:s2+$0x1F0] =	vst v6  }
0x41b: {  	v5 =	vmov s7;
	v6 =	vld.idx.msk [tilespmem:v4+s12+$0x0], $0xffff  }
0x41c: {  	v5 =	vshll.u32 v5, $0x3  }
0x41d: {  	v5 =	vor.u32 v3, v5;
	_ =	sdelay $0x2  }
0x41e: {  	s2 =	sadd.s32 $0x400, s2  }
0x41f: {  	s7 =	sadd.s32 $0xFFFFFFB0, s3;
	[tilespmem:s2+$0xFFFFFE00] =	vst v6  }
0x420: {  	v6 =	vmov s7;
	v7 =	vld.idx.msk [tilespmem:v5+s12+$0x0], $0xffff  }
0x421: {  	v6 =	vshll.u32 v6, $0x3  }
0x422: {  	v6 =	vor.u32 v3, v6;
	_ =	sdelay $0x3  }
0x423: {  	s7 =	sadd.s32 $0xFFFFFFC0, s3;
	[tilespmem:s2+$0xFFFFFE10] =	vst v7  }
0x424: {  	v7 =	vmov s7;
	v8 =	vld.idx.msk [tilespmem:v6+s12+$0x0], $0xffff  }
0x425: {  	v7 =	vshll.u32 v7, $0x3  }
0x426: {  	v7 =	vor.u32 v3, v7;
	_ =	sdelay $0x3  }
0x427: {  	s7 =	sadd.s32 $0xFFFFFFD0, s3;
	[tilespmem:s2+$0xFFFFFE20] =	vst v8  }
0x428: {  	v8 =	vmov s7;
	v9 =	vld.idx.msk [tilespmem:v7+s12+$0x0], $0xffff  }
0x429: {  	v8 =	vshll.u32 v8, $0x3  }
0x42a: {  	v8 =	vor.u32 v3, v8;
	_ =	sdelay $0x3  }
0x42b: {  	s7 =	sadd.s32 $0xFFFFFFE0, s3;
	[tilespmem:s2+$0xFFFFFE30] =	vst v9  }
0x42c: {  	v9 =	vmov s7;
	v10 =	vld.idx.msk [tilespmem:v8+s12+$0x0], $0xffff  }
0x42d: {  	v9 =	vshll.u32 v9, $0x3  }
0x42e: {  	v9 =	vor.u32 v3, v9;
	_ =	sdelay $0x3  }
0x42f: {  	s7 =	sadd.s32 $0xFFFFFFF0, s3;
	[tilespmem:s2+$0xFFFFFE40] =	vst v10  }
0x430: {  	v10 =	vmov s7;
	v11 =	vld.idx.msk [tilespmem:v9+s12+$0x0], $0xffff  }
0x431: {  	v10 =	vshll.u32 v10, $0x3  }
0x432: {  	v10 =	vor.u32 v3, v10;
	_ =	sdelay $0x3  }
0x433: {  	[tilespmem:s2+$0xFFFFFE50] =	vst v11  }
0x434: {  	v11 =	vmov s3;
	s3 =	smov.u32 s4;
	v12 =	vld.idx.msk [tilespmem:v10+s12+$0x0], $0xffff  }
0x435: {  	v11 =	vshll.u32 v11, $0x3  }
0x436: {  	v11 =	vor.u32 v3, v11;
	_ =	sdelay $0x3  }
0x437: {  	[tilespmem:s2+$0xFFFFFE60] =	vst v12  }
0x438: {  	v12 =	vld.idx.msk [tilespmem:v11+s12+$0x0], $0xffff;
	_ =	sdelay $0x1  }
0x439: {  	v13 =	vor.u32 $0x1, v4;
	_ =	sdelay $0x3  }
0x43a: {  	[tilespmem:s2+$0xFFFFFE70] =	vst v12  }
0x43b: {  	v12 =	vld.idx.msk [tilespmem:v13+s12+$0x0], $0xffff;
	_ =	sdelay $0x1  }
0x43c: {  	v13 =	vor.u32 $0x1, v5;
	_ =	sdelay $0x3  }
0x43d: {  	[tilespmem:s2+$0xFFFFFE80] =	vst v12  }
0x43e: {  	v12 =	vld.idx.msk [tilespmem:v13+s12+$0x0], $0xffff;
	_ =	sdelay $0x1  }
0x43f: {  	v13 =	vor.u32 $0x1, v6;
	_ =	sdelay $0x3  }
0x440: {  	[tilespmem:s2+$0xFFFFFE90] =	vst v12  }
0x441: {  	v12 =	vld.idx.msk [tilespmem:v13+s12+$0x0], $0xffff;
	_ =	sdelay $0x1  }
0x442: {  	v13 =	vor.u32 $0x1, v7;
	_ =	sdelay $0x3  }
0x443: {  	[tilespmem:s2+$0xFFFFFEA0] =	vst v12  }
0x444: {  	v12 =	vld.idx.msk [tilespmem:v13+s12+$0x0], $0xffff;
	_ =	sdelay $0x1  }
0x445: {  	v13 =	vor.u32 $0x1, v8;
	_ =	sdelay $0x3  }
0x446: {  	[tilespmem:s2+$0xFFFFFEB0] =	vst v12  }
0x447: {  	v12 =	vld.idx.msk [tilespmem:v13+s12+$0x0], $0xffff;
	_ =	sdelay $0x1  }
0x448: {  	v13 =	vor.u32 $0x1, v9;
	_ =	sdelay $0x3  }
0x449: {  	[tilespmem:s2+$0xFFFFFEC0] =	vst v12  }
0x44a: {  	v12 =	vld.idx.msk [tilespmem:v13+s12+$0x0], $0xffff;
	_ =	sdelay $0x1  }
0x44b: {  	v13 =	vor.u32 $0x1, v10;
	_ =	sdelay $0x3  }
0x44c: {  	[tilespmem:s2+$0xFFFFFED0] =	vst v12  }
0x44d: {  	v12 =	vld.idx.msk [tilespmem:v13+s12+$0x0], $0xffff;
	_ =	sdelay $0x1  }
0x44e: {  	v13 =	vor.u32 $0x1, v11;
	_ =	sdelay $0x3  }
0x44f: {  	[tilespmem:s2+$0xFFFFFEE0] =	vst v12  }
0x450: {  	v12 =	vld.idx.msk [tilespmem:v13+s12+$0x0], $0xffff;
	_ =	sdelay $0x1  }
0x451: {  	v13 =	vor.u32 $0x2, v4;
	_ =	sdelay $0x3  }
0x452: {  	[tilespmem:s2+$0xFFFFFEF0] =	vst v12  }
0x453: {  	v12 =	vld.idx.msk [tilespmem:v13+s12+$0x0], $0xffff;
	_ =	sdelay $0x1  }
0x454: {  	v13 =	vor.u32 $0x2, v5;
	_ =	sdelay $0x3  }
0x455: {  	[tilespmem:s2+$0xFFFFFF00] =	vst v12  }
0x456: {  	v12 =	vld.idx.msk [tilespmem:v13+s12+$0x0], $0xffff;
	_ =	sdelay $0x1  }
0x457: {  	v13 =	vor.u32 $0x2, v6;
	_ =	sdelay $0x3  }
0x458: {  	[tilespmem:s2+$0xFFFFFF10] =	vst v12  }
0x459: {  	v12 =	vld.idx.msk [tilespmem:v13+s12+$0x0], $0xffff;
	_ =	sdelay $0x1  }
0x45a: {  	v13 =	vor.u32 $0x2, v7;
	_ =	sdelay $0x3  }
0x45b: {  	[tilespmem:s2+$0xFFFFFF20] =	vst v12  }
0x45c: {  	v12 =	vld.idx.msk [tilespmem:v13+s12+$0x0], $0xffff;
	_ =	sdelay $0x1  }
0x45d: {  	v13 =	vor.u32 $0x2, v8;
	_ =	sdelay $0x3  }
0x45e: {  	[tilespmem:s2+$0xFFFFFF30] =	vst v12  }
0x45f: {  	v12 =	vld.idx.msk [tilespmem:v13+s12+$0x0], $0xffff;
	_ =	sdelay $0x1  }
0x460: {  	v13 =	vor.u32 $0x2, v9;
	_ =	sdelay $0x3  }
0x461: {  	[tilespmem:s2+$0xFFFFFF40] =	vst v12  }
0x462: {  	v12 =	vld.idx.msk [tilespmem:v13+s12+$0x0], $0xffff;
	_ =	sdelay $0x1  }
0x463: {  	v13 =	vor.u32 $0x2, v10;
	_ =	sdelay $0x3  }
0x464: {  	[tilespmem:s2+$0xFFFFFF50] =	vst v12  }
0x465: {  	v12 =	vld.idx.msk [tilespmem:v13+s12+$0x0], $0xffff;
	_ =	sdelay $0x1  }
0x466: {  	v13 =	vor.u32 $0x2, v11;
	_ =	sdelay $0x3  }
0x467: {  	[tilespmem:s2+$0xFFFFFF60] =	vst v12  }
0x468: {  	v12 =	vld.idx.msk [tilespmem:v13+s12+$0x0], $0xffff;
	_ =	sdelay $0x1  }
0x469: {  	v13 =	vor.u32 $0x3, v4;
	_ =	sdelay $0x3  }
0x46a: {  	[tilespmem:s2+$0xFFFFFF70] =	vst v12  }
0x46b: {  	v12 =	vld.idx.msk [tilespmem:v13+s12+$0x0], $0xffff;
	_ =	sdelay $0x1  }
0x46c: {  	v13 =	vor.u32 $0x3, v5;
	_ =	sdelay $0x3  }
0x46d: {  	[tilespmem:s2+$0xFFFFFF80] =	vst v12  }
0x46e: {  	v12 =	vld.idx.msk [tilespmem:v13+s12+$0x0], $0xffff;
	_ =	sdelay $0x1  }
0x46f: {  	v13 =	vor.u32 $0x3, v6;
	_ =	sdelay $0x3  }
0x470: {  	[tilespmem:s2+$0xFFFFFF90] =	vst v12  }
0x471: {  	v12 =	vld.idx.msk [tilespmem:v13+s12+$0x0], $0xffff;
	_ =	sdelay $0x1  }
0x472: {  	v13 =	vor.u32 $0x3, v7;
	_ =	sdelay $0x3  }
0x473: {  	[tilespmem:s2+$0xFFFFFFA0] =	vst v12  }
0x474: {  	v12 =	vld.idx.msk [tilespmem:v13+s12+$0x0], $0xffff;
	_ =	sdelay $0x1  }
0x475: {  	v13 =	vor.u32 $0x3, v8;
	_ =	sdelay $0x3  }
0x476: {  	[tilespmem:s2+$0xFFFFFFB0] =	vst v12  }
0x477: {  	v12 =	vld.idx.msk [tilespmem:v13+s12+$0x0], $0xffff;
	_ =	sdelay $0x1  }
0x478: {  	v13 =	vor.u32 $0x3, v9;
	_ =	sdelay $0x3  }
0x479: {  	[tilespmem:s2+$0xFFFFFFC0] =	vst v12  }
0x47a: {  	v12 =	vld.idx.msk [tilespmem:v13+s12+$0x0], $0xffff;
	_ =	sdelay $0x1  }
0x47b: {  	v13 =	vor.u32 $0x3, v10;
	_ =	sdelay $0x3  }
0x47c: {  	[tilespmem:s2+$0xFFFFFFD0] =	vst v12  }
0x47d: {  	v12 =	vld.idx.msk [tilespmem:v13+s12+$0x0], $0xffff;
	_ =	sdelay $0x1  }
0x47e: {  	v13 =	vor.u32 $0x3, v11;
	_ =	sdelay $0x3  }
0x47f: {  	[tilespmem:s2+$0xFFFFFFE0] =	vst v12  }
0x480: {  	v12 =	vld.idx.msk [tilespmem:v13+s12+$0x0], $0xffff;
	_ =	sdelay $0x1  }
0x481: {  	v13 =	vor.u32 $0x4, v4;
	_ =	sdelay $0x3  }
0x482: {  	[tilespmem:s2+$0xFFFFFFF0] =	vst v12  }
0x483: {  	v12 =	vld.idx.msk [tilespmem:v13+s12+$0x0], $0xffff;
	_ =	sdelay $0x1  }
0x484: {  	v13 =	vor.u32 $0x4, v5;
	_ =	sdelay $0x3  }
0x485: {  	[tilespmem:s2+$0x0] =	vst v12  }
0x486: {  	v12 =	vld.idx.msk [tilespmem:v13+s12+$0x0], $0xffff;
	_ =	sdelay $0x1  }
0x487: {  	v13 =	vor.u32 $0x4, v6;
	_ =	sdelay $0x3  }
0x488: {  	[tilespmem:s2+$0x10] =	vst v12  }
0x489: {  	v12 =	vld.idx.msk [tilespmem:v13+s12+$0x0], $0xffff;
	_ =	sdelay $0x1  }
0x48a: {  	v13 =	vor.u32 $0x4, v7;
	_ =	sdelay $0x3  }
0x48b: {  	[tilespmem:s2+$0x20] =	vst v12  }
0x48c: {  	v12 =	vld.idx.msk [tilespmem:v13+s12+$0x0], $0xffff;
	_ =	sdelay $0x1  }
0x48d: {  	v13 =	vor.u32 $0x4, v8;
	_ =	sdelay $0x3  }
0x48e: {  	[tilespmem:s2+$0x30] =	vst v12  }
0x48f: {  	v12 =	vld.idx.msk [tilespmem:v13+s12+$0x0], $0xffff;
	_ =	sdelay $0x1  }
0x490: {  	v13 =	vor.u32 $0x4, v9;
	_ =	sdelay $0x3  }
0x491: {  	[tilespmem:s2+$0x40] =	vst v12  }
0x492: {  	v12 =	vld.idx.msk [tilespmem:v13+s12+$0x0], $0xffff;
	_ =	sdelay $0x1  }
0x493: {  	v13 =	vor.u32 $0x4, v10;
	_ =	sdelay $0x3  }
0x494: {  	[tilespmem:s2+$0x50] =	vst v12  }
0x495: {  	v12 =	vld.idx.msk [tilespmem:v13+s12+$0x0], $0xffff;
	_ =	sdelay $0x1  }
0x496: {  	v13 =	vor.u32 $0x4, v11;
	_ =	sdelay $0x3  }
0x497: {  	[tilespmem:s2+$0x60] =	vst v12  }
0x498: {  	v12 =	vld.idx.msk [tilespmem:v13+s12+$0x0], $0xffff;
	_ =	sdelay $0x1  }
0x499: {  	v13 =	vor.u32 $0x5, v4;
	_ =	sdelay $0x3  }
0x49a: {  	[tilespmem:s2+$0x70] =	vst v12  }
0x49b: {  	v12 =	vld.idx.msk [tilespmem:v13+s12+$0x0], $0xffff;
	_ =	sdelay $0x1  }
0x49c: {  	v13 =	vor.u32 $0x5, v5;
	_ =	sdelay $0x3  }
0x49d: {  	[tilespmem:s2+$0x80] =	vst v12  }
0x49e: {  	v12 =	vld.idx.msk [tilespmem:v13+s12+$0x0], $0xffff;
	_ =	sdelay $0x1  }
0x49f: {  	v13 =	vor.u32 $0x5, v6;
	_ =	sdelay $0x3  }
0x4a0: {  	[tilespmem:s2+$0x90] =	vst v12  }
0x4a1: {  	v12 =	vld.idx.msk [tilespmem:v13+s12+$0x0], $0xffff;
	_ =	sdelay $0x1  }
0x4a2: {  	v13 =	vor.u32 $0x5, v7;
	_ =	sdelay $0x3  }
0x4a3: {  	[tilespmem:s2+$0xA0] =	vst v12  }
0x4a4: {  	v12 =	vld.idx.msk [tilespmem:v13+s12+$0x0], $0xffff;
	_ =	sdelay $0x1  }
0x4a5: {  	v13 =	vor.u32 $0x5, v8;
	_ =	sdelay $0x3  }
0x4a6: {  	[tilespmem:s2+$0xB0] =	vst v12  }
0x4a7: {  	v12 =	vld.idx.msk [tilespmem:v13+s12+$0x0], $0xffff;
	_ =	sdelay $0x1  }
0x4a8: {  	v13 =	vor.u32 $0x5, v9;
	_ =	sdelay $0x3  }
0x4a9: {  	[tilespmem:s2+$0xC0] =	vst v12  }
0x4aa: {  	v12 =	vld.idx.msk [tilespmem:v13+s12+$0x0], $0xffff;
	_ =	sdelay $0x1  }
0x4ab: {  	v13 =	vor.u32 $0x5, v10;
	_ =	sdelay $0x3  }
0x4ac: {  	[tilespmem:s2+$0xD0] =	vst v12  }
0x4ad: {  	v12 =	vld.idx.msk [tilespmem:v13+s12+$0x0], $0xffff;
	_ =	sdelay $0x1  }
0x4ae: {  	v13 =	vor.u32 $0x5, v11;
	_ =	sdelay $0x3  }
0x4af: {  	[tilespmem:s2+$0xE0] =	vst v12  }
0x4b0: {  	v12 =	vld.idx.msk [tilespmem:v13+s12+$0x0], $0xffff;
	_ =	sdelay $0x1  }
0x4b1: {  	v13 =	vor.u32 $0x6, v4;
	_ =	sdelay $0x3  }
0x4b2: {  	[tilespmem:s2+$0xF0] =	vst v12  }
0x4b3: {  	v12 =	vld.idx.msk [tilespmem:v13+s12+$0x0], $0xffff;
	_ =	sdelay $0x1  }
0x4b4: {  	v13 =	vor.u32 $0x6, v5;
	_ =	sdelay $0x3  }
0x4b5: {  	[tilespmem:s2+$0x100] =	vst v12  }
0x4b6: {  	v12 =	vld.idx.msk [tilespmem:v13+s12+$0x0], $0xffff;
	_ =	sdelay $0x1  }
0x4b7: {  	v13 =	vor.u32 $0x6, v6;
	_ =	sdelay $0x3  }
0x4b8: {  	[tilespmem:s2+$0x110] =	vst v12  }
0x4b9: {  	v12 =	vld.idx.msk [tilespmem:v13+s12+$0x0], $0xffff;
	_ =	sdelay $0x1  }
0x4ba: {  	v13 =	vor.u32 $0x6, v7;
	_ =	sdelay $0x3  }
0x4bb: {  	[tilespmem:s2+$0x120] =	vst v12  }
0x4bc: {  	v12 =	vld.idx.msk [tilespmem:v13+s12+$0x0], $0xffff;
	_ =	sdelay $0x1  }
0x4bd: {  	v13 =	vor.u32 $0x6, v8;
	_ =	sdelay $0x3  }
0x4be: {  	[tilespmem:s2+$0x130] =	vst v12  }
0x4bf: {  	v12 =	vld.idx.msk [tilespmem:v13+s12+$0x0], $0xffff;
	_ =	sdelay $0x1  }
0x4c0: {  	v13 =	vor.u32 $0x6, v9;
	_ =	sdelay $0x3  }
0x4c1: {  	[tilespmem:s2+$0x140] =	vst v12  }
0x4c2: {  	v12 =	vld.idx.msk [tilespmem:v13+s12+$0x0], $0xffff;
	_ =	sdelay $0x1  }
0x4c3: {  	v13 =	vor.u32 $0x6, v10;
	_ =	sdelay $0x3  }
0x4c4: {  	[tilespmem:s2+$0x150] =	vst v12  }
0x4c5: {  	v12 =	vld.idx.msk [tilespmem:v13+s12+$0x0], $0xffff;
	_ =	sdelay $0x1  }
0x4c6: {  	v13 =	vor.u32 $0x6, v11;
	_ =	sdelay $0x3  }
0x4c7: {  	[tilespmem:s2+$0x160] =	vst v12  }
0x4c8: {  	v12 =	vld.idx.msk [tilespmem:v13+s12+$0x0], $0xffff;
	_ =	sdelay $0x1  }
0x4c9: {  	v4 =	vor.u32 $0x7, v4;
	_ =	sdelay $0x3  }
0x4ca: {  	[tilespmem:s2+$0x170] =	vst v12  }
0x4cb: {  	v4 =	vld.idx.msk [tilespmem:v4+s12+$0x0], $0xffff;
	_ =	sdelay $0x1  }
0x4cc: {  	v5 =	vor.u32 $0x7, v5;
	_ =	sdelay $0x3  }
0x4cd: {  	[tilespmem:s2+$0x180] =	vst v4  }
0x4ce: {  	v4 =	vld.idx.msk [tilespmem:v5+s12+$0x0], $0xffff;
	_ =	sdelay $0x1  }
0x4cf: {  	v5 =	vor.u32 $0x7, v6;
	_ =	sdelay $0x3  }
0x4d0: {  	[tilespmem:s2+$0x190] =	vst v4  }
0x4d1: {  	v4 =	vld.idx.msk [tilespmem:v5+s12+$0x0], $0xffff;
	_ =	sdelay $0x1  }
0x4d2: {  	v5 =	vor.u32 $0x7, v7;
	_ =	sdelay $0x3  }
0x4d3: {  	[tilespmem:s2+$0x1A0] =	vst v4  }
0x4d4: {  	v4 =	vld.idx.msk [tilespmem:v5+s12+$0x0], $0xffff;
	_ =	sdelay $0x1  }
0x4d5: {  	v5 =	vor.u32 $0x7, v8;
	_ =	sdelay $0x3  }
0x4d6: {  	[tilespmem:s2+$0x1B0] =	vst v4  }
0x4d7: {  	v4 =	vld.idx.msk [tilespmem:v5+s12+$0x0], $0xffff;
	_ =	sdelay $0x1  }
0x4d8: {  	v5 =	vor.u32 $0x7, v9;
	_ =	sdelay $0x3  }
0x4d9: {  	[tilespmem:s2+$0x1C0] =	vst v4  }
0x4da: {  	v4 =	vld.idx.msk [tilespmem:v5+s12+$0x0], $0xffff;
	_ =	sdelay $0x1  }
0x4db: {  	v5 =	vor.u32 $0x7, v10;
	_ =	sdelay $0x3  }
0x4dc: {  	[tilespmem:s2+$0x1D0] =	vst v4  }
0x4dd: {  	v5 =	vld.idx.msk [tilespmem:v5+s12+$0x0], $0xffff;
	_ =	sdelay $0x1  }
.Ltmp18:
0x4de: {  	v4 =	vor.u32 $0x7, v11;
	(pc) =	sbr.rel @p1 .LBB2_36-.Ltmp18, $2  }
0x4df: {  	_ =	sdelay $0x2  }
0x4e0: {  	s4 =	sadd.s32 $0x80, s4;
	s7 =	sadd.s32 $0xFFFFFF90, s3;
	[tilespmem:s2+$0x1E0] =	vst v5  }
0x4e1: {  	_ =	sdelay $0x2  }
0x4e2: {  	v5 =	vmov s7  }
0x4e3: {  	v6 =	vld.idx.msk [tilespmem:v4+s12+$0x0], $0xffff;
	v4 =	vshll.u32 v5, $0x3  }
0x4e4: {  	v4 =	vor.u32 v3, v4;
	_ =	sdelay $0x2  }
0x4e5: {  	s4 =	sadd.s32 $0xFFFFFFA0, s3  }
0x4e6: {  	v5 =	vmov s4;
	[tilespmem:s2+$0x1F0] =	vst v6  }
0x4e7: {  	v5 =	vshll.u32 v5, $0x3;
	v6 =	vld.idx.msk [tilespmem:v4+s12+$0x0], $0xffff  }
0x4e8: {  	v5 =	vor.u32 v3, v5;
	_ =	sdelay $0x2  }
0x4e9: {  	s25 =	sadd.s32 $0xFFFFFFB0, s3;
	s2 =	sadd.s32 $0x400, s2  }
0x4ea: {  	v11 =	vmov s25;
	[tilespmem:s2+$0xFFFFFE00] =	vst v6  }
0x4eb: {  	v6 =	vshll.u32 v11, $0x3;
	v7 =	vld.idx.msk [tilespmem:v5+s12+$0x0], $0xffff  }
0x4ec: {  	v6 =	vor.u32 v3, v6;
	_ =	sdelay $0x2  }
0x4ed: {  	s7 =	sadd.s32 $0xFFFFFFC0, s3  }
0x4ee: {  	v12 =	vmov s7;
	[tilespmem:s2+$0xFFFFFE10] =	vst v7  }
0x4ef: {  	v7 =	vshll.u32 v12, $0x3;
	v8 =	vld.idx.msk [tilespmem:v6+s12+$0x0], $0xffff  }
0x4f0: {  	v7 =	vor.u32 v3, v7;
	_ =	sdelay $0x2  }
0x4f1: {  	s19 =	sadd.s32 $0xFFFFFFD0, s3  }
0x4f2: {  	v13 =	vmov s19;
	[tilespmem:s2+$0xFFFFFE20] =	vst v8  }
0x4f3: {  	v8 =	vshll.u32 v13, $0x3;
	v9 =	vld.idx.msk [tilespmem:v7+s12+$0x0], $0xffff  }
0x4f4: {  	v8 =	vor.u32 v3, v8;
	_ =	sdelay $0x2  }
0x4f5: {  	s25 =	sadd.s32 $0xFFFFFFE0, s3  }
0x4f6: {  	v14 =	vmov s25;
	[tilespmem:s2+$0xFFFFFE30] =	vst v9  }
0x4f7: {  	v9 =	vshll.u32 v14, $0x3;
	v10 =	vld.idx.msk [tilespmem:v8+s12+$0x0], $0xffff  }
0x4f8: {  	v9 =	vor.u32 v3, v9;
	_ =	sdelay $0x2  }
0x4f9: {  	s7 =	sadd.s32 $0xFFFFFFF0, s3  }
0x4fa: {  	v15 =	vmov s7;
	[tilespmem:s2+$0xFFFFFE40] =	vst v10  }
0x4fb: {  	v10 =	vshll.u32 v15, $0x3;
	v11 =	vld.idx.msk [tilespmem:v9+s12+$0x0], $0xffff  }
0x4fc: {  	v10 =	vor.u32 v3, v10;
	_ =	sdelay $0x3  }
0x4fd: {  	v16 =	vmov s3;
	[tilespmem:s2+$0xFFFFFE50] =	vst v11  }
0x4fe: {  	v11 =	vshll.u32 v16, $0x3;
	v12 =	vld.idx.msk [tilespmem:v10+s12+$0x0], $0xffff  }
0x4ff: {  	v11 =	vor.u32 v3, v11;
	_ =	sdelay $0x3  }
0x500: {  	[tilespmem:s2+$0xFFFFFE60] =	vst v12  }
0x501: {  	v12 =	vld.idx.msk [tilespmem:v11+s12+$0x0], $0xffff  }
0x502: {  	v13 =	vor.u32 $0x1, v4;
	_ =	sdelay $0x3  }
0x503: {  	[tilespmem:s2+$0xFFFFFE70] =	vst v12  }
0x504: {  	v12 =	vld.idx.msk [tilespmem:v13+s12+$0x0], $0xffff  }
0x505: {  	v17 =	vor.u32 $0x1, v5;
	_ =	sdelay $0x3  }
0x506: {  	[tilespmem:s2+$0xFFFFFE80] =	vst v12  }
0x507: {  	v12 =	vld.idx.msk [tilespmem:v17+s12+$0x0], $0xffff  }
0x508: {  	v18 =	vor.u32 $0x1, v6;
	_ =	sdelay $0x3  }
0x509: {  	[tilespmem:s2+$0xFFFFFE90] =	vst v12  }
0x50a: {  	v12 =	vld.idx.msk [tilespmem:v18+s12+$0x0], $0xffff  }
0x50b: {  	v19 =	vor.u32 $0x1, v7;
	_ =	sdelay $0x3  }
0x50c: {  	[tilespmem:s2+$0xFFFFFEA0] =	vst v12  }
0x50d: {  	v12 =	vld.idx.msk [tilespmem:v19+s12+$0x0], $0xffff  }
0x50e: {  	v20 =	vor.u32 $0x1, v8;
	_ =	sdelay $0x3  }
0x50f: {  	[tilespmem:s2+$0xFFFFFEB0] =	vst v12  }
0x510: {  	v12 =	vld.idx.msk [tilespmem:v20+s12+$0x0], $0xffff  }
0x511: {  	v21 =	vor.u32 $0x1, v9;
	_ =	sdelay $0x3  }
0x512: {  	[tilespmem:s2+$0xFFFFFEC0] =	vst v12  }
0x513: {  	v12 =	vld.idx.msk [tilespmem:v21+s12+$0x0], $0xffff  }
0x514: {  	v22 =	vor.u32 $0x1, v10;
	_ =	sdelay $0x3  }
0x515: {  	[tilespmem:s2+$0xFFFFFED0] =	vst v12  }
0x516: {  	v12 =	vld.idx.msk [tilespmem:v22+s12+$0x0], $0xffff  }
0x517: {  	v23 =	vor.u32 $0x1, v11;
	_ =	sdelay $0x3  }
0x518: {  	[tilespmem:s2+$0xFFFFFEE0] =	vst v12  }
0x519: {  	v12 =	vld.idx.msk [tilespmem:v23+s12+$0x0], $0xffff  }
0x51a: {  	v24 =	vor.u32 $0x2, v4;
	_ =	sdelay $0x3  }
0x51b: {  	[tilespmem:s2+$0xFFFFFEF0] =	vst v12  }
0x51c: {  	v12 =	vld.idx.msk [tilespmem:v24+s12+$0x0], $0xffff  }
0x51d: {  	v25 =	vor.u32 $0x2, v5;
	_ =	sdelay $0x3  }
0x51e: {  	[tilespmem:s2+$0xFFFFFF00] =	vst v12  }
0x51f: {  	v12 =	vld.idx.msk [tilespmem:v25+s12+$0x0], $0xffff  }
0x520: {  	v26 =	vor.u32 $0x2, v6;
	_ =	sdelay $0x3  }
0x521: {  	[tilespmem:s2+$0xFFFFFF10] =	vst v12  }
0x522: {  	v12 =	vld.idx.msk [tilespmem:v26+s12+$0x0], $0xffff  }
0x523: {  	v27 =	vor.u32 $0x2, v7;
	_ =	sdelay $0x3  }
0x524: {  	[tilespmem:s2+$0xFFFFFF20] =	vst v12  }
0x525: {  	v12 =	vld.idx.msk [tilespmem:v27+s12+$0x0], $0xffff  }
0x526: {  	v28 =	vor.u32 $0x2, v8;
	_ =	sdelay $0x3  }
0x527: {  	[tilespmem:s2+$0xFFFFFF30] =	vst v12  }
0x528: {  	v12 =	vld.idx.msk [tilespmem:v28+s12+$0x0], $0xffff  }
0x529: {  	v29 =	vor.u32 $0x2, v9;
	_ =	sdelay $0x3  }
0x52a: {  	[tilespmem:s2+$0xFFFFFF40] =	vst v12  }
0x52b: {  	v12 =	vld.idx.msk [tilespmem:v29+s12+$0x0], $0xffff  }
0x52c: {  	v30 =	vor.u32 $0x2, v10;
	_ =	sdelay $0x3  }
0x52d: {  	[tilespmem:s2+$0xFFFFFF50] =	vst v12  }
0x52e: {  	v12 =	vld.idx.msk [tilespmem:v30+s12+$0x0], $0xffff  }
0x52f: {  	v31 =	vor.u32 $0x2, v11;
	_ =	sdelay $0x3  }
0x530: {  	[tilespmem:s2+$0xFFFFFF60] =	vst v12  }
0x531: {  	v12 =	vld.idx.msk [tilespmem:v31+s12+$0x0], $0xffff  }
0x532: {  	v32 =	vor.u32 $0x3, v4;
	_ =	sdelay $0x3  }
0x533: {  	[tilespmem:s2+$0xFFFFFF70] =	vst v12  }
0x534: {  	v12 =	vld.idx.msk [tilespmem:v32+s12+$0x0], $0xffff  }
0x535: {  	v33 =	vor.u32 $0x3, v5;
	_ =	sdelay $0x3  }
0x536: {  	[tilespmem:s2+$0xFFFFFF80] =	vst v12  }
0x537: {  	v12 =	vld.idx.msk [tilespmem:v33+s12+$0x0], $0xffff  }
0x538: {  	v34 =	vor.u32 $0x3, v6;
	_ =	sdelay $0x3  }
0x539: {  	[tilespmem:s2+$0xFFFFFF90] =	vst v12  }
0x53a: {  	v12 =	vld.idx.msk [tilespmem:v34+s12+$0x0], $0xffff  }
0x53b: {  	v35 =	vor.u32 $0x3, v7;
	_ =	sdelay $0x3  }
0x53c: {  	[tilespmem:s2+$0xFFFFFFA0] =	vst v12  }
0x53d: {  	v12 =	vld.idx.msk [tilespmem:v35+s12+$0x0], $0xffff  }
0x53e: {  	v36 =	vor.u32 $0x3, v8;
	_ =	sdelay $0x3  }
0x53f: {  	[tilespmem:s2+$0xFFFFFFB0] =	vst v12  }
0x540: {  	v12 =	vld.idx.msk [tilespmem:v36+s12+$0x0], $0xffff  }
0x541: {  	v37 =	vor.u32 $0x3, v9;
	_ =	sdelay $0x3  }
0x542: {  	[tilespmem:s2+$0xFFFFFFC0] =	vst v12  }
0x543: {  	v12 =	vld.idx.msk [tilespmem:v37+s12+$0x0], $0xffff  }
0x544: {  	v38 =	vor.u32 $0x3, v10;
	_ =	sdelay $0x3  }
0x545: {  	[tilespmem:s2+$0xFFFFFFD0] =	vst v12  }
0x546: {  	v12 =	vld.idx.msk [tilespmem:v38+s12+$0x0], $0xffff  }
0x547: {  	v39 =	vor.u32 $0x3, v11;
	_ =	sdelay $0x3  }
0x548: {  	[tilespmem:s2+$0xFFFFFFE0] =	vst v12  }
0x549: {  	v12 =	vld.idx.msk [tilespmem:v39+s12+$0x0], $0xffff  }
0x54a: {  	v40 =	vor.u32 $0x4, v4;
	_ =	sdelay $0x3  }
0x54b: {  	[tilespmem:s2+$0xFFFFFFF0] =	vst v12  }
0x54c: {  	v12 =	vld.idx.msk [tilespmem:v40+s12+$0x0], $0xffff  }
0x54d: {  	v41 =	vor.u32 $0x4, v5;
	_ =	sdelay $0x3  }
0x54e: {  	[tilespmem:s2+$0x0] =	vst v12  }
0x54f: {  	v12 =	vld.idx.msk [tilespmem:v41+s12+$0x0], $0xffff  }
0x550: {  	v42 =	vor.u32 $0x4, v6;
	_ =	sdelay $0x3  }
0x551: {  	[tilespmem:s2+$0x10] =	vst v12  }
0x552: {  	v12 =	vld.idx.msk [tilespmem:v42+s12+$0x0], $0xffff  }
0x553: {  	v43 =	vor.u32 $0x4, v7;
	_ =	sdelay $0x3  }
0x554: {  	[tilespmem:s2+$0x20] =	vst v12  }
0x555: {  	v12 =	vld.idx.msk [tilespmem:v43+s12+$0x0], $0xffff  }
0x556: {  	v44 =	vor.u32 $0x4, v8;
	_ =	sdelay $0x3  }
0x557: {  	[tilespmem:s2+$0x30] =	vst v12  }
0x558: {  	v12 =	vld.idx.msk [tilespmem:v44+s12+$0x0], $0xffff  }
0x559: {  	v45 =	vor.u32 $0x4, v9;
	_ =	sdelay $0x3  }
0x55a: {  	[tilespmem:s2+$0x40] =	vst v12  }
0x55b: {  	v12 =	vld.idx.msk [tilespmem:v45+s12+$0x0], $0xffff  }
0x55c: {  	v46 =	vor.u32 $0x4, v10;
	_ =	sdelay $0x3  }
0x55d: {  	[tilespmem:s2+$0x50] =	vst v12  }
0x55e: {  	v12 =	vld.idx.msk [tilespmem:v46+s12+$0x0], $0xffff  }
0x55f: {  	v47 =	vor.u32 $0x4, v11;
	_ =	sdelay $0x3  }
0x560: {  	[tilespmem:s2+$0x60] =	vst v12  }
0x561: {  	v12 =	vld.idx.msk [tilespmem:v47+s12+$0x0], $0xffff  }
0x562: {  	v48 =	vor.u32 $0x5, v4;
	_ =	sdelay $0x3  }
0x563: {  	[tilespmem:s2+$0x70] =	vst v12  }
0x564: {  	v12 =	vld.idx.msk [tilespmem:v48+s12+$0x0], $0xffff  }
0x565: {  	v49 =	vor.u32 $0x5, v5;
	_ =	sdelay $0x3  }
0x566: {  	[tilespmem:s2+$0x80] =	vst v12  }
0x567: {  	v12 =	vld.idx.msk [tilespmem:v49+s12+$0x0], $0xffff  }
0x568: {  	v50 =	vor.u32 $0x5, v6;
	_ =	sdelay $0x3  }
0x569: {  	[tilespmem:s2+$0x90] =	vst v12  }
0x56a: {  	v12 =	vld.idx.msk [tilespmem:v50+s12+$0x0], $0xffff  }
0x56b: {  	v51 =	vor.u32 $0x5, v7;
	_ =	sdelay $0x3  }
0x56c: {  	[tilespmem:s2+$0xA0] =	vst v12  }
0x56d: {  	v12 =	vld.idx.msk [tilespmem:v51+s12+$0x0], $0xffff  }
0x56e: {  	v52 =	vor.u32 $0x5, v8;
	_ =	sdelay $0x3  }
0x56f: {  	[tilespmem:s2+$0xB0] =	vst v12  }
0x570: {  	v12 =	vld.idx.msk [tilespmem:v52+s12+$0x0], $0xffff  }
0x571: {  	v53 =	vor.u32 $0x5, v9;
	_ =	sdelay $0x3  }
0x572: {  	[tilespmem:s2+$0xC0] =	vst v12  }
0x573: {  	v12 =	vld.idx.msk [tilespmem:v53+s12+$0x0], $0xffff  }
0x574: {  	v54 =	vor.u32 $0x5, v10;
	_ =	sdelay $0x3  }
0x575: {  	[tilespmem:s2+$0xD0] =	vst v12  }
0x576: {  	v12 =	vld.idx.msk [tilespmem:v54+s12+$0x0], $0xffff  }
0x577: {  	v55 =	vor.u32 $0x5, v11;
	_ =	sdelay $0x3  }
0x578: {  	[tilespmem:s2+$0xE0] =	vst v12  }
0x579: {  	v12 =	vld.idx.msk [tilespmem:v55+s12+$0x0], $0xffff  }
0x57a: {  	v56 =	vor.u32 $0x6, v4;
	_ =	sdelay $0x3  }
0x57b: {  	[tilespmem:s2+$0xF0] =	vst v12  }
0x57c: {  	v12 =	vld.idx.msk [tilespmem:v56+s12+$0x0], $0xffff  }
0x57d: {  	v57 =	vor.u32 $0x6, v5;
	_ =	sdelay $0x3  }
0x57e: {  	[tilespmem:s2+$0x100] =	vst v12  }
0x57f: {  	v12 =	vld.idx.msk [tilespmem:v57+s12+$0x0], $0xffff  }
0x580: {  	v58 =	vor.u32 $0x6, v6;
	_ =	sdelay $0x3  }
0x581: {  	[tilespmem:s2+$0x110] =	vst v12  }
0x582: {  	v12 =	vld.idx.msk [tilespmem:v58+s12+$0x0], $0xffff  }
0x583: {  	v59 =	vor.u32 $0x6, v7;
	_ =	sdelay $0x3  }
0x584: {  	[tilespmem:s2+$0x120] =	vst v12  }
0x585: {  	v12 =	vld.idx.msk [tilespmem:v59+s12+$0x0], $0xffff  }
0x586: {  	v60 =	vor.u32 $0x6, v8;
	_ =	sdelay $0x3  }
0x587: {  	[tilespmem:s2+$0x130] =	vst v12  }
0x588: {  	v12 =	vld.idx.msk [tilespmem:v60+s12+$0x0], $0xffff  }
0x589: {  	v61 =	vor.u32 $0x6, v9;
	_ =	sdelay $0x3  }
0x58a: {  	[tilespmem:s2+$0x140] =	vst v12  }
0x58b: {  	v12 =	vld.idx.msk [tilespmem:v61+s12+$0x0], $0xffff  }
0x58c: {  	v62 =	vor.u32 $0x6, v10;
	_ =	sdelay $0x3  }
0x58d: {  	[tilespmem:s2+$0x150] =	vst v12  }
0x58e: {  	v12 =	vld.idx.msk [tilespmem:v62+s12+$0x0], $0xffff  }
0x58f: {  	v63 =	vor.u32 $0x6, v11;
	_ =	sdelay $0x3  }
0x590: {  	[tilespmem:s2+$0x160] =	vst v12  }
0x591: {  	v12 =	vld.idx.msk [tilespmem:v63+s12+$0x0], $0xffff  }
0x592: {  	v4 =	vor.u32 $0x7, v4;
	_ =	sdelay $0x3  }
0x593: {  	[tilespmem:s2+$0x170] =	vst v12  }
0x594: {  	v4 =	vld.idx.msk [tilespmem:v4+s12+$0x0], $0xffff  }
0x595: {  	v5 =	vor.u32 $0x7, v5;
	_ =	sdelay $0x3  }
0x596: {  	[tilespmem:s2+$0x180] =	vst v4  }
0x597: {  	v4 =	vld.idx.msk [tilespmem:v5+s12+$0x0], $0xffff  }
0x598: {  	v5 =	vor.u32 $0x7, v6;
	_ =	sdelay $0x3  }
0x599: {  	[tilespmem:s2+$0x190] =	vst v4  }
0x59a: {  	v4 =	vld.idx.msk [tilespmem:v5+s12+$0x0], $0xffff  }
0x59b: {  	v5 =	vor.u32 $0x7, v7;
	_ =	sdelay $0x3  }
0x59c: {  	[tilespmem:s2+$0x1A0] =	vst v4  }
0x59d: {  	v4 =	vld.idx.msk [tilespmem:v5+s12+$0x0], $0xffff  }
0x59e: {  	v5 =	vor.u32 $0x7, v8;
	_ =	sdelay $0x3  }
0x59f: {  	[tilespmem:s2+$0x1B0] =	vst v4  }
0x5a0: {  	v4 =	vld.idx.msk [tilespmem:v5+s12+$0x0], $0xffff  }
0x5a1: {  	v5 =	vor.u32 $0x7, v9;
	_ =	sdelay $0x3  }
0x5a2: {  	[tilespmem:s2+$0x1C0] =	vst v4  }
0x5a3: {  	v4 =	vld.idx.msk [tilespmem:v5+s12+$0x0], $0xffff  }
0x5a4: {  	v5 =	vor.u32 $0x7, v10;
	_ =	sdelay $0x3  }
0x5a5: {  	[tilespmem:s2+$0x1D0] =	vst v4  }
0x5a6: {  	v4 =	vld.idx.msk [tilespmem:v5+s12+$0x0], $0xffff  }
0x5a7: {  	v5 =	vor.u32 $0x7, v11;
	_ =	sdelay $0x3  }
0x5a8: {  	[tilespmem:s2+$0x1E0] =	vst v4  }
0x5a9: {  	v4 =	vld.idx.msk [tilespmem:v5+s12+$0x0], $0xffff;
	_ =	sdelay $0x2  }
0x5aa: {  	s17 =	sadd.s32 $0x1, s17  }
0x5ab: {  	s16 =	sshll.u32 s16, $0x7;
	p1 =	sne.s32 s17, $0x7  }
.Ltmp19:
0x5ac: {  	s19 =	sadd.s32 s16, s14;
	s25 =	simm.s32 $0x8000;
	[tilespmem:s2+$0x1F0] =	vst v4;
	(pc) =	sbr.rel @p1 .LBB2_35-.Ltmp19, $4  }
0x5ad: {  	[hbm4b:s19+s8] =	stream.linear.scatter [tilespmem:s25], [sflag:$0xA], $0x1C00, $0x38;
	[tilespmem:$0x16000] =	vst v63  }
0x5ae: {  	_ =	swait.ge [sflag:s18], $0x1C00  }
0x5af: {  	[sflag:s18] =	ssyncset.done $0x0  }
0x5b0: {  	[sflag:s18] =	ssyncadd.s32 $0xFFFFE400  }
0x5b1: {  	s3 =	rddreg [dreg:$0x10]  }
0x5b2: {  	s2 =	rddreg [dreg:$0xe];
	s3 =	sadd.s32 $0x1, s3  }
0x5b3: {  	p1 =	sne.s32 s3, s2  }
.Ltmp20:
0x5b4: {  	_ = 	snop;
	(pc) =	sbr.rel @p1 .LBB2_1-.Ltmp20, $1  }
0x5b5: {  	_ =	sdelay $0x3  }
0x5b6: {  	_ =	sfence.sel $0x180000  }
0x5b7: {  	[bflag:$0x0] =	sbarrier.arrive $0xFFFF  }
0x5b8: {  	_ =	strace $0x90000047  }
0x5b9: {  	s0 =	stileid.u32;
	[bflag:$0x2] =	sbarrier.arrive $0xFFFF  }
0x5ba: {  	p0 =	sne.s32 s0, $0x0;
	s0 =	rddreg [dreg:$0x6]  }
0x5bb: {  	s0 =	sadd.s32 @!p0 $0x100000, s0  }
0x5bc: {  	[sflag:s0] =	ssyncadd.tile.s32 @!p0 $0x1;
	_ =	shalt  }
.Lfunc_end2:
_tile_overlayer_lowered:
.L_overlay_start_2:
0x5bd: {  	(tag) =	ssettag $0x2  }
0x5be: {  	s0 =	rddreg [dreg:$0x0];
	s2 =	stileid.u32  }
0x5bf: {  	s1 =	rddreg [dreg:$0x1];
	p0 =	sne.s32 s2, $0x0  }
0x5c0: {  	s3 =	rddreg [dreg:$0x2];
	[bflag:$0x3] =	sbarrier.arrive $0xFFFF;
	s2 =	simm.s32 @!p0 $0x1C0A  }
0x5c1: {  	[timem:s3], [sflag:s2] =	dma.local @!p0 [hbm:s0], s1  }
0x5c2: {  	s0 =	simm.s32 @!p0 $0xA  }
0x5c3: {  	_ =	swait.ge @!p0 [sflag:s0], s1  }
0x5c4: {  	s1 =	ssub.s32 @!p0 $0x0, s1;
	[sflag:s0] =	ssyncset.done @!p0 $0x0  }
0x5c5: {  	[sflag:s0] =	ssyncadd.s32 @!p0 s1  }
0x5c6: {  	[bflag:$0x3] =	sbarrier.arrive $0xFFFF  }
0x5c7: {  	_ =	shalt  }

</sc_bundles>
